<compile_context>
chip_gen: v7x
topology: tpu7x:2x2x1
jax: 0.10.2.dev20260603
libtpu: 0.0.44.dev20260713+nightly
codegen_flags: <defaults>
</compile_context>

<pallas_src>
import functools

import jax
import jax.numpy as jnp
from jax import lax
from jax.experimental import pallas as pl
from jax.experimental.pallas import tpu as pltpu
from jax.experimental.pallas import tpu_sc as plsc

V = 10000
D = 128
T = 4
E = 80000

NC = 2
NS = 16
CHUNK = 40
TYPES_PER_SC = T // NC
EPT = E // NS
NJ = EPT // CHUNK
NBUF = 7
STAGE_OFF = 4992
STAGE_LEN = 5120
ZROWS = 16

ROWS_MAIN = 624
ROWS_TAIL = V - ROWS_MAIN * NS


def _sc_message_passing(node_values, edges_r, zeros):
    mesh = plsc.VectorSubcoreMesh(core_axis_name="c", subcore_axis_name="s")

    @functools.partial(
        pl.kernel,
        out_type=jax.ShapeDtypeStruct((V, T * D), jnp.float32),
        mesh=mesh,
        scratch_types=[
            pltpu.VMEM_SHARED((V, D), jnp.float32),
            pltpu.VMEM((STAGE_LEN,), jnp.int32),
            pltpu.VMEM((STAGE_LEN,), jnp.int32),
            pltpu.VMEM((NBUF, CHUNK, D), jnp.float32),
            pltpu.VMEM((ZROWS, D), jnp.float32),
            pltpu.SemaphoreType.DMA((NBUF,)),
            pltpu.SemaphoreType.DMA((NBUF,)),
            pltpu.SemaphoreType.DMA,
        ],
    )
    def sc_kernel(node_hbm, edges_hbm, zeros_hbm, msgs_hbm, acc, sidx, didx,
                  rows, zbuf, gsem, ssem, zsem):
        c = lax.axis_index("c")
        s = lax.axis_index("s")
        base = s * ROWS_MAIN
        ioff = 8 * s

        pltpu.sync_copy(zeros_hbm, zbuf)

        def gather(j, r):
            pltpu.async_copy(
                node_hbm.at[sidx.at[pl.ds(ioff + j * CHUNK, CHUNK)]],
                rows.at[r], gsem.at[r])

        def gather_wait(j, r):
            pltpu.make_async_copy(
                node_hbm.at[sidx.at[pl.ds(ioff + j * CHUNK, CHUNK)]],
                rows.at[r], gsem.at[r]).wait()

        def scatter(j, r):
            pltpu.async_copy(rows.at[r],
                             acc.at[didx.at[pl.ds(ioff + j * CHUNK, CHUNK)]],
                             ssem.at[r], add=True)

        def scatter_wait(j, r):
            pltpu.make_async_copy(
                rows.at[r], acc.at[didx.at[pl.ds(ioff + j * CHUNK, CHUNK)]],
                ssem.at[r]).wait()

        def stage_idx(t):
            pltpu.async_copy(
                edges_hbm.at[t, 0, pl.ds(STAGE_OFF * s, STAGE_LEN)],
                sidx, gsem.at[0])
            pltpu.async_copy(
                edges_hbm.at[t, 1, pl.ds(STAGE_OFF * s, STAGE_LEN)],
                didx, gsem.at[1])

        def stage_idx_wait(t):
            pltpu.make_async_copy(
                edges_hbm.at[t, 0, pl.ds(STAGE_OFF * s, STAGE_LEN)],
                sidx, gsem.at[0]).wait()
            pltpu.make_async_copy(
                edges_hbm.at[t, 1, pl.ds(STAGE_OFF * s, STAGE_LEN)],
                didx, gsem.at[1]).wait()

        stage_idx(c * TYPES_PER_SC)

        for tt in range(TYPES_PER_SC):
            t = c * TYPES_PER_SC + tt

            for k in range(ROWS_MAIN // ZROWS):
                pltpu.async_copy(zbuf, acc.at[pl.ds(base + k * ZROWS, ZROWS)],
                                 zsem)

            @pl.when(s == NS - 1)
            def _():
                pltpu.async_copy(zbuf.at[pl.ds(0, ROWS_TAIL)],
                                 acc.at[pl.ds(ROWS_MAIN * NS, ROWS_TAIL)],
                                 zsem)

            stage_idx_wait(t)

            for k in range(ROWS_MAIN // ZROWS):
                pltpu.make_async_copy(
                    zbuf, acc.at[pl.ds(base + k * ZROWS, ZROWS)], zsem).wait()

            @pl.when(s == NS - 1)
            def _():
                pltpu.make_async_copy(
                    zbuf.at[pl.ds(0, ROWS_TAIL)],
                    acc.at[pl.ds(ROWS_MAIN * NS, ROWS_TAIL)], zsem).wait()

            plsc.subcore_barrier()

            for r in range(NBUF):
                gather(r, r)

            @pl.loop(0, pl.cdiv(NJ, NBUF))
            def _(kk):
                for r in range(NBUF):
                    j = kk * NBUF + r

                    @pl.when(j < NJ)
                    def _():
                        gather_wait(j, r)
                        scatter(j, r)

                    @pl.when(j + NBUF < NJ)
                    def _():
                        scatter_wait(j, r)
                        gather(j + NBUF, r)

            for r in range(NBUF):
                scatter_wait(0, r)

            plsc.subcore_barrier()

            pltpu.async_copy(acc.at[pl.ds(base, ROWS_MAIN)],
                             msgs_hbm.at[pl.ds(base, ROWS_MAIN),
                                         pl.ds(t * D, D)], zsem)

            @pl.when(s == NS - 1)
            def _():
                pltpu.async_copy(
                    acc.at[pl.ds(ROWS_MAIN * NS, ROWS_TAIL)],
                    msgs_hbm.at[pl.ds(ROWS_MAIN * NS, ROWS_TAIL),
                                pl.ds(t * D, D)], zsem)

            if tt + 1 < TYPES_PER_SC:
                stage_idx(t + 1)

            pltpu.make_async_copy(acc.at[pl.ds(base, ROWS_MAIN)],
                                  msgs_hbm.at[pl.ds(base, ROWS_MAIN),
                                              pl.ds(t * D, D)], zsem).wait()

            @pl.when(s == NS - 1)
            def _():
                pltpu.make_async_copy(
                    acc.at[pl.ds(ROWS_MAIN * NS, ROWS_TAIL)],
                    msgs_hbm.at[pl.ds(ROWS_MAIN * NS, ROWS_TAIL),
                                pl.ds(t * D, D)], zsem).wait()


    return sc_kernel(node_values, edges_r, zeros)


BV = 5000


def _mm_body(msgs_ref, w_ref, b_ref, out_ref):
    out_ref[...] = b_ref[...] + jnp.dot(msgs_ref[...], w_ref[...],
                                        preferred_element_type=jnp.float32)


def _tc_matmul(msgs, W, b2):
    return pl.pallas_call(
        _mm_body,
        grid=(V // BV,),
        in_specs=[
            pl.BlockSpec((BV, T * D), lambda i: (i, 0)),
            pl.BlockSpec((T * D, D), lambda i: (0, 0)),
            pl.BlockSpec((1, D), lambda i: (0, 0)),
        ],
        out_specs=pl.BlockSpec((BV, D), lambda i: (i, 0)),
        out_shape=jax.ShapeDtypeStruct((V, D), jnp.float32),
        compiler_params=pltpu.CompilerParams(
            dimension_semantics=("parallel",)),
    )(msgs, W, b2)


def kernel(node_values, edges, W, b):
    edges_r = edges.astype(jnp.int32)
    zeros = jnp.zeros((ZROWS, D), jnp.float32)
    msgs = _sc_message_passing(node_values, edges_r, zeros)
    return _tc_matmul(msgs, W, b.reshape(1, D))

# --- scband reference (transcript-rebuilt; emitter-appended) ---
"""Pipeline reference for scband-message-passing-layer2-87110526697696 (READ-ONLY COPY).

The authoritative reference and input builder live on the scoring server;
editing this copy changes nothing except your own understanding.
"""

import jax, jax.numpy as jnp
import numpy as np

V = 10000
D = 128
T = 4
E = 80000

def setup_inputs(seed: int = 0) -> dict:
    key = jax.random.key(seed)
    k1, k2, k3 = jax.random.split(key, 3)
    node_values = jax.random.normal(k1, (V, D), dtype=jnp.float32)
    edges = jax.random.randint(k2, (T, 2, E), 0, V)
    W = jax.random.normal(k3, (T * D, D), dtype=jnp.float32) * 0.02
    b = jnp.zeros((D,), dtype=jnp.float32)
    return {"node_values": node_values, "edges": edges, "W": W, "b": b}

def reference(node_values, edges, W, b):
    # message_passing: per edge type, gather source node values, scatter-add into dest nodes
    num_nodes = node_values.shape[0]
    msgs_per_type = []
    for t in range(edges.shape[0]):
        src = edges[t, 0]
        dst = edges[t, 1]
        gathered = jnp.take(node_values, src, axis=0)          # gather [E, D]
        reduced = jax.ops.segment_sum(gathered, dst, num_segments=num_nodes)  # scatter-add [V, D]
        msgs_per_type.append(reduced)
    msgs = jnp.stack(msgs_per_type, axis=1)                     # [V, T, D]
    msgs = msgs.reshape(num_nodes, T * D)                       # [V, T*D]
    out = msgs @ W + b                                          # Dense(dim)
    return out

if __name__ == "__main__":
    import jax
    _d = setup_inputs()
    print(jax.jit(kernel)(*tuple(_d.values())))

</pallas_src>

<mosaic_0001>
#map = affine_map<(d0, d1) -> (0, 0)>
#map1 = affine_map<(d0, d1) -> (0, 0, 0)>
module attributes {stable_mosaic.version = 14 : i64} {
  func.func @sc_kernel(%arg0: i32, %arg1: i32, %arg2: memref<10000x128xf32, #tpu.memory_space<hbm>>, %arg3: memref<4x2x80000xi32, #tpu.memory_space<hbm>>, %arg4: memref<16x128xf32, #tpu.memory_space<hbm>>, %arg5: memref<10000x512xf32, #tpu.memory_space<hbm>>, %arg6: memref<10000x128xf32, #tpu.memory_space<vmem_shared>>, %arg7: memref<5120xi32, #tpu.memory_space<vmem>>, %arg8: memref<5120xi32, #tpu.memory_space<vmem>>, %arg9: memref<7x40x128xf32, #tpu.memory_space<vmem>>, %arg10: memref<16x128xf32, #tpu.memory_space<vmem>>, %arg11: memref<7x!tpu.dma_semaphore, #tpu.memory_space<semaphore_mem>>, %arg12: memref<7x!tpu.dma_semaphore, #tpu.memory_space<semaphore_mem>>, %arg13: memref<!tpu.dma_semaphore, #tpu.memory_space<semaphore_mem>>) attributes {dimension_semantics = [#tpu.dimension_semantics<core_parallel>, #tpu.dimension_semantics<subcore_parallel>], iteration_bounds = array<i64: 2, 16>, scalar_prefetch = 0 : i64, scratch_operands = 8 : i64, tpu.core_type = #tpu.core_type<sc_vector_subcore>, window_params = [{transform_indices = #map}, {transform_indices = #map1}, {transform_indices = #map}, {transform_indices = #map}]} {
    %mul3A = arith.constant 624 : i32
    %mul3A_0 = arith.muli %arg1, %mul3A : i32
    %mul3A_1 = arith.constant 8 : i32
    %mul3A_2 = arith.muli %mul3A_1, %arg1 : i32
    "tpu.region"() ({
      %run_scoped3A = tpu.sem_alloc : memref<!tpu.dma_semaphore, #tpu.memory_space<semaphore_mem>>
      tpu.enqueue_dma source(%arg4 : memref<16x128xf32, #tpu.memory_space<hbm>>) target(%arg10 : memref<16x128xf32, #tpu.memory_space<vmem>>) target_semaphore(%run_scoped3A : memref<!tpu.dma_semaphore, #tpu.memory_space<semaphore_mem>>)
      tpu.wait_dma2 semaphore(%run_scoped3A : memref<!tpu.dma_semaphore, #tpu.memory_space<semaphore_mem>>) src(%arg4 : memref<16x128xf32, #tpu.memory_space<hbm>>) dst(%arg10 : memref<16x128xf32, #tpu.memory_space<vmem>>)
      tpu.yield
    }) : () -> ()
    %mul3A_3 = arith.constant 2 : i32
    %mul3A_4 = arith.muli %arg0, %mul3A_3 : i32
    %mul3A_5 = arith.constant 4992 : i32
    %mul3A_6 = arith.muli %mul3A_5, %arg1 : i32
    %dma_start3A = arith.constant 0 : i32
    %dma_start3A_7 = arith.constant 0 : i32
    %dma_start3A_8 = tpu.memref_slice %arg3[%mul3A_4, %dma_start3A, %mul3A_6] : memref<4x2x80000xi32, #tpu.memory_space<hbm>> -> memref<1x1x5120xi32, #tpu.memory_space<hbm>>
    %dma_start3A_9 = tpu.memref_squeeze %dma_start3A_8 : memref<1x1x5120xi32, #tpu.memory_space<hbm>> -> memref<5120xi32, #tpu.memory_space<hbm>>
    %dma_start3A_10 = tpu.memref_slice %arg11[%dma_start3A_7] : memref<7x!tpu.dma_semaphore, #tpu.memory_space<semaphore_mem>> -> memref<1x!tpu.dma_semaphore, #tpu.memory_space<semaphore_mem>>
    %dma_start3A_11 = tpu.memref_squeeze %dma_start3A_10 : memref<1x!tpu.dma_semaphore, #tpu.memory_space<semaphore_mem>> -> memref<!tpu.dma_semaphore, #tpu.memory_space<semaphore_mem>>
    %dma_start3A_12 = tpu.memref_slice %arg3[%mul3A_4, %dma_start3A, %mul3A_6] : memref<4x2x80000xi32, #tpu.memory_space<hbm>> -> memref<1x1x5120xi32, #tpu.memory_space<hbm>>
    %dma_start3A_13 = tpu.memref_squeeze %dma_start3A_12 : memref<1x1x5120xi32, #tpu.memory_space<hbm>> -> memref<5120xi32, #tpu.memory_space<hbm>>
    tpu.enqueue_dma source(%dma_start3A_13 : memref<5120xi32, #tpu.memory_space<hbm>>) target(%arg7 : memref<5120xi32, #tpu.memory_space<vmem>>) target_semaphore(%dma_start3A_11 : memref<!tpu.dma_semaphore, #tpu.memory_space<semaphore_mem>>)
    %mul3A_14 = arith.constant 4992 : i32
    %mul3A_15 = arith.muli %mul3A_14, %arg1 : i32
    %dma_start3A_16 = arith.constant 1 : i32
    %dma_start3A_17 = arith.constant 1 : i32
    %dma_start3A_18 = tpu.memref_slice %arg3[%mul3A_4, %dma_start3A_16, %mul3A_15] : memref<4x2x80000xi32, #tpu.memory_space<hbm>> -> memref<1x1x5120xi32, #tpu.memory_space<hbm>>
    %dma_start3A_19 = tpu.memref_squeeze %dma_start3A_18 : memref<1x1x5120xi32, #tpu.memory_space<hbm>> -> memref<5120xi32, #tpu.memory_space<hbm>>
    %dma_start3A_20 = tpu.memref_slice %arg11[%dma_start3A_17] : memref<7x!tpu.dma_semaphore, #tpu.memory_space<semaphore_mem>> -> memref<1x!tpu.dma_semaphore, #tpu.memory_space<semaphore_mem>>
    %dma_start3A_21 = tpu.memref_squeeze %dma_start3A_20 : memref<1x!tpu.dma_semaphore, #tpu.memory_space<semaphore_mem>> -> memref<!tpu.dma_semaphore, #tpu.memory_space<semaphore_mem>>
    %dma_start3A_22 = tpu.memref_slice %arg3[%mul3A_4, %dma_start3A_16, %mul3A_15] : memref<4x2x80000xi32, #tpu.memory_space<hbm>> -> memref<1x1x5120xi32, #tpu.memory_space<hbm>>
    %dma_start3A_23 = tpu.memref_squeeze %dma_start3A_22 : memref<1x1x5120xi32, #tpu.memory_space<hbm>> -> memref<5120xi32, #tpu.memory_space<hbm>>
    tpu.enqueue_dma source(%dma_start3A_23 : memref<5120xi32, #tpu.memory_space<hbm>>) target(%arg8 : memref<5120xi32, #tpu.memory_space<vmem>>) target_semaphore(%dma_start3A_21 : memref<!tpu.dma_semaphore, #tpu.memory_space<semaphore_mem>>)
    %mul3A_24 = arith.constant 2 : i32
    %mul3A_25 = arith.muli %arg0, %mul3A_24 : i32
    %add3A = arith.constant 0 : i32
    %add3A_26 = arith.addi %mul3A_25, %add3A : i32
    %add3A_27 = arith.constant 0 : i32
    %add3A_28 = arith.addi %mul3A_0, %add3A_27 : i32
    %dma_start3A_29 = arith.constant 0 : i32
    %dma_start3A_30 = tpu.memref_slice %arg6[%add3A_28, %dma_start3A_29] : memref<10000x128xf32, #tpu.memory_space<vmem_shared>> -> memref<16x128xf32, #tpu.memory_space<vmem_shared>>
    %dma_start3A_31 = arith.constant 0 : i32
    %dma_start3A_32 = tpu.memref_slice %arg6[%add3A_28, %dma_start3A_31] : memref<10000x128xf32, #tpu.memory_space<vmem_shared>> -> memref<16x128xf32, #tpu.memory_space<vmem_shared>>
    tpu.enqueue_dma source(%arg10 : memref<16x128xf32, #tpu.memory_space<vmem>>) target(%dma_start3A_32 : memref<16x128xf32, #tpu.memory_space<vmem_shared>>) target_semaphore(%arg13 : memref<!tpu.dma_semaphore, #tpu.memory_space<semaphore_mem>>)
    %add3A_33 = arith.constant 16 : i32
    %add3A_34 = arith.addi %mul3A_0, %add3A_33 : i32
    %dma_start3A_35 = arith.constant 0 : i32
    %dma_start3A_36 = tpu.memref_slice %arg6[%add3A_34, %dma_start3A_35] : memref<10000x128xf32, #tpu.memory_space<vmem_shared>> -> memref<16x128xf32, #tpu.memory_space<vmem_shared>>
    %dma_start3A_37 = arith.constant 0 : i32
    %dma_start3A_38 = tpu.memref_slice %arg6[%add3A_34, %dma_start3A_37] : memref<10000x128xf32, #tpu.memory_space<vmem_shared>> -> memref<16x128xf32, #tpu.memory_space<vmem_shared>>
    tpu.enqueue_dma source(%arg10 : memref<16x128xf32, #tpu.memory_space<vmem>>) target(%dma_start3A_38 : memref<16x128xf32, #tpu.memory_space<vmem_shared>>) target_semaphore(%arg13 : memref<!tpu.dma_semaphore, #tpu.memory_space<semaphore_mem>>)
    %add3A_39 = arith.constant 32 : i32
    %add3A_40 = arith.addi %mul3A_0, %add3A_39 : i32
    %dma_start3A_41 = arith.constant 0 : i32
    %dma_start3A_42 = tpu.memref_slice %arg6[%add3A_40, %dma_start3A_41] : memref<10000x128xf32, #tpu.memory_space<vmem_shared>> -> memref<16x128xf32, #tpu.memory_space<vmem_shared>>
    %dma_start3A_43 = arith.constant 0 : i32
    %dma_start3A_44 = tpu.memref_slice %arg6[%add3A_40, %dma_start3A_43] : memref<10000x128xf32, #tpu.memory_space<vmem_shared>> -> memref<16x128xf32, #tpu.memory_space<vmem_shared>>
    tpu.enqueue_dma source(%arg10 : memref<16x128xf32, #tpu.memory_space<vmem>>) target(%dma_start3A_44 : memref<16x128xf32, #tpu.memory_space<vmem_shared>>) target_semaphore(%arg13 : memref<!tpu.dma_semaphore, #tpu.memory_space<semaphore_mem>>)
    %add3A_45 = arith.constant 48 : i32
    %add3A_46 = arith.addi %mul3A_0, %add3A_45 : i32
    %dma_start3A_47 = arith.constant 0 : i32
    %dma_start3A_48 = tpu.memref_slice %arg6[%add3A_46, %dma_start3A_47] : memref<10000x128xf32, #tpu.memory_space<vmem_shared>> -> memref<16x128xf32, #tpu.memory_space<vmem_shared>>
    %dma_start3A_49 = arith.constant 0 : i32
    %dma_start3A_50 = tpu.memref_slice %arg6[%add3A_46, %dma_start3A_49] : memref<10000x128xf32, #tpu.memory_space<vmem_shared>> -> memref<16x128xf32, #tpu.memory_space<vmem_shared>>
    tpu.enqueue_dma source(%arg10 : memref<16x128xf32, #tpu.memory_space<vmem>>) target(%dma_start3A_50 : memref<16x128xf32, #tpu.memory_space<vmem_shared>>) target_semaphore(%arg13 : memref<!tpu.dma_semaphore, #tpu.memory_space<semaphore_mem>>)
    %add3A_51 = arith.constant 64 : i32
    %add3A_52 = arith.addi %mul3A_0, %add3A_51 : i32
    %dma_start3A_53 = arith.constant 0 : i32
    %dma_start3A_54 = tpu.memref_slice %arg6[%add3A_52, %dma_start3A_53] : memref<10000x128xf32, #tpu.memory_space<vmem_shared>> -> memref<16x128xf32, #tpu.memory_space<vmem_shared>>
    %dma_start3A_55 = arith.constant 0 : i32
    %dma_start3A_56 = tpu.memref_slice %arg6[%add3A_52, %dma_start3A_55] : memref<10000x128xf32, #tpu.memory_space<vmem_shared>> -> memref<16x128xf32, #tpu.memory_space<vmem_shared>>
    tpu.enqueue_dma source(%arg10 : memref<16x128xf32, #tpu.memory_space<vmem>>) target(%dma_start3A_56 : memref<16x128xf32, #tpu.memory_space<vmem_shared>>) target_semaphore(%arg13 : memref<!tpu.dma_semaphore, #tpu.memory_space<semaphore_mem>>)
    %add3A_57 = arith.constant 80 : i32
    %add3A_58 = arith.addi %mul3A_0, %add3A_57 : i32
    %dma_start3A_59 = arith.constant 0 : i32
    %dma_start3A_60 = tpu.memref_slice %arg6[%add3A_58, %dma_start3A_59] : memref<10000x128xf32, #tpu.memory_space<vmem_shared>> -> memref<16x128xf32, #tpu.memory_space<vmem_shared>>
    %dma_start3A_61 = arith.constant 0 : i32
    %dma_start3A_62 = tpu.memref_slice %arg6[%add3A_58, %dma_start3A_61] : memref<10000x128xf32, #tpu.memory_space<vmem_shared>> -> memref<16x128xf32, #tpu.memory_space<vmem_shared>>
    tpu.enqueue_dma source(%arg10 : memref<16x128xf32, #tpu.memory_space<vmem>>) target(%dma_start3A_62 : memref<16x128xf32, #tpu.memory_space<vmem_shared>>) target_semaphore(%arg13 : memref<!tpu.dma_semaphore, #tpu.memory_space<semaphore_mem>>)
    %add3A_63 = arith.constant 96 : i32
    %add3A_64 = arith.addi %mul3A_0, %add3A_63 : i32
    %dma_start3A_65 = arith.constant 0 : i32
    %dma_start3A_66 = tpu.memref_slice %arg6[%add3A_64, %dma_start3A_65] : memref<10000x128xf32, #tpu.memory_space<vmem_shared>> -> memref<16x128xf32, #tpu.memory_space<vmem_shared>>
    %dma_start3A_67 = arith.constant 0 : i32
    %dma_start3A_68 = tpu.memref_slice %arg6[%add3A_64, %dma_start3A_67] : memref<10000x128xf32, #tpu.memory_space<vmem_shared>> -> memref<16x128xf32, #tpu.memory_space<vmem_shared>>
    tpu.enqueue_dma source(%arg10 : memref<16x128xf32, #tpu.memory_space<vmem>>) target(%dma_start3A_68 : memref<16x128xf32, #tpu.memory_space<vmem_shared>>) target_semaphore(%arg13 : memref<!tpu.dma_semaphore, #tpu.memory_space<semaphore_mem>>)
    %add3A_69 = arith.constant 112 : i32
    %add3A_70 = arith.addi %mul3A_0, %add3A_69 : i32
    %dma_start3A_71 = arith.constant 0 : i32
    %dma_start3A_72 = tpu.memref_slice %arg6[%add3A_70, %dma_start3A_71] : memref<10000x128xf32, #tpu.memory_space<vmem_shared>> -> memref<16x128xf32, #tpu.memory_space<vmem_shared>>
    %dma_start3A_73 = arith.constant 0 : i32
    %dma_start3A_74 = tpu.memref_slice %arg6[%add3A_70, %dma_start3A_73] : memref<10000x128xf32, #tpu.memory_space<vmem_shared>> -> memref<16x128xf32, #tpu.memory_space<vmem_shared>>
    tpu.enqueue_dma source(%arg10 : memref<16x128xf32, #tpu.memory_space<vmem>>) target(%dma_start3A_74 : memref<16x128xf32, #tpu.memory_space<vmem_shared>>) target_semaphore(%arg13 : memref<!tpu.dma_semaphore, #tpu.memory_space<semaphore_mem>>)
    %add3A_75 = arith.constant 128 : i32
    %add3A_76 = arith.addi %mul3A_0, %add3A_75 : i32
    %dma_start3A_77 = arith.constant 0 : i32
    %dma_start3A_78 = tpu.memref_slice %arg6[%add3A_76, %dma_start3A_77] : memref<10000x128xf32, #tpu.memory_space<vmem_shared>> -> memref<16x128xf32, #tpu.memory_space<vmem_shared>>
    %dma_start3A_79 = arith.constant 0 : i32
    %dma_start3A_80 = tpu.memref_slice %arg6[%add3A_76, %dma_start3A_79] : memref<10000x128xf32, #tpu.memory_space<vmem_shared>> -> memref<16x128xf32, #tpu.memory_space<vmem_shared>>
    tpu.enqueue_dma source(%arg10 : memref<16x128xf32, #tpu.memory_space<vmem>>) target(%dma_start3A_80 : memref<16x128xf32, #tpu.memory_space<vmem_shared>>) target_semaphore(%arg13 : memref<!tpu.dma_semaphore, #tpu.memory_space<semaphore_mem>>)
    %add3A_81 = arith.constant 144 : i32
    %add3A_82 = arith.addi %mul3A_0, %add3A_81 : i32
    %dma_start3A_83 = arith.constant 0 : i32
    %dma_start3A_84 = tpu.memref_slice %arg6[%add3A_82, %dma_start3A_83] : memref<10000x128xf32, #tpu.memory_space<vmem_shared>> -> memref<16x128xf32, #tpu.memory_space<vmem_shared>>
    %dma_start3A_85 = arith.constant 0 : i32
    %dma_start3A_86 = tpu.memref_slice %arg6[%add3A_82, %dma_start3A_85] : memref<10000x128xf32, #tpu.memory_space<vmem_shared>> -> memref<16x128xf32, #tpu.memory_space<vmem_shared>>
    tpu.enqueue_dma source(%arg10 : memref<16x128xf32, #tpu.memory_space<vmem>>) target(%dma_start3A_86 : memref<16x128xf32, #tpu.memory_space<vmem_shared>>) target_semaphore(%arg13 : memref<!tpu.dma_semaphore, #tpu.memory_space<semaphore_mem>>)
    %add3A_87 = arith.constant 160 : i32
    %add3A_88 = arith.addi %mul3A_0, %add3A_87 : i32
    %dma_start3A_89 = arith.constant 0 : i32
    %dma_start3A_90 = tpu.memref_slice %arg6[%add3A_88, %dma_start3A_89] : memref<10000x128xf32, #tpu.memory_space<vmem_shared>> -> memref<16x128xf32, #tpu.memory_space<vmem_shared>>
    %dma_start3A_91 = arith.constant 0 : i32
    %dma_start3A_92 = tpu.memref_slice %arg6[%add3A_88, %dma_start3A_91] : memref<10000x128xf32, #tpu.memory_space<vmem_shared>> -> memref<16x128xf32, #tpu.memory_space<vmem_shared>>
    tpu.enqueue_dma source(%arg10 : memref<16x128xf32, #tpu.memory_space<vmem>>) target(%dma_start3A_92 : memref<16x128xf32, #tpu.memory_space<vmem_shared>>) target_semaphore(%arg13 : memref<!tpu.dma_semaphore, #tpu.memory_space<semaphore_mem>>)
    %add3A_93 = arith.constant 176 : i32
    %add3A_94 = arith.addi %mul3A_0, %add3A_93 : i32
    %dma_start3A_95 = arith.constant 0 : i32
    %dma_start3A_96 = tpu.memref_slice %arg6[%add3A_94, %dma_start3A_95] : memref<10000x128xf32, #tpu.memory_space<vmem_shared>> -> memref<16x128xf32, #tpu.memory_space<vmem_shared>>
    %dma_start3A_97 = arith.constant 0 : i32
    %dma_start3A_98 = tpu.memref_slice %arg6[%add3A_94, %dma_start3A_97] : memref<10000x128xf32, #tpu.memory_space<vmem_shared>> -> memref<16x128xf32, #tpu.memory_space<vmem_shared>>
    tpu.enqueue_dma source(%arg10 : memref<16x128xf32, #tpu.memory_space<vmem>>) target(%dma_start3A_98 : memref<16x128xf32, #tpu.memory_space<vmem_shared>>) target_semaphore(%arg13 : memref<!tpu.dma_semaphore, #tpu.memory_space<semaphore_mem>>)
    %add3A_99 = arith.constant 192 : i32
    %add3A_100 = arith.addi %mul3A_0, %add3A_99 : i32
    %dma_start3A_101 = arith.constant 0 : i32
    %dma_start3A_102 = tpu.memref_slice %arg6[%add3A_100, %dma_start3A_101] : memref<10000x128xf32, #tpu.memory_space<vmem_shared>> -> memref<16x128xf32, #tpu.memory_space<vmem_shared>>
    %dma_start3A_103 = arith.constant 0 : i32
    %dma_start3A_104 = tpu.memref_slice %arg6[%add3A_100, %dma_start3A_103] : memref<10000x128xf32, #tpu.memory_space<vmem_shared>> -> memref<16x128xf32, #tpu.memory_space<vmem_shared>>
    tpu.enqueue_dma source(%arg10 : memref<16x128xf32, #tpu.memory_space<vmem>>) target(%dma_start3A_104 : memref<16x128xf32, #tpu.memory_space<vmem_shared>>) target_semaphore(%arg13 : memref<!tpu.dma_semaphore, #tpu.memory_space<semaphore_mem>>)
    %add3A_105 = arith.constant 208 : i32
    %add3A_106 = arith.addi %mul3A_0, %add3A_105 : i32
    %dma_start3A_107 = arith.constant 0 : i32
    %dma_start3A_108 = tpu.memref_slice %arg6[%add3A_106, %dma_start3A_107] : memref<10000x128xf32, #tpu.memory_space<vmem_shared>> -> memref<16x128xf32, #tpu.memory_space<vmem_shared>>
    %dma_start3A_109 = arith.constant 0 : i32
    %dma_start3A_110 = tpu.memref_slice %arg6[%add3A_106, %dma_start3A_109] : memref<10000x128xf32, #tpu.memory_space<vmem_shared>> -> memref<16x128xf32, #tpu.memory_space<vmem_shared>>
    tpu.enqueue_dma source(%arg10 : memref<16x128xf32, #tpu.memory_space<vmem>>) target(%dma_start3A_110 : memref<16x128xf32, #tpu.memory_space<vmem_shared>>) target_semaphore(%arg13 : memref<!tpu.dma_semaphore, #tpu.memory_space<semaphore_mem>>)
    %add3A_111 = arith.constant 224 : i32
    %add3A_112 = arith.addi %mul3A_0, %add3A_111 : i32
    %dma_start3A_113 = arith.constant 0 : i32
    %dma_start3A_114 = tpu.memref_slice %arg6[%add3A_112, %dma_start3A_113] : memref<10000x128xf32, #tpu.memory_space<vmem_shared>> -> memref<16x128xf32, #tpu.memory_space<vmem_shared>>
    %dma_start3A_115 = arith.constant 0 : i32
    %dma_start3A_116 = tpu.memref_slice %arg6[%add3A_112, %dma_start3A_115] : memref<10000x128xf32, #tpu.memory_space<vmem_shared>> -> memref<16x128xf32, #tpu.memory_space<vmem_shared>>
    tpu.enqueue_dma source(%arg10 : memref<16x128xf32, #tpu.memory_space<vmem>>) target(%dma_start3A_116 : memref<16x128xf32, #tpu.memory_space<vmem_shared>>) target_semaphore(%arg13 : memref<!tpu.dma_semaphore, #tpu.memory_space<semaphore_mem>>)
    %add3A_117 = arith.constant 240 : i32
    %add3A_118 = arith.addi %mul3A_0, %add3A_117 : i32
    %dma_start3A_119 = arith.constant 0 : i32
    %dma_start3A_120 = tpu.memref_slice %arg6[%add3A_118, %dma_start3A_119] : memref<10000x128xf32, #tpu.memory_space<vmem_shared>> -> memref<16x128xf32, #tpu.memory_space<vmem_shared>>
    %dma_start3A_121 = arith.constant 0 : i32
    %dma_start3A_122 = tpu.memref_slice %arg6[%add3A_118, %dma_start3A_121] : memref<10000x128xf32, #tpu.memory_space<vmem_shared>> -> memref<16x128xf32, #tpu.memory_space<vmem_shared>>
    tpu.enqueue_dma source(%arg10 : memref<16x128xf32, #tpu.memory_space<vmem>>) target(%dma_start3A_122 : memref<16x128xf32, #tpu.memory_space<vmem_shared>>) target_semaphore(%arg13 : memref<!tpu.dma_semaphore, #tpu.memory_space<semaphore_mem>>)
    %add3A_123 = arith.constant 256 : i32
    %add3A_124 = arith.addi %mul3A_0, %add3A_123 : i32
    %dma_start3A_125 = arith.constant 0 : i32
    %dma_start3A_126 = tpu.memref_slice %arg6[%add3A_124, %dma_start3A_125] : memref<10000x128xf32, #tpu.memory_space<vmem_shared>> -> memref<16x128xf32, #tpu.memory_space<vmem_shared>>
    %dma_start3A_127 = arith.constant 0 : i32
    %dma_start3A_128 = tpu.memref_slice %arg6[%add3A_124, %dma_start3A_127] : memref<10000x128xf32, #tpu.memory_space<vmem_shared>> -> memref<16x128xf32, #tpu.memory_space<vmem_shared>>
    tpu.enqueue_dma source(%arg10 : memref<16x128xf32, #tpu.memory_space<vmem>>) target(%dma_start3A_128 : memref<16x128xf32, #tpu.memory_space<vmem_shared>>) target_semaphore(%arg13 : memref<!tpu.dma_semaphore, #tpu.memory_space<semaphore_mem>>)
    %add3A_129 = arith.constant 272 : i32
    %add3A_130 = arith.addi %mul3A_0, %add3A_129 : i32
    %dma_start3A_131 = arith.constant 0 : i32
    %dma_start3A_132 = tpu.memref_slice %arg6[%add3A_130, %dma_start3A_131] : memref<10000x128xf32, #tpu.memory_space<vmem_shared>> -> memref<16x128xf32, #tpu.memory_space<vmem_shared>>
    %dma_start3A_133 = arith.constant 0 : i32
    %dma_start3A_134 = tpu.memref_slice %arg6[%add3A_130, %dma_start3A_133] : memref<10000x128xf32, #tpu.memory_space<vmem_shared>> -> memref<16x128xf32, #tpu.memory_space<vmem_shared>>
    tpu.enqueue_dma source(%arg10 : memref<16x128xf32, #tpu.memory_space<vmem>>) target(%dma_start3A_134 : memref<16x128xf32, #tpu.memory_space<vmem_shared>>) target_semaphore(%arg13 : memref<!tpu.dma_semaphore, #tpu.memory_space<semaphore_mem>>)
    %add3A_135 = arith.constant 288 : i32
    %add3A_136 = arith.addi %mul3A_0, %add3A_135 : i32
    %dma_start3A_137 = arith.constant 0 : i32
    %dma_start3A_138 = tpu.memref_slice %arg6[%add3A_136, %dma_start3A_137] : memref<10000x128xf32, #tpu.memory_space<vmem_shared>> -> memref<16x128xf32, #tpu.memory_space<vmem_shared>>
    %dma_start3A_139 = arith.constant 0 : i32
    %dma_start3A_140 = tpu.memref_slice %arg6[%add3A_136, %dma_start3A_139] : memref<10000x128xf32, #tpu.memory_space<vmem_shared>> -> memref<16x128xf32, #tpu.memory_space<vmem_shared>>
    tpu.enqueue_dma source(%arg10 : memref<16x128xf32, #tpu.memory_space<vmem>>) target(%dma_start3A_140 : memref<16x128xf32, #tpu.memory_space<vmem_shared>>) target_semaphore(%arg13 : memref<!tpu.dma_semaphore, #tpu.memory_space<semaphore_mem>>)
    %add3A_141 = arith.constant 304 : i32
    %add3A_142 = arith.addi %mul3A_0, %add3A_141 : i32
    %dma_start3A_143 = arith.constant 0 : i32
    %dma_start3A_144 = tpu.memref_slice %arg6[%add3A_142, %dma_start3A_143] : memref<10000x128xf32, #tpu.memory_space<vmem_shared>> -> memref<16x128xf32, #tpu.memory_space<vmem_shared>>
    %dma_start3A_145 = arith.constant 0 : i32
    %dma_start3A_146 = tpu.memref_slice %arg6[%add3A_142, %dma_start3A_145] : memref<10000x128xf32, #tpu.memory_space<vmem_shared>> -> memref<16x128xf32, #tpu.memory_space<vmem_shared>>
    tpu.enqueue_dma source(%arg10 : memref<16x128xf32, #tpu.memory_space<vmem>>) target(%dma_start3A_146 : memref<16x128xf32, #tpu.memory_space<vmem_shared>>) target_semaphore(%arg13 : memref<!tpu.dma_semaphore, #tpu.memory_space<semaphore_mem>>)
    %add3A_147 = arith.constant 320 : i32
    %add3A_148 = arith.addi %mul3A_0, %add3A_147 : i32
    %dma_start3A_149 = arith.constant 0 : i32
    %dma_start3A_150 = tpu.memref_slice %arg6[%add3A_148, %dma_start3A_149] : memref<10000x128xf32, #tpu.memory_space<vmem_shared>> -> memref<16x128xf32, #tpu.memory_space<vmem_shared>>
    %dma_start3A_151 = arith.constant 0 : i32
    %dma_start3A_152 = tpu.memref_slice %arg6[%add3A_148, %dma_start3A_151] : memref<10000x128xf32, #tpu.memory_space<vmem_shared>> -> memref<16x128xf32, #tpu.memory_space<vmem_shared>>
    tpu.enqueue_dma source(%arg10 : memref<16x128xf32, #tpu.memory_space<vmem>>) target(%dma_start3A_152 : memref<16x128xf32, #tpu.memory_space<vmem_shared>>) target_semaphore(%arg13 : memref<!tpu.dma_semaphore, #tpu.memory_space<semaphore_mem>>)
    %add3A_153 = arith.constant 336 : i32
    %add3A_154 = arith.addi %mul3A_0, %add3A_153 : i32
    %dma_start3A_155 = arith.constant 0 : i32
    %dma_start3A_156 = tpu.memref_slice %arg6[%add3A_154, %dma_start3A_155] : memref<10000x128xf32, #tpu.memory_space<vmem_shared>> -> memref<16x128xf32, #tpu.memory_space<vmem_shared>>
    %dma_start3A_157 = arith.constant 0 : i32
    %dma_start3A_158 = tpu.memref_slice %arg6[%add3A_154, %dma_start3A_157] : memref<10000x128xf32, #tpu.memory_space<vmem_shared>> -> memref<16x128xf32, #tpu.memory_space<vmem_shared>>
    tpu.enqueue_dma source(%arg10 : memref<16x128xf32, #tpu.memory_space<vmem>>) target(%dma_start3A_158 : memref<16x128xf32, #tpu.memory_space<vmem_shared>>) target_semaphore(%arg13 : memref<!tpu.dma_semaphore, #tpu.memory_space<semaphore_mem>>)
    %add3A_159 = arith.constant 352 : i32
    %add3A_160 = arith.addi %mul3A_0, %add3A_159 : i32
    %dma_start3A_161 = arith.constant 0 : i32
    %dma_start3A_162 = tpu.memref_slice %arg6[%add3A_160, %dma_start3A_161] : memref<10000x128xf32, #tpu.memory_space<vmem_shared>> -> memref<16x128xf32, #tpu.memory_space<vmem_shared>>
    %dma_start3A_163 = arith.constant 0 : i32
    %dma_start3A_164 = tpu.memref_slice %arg6[%add3A_160, %dma_start3A_163] : memref<10000x128xf32, #tpu.memory_space<vmem_shared>> -> memref<16x128xf32, #tpu.memory_space<vmem_shared>>
    tpu.enqueue_dma source(%arg10 : memref<16x128xf32, #tpu.memory_space<vmem>>) target(%dma_start3A_164 : memref<16x128xf32, #tpu.memory_space<vmem_shared>>) target_semaphore(%arg13 : memref<!tpu.dma_semaphore, #tpu.memory_space<semaphore_mem>>)
    %add3A_165 = arith.constant 368 : i32
    %add3A_166 = arith.addi %mul3A_0, %add3A_165 : i32
    %dma_start3A_167 = arith.constant 0 : i32
    %dma_start3A_168 = tpu.memref_slice %arg6[%add3A_166, %dma_start3A_167] : memref<10000x128xf32, #tpu.memory_space<vmem_shared>> -> memref<16x128xf32, #tpu.memory_space<vmem_shared>>
    %dma_start3A_169 = arith.constant 0 : i32
    %dma_start3A_170 = tpu.memref_slice %arg6[%add3A_166, %dma_start3A_169] : memref<10000x128xf32, #tpu.memory_space<vmem_shared>> -> memref<16x128xf32, #tpu.memory_space<vmem_shared>>
    tpu.enqueue_dma source(%arg10 : memref<16x128xf32, #tpu.memory_space<vmem>>) target(%dma_start3A_170 : memref<16x128xf32, #tpu.memory_space<vmem_shared>>) target_semaphore(%arg13 : memref<!tpu.dma_semaphore, #tpu.memory_space<semaphore_mem>>)
    %add3A_171 = arith.constant 384 : i32
    %add3A_172 = arith.addi %mul3A_0, %add3A_171 : i32
    %dma_start3A_173 = arith.constant 0 : i32
    %dma_start3A_174 = tpu.memref_slice %arg6[%add3A_172, %dma_start3A_173] : memref<10000x128xf32, #tpu.memory_space<vmem_shared>> -> memref<16x128xf32, #tpu.memory_space<vmem_shared>>
    %dma_start3A_175 = arith.constant 0 : i32
    %dma_start3A_176 = tpu.memref_slice %arg6[%add3A_172, %dma_start3A_175] : memref<10000x128xf32, #tpu.memory_space<vmem_shared>> -> memref<16x128xf32, #tpu.memory_space<vmem_shared>>
    tpu.enqueue_dma source(%arg10 : memref<16x128xf32, #tpu.memory_space<vmem>>) target(%dma_start3A_176 : memref<16x128xf32, #tpu.memory_space<vmem_shared>>) target_semaphore(%arg13 : memref<!tpu.dma_semaphore, #tpu.memory_space<semaphore_mem>>)
    %add3A_177 = arith.constant 400 : i32
    %add3A_178 = arith.addi %mul3A_0, %add3A_177 : i32
    %dma_start3A_179 = arith.constant 0 : i32
    %dma_start3A_180 = tpu.memref_slice %arg6[%add3A_178, %dma_start3A_179] : memref<10000x128xf32, #tpu.memory_space<vmem_shared>> -> memref<16x128xf32, #tpu.memory_space<vmem_shared>>
    %dma_start3A_181 = arith.constant 0 : i32
    %dma_start3A_182 = tpu.memref_slice %arg6[%add3A_178, %dma_start3A_181] : memref<10000x128xf32, #tpu.memory_space<vmem_shared>> -> memref<16x128xf32, #tpu.memory_space<vmem_shared>>
    tpu.enqueue_dma source(%arg10 : memref<16x128xf32, #tpu.memory_space<vmem>>) target(%dma_start3A_182 : memref<16x128xf32, #tpu.memory_space<vmem_shared>>) target_semaphore(%arg13 : memref<!tpu.dma_semaphore, #tpu.memory_space<semaphore_mem>>)
    %add3A_183 = arith.constant 416 : i32
    %add3A_184 = arith.addi %mul3A_0, %add3A_183 : i32
    %dma_start3A_185 = arith.constant 0 : i32
    %dma_start3A_186 = tpu.memref_slice %arg6[%add3A_184, %dma_start3A_185] : memref<10000x128xf32, #tpu.memory_space<vmem_shared>> -> memref<16x128xf32, #tpu.memory_space<vmem_shared>>
    %dma_start3A_187 = arith.constant 0 : i32
    %dma_start3A_188 = tpu.memref_slice %arg6[%add3A_184, %dma_start3A_187] : memref<10000x128xf32, #tpu.memory_space<vmem_shared>> -> memref<16x128xf32, #tpu.memory_space<vmem_shared>>
    tpu.enqueue_dma source(%arg10 : memref<16x128xf32, #tpu.memory_space<vmem>>) target(%dma_start3A_188 : memref<16x128xf32, #tpu.memory_space<vmem_shared>>) target_semaphore(%arg13 : memref<!tpu.dma_semaphore, #tpu.memory_space<semaphore_mem>>)
    %add3A_189 = arith.constant 432 : i32
    %add3A_190 = arith.addi %mul3A_0, %add3A_189 : i32
    %dma_start3A_191 = arith.constant 0 : i32
    %dma_start3A_192 = tpu.memref_slice %arg6[%add3A_190, %dma_start3A_191] : memref<10000x128xf32, #tpu.memory_space<vmem_shared>> -> memref<16x128xf32, #tpu.memory_space<vmem_shared>>
    %dma_start3A_193 = arith.constant 0 : i32
    %dma_start3A_194 = tpu.memref_slice %arg6[%add3A_190, %dma_start3A_193] : memref<10000x128xf32, #tpu.memory_space<vmem_shared>> -> memref<16x128xf32, #tpu.memory_space<vmem_shared>>
    tpu.enqueue_dma source(%arg10 : memref<16x128xf32, #tpu.memory_space<vmem>>) target(%dma_start3A_194 : memref<16x128xf32, #tpu.memory_space<vmem_shared>>) target_semaphore(%arg13 : memref<!tpu.dma_semaphore, #tpu.memory_space<semaphore_mem>>)
    %add3A_195 = arith.constant 448 : i32
    %add3A_196 = arith.addi %mul3A_0, %add3A_195 : i32
    %dma_start3A_197 = arith.constant 0 : i32
    %dma_start3A_198 = tpu.memref_slice %arg6[%add3A_196, %dma_start3A_197] : memref<10000x128xf32, #tpu.memory_space<vmem_shared>> -> memref<16x128xf32, #tpu.memory_space<vmem_shared>>
    %dma_start3A_199 = arith.constant 0 : i32
    %dma_start3A_200 = tpu.memref_slice %arg6[%add3A_196, %dma_start3A_199] : memref<10000x128xf32, #tpu.memory_space<vmem_shared>> -> memref<16x128xf32, #tpu.memory_space<vmem_shared>>
    tpu.enqueue_dma source(%arg10 : memref<16x128xf32, #tpu.memory_space<vmem>>) target(%dma_start3A_200 : memref<16x128xf32, #tpu.memory_space<vmem_shared>>) target_semaphore(%arg13 : memref<!tpu.dma_semaphore, #tpu.memory_space<semaphore_mem>>)
    %add3A_201 = arith.constant 464 : i32
    %add3A_202 = arith.addi %mul3A_0, %add3A_201 : i32
    %dma_start3A_203 = arith.constant 0 : i32
    %dma_start3A_204 = tpu.memref_slice %arg6[%add3A_202, %dma_start3A_203] : memref<10000x128xf32, #tpu.memory_space<vmem_shared>> -> memref<16x128xf32, #tpu.memory_space<vmem_shared>>
    %dma_start3A_205 = arith.constant 0 : i32
    %dma_start3A_206 = tpu.memref_slice %arg6[%add3A_202, %dma_start3A_205] : memref<10000x128xf32, #tpu.memory_space<vmem_shared>> -> memref<16x128xf32, #tpu.memory_space<vmem_shared>>
    tpu.enqueue_dma source(%arg10 : memref<16x128xf32, #tpu.memory_space<vmem>>) target(%dma_start3A_206 : memref<16x128xf32, #tpu.memory_space<vmem_shared>>) target_semaphore(%arg13 : memref<!tpu.dma_semaphore, #tpu.memory_space<semaphore_mem>>)
    %add3A_207 = arith.constant 480 : i32
    %add3A_208 = arith.addi %mul3A_0, %add3A_207 : i32
    %dma_start3A_209 = arith.constant 0 : i32
    %dma_start3A_210 = tpu.memref_slice %arg6[%add3A_208, %dma_start3A_209] : memref<10000x128xf32, #tpu.memory_space<vmem_shared>> -> memref<16x128xf32, #tpu.memory_space<vmem_shared>>
    %dma_start3A_211 = arith.constant 0 : i32
    %dma_start3A_212 = tpu.memref_slice %arg6[%add3A_208, %dma_start3A_211] : memref<10000x128xf32, #tpu.memory_space<vmem_shared>> -> memref<16x128xf32, #tpu.memory_space<vmem_shared>>
    tpu.enqueue_dma source(%arg10 : memref<16x128xf32, #tpu.memory_space<vmem>>) target(%dma_start3A_212 : memref<16x128xf32, #tpu.memory_space<vmem_shared>>) target_semaphore(%arg13 : memref<!tpu.dma_semaphore, #tpu.memory_space<semaphore_mem>>)
    %add3A_213 = arith.constant 496 : i32
    %add3A_214 = arith.addi %mul3A_0, %add3A_213 : i32
    %dma_start3A_215 = arith.constant 0 : i32
    %dma_start3A_216 = tpu.memref_slice %arg6[%add3A_214, %dma_start3A_215] : memref<10000x128xf32, #tpu.memory_space<vmem_shared>> -> memref<16x128xf32, #tpu.memory_space<vmem_shared>>
    %dma_start3A_217 = arith.constant 0 : i32
    %dma_start3A_218 = tpu.memref_slice %arg6[%add3A_214, %dma_start3A_217] : memref<10000x128xf32, #tpu.memory_space<vmem_shared>> -> memref<16x128xf32, #tpu.memory_space<vmem_shared>>
    tpu.enqueue_dma source(%arg10 : memref<16x128xf32, #tpu.memory_space<vmem>>) target(%dma_start3A_218 : memref<16x128xf32, #tpu.memory_space<vmem_shared>>) target_semaphore(%arg13 : memref<!tpu.dma_semaphore, #tpu.memory_space<semaphore_mem>>)
    %add3A_219 = arith.constant 512 : i32
    %add3A_220 = arith.addi %mul3A_0, %add3A_219 : i32
    %dma_start3A_221 = arith.constant 0 : i32
    %dma_start3A_222 = tpu.memref_slice %arg6[%add3A_220, %dma_start3A_221] : memref<10000x128xf32, #tpu.memory_space<vmem_shared>> -> memref<16x128xf32, #tpu.memory_space<vmem_shared>>
    %dma_start3A_223 = arith.constant 0 : i32
    %dma_start3A_224 = tpu.memref_slice %arg6[%add3A_220, %dma_start3A_223] : memref<10000x128xf32, #tpu.memory_space<vmem_shared>> -> memref<16x128xf32, #tpu.memory_space<vmem_shared>>
    tpu.enqueue_dma source(%arg10 : memref<16x128xf32, #tpu.memory_space<vmem>>) target(%dma_start3A_224 : memref<16x128xf32, #tpu.memory_space<vmem_shared>>) target_semaphore(%arg13 : memref<!tpu.dma_semaphore, #tpu.memory_space<semaphore_mem>>)
    %add3A_225 = arith.constant 528 : i32
    %add3A_226 = arith.addi %mul3A_0, %add3A_225 : i32
    %dma_start3A_227 = arith.constant 0 : i32
    %dma_start3A_228 = tpu.memref_slice %arg6[%add3A_226, %dma_start3A_227] : memref<10000x128xf32, #tpu.memory_space<vmem_shared>> -> memref<16x128xf32, #tpu.memory_space<vmem_shared>>
    %dma_start3A_229 = arith.constant 0 : i32
    %dma_start3A_230 = tpu.memref_slice %arg6[%add3A_226, %dma_start3A_229] : memref<10000x128xf32, #tpu.memory_space<vmem_shared>> -> memref<16x128xf32, #tpu.memory_space<vmem_shared>>
    tpu.enqueue_dma source(%arg10 : memref<16x128xf32, #tpu.memory_space<vmem>>) target(%dma_start3A_230 : memref<16x128xf32, #tpu.memory_space<vmem_shared>>) target_semaphore(%arg13 : memref<!tpu.dma_semaphore, #tpu.memory_space<semaphore_mem>>)
    %add3A_231 = arith.constant 544 : i32
    %add3A_232 = arith.addi %mul3A_0, %add3A_231 : i32
    %dma_start3A_233 = arith.constant 0 : i32
    %dma_start3A_234 = tpu.memref_slice %arg6[%add3A_232, %dma_start3A_233] : memref<10000x128xf32, #tpu.memory_space<vmem_shared>> -> memref<16x128xf32, #tpu.memory_space<vmem_shared>>
    %dma_start3A_235 = arith.constant 0 : i32
    %dma_start3A_236 = tpu.memref_slice %arg6[%add3A_232, %dma_start3A_235] : memref<10000x128xf32, #tpu.memory_space<vmem_shared>> -> memref<16x128xf32, #tpu.memory_space<vmem_shared>>
    tpu.enqueue_dma source(%arg10 : memref<16x128xf32, #tpu.memory_space<vmem>>) target(%dma_start3A_236 : memref<16x128xf32, #tpu.memory_space<vmem_shared>>) target_semaphore(%arg13 : memref<!tpu.dma_semaphore, #tpu.memory_space<semaphore_mem>>)
    %add3A_237 = arith.constant 560 : i32
    %add3A_238 = arith.addi %mul3A_0, %add3A_237 : i32
    %dma_start3A_239 = arith.constant 0 : i32
    %dma_start3A_240 = tpu.memref_slice %arg6[%add3A_238, %dma_start3A_239] : memref<10000x128xf32, #tpu.memory_space<vmem_shared>> -> memref<16x128xf32, #tpu.memory_space<vmem_shared>>
    %dma_start3A_241 = arith.constant 0 : i32
    %dma_start3A_242 = tpu.memref_slice %arg6[%add3A_238, %dma_start3A_241] : memref<10000x128xf32, #tpu.memory_space<vmem_shared>> -> memref<16x128xf32, #tpu.memory_space<vmem_shared>>
    tpu.enqueue_dma source(%arg10 : memref<16x128xf32, #tpu.memory_space<vmem>>) target(%dma_start3A_242 : memref<16x128xf32, #tpu.memory_space<vmem_shared>>) target_semaphore(%arg13 : memref<!tpu.dma_semaphore, #tpu.memory_space<semaphore_mem>>)
    %add3A_243 = arith.constant 576 : i32
    %add3A_244 = arith.addi %mul3A_0, %add3A_243 : i32
    %dma_start3A_245 = arith.constant 0 : i32
    %dma_start3A_246 = tpu.memref_slice %arg6[%add3A_244, %dma_start3A_245] : memref<10000x128xf32, #tpu.memory_space<vmem_shared>> -> memref<16x128xf32, #tpu.memory_space<vmem_shared>>
    %dma_start3A_247 = arith.constant 0 : i32
    %dma_start3A_248 = tpu.memref_slice %arg6[%add3A_244, %dma_start3A_247] : memref<10000x128xf32, #tpu.memory_space<vmem_shared>> -> memref<16x128xf32, #tpu.memory_space<vmem_shared>>
    tpu.enqueue_dma source(%arg10 : memref<16x128xf32, #tpu.memory_space<vmem>>) target(%dma_start3A_248 : memref<16x128xf32, #tpu.memory_space<vmem_shared>>) target_semaphore(%arg13 : memref<!tpu.dma_semaphore, #tpu.memory_space<semaphore_mem>>)
    %add3A_249 = arith.constant 592 : i32
    %add3A_250 = arith.addi %mul3A_0, %add3A_249 : i32
    %dma_start3A_251 = arith.constant 0 : i32
    %dma_start3A_252 = tpu.memref_slice %arg6[%add3A_250, %dma_start3A_251] : memref<10000x128xf32, #tpu.memory_space<vmem_shared>> -> memref<16x128xf32, #tpu.memory_space<vmem_shared>>
    %dma_start3A_253 = arith.constant 0 : i32
    %dma_start3A_254 = tpu.memref_slice %arg6[%add3A_250, %dma_start3A_253] : memref<10000x128xf32, #tpu.memory_space<vmem_shared>> -> memref<16x128xf32, #tpu.memory_space<vmem_shared>>
    tpu.enqueue_dma source(%arg10 : memref<16x128xf32, #tpu.memory_space<vmem>>) target(%dma_start3A_254 : memref<16x128xf32, #tpu.memory_space<vmem_shared>>) target_semaphore(%arg13 : memref<!tpu.dma_semaphore, #tpu.memory_space<semaphore_mem>>)
    %add3A_255 = arith.constant 608 : i32
    %add3A_256 = arith.addi %mul3A_0, %add3A_255 : i32
    %dma_start3A_257 = arith.constant 0 : i32
    %dma_start3A_258 = tpu.memref_slice %arg6[%add3A_256, %dma_start3A_257] : memref<10000x128xf32, #tpu.memory_space<vmem_shared>> -> memref<16x128xf32, #tpu.memory_space<vmem_shared>>
    %dma_start3A_259 = arith.constant 0 : i32
    %dma_start3A_260 = tpu.memref_slice %arg6[%add3A_256, %dma_start3A_259] : memref<10000x128xf32, #tpu.memory_space<vmem_shared>> -> memref<16x128xf32, #tpu.memory_space<vmem_shared>>
    tpu.enqueue_dma source(%arg10 : memref<16x128xf32, #tpu.memory_space<vmem>>) target(%dma_start3A_260 : memref<16x128xf32, #tpu.memory_space<vmem_shared>>) target_semaphore(%arg13 : memref<!tpu.dma_semaphore, #tpu.memory_space<semaphore_mem>>)
    %eq3A = arith.constant 15 : i32
    %eq3A_261 = arith.cmpi eq, %arg1, %eq3A : i32
    %convert_element_type3A = arith.extui %eq3A_261 : i1 to i32
    %cond3A = arith.constant 0 : i32
    %cond3A_262 = arith.cmpi ne, %convert_element_type3A, %cond3A : i32
    scf.if %cond3A_262 {
      %dma_start3A_1489 = arith.constant 0 : i32
      %dma_start3A_1490 = arith.constant 0 : i32
      %dma_start3A_1491 = tpu.memref_slice %arg10[%dma_start3A_1489, %dma_start3A_1490] : memref<16x128xf32, #tpu.memory_space<vmem>> -> memref<16x128xf32, #tpu.memory_space<vmem>>
      %dma_start3A_1492 = arith.constant 9984 : i32
      %dma_start3A_1493 = arith.constant 0 : i32
      %dma_start3A_1494 = tpu.memref_slice %arg6[%dma_start3A_1492, %dma_start3A_1493] : memref<10000x128xf32, #tpu.memory_space<vmem_shared>> -> memref<16x128xf32, #tpu.memory_space<vmem_shared>>
      %dma_start3A_1495 = arith.constant 9984 : i32
      %dma_start3A_1496 = arith.constant 0 : i32
      %dma_start3A_1497 = tpu.memref_slice %arg6[%dma_start3A_1495, %dma_start3A_1496] : memref<10000x128xf32, #tpu.memory_space<vmem_shared>> -> memref<16x128xf32, #tpu.memory_space<vmem_shared>>
      %dma_start3A_1498 = arith.constant 0 : i32
      %dma_start3A_1499 = arith.constant 0 : i32
      %dma_start3A_1500 = tpu.memref_slice %arg10[%dma_start3A_1498, %dma_start3A_1499] : memref<16x128xf32, #tpu.memory_space<vmem>> -> memref<16x128xf32, #tpu.memory_space<vmem>>
      tpu.enqueue_dma source(%dma_start3A_1500 : memref<16x128xf32, #tpu.memory_space<vmem>>) target(%dma_start3A_1497 : memref<16x128xf32, #tpu.memory_space<vmem_shared>>) target_semaphore(%arg13 : memref<!tpu.dma_semaphore, #tpu.memory_space<semaphore_mem>>)
    } else {
    }
    %mul3A_263 = arith.constant 4992 : i32
    %mul3A_264 = arith.muli %mul3A_263, %arg1 : i32
    %dma_wait3A = arith.constant 0 : i32
    %dma_wait3A_265 = arith.constant 0 : i32
    %dma_wait3A_266 = tpu.memref_slice %arg3[%add3A_26, %dma_wait3A, %mul3A_264] : memref<4x2x80000xi32, #tpu.memory_space<hbm>> -> memref<1x1x5120xi32, #tpu.memory_space<hbm>>
    %dma_wait3A_267 = tpu.memref_squeeze %dma_wait3A_266 : memref<1x1x5120xi32, #tpu.memory_space<hbm>> -> memref<5120xi32, #tpu.memory_space<hbm>>
    %dma_wait3A_268 = tpu.memref_slice %arg11[%dma_wait3A_265] : memref<7x!tpu.dma_semaphore, #tpu.memory_space<semaphore_mem>> -> memref<1x!tpu.dma_semaphore, #tpu.memory_space<semaphore_mem>>
    %dma_wait3A_269 = tpu.memref_squeeze %dma_wait3A_268 : memref<1x!tpu.dma_semaphore, #tpu.memory_space<semaphore_mem>> -> memref<!tpu.dma_semaphore, #tpu.memory_space<semaphore_mem>>
    %dma_wait3A_270 = tpu.memref_slice %arg3[%add3A_26, %dma_wait3A, %mul3A_264] : memref<4x2x80000xi32, #tpu.memory_space<hbm>> -> memref<1x1x5120xi32, #tpu.memory_space<hbm>>
    %dma_wait3A_271 = tpu.memref_squeeze %dma_wait3A_270 : memref<1x1x5120xi32, #tpu.memory_space<hbm>> -> memref<5120xi32, #tpu.memory_space<hbm>>
    tpu.wait_dma2 semaphore(%dma_wait3A_269 : memref<!tpu.dma_semaphore, #tpu.memory_space<semaphore_mem>>) src(%dma_wait3A_271 : memref<5120xi32, #tpu.memory_space<hbm>>) dst(%arg7 : memref<5120xi32, #tpu.memory_space<vmem>>)
    %mul3A_272 = arith.constant 4992 : i32
    %mul3A_273 = arith.muli %mul3A_272, %arg1 : i32
    %dma_wait3A_274 = arith.constant 1 : i32
    %dma_wait3A_275 = arith.constant 1 : i32
    %dma_wait3A_276 = tpu.memref_slice %arg3[%add3A_26, %dma_wait3A_274, %mul3A_273] : memref<4x2x80000xi32, #tpu.memory_space<hbm>> -> memref<1x1x5120xi32, #tpu.memory_space<hbm>>
    %dma_wait3A_277 = tpu.memref_squeeze %dma_wait3A_276 : memref<1x1x5120xi32, #tpu.memory_space<hbm>> -> memref<5120xi32, #tpu.memory_space<hbm>>
    %dma_wait3A_278 = tpu.memref_slice %arg11[%dma_wait3A_275] : memref<7x!tpu.dma_semaphore, #tpu.memory_space<semaphore_mem>> -> memref<1x!tpu.dma_semaphore, #tpu.memory_space<semaphore_mem>>
    %dma_wait3A_279 = tpu.memref_squeeze %dma_wait3A_278 : memref<1x!tpu.dma_semaphore, #tpu.memory_space<semaphore_mem>> -> memref<!tpu.dma_semaphore, #tpu.memory_space<semaphore_mem>>
    %dma_wait3A_280 = tpu.memref_slice %arg3[%add3A_26, %dma_wait3A_274, %mul3A_273] : memref<4x2x80000xi32, #tpu.memory_space<hbm>> -> memref<1x1x5120xi32, #tpu.memory_space<hbm>>
    %dma_wait3A_281 = tpu.memref_squeeze %dma_wait3A_280 : memref<1x1x5120xi32, #tpu.memory_space<hbm>> -> memref<5120xi32, #tpu.memory_space<hbm>>
    tpu.wait_dma2 semaphore(%dma_wait3A_279 : memref<!tpu.dma_semaphore, #tpu.memory_space<semaphore_mem>>) src(%dma_wait3A_281 : memref<5120xi32, #tpu.memory_space<hbm>>) dst(%arg8 : memref<5120xi32, #tpu.memory_space<vmem>>)
    %add3A_282 = arith.constant 0 : i32
    %add3A_283 = arith.addi %mul3A_0, %add3A_282 : i32
    %dma_wait3A_284 = arith.constant 0 : i32
    %dma_wait3A_285 = tpu.memref_slice %arg6[%add3A_283, %dma_wait3A_284] : memref<10000x128xf32, #tpu.memory_space<vmem_shared>> -> memref<16x128xf32, #tpu.memory_space<vmem_shared>>
    %dma_wait3A_286 = arith.constant 0 : i32
    %dma_wait3A_287 = tpu.memref_slice %arg6[%add3A_283, %dma_wait3A_286] : memref<10000x128xf32, #tpu.memory_space<vmem_shared>> -> memref<16x128xf32, #tpu.memory_space<vmem_shared>>
    tpu.wait_dma2 semaphore(%arg13 : memref<!tpu.dma_semaphore, #tpu.memory_space<semaphore_mem>>) src(%arg10 : memref<16x128xf32, #tpu.memory_space<vmem>>) dst(%dma_wait3A_287 : memref<16x128xf32, #tpu.memory_space<vmem_shared>>)
    %add3A_288 = arith.constant 16 : i32
    %add3A_289 = arith.addi %mul3A_0, %add3A_288 : i32
    %dma_wait3A_290 = arith.constant 0 : i32
    %dma_wait3A_291 = tpu.memref_slice %arg6[%add3A_289, %dma_wait3A_290] : memref<10000x128xf32, #tpu.memory_space<vmem_shared>> -> memref<16x128xf32, #tpu.memory_space<vmem_shared>>
    %dma_wait3A_292 = arith.constant 0 : i32
    %dma_wait3A_293 = tpu.memref_slice %arg6[%add3A_289, %dma_wait3A_292] : memref<10000x128xf32, #tpu.memory_space<vmem_shared>> -> memref<16x128xf32, #tpu.memory_space<vmem_shared>>
    tpu.wait_dma2 semaphore(%arg13 : memref<!tpu.dma_semaphore, #tpu.memory_space<semaphore_mem>>) src(%arg10 : memref<16x128xf32, #tpu.memory_space<vmem>>) dst(%dma_wait3A_293 : memref<16x128xf32, #tpu.memory_space<vmem_shared>>)
    %add3A_294 = arith.constant 32 : i32
    %add3A_295 = arith.addi %mul3A_0, %add3A_294 : i32
    %dma_wait3A_296 = arith.constant 0 : i32
    %dma_wait3A_297 = tpu.memref_slice %arg6[%add3A_295, %dma_wait3A_296] : memref<10000x128xf32, #tpu.memory_space<vmem_shared>> -> memref<16x128xf32, #tpu.memory_space<vmem_shared>>
    %dma_wait3A_298 = arith.constant 0 : i32
    %dma_wait3A_299 = tpu.memref_slice %arg6[%add3A_295, %dma_wait3A_298] : memref<10000x128xf32, #tpu.memory_space<vmem_shared>> -> memref<16x128xf32, #tpu.memory_space<vmem_shared>>
    tpu.wait_dma2 semaphore(%arg13 : memref<!tpu.dma_semaphore, #tpu.memory_space<semaphore_mem>>) src(%arg10 : memref<16x128xf32, #tpu.memory_space<vmem>>) dst(%dma_wait3A_299 : memref<16x128xf32, #tpu.memory_space<vmem_shared>>)
    %add3A_300 = arith.constant 48 : i32
    %add3A_301 = arith.addi %mul3A_0, %add3A_300 : i32
    %dma_wait3A_302 = arith.constant 0 : i32
    %dma_wait3A_303 = tpu.memref_slice %arg6[%add3A_301, %dma_wait3A_302] : memref<10000x128xf32, #tpu.memory_space<vmem_shared>> -> memref<16x128xf32, #tpu.memory_space<vmem_shared>>
    %dma_wait3A_304 = arith.constant 0 : i32
    %dma_wait3A_305 = tpu.memref_slice %arg6[%add3A_301, %dma_wait3A_304] : memref<10000x128xf32, #tpu.memory_space<vmem_shared>> -> memref<16x128xf32, #tpu.memory_space<vmem_shared>>
    tpu.wait_dma2 semaphore(%arg13 : memref<!tpu.dma_semaphore, #tpu.memory_space<semaphore_mem>>) src(%arg10 : memref<16x128xf32, #tpu.memory_space<vmem>>) dst(%dma_wait3A_305 : memref<16x128xf32, #tpu.memory_space<vmem_shared>>)
    %add3A_306 = arith.constant 64 : i32
    %add3A_307 = arith.addi %mul3A_0, %add3A_306 : i32
    %dma_wait3A_308 = arith.constant 0 : i32
    %dma_wait3A_309 = tpu.memref_slice %arg6[%add3A_307, %dma_wait3A_308] : memref<10000x128xf32, #tpu.memory_space<vmem_shared>> -> memref<16x128xf32, #tpu.memory_space<vmem_shared>>
    %dma_wait3A_310 = arith.constant 0 : i32
    %dma_wait3A_311 = tpu.memref_slice %arg6[%add3A_307, %dma_wait3A_310] : memref<10000x128xf32, #tpu.memory_space<vmem_shared>> -> memref<16x128xf32, #tpu.memory_space<vmem_shared>>
    tpu.wait_dma2 semaphore(%arg13 : memref<!tpu.dma_semaphore, #tpu.memory_space<semaphore_mem>>) src(%arg10 : memref<16x128xf32, #tpu.memory_space<vmem>>) dst(%dma_wait3A_311 : memref<16x128xf32, #tpu.memory_space<vmem_shared>>)
    %add3A_312 = arith.constant 80 : i32
    %add3A_313 = arith.addi %mul3A_0, %add3A_312 : i32
    %dma_wait3A_314 = arith.constant 0 : i32
    %dma_wait3A_315 = tpu.memref_slice %arg6[%add3A_313, %dma_wait3A_314] : memref<10000x128xf32, #tpu.memory_space<vmem_shared>> -> memref<16x128xf32, #tpu.memory_space<vmem_shared>>
    %dma_wait3A_316 = arith.constant 0 : i32
    %dma_wait3A_317 = tpu.memref_slice %arg6[%add3A_313, %dma_wait3A_316] : memref<10000x128xf32, #tpu.memory_space<vmem_shared>> -> memref<16x128xf32, #tpu.memory_space<vmem_shared>>
    tpu.wait_dma2 semaphore(%arg13 : memref<!tpu.dma_semaphore, #tpu.memory_space<semaphore_mem>>) src(%arg10 : memref<16x128xf32, #tpu.memory_space<vmem>>) dst(%dma_wait3A_317 : memref<16x128xf32, #tpu.memory_space<vmem_shared>>)
    %add3A_318 = arith.constant 96 : i32
    %add3A_319 = arith.addi %mul3A_0, %add3A_318 : i32
    %dma_wait3A_320 = arith.constant 0 : i32
    %dma_wait3A_321 = tpu.memref_slice %arg6[%add3A_319, %dma_wait3A_320] : memref<10000x128xf32, #tpu.memory_space<vmem_shared>> -> memref<16x128xf32, #tpu.memory_space<vmem_shared>>
    %dma_wait3A_322 = arith.constant 0 : i32
    %dma_wait3A_323 = tpu.memref_slice %arg6[%add3A_319, %dma_wait3A_322] : memref<10000x128xf32, #tpu.memory_space<vmem_shared>> -> memref<16x128xf32, #tpu.memory_space<vmem_shared>>
    tpu.wait_dma2 semaphore(%arg13 : memref<!tpu.dma_semaphore, #tpu.memory_space<semaphore_mem>>) src(%arg10 : memref<16x128xf32, #tpu.memory_space<vmem>>) dst(%dma_wait3A_323 : memref<16x128xf32, #tpu.memory_space<vmem_shared>>)
    %add3A_324 = arith.constant 112 : i32
    %add3A_325 = arith.addi %mul3A_0, %add3A_324 : i32
    %dma_wait3A_326 = arith.constant 0 : i32
    %dma_wait3A_327 = tpu.memref_slice %arg6[%add3A_325, %dma_wait3A_326] : memref<10000x128xf32, #tpu.memory_space<vmem_shared>> -> memref<16x128xf32, #tpu.memory_space<vmem_shared>>
    %dma_wait3A_328 = arith.constant 0 : i32
    %dma_wait3A_329 = tpu.memref_slice %arg6[%add3A_325, %dma_wait3A_328] : memref<10000x128xf32, #tpu.memory_space<vmem_shared>> -> memref<16x128xf32, #tpu.memory_space<vmem_shared>>
    tpu.wait_dma2 semaphore(%arg13 : memref<!tpu.dma_semaphore, #tpu.memory_space<semaphore_mem>>) src(%arg10 : memref<16x128xf32, #tpu.memory_space<vmem>>) dst(%dma_wait3A_329 : memref<16x128xf32, #tpu.memory_space<vmem_shared>>)
    %add3A_330 = arith.constant 128 : i32
    %add3A_331 = arith.addi %mul3A_0, %add3A_330 : i32
    %dma_wait3A_332 = arith.constant 0 : i32
    %dma_wait3A_333 = tpu.memref_slice %arg6[%add3A_331, %dma_wait3A_332] : memref<10000x128xf32, #tpu.memory_space<vmem_shared>> -> memref<16x128xf32, #tpu.memory_space<vmem_shared>>
    %dma_wait3A_334 = arith.constant 0 : i32
    %dma_wait3A_335 = tpu.memref_slice %arg6[%add3A_331, %dma_wait3A_334] : memref<10000x128xf32, #tpu.memory_space<vmem_shared>> -> memref<16x128xf32, #tpu.memory_space<vmem_shared>>
    tpu.wait_dma2 semaphore(%arg13 : memref<!tpu.dma_semaphore, #tpu.memory_space<semaphore_mem>>) src(%arg10 : memref<16x128xf32, #tpu.memory_space<vmem>>) dst(%dma_wait3A_335 : memref<16x128xf32, #tpu.memory_space<vmem_shared>>)
    %add3A_336 = arith.constant 144 : i32
    %add3A_337 = arith.addi %mul3A_0, %add3A_336 : i32
    %dma_wait3A_338 = arith.constant 0 : i32
    %dma_wait3A_339 = tpu.memref_slice %arg6[%add3A_337, %dma_wait3A_338] : memref<10000x128xf32, #tpu.memory_space<vmem_shared>> -> memref<16x128xf32, #tpu.memory_space<vmem_shared>>
    %dma_wait3A_340 = arith.constant 0 : i32
    %dma_wait3A_341 = tpu.memref_slice %arg6[%add3A_337, %dma_wait3A_340] : memref<10000x128xf32, #tpu.memory_space<vmem_shared>> -> memref<16x128xf32, #tpu.memory_space<vmem_shared>>
    tpu.wait_dma2 semaphore(%arg13 : memref<!tpu.dma_semaphore, #tpu.memory_space<semaphore_mem>>) src(%arg10 : memref<16x128xf32, #tpu.memory_space<vmem>>) dst(%dma_wait3A_341 : memref<16x128xf32, #tpu.memory_space<vmem_shared>>)
    %add3A_342 = arith.constant 160 : i32
    %add3A_343 = arith.addi %mul3A_0, %add3A_342 : i32
    %dma_wait3A_344 = arith.constant 0 : i32
    %dma_wait3A_345 = tpu.memref_slice %arg6[%add3A_343, %dma_wait3A_344] : memref<10000x128xf32, #tpu.memory_space<vmem_shared>> -> memref<16x128xf32, #tpu.memory_space<vmem_shared>>
    %dma_wait3A_346 = arith.constant 0 : i32
    %dma_wait3A_347 = tpu.memref_slice %arg6[%add3A_343, %dma_wait3A_346] : memref<10000x128xf32, #tpu.memory_space<vmem_shared>> -> memref<16x128xf32, #tpu.memory_space<vmem_shared>>
    tpu.wait_dma2 semaphore(%arg13 : memref<!tpu.dma_semaphore, #tpu.memory_space<semaphore_mem>>) src(%arg10 : memref<16x128xf32, #tpu.memory_space<vmem>>) dst(%dma_wait3A_347 : memref<16x128xf32, #tpu.memory_space<vmem_shared>>)
    %add3A_348 = arith.constant 176 : i32
    %add3A_349 = arith.addi %mul3A_0, %add3A_348 : i32
    %dma_wait3A_350 = arith.constant 0 : i32
    %dma_wait3A_351 = tpu.memref_slice %arg6[%add3A_349, %dma_wait3A_350] : memref<10000x128xf32, #tpu.memory_space<vmem_shared>> -> memref<16x128xf32, #tpu.memory_space<vmem_shared>>
    %dma_wait3A_352 = arith.constant 0 : i32
    %dma_wait3A_353 = tpu.memref_slice %arg6[%add3A_349, %dma_wait3A_352] : memref<10000x128xf32, #tpu.memory_space<vmem_shared>> -> memref<16x128xf32, #tpu.memory_space<vmem_shared>>
    tpu.wait_dma2 semaphore(%arg13 : memref<!tpu.dma_semaphore, #tpu.memory_space<semaphore_mem>>) src(%arg10 : memref<16x128xf32, #tpu.memory_space<vmem>>) dst(%dma_wait3A_353 : memref<16x128xf32, #tpu.memory_space<vmem_shared>>)
    %add3A_354 = arith.constant 192 : i32
    %add3A_355 = arith.addi %mul3A_0, %add3A_354 : i32
    %dma_wait3A_356 = arith.constant 0 : i32
    %dma_wait3A_357 = tpu.memref_slice %arg6[%add3A_355, %dma_wait3A_356] : memref<10000x128xf32, #tpu.memory_space<vmem_shared>> -> memref<16x128xf32, #tpu.memory_space<vmem_shared>>
    %dma_wait3A_358 = arith.constant 0 : i32
    %dma_wait3A_359 = tpu.memref_slice %arg6[%add3A_355, %dma_wait3A_358] : memref<10000x128xf32, #tpu.memory_space<vmem_shared>> -> memref<16x128xf32, #tpu.memory_space<vmem_shared>>
    tpu.wait_dma2 semaphore(%arg13 : memref<!tpu.dma_semaphore, #tpu.memory_space<semaphore_mem>>) src(%arg10 : memref<16x128xf32, #tpu.memory_space<vmem>>) dst(%dma_wait3A_359 : memref<16x128xf32, #tpu.memory_space<vmem_shared>>)
    %add3A_360 = arith.constant 208 : i32
    %add3A_361 = arith.addi %mul3A_0, %add3A_360 : i32
    %dma_wait3A_362 = arith.constant 0 : i32
    %dma_wait3A_363 = tpu.memref_slice %arg6[%add3A_361, %dma_wait3A_362] : memref<10000x128xf32, #tpu.memory_space<vmem_shared>> -> memref<16x128xf32, #tpu.memory_space<vmem_shared>>
    %dma_wait3A_364 = arith.constant 0 : i32
    %dma_wait3A_365 = tpu.memref_slice %arg6[%add3A_361, %dma_wait3A_364] : memref<10000x128xf32, #tpu.memory_space<vmem_shared>> -> memref<16x128xf32, #tpu.memory_space<vmem_shared>>
    tpu.wait_dma2 semaphore(%arg13 : memref<!tpu.dma_semaphore, #tpu.memory_space<semaphore_mem>>) src(%arg10 : memref<16x128xf32, #tpu.memory_space<vmem>>) dst(%dma_wait3A_365 : memref<16x128xf32, #tpu.memory_space<vmem_shared>>)
    %add3A_366 = arith.constant 224 : i32
    %add3A_367 = arith.addi %mul3A_0, %add3A_366 : i32
    %dma_wait3A_368 = arith.constant 0 : i32
    %dma_wait3A_369 = tpu.memref_slice %arg6[%add3A_367, %dma_wait3A_368] : memref<10000x128xf32, #tpu.memory_space<vmem_shared>> -> memref<16x128xf32, #tpu.memory_space<vmem_shared>>
    %dma_wait3A_370 = arith.constant 0 : i32
    %dma_wait3A_371 = tpu.memref_slice %arg6[%add3A_367, %dma_wait3A_370] : memref<10000x128xf32, #tpu.memory_space<vmem_shared>> -> memref<16x128xf32, #tpu.memory_space<vmem_shared>>
    tpu.wait_dma2 semaphore(%arg13 : memref<!tpu.dma_semaphore, #tpu.memory_space<semaphore_mem>>) src(%arg10 : memref<16x128xf32, #tpu.memory_space<vmem>>) dst(%dma_wait3A_371 : memref<16x128xf32, #tpu.memory_space<vmem_shared>>)
    %add3A_372 = arith.constant 240 : i32
    %add3A_373 = arith.addi %mul3A_0, %add3A_372 : i32
    %dma_wait3A_374 = arith.constant 0 : i32
    %dma_wait3A_375 = tpu.memref_slice %arg6[%add3A_373, %dma_wait3A_374] : memref<10000x128xf32, #tpu.memory_space<vmem_shared>> -> memref<16x128xf32, #tpu.memory_space<vmem_shared>>
    %dma_wait3A_376 = arith.constant 0 : i32
    %dma_wait3A_377 = tpu.memref_slice %arg6[%add3A_373, %dma_wait3A_376] : memref<10000x128xf32, #tpu.memory_space<vmem_shared>> -> memref<16x128xf32, #tpu.memory_space<vmem_shared>>
    tpu.wait_dma2 semaphore(%arg13 : memref<!tpu.dma_semaphore, #tpu.memory_space<semaphore_mem>>) src(%arg10 : memref<16x128xf32, #tpu.memory_space<vmem>>) dst(%dma_wait3A_377 : memref<16x128xf32, #tpu.memory_space<vmem_shared>>)
    %add3A_378 = arith.constant 256 : i32
    %add3A_379 = arith.addi %mul3A_0, %add3A_378 : i32
    %dma_wait3A_380 = arith.constant 0 : i32
    %dma_wait3A_381 = tpu.memref_slice %arg6[%add3A_379, %dma_wait3A_380] : memref<10000x128xf32, #tpu.memory_space<vmem_shared>> -> memref<16x128xf32, #tpu.memory_space<vmem_shared>>
    %dma_wait3A_382 = arith.constant 0 : i32
    %dma_wait3A_383 = tpu.memref_slice %arg6[%add3A_379, %dma_wait3A_382] : memref<10000x128xf32, #tpu.memory_space<vmem_shared>> -> memref<16x128xf32, #tpu.memory_space<vmem_shared>>
    tpu.wait_dma2 semaphore(%arg13 : memref<!tpu.dma_semaphore, #tpu.memory_space<semaphore_mem>>) src(%arg10 : memref<16x128xf32, #tpu.memory_space<vmem>>) dst(%dma_wait3A_383 : memref<16x128xf32, #tpu.memory_space<vmem_shared>>)
    %add3A_384 = arith.constant 272 : i32
    %add3A_385 = arith.addi %mul3A_0, %add3A_384 : i32
    %dma_wait3A_386 = arith.constant 0 : i32
    %dma_wait3A_387 = tpu.memref_slice %arg6[%add3A_385, %dma_wait3A_386] : memref<10000x128xf32, #tpu.memory_space<vmem_shared>> -> memref<16x128xf32, #tpu.memory_space<vmem_shared>>
    %dma_wait3A_388 = arith.constant 0 : i32
    %dma_wait3A_389 = tpu.memref_slice %arg6[%add3A_385, %dma_wait3A_388] : memref<10000x128xf32, #tpu.memory_space<vmem_shared>> -> memref<16x128xf32, #tpu.memory_space<vmem_shared>>
    tpu.wait_dma2 semaphore(%arg13 : memref<!tpu.dma_semaphore, #tpu.memory_space<semaphore_mem>>) src(%arg10 : memref<16x128xf32, #tpu.memory_space<vmem>>) dst(%dma_wait3A_389 : memref<16x128xf32, #tpu.memory_space<vmem_shared>>)
    %add3A_390 = arith.constant 288 : i32
    %add3A_391 = arith.addi %mul3A_0, %add3A_390 : i32
    %dma_wait3A_392 = arith.constant 0 : i32
    %dma_wait3A_393 = tpu.memref_slice %arg6[%add3A_391, %dma_wait3A_392] : memref<10000x128xf32, #tpu.memory_space<vmem_shared>> -> memref<16x128xf32, #tpu.memory_space<vmem_shared>>
    %dma_wait3A_394 = arith.constant 0 : i32
    %dma_wait3A_395 = tpu.memref_slice %arg6[%add3A_391, %dma_wait3A_394] : memref<10000x128xf32, #tpu.memory_space<vmem_shared>> -> memref<16x128xf32, #tpu.memory_space<vmem_shared>>
    tpu.wait_dma2 semaphore(%arg13 : memref<!tpu.dma_semaphore, #tpu.memory_space<semaphore_mem>>) src(%arg10 : memref<16x128xf32, #tpu.memory_space<vmem>>) dst(%dma_wait3A_395 : memref<16x128xf32, #tpu.memory_space<vmem_shared>>)
    %add3A_396 = arith.constant 304 : i32
    %add3A_397 = arith.addi %mul3A_0, %add3A_396 : i32
    %dma_wait3A_398 = arith.constant 0 : i32
    %dma_wait3A_399 = tpu.memref_slice %arg6[%add3A_397, %dma_wait3A_398] : memref<10000x128xf32, #tpu.memory_space<vmem_shared>> -> memref<16x128xf32, #tpu.memory_space<vmem_shared>>
    %dma_wait3A_400 = arith.constant 0 : i32
    %dma_wait3A_401 = tpu.memref_slice %arg6[%add3A_397, %dma_wait3A_400] : memref<10000x128xf32, #tpu.memory_space<vmem_shared>> -> memref<16x128xf32, #tpu.memory_space<vmem_shared>>
    tpu.wait_dma2 semaphore(%arg13 : memref<!tpu.dma_semaphore, #tpu.memory_space<semaphore_mem>>) src(%arg10 : memref<16x128xf32, #tpu.memory_space<vmem>>) dst(%dma_wait3A_401 : memref<16x128xf32, #tpu.memory_space<vmem_shared>>)
    %add3A_402 = arith.constant 320 : i32
    %add3A_403 = arith.addi %mul3A_0, %add3A_402 : i32
    %dma_wait3A_404 = arith.constant 0 : i32
    %dma_wait3A_405 = tpu.memref_slice %arg6[%add3A_403, %dma_wait3A_404] : memref<10000x128xf32, #tpu.memory_space<vmem_shared>> -> memref<16x128xf32, #tpu.memory_space<vmem_shared>>
    %dma_wait3A_406 = arith.constant 0 : i32
    %dma_wait3A_407 = tpu.memref_slice %arg6[%add3A_403, %dma_wait3A_406] : memref<10000x128xf32, #tpu.memory_space<vmem_shared>> -> memref<16x128xf32, #tpu.memory_space<vmem_shared>>
    tpu.wait_dma2 semaphore(%arg13 : memref<!tpu.dma_semaphore, #tpu.memory_space<semaphore_mem>>) src(%arg10 : memref<16x128xf32, #tpu.memory_space<vmem>>) dst(%dma_wait3A_407 : memref<16x128xf32, #tpu.memory_space<vmem_shared>>)
    %add3A_408 = arith.constant 336 : i32
    %add3A_409 = arith.addi %mul3A_0, %add3A_408 : i32
    %dma_wait3A_410 = arith.constant 0 : i32
    %dma_wait3A_411 = tpu.memref_slice %arg6[%add3A_409, %dma_wait3A_410] : memref<10000x128xf32, #tpu.memory_space<vmem_shared>> -> memref<16x128xf32, #tpu.memory_space<vmem_shared>>
    %dma_wait3A_412 = arith.constant 0 : i32
    %dma_wait3A_413 = tpu.memref_slice %arg6[%add3A_409, %dma_wait3A_412] : memref<10000x128xf32, #tpu.memory_space<vmem_shared>> -> memref<16x128xf32, #tpu.memory_space<vmem_shared>>
    tpu.wait_dma2 semaphore(%arg13 : memref<!tpu.dma_semaphore, #tpu.memory_space<semaphore_mem>>) src(%arg10 : memref<16x128xf32, #tpu.memory_space<vmem>>) dst(%dma_wait3A_413 : memref<16x128xf32, #tpu.memory_space<vmem_shared>>)
    %add3A_414 = arith.constant 352 : i32
    %add3A_415 = arith.addi %mul3A_0, %add3A_414 : i32
    %dma_wait3A_416 = arith.constant 0 : i32
    %dma_wait3A_417 = tpu.memref_slice %arg6[%add3A_415, %dma_wait3A_416] : memref<10000x128xf32, #tpu.memory_space<vmem_shared>> -> memref<16x128xf32, #tpu.memory_space<vmem_shared>>
    %dma_wait3A_418 = arith.constant 0 : i32
    %dma_wait3A_419 = tpu.memref_slice %arg6[%add3A_415, %dma_wait3A_418] : memref<10000x128xf32, #tpu.memory_space<vmem_shared>> -> memref<16x128xf32, #tpu.memory_space<vmem_shared>>
    tpu.wait_dma2 semaphore(%arg13 : memref<!tpu.dma_semaphore, #tpu.memory_space<semaphore_mem>>) src(%arg10 : memref<16x128xf32, #tpu.memory_space<vmem>>) dst(%dma_wait3A_419 : memref<16x128xf32, #tpu.memory_space<vmem_shared>>)
    %add3A_420 = arith.constant 368 : i32
    %add3A_421 = arith.addi %mul3A_0, %add3A_420 : i32
    %dma_wait3A_422 = arith.constant 0 : i32
    %dma_wait3A_423 = tpu.memref_slice %arg6[%add3A_421, %dma_wait3A_422] : memref<10000x128xf32, #tpu.memory_space<vmem_shared>> -> memref<16x128xf32, #tpu.memory_space<vmem_shared>>
    %dma_wait3A_424 = arith.constant 0 : i32
    %dma_wait3A_425 = tpu.memref_slice %arg6[%add3A_421, %dma_wait3A_424] : memref<10000x128xf32, #tpu.memory_space<vmem_shared>> -> memref<16x128xf32, #tpu.memory_space<vmem_shared>>
    tpu.wait_dma2 semaphore(%arg13 : memref<!tpu.dma_semaphore, #tpu.memory_space<semaphore_mem>>) src(%arg10 : memref<16x128xf32, #tpu.memory_space<vmem>>) dst(%dma_wait3A_425 : memref<16x128xf32, #tpu.memory_space<vmem_shared>>)
    %add3A_426 = arith.constant 384 : i32
    %add3A_427 = arith.addi %mul3A_0, %add3A_426 : i32
    %dma_wait3A_428 = arith.constant 0 : i32
    %dma_wait3A_429 = tpu.memref_slice %arg6[%add3A_427, %dma_wait3A_428] : memref<10000x128xf32, #tpu.memory_space<vmem_shared>> -> memref<16x128xf32, #tpu.memory_space<vmem_shared>>
    %dma_wait3A_430 = arith.constant 0 : i32
    %dma_wait3A_431 = tpu.memref_slice %arg6[%add3A_427, %dma_wait3A_430] : memref<10000x128xf32, #tpu.memory_space<vmem_shared>> -> memref<16x128xf32, #tpu.memory_space<vmem_shared>>
    tpu.wait_dma2 semaphore(%arg13 : memref<!tpu.dma_semaphore, #tpu.memory_space<semaphore_mem>>) src(%arg10 : memref<16x128xf32, #tpu.memory_space<vmem>>) dst(%dma_wait3A_431 : memref<16x128xf32, #tpu.memory_space<vmem_shared>>)
    %add3A_432 = arith.constant 400 : i32
    %add3A_433 = arith.addi %mul3A_0, %add3A_432 : i32
    %dma_wait3A_434 = arith.constant 0 : i32
    %dma_wait3A_435 = tpu.memref_slice %arg6[%add3A_433, %dma_wait3A_434] : memref<10000x128xf32, #tpu.memory_space<vmem_shared>> -> memref<16x128xf32, #tpu.memory_space<vmem_shared>>
    %dma_wait3A_436 = arith.constant 0 : i32
    %dma_wait3A_437 = tpu.memref_slice %arg6[%add3A_433, %dma_wait3A_436] : memref<10000x128xf32, #tpu.memory_space<vmem_shared>> -> memref<16x128xf32, #tpu.memory_space<vmem_shared>>
    tpu.wait_dma2 semaphore(%arg13 : memref<!tpu.dma_semaphore, #tpu.memory_space<semaphore_mem>>) src(%arg10 : memref<16x128xf32, #tpu.memory_space<vmem>>) dst(%dma_wait3A_437 : memref<16x128xf32, #tpu.memory_space<vmem_shared>>)
    %add3A_438 = arith.constant 416 : i32
    %add3A_439 = arith.addi %mul3A_0, %add3A_438 : i32
    %dma_wait3A_440 = arith.constant 0 : i32
    %dma_wait3A_441 = tpu.memref_slice %arg6[%add3A_439, %dma_wait3A_440] : memref<10000x128xf32, #tpu.memory_space<vmem_shared>> -> memref<16x128xf32, #tpu.memory_space<vmem_shared>>
    %dma_wait3A_442 = arith.constant 0 : i32
    %dma_wait3A_443 = tpu.memref_slice %arg6[%add3A_439, %dma_wait3A_442] : memref<10000x128xf32, #tpu.memory_space<vmem_shared>> -> memref<16x128xf32, #tpu.memory_space<vmem_shared>>
    tpu.wait_dma2 semaphore(%arg13 : memref<!tpu.dma_semaphore, #tpu.memory_space<semaphore_mem>>) src(%arg10 : memref<16x128xf32, #tpu.memory_space<vmem>>) dst(%dma_wait3A_443 : memref<16x128xf32, #tpu.memory_space<vmem_shared>>)
    %add3A_444 = arith.constant 432 : i32
    %add3A_445 = arith.addi %mul3A_0, %add3A_444 : i32
    %dma_wait3A_446 = arith.constant 0 : i32
    %dma_wait3A_447 = tpu.memref_slice %arg6[%add3A_445, %dma_wait3A_446] : memref<10000x128xf32, #tpu.memory_space<vmem_shared>> -> memref<16x128xf32, #tpu.memory_space<vmem_shared>>
    %dma_wait3A_448 = arith.constant 0 : i32
    %dma_wait3A_449 = tpu.memref_slice %arg6[%add3A_445, %dma_wait3A_448] : memref<10000x128xf32, #tpu.memory_space<vmem_shared>> -> memref<16x128xf32, #tpu.memory_space<vmem_shared>>
    tpu.wait_dma2 semaphore(%arg13 : memref<!tpu.dma_semaphore, #tpu.memory_space<semaphore_mem>>) src(%arg10 : memref<16x128xf32, #tpu.memory_space<vmem>>) dst(%dma_wait3A_449 : memref<16x128xf32, #tpu.memory_space<vmem_shared>>)
    %add3A_450 = arith.constant 448 : i32
    %add3A_451 = arith.addi %mul3A_0, %add3A_450 : i32
    %dma_wait3A_452 = arith.constant 0 : i32
    %dma_wait3A_453 = tpu.memref_slice %arg6[%add3A_451, %dma_wait3A_452] : memref<10000x128xf32, #tpu.memory_space<vmem_shared>> -> memref<16x128xf32, #tpu.memory_space<vmem_shared>>
    %dma_wait3A_454 = arith.constant 0 : i32
    %dma_wait3A_455 = tpu.memref_slice %arg6[%add3A_451, %dma_wait3A_454] : memref<10000x128xf32, #tpu.memory_space<vmem_shared>> -> memref<16x128xf32, #tpu.memory_space<vmem_shared>>
    tpu.wait_dma2 semaphore(%arg13 : memref<!tpu.dma_semaphore, #tpu.memory_space<semaphore_mem>>) src(%arg10 : memref<16x128xf32, #tpu.memory_space<vmem>>) dst(%dma_wait3A_455 : memref<16x128xf32, #tpu.memory_space<vmem_shared>>)
    %add3A_456 = arith.constant 464 : i32
    %add3A_457 = arith.addi %mul3A_0, %add3A_456 : i32
    %dma_wait3A_458 = arith.constant 0 : i32
    %dma_wait3A_459 = tpu.memref_slice %arg6[%add3A_457, %dma_wait3A_458] : memref<10000x128xf32, #tpu.memory_space<vmem_shared>> -> memref<16x128xf32, #tpu.memory_space<vmem_shared>>
    %dma_wait3A_460 = arith.constant 0 : i32
    %dma_wait3A_461 = tpu.memref_slice %arg6[%add3A_457, %dma_wait3A_460] : memref<10000x128xf32, #tpu.memory_space<vmem_shared>> -> memref<16x128xf32, #tpu.memory_space<vmem_shared>>
    tpu.wait_dma2 semaphore(%arg13 : memref<!tpu.dma_semaphore, #tpu.memory_space<semaphore_mem>>) src(%arg10 : memref<16x128xf32, #tpu.memory_space<vmem>>) dst(%dma_wait3A_461 : memref<16x128xf32, #tpu.memory_space<vmem_shared>>)
    %add3A_462 = arith.constant 480 : i32
    %add3A_463 = arith.addi %mul3A_0, %add3A_462 : i32
    %dma_wait3A_464 = arith.constant 0 : i32
    %dma_wait3A_465 = tpu.memref_slice %arg6[%add3A_463, %dma_wait3A_464] : memref<10000x128xf32, #tpu.memory_space<vmem_shared>> -> memref<16x128xf32, #tpu.memory_space<vmem_shared>>
    %dma_wait3A_466 = arith.constant 0 : i32
    %dma_wait3A_467 = tpu.memref_slice %arg6[%add3A_463, %dma_wait3A_466] : memref<10000x128xf32, #tpu.memory_space<vmem_shared>> -> memref<16x128xf32, #tpu.memory_space<vmem_shared>>
    tpu.wait_dma2 semaphore(%arg13 : memref<!tpu.dma_semaphore, #tpu.memory_space<semaphore_mem>>) src(%arg10 : memref<16x128xf32, #tpu.memory_space<vmem>>) dst(%dma_wait3A_467 : memref<16x128xf32, #tpu.memory_space<vmem_shared>>)
    %add3A_468 = arith.constant 496 : i32
    %add3A_469 = arith.addi %mul3A_0, %add3A_468 : i32
    %dma_wait3A_470 = arith.constant 0 : i32
    %dma_wait3A_471 = tpu.memref_slice %arg6[%add3A_469, %dma_wait3A_470] : memref<10000x128xf32, #tpu.memory_space<vmem_shared>> -> memref<16x128xf32, #tpu.memory_space<vmem_shared>>
    %dma_wait3A_472 = arith.constant 0 : i32
    %dma_wait3A_473 = tpu.memref_slice %arg6[%add3A_469, %dma_wait3A_472] : memref<10000x128xf32, #tpu.memory_space<vmem_shared>> -> memref<16x128xf32, #tpu.memory_space<vmem_shared>>
    tpu.wait_dma2 semaphore(%arg13 : memref<!tpu.dma_semaphore, #tpu.memory_space<semaphore_mem>>) src(%arg10 : memref<16x128xf32, #tpu.memory_space<vmem>>) dst(%dma_wait3A_473 : memref<16x128xf32, #tpu.memory_space<vmem_shared>>)
    %add3A_474 = arith.constant 512 : i32
    %add3A_475 = arith.addi %mul3A_0, %add3A_474 : i32
    %dma_wait3A_476 = arith.constant 0 : i32
    %dma_wait3A_477 = tpu.memref_slice %arg6[%add3A_475, %dma_wait3A_476] : memref<10000x128xf32, #tpu.memory_space<vmem_shared>> -> memref<16x128xf32, #tpu.memory_space<vmem_shared>>
    %dma_wait3A_478 = arith.constant 0 : i32
    %dma_wait3A_479 = tpu.memref_slice %arg6[%add3A_475, %dma_wait3A_478] : memref<10000x128xf32, #tpu.memory_space<vmem_shared>> -> memref<16x128xf32, #tpu.memory_space<vmem_shared>>
    tpu.wait_dma2 semaphore(%arg13 : memref<!tpu.dma_semaphore, #tpu.memory_space<semaphore_mem>>) src(%arg10 : memref<16x128xf32, #tpu.memory_space<vmem>>) dst(%dma_wait3A_479 : memref<16x128xf32, #tpu.memory_space<vmem_shared>>)
    %add3A_480 = arith.constant 528 : i32
    %add3A_481 = arith.addi %mul3A_0, %add3A_480 : i32
    %dma_wait3A_482 = arith.constant 0 : i32
    %dma_wait3A_483 = tpu.memref_slice %arg6[%add3A_481, %dma_wait3A_482] : memref<10000x128xf32, #tpu.memory_space<vmem_shared>> -> memref<16x128xf32, #tpu.memory_space<vmem_shared>>
    %dma_wait3A_484 = arith.constant 0 : i32
    %dma_wait3A_485 = tpu.memref_slice %arg6[%add3A_481, %dma_wait3A_484] : memref<10000x128xf32, #tpu.memory_space<vmem_shared>> -> memref<16x128xf32, #tpu.memory_space<vmem_shared>>
    tpu.wait_dma2 semaphore(%arg13 : memref<!tpu.dma_semaphore, #tpu.memory_space<semaphore_mem>>) src(%arg10 : memref<16x128xf32, #tpu.memory_space<vmem>>) dst(%dma_wait3A_485 : memref<16x128xf32, #tpu.memory_space<vmem_shared>>)
    %add3A_486 = arith.constant 544 : i32
    %add3A_487 = arith.addi %mul3A_0, %add3A_486 : i32
    %dma_wait3A_488 = arith.constant 0 : i32
    %dma_wait3A_489 = tpu.memref_slice %arg6[%add3A_487, %dma_wait3A_488] : memref<10000x128xf32, #tpu.memory_space<vmem_shared>> -> memref<16x128xf32, #tpu.memory_space<vmem_shared>>
    %dma_wait3A_490 = arith.constant 0 : i32
    %dma_wait3A_491 = tpu.memref_slice %arg6[%add3A_487, %dma_wait3A_490] : memref<10000x128xf32, #tpu.memory_space<vmem_shared>> -> memref<16x128xf32, #tpu.memory_space<vmem_shared>>
    tpu.wait_dma2 semaphore(%arg13 : memref<!tpu.dma_semaphore, #tpu.memory_space<semaphore_mem>>) src(%arg10 : memref<16x128xf32, #tpu.memory_space<vmem>>) dst(%dma_wait3A_491 : memref<16x128xf32, #tpu.memory_space<vmem_shared>>)
    %add3A_492 = arith.constant 560 : i32
    %add3A_493 = arith.addi %mul3A_0, %add3A_492 : i32
    %dma_wait3A_494 = arith.constant 0 : i32
    %dma_wait3A_495 = tpu.memref_slice %arg6[%add3A_493, %dma_wait3A_494] : memref<10000x128xf32, #tpu.memory_space<vmem_shared>> -> memref<16x128xf32, #tpu.memory_space<vmem_shared>>
    %dma_wait3A_496 = arith.constant 0 : i32
    %dma_wait3A_497 = tpu.memref_slice %arg6[%add3A_493, %dma_wait3A_496] : memref<10000x128xf32, #tpu.memory_space<vmem_shared>> -> memref<16x128xf32, #tpu.memory_space<vmem_shared>>
    tpu.wait_dma2 semaphore(%arg13 : memref<!tpu.dma_semaphore, #tpu.memory_space<semaphore_mem>>) src(%arg10 : memref<16x128xf32, #tpu.memory_space<vmem>>) dst(%dma_wait3A_497 : memref<16x128xf32, #tpu.memory_space<vmem_shared>>)
    %add3A_498 = arith.constant 576 : i32
    %add3A_499 = arith.addi %mul3A_0, %add3A_498 : i32
    %dma_wait3A_500 = arith.constant 0 : i32
    %dma_wait3A_501 = tpu.memref_slice %arg6[%add3A_499, %dma_wait3A_500] : memref<10000x128xf32, #tpu.memory_space<vmem_shared>> -> memref<16x128xf32, #tpu.memory_space<vmem_shared>>
    %dma_wait3A_502 = arith.constant 0 : i32
    %dma_wait3A_503 = tpu.memref_slice %arg6[%add3A_499, %dma_wait3A_502] : memref<10000x128xf32, #tpu.memory_space<vmem_shared>> -> memref<16x128xf32, #tpu.memory_space<vmem_shared>>
    tpu.wait_dma2 semaphore(%arg13 : memref<!tpu.dma_semaphore, #tpu.memory_space<semaphore_mem>>) src(%arg10 : memref<16x128xf32, #tpu.memory_space<vmem>>) dst(%dma_wait3A_503 : memref<16x128xf32, #tpu.memory_space<vmem_shared>>)
    %add3A_504 = arith.constant 592 : i32
    %add3A_505 = arith.addi %mul3A_0, %add3A_504 : i32
    %dma_wait3A_506 = arith.constant 0 : i32
    %dma_wait3A_507 = tpu.memref_slice %arg6[%add3A_505, %dma_wait3A_506] : memref<10000x128xf32, #tpu.memory_space<vmem_shared>> -> memref<16x128xf32, #tpu.memory_space<vmem_shared>>
    %dma_wait3A_508 = arith.constant 0 : i32
    %dma_wait3A_509 = tpu.memref_slice %arg6[%add3A_505, %dma_wait3A_508] : memref<10000x128xf32, #tpu.memory_space<vmem_shared>> -> memref<16x128xf32, #tpu.memory_space<vmem_shared>>
    tpu.wait_dma2 semaphore(%arg13 : memref<!tpu.dma_semaphore, #tpu.memory_space<semaphore_mem>>) src(%arg10 : memref<16x128xf32, #tpu.memory_space<vmem>>) dst(%dma_wait3A_509 : memref<16x128xf32, #tpu.memory_space<vmem_shared>>)
    %add3A_510 = arith.constant 608 : i32
    %add3A_511 = arith.addi %mul3A_0, %add3A_510 : i32
    %dma_wait3A_512 = arith.constant 0 : i32
    %dma_wait3A_513 = tpu.memref_slice %arg6[%add3A_511, %dma_wait3A_512] : memref<10000x128xf32, #tpu.memory_space<vmem_shared>> -> memref<16x128xf32, #tpu.memory_space<vmem_shared>>
    %dma_wait3A_514 = arith.constant 0 : i32
    %dma_wait3A_515 = tpu.memref_slice %arg6[%add3A_511, %dma_wait3A_514] : memref<10000x128xf32, #tpu.memory_space<vmem_shared>> -> memref<16x128xf32, #tpu.memory_space<vmem_shared>>
    tpu.wait_dma2 semaphore(%arg13 : memref<!tpu.dma_semaphore, #tpu.memory_space<semaphore_mem>>) src(%arg10 : memref<16x128xf32, #tpu.memory_space<vmem>>) dst(%dma_wait3A_515 : memref<16x128xf32, #tpu.memory_space<vmem_shared>>)
    %eq3A_516 = arith.constant 15 : i32
    %eq3A_517 = arith.cmpi eq, %arg1, %eq3A_516 : i32
    %convert_element_type3A_518 = arith.extui %eq3A_517 : i1 to i32
    %cond3A_519 = arith.constant 0 : i32
    %cond3A_520 = arith.cmpi ne, %convert_element_type3A_518, %cond3A_519 : i32
    scf.if %cond3A_520 {
      %dma_wait3A_1489 = arith.constant 0 : i32
      %dma_wait3A_1490 = arith.constant 0 : i32
      %dma_wait3A_1491 = tpu.memref_slice %arg10[%dma_wait3A_1489, %dma_wait3A_1490] : memref<16x128xf32, #tpu.memory_space<vmem>> -> memref<16x128xf32, #tpu.memory_space<vmem>>
      %dma_wait3A_1492 = arith.constant 9984 : i32
      %dma_wait3A_1493 = arith.constant 0 : i32
      %dma_wait3A_1494 = tpu.memref_slice %arg6[%dma_wait3A_1492, %dma_wait3A_1493] : memref<10000x128xf32, #tpu.memory_space<vmem_shared>> -> memref<16x128xf32, #tpu.memory_space<vmem_shared>>
      %dma_wait3A_1495 = arith.constant 9984 : i32
      %dma_wait3A_1496 = arith.constant 0 : i32
      %dma_wait3A_1497 = tpu.memref_slice %arg6[%dma_wait3A_1495, %dma_wait3A_1496] : memref<10000x128xf32, #tpu.memory_space<vmem_shared>> -> memref<16x128xf32, #tpu.memory_space<vmem_shared>>
      %dma_wait3A_1498 = arith.constant 0 : i32
      %dma_wait3A_1499 = arith.constant 0 : i32
      %dma_wait3A_1500 = tpu.memref_slice %arg10[%dma_wait3A_1498, %dma_wait3A_1499] : memref<16x128xf32, #tpu.memory_space<vmem>> -> memref<16x128xf32, #tpu.memory_space<vmem>>
      tpu.wait_dma2 semaphore(%arg13 : memref<!tpu.dma_semaphore, #tpu.memory_space<semaphore_mem>>) src(%dma_wait3A_1500 : memref<16x128xf32, #tpu.memory_space<vmem>>) dst(%dma_wait3A_1497 : memref<16x128xf32, #tpu.memory_space<vmem_shared>>)
    } else {
    }
    %barrier3A = arith.constant 0 : index
    tpu.barrier barrier_id(%barrier3A)
    %add3A_521 = arith.constant 0 : i32
    %add3A_522 = arith.addi %mul3A_2, %add3A_521 : i32
    %dma_start3A_523 = arith.constant 0 : i32
    %dma_start3A_524 = arith.constant 0 : i32
    %dma_start3A_525 = arith.constant 0 : i32
    %dma_start3A_526 = arith.constant 0 : i32
    %dma_start3A_527 = tpu.memref_slice %arg9[%dma_start3A_523, %dma_start3A_525, %dma_start3A_526] : memref<7x40x128xf32, #tpu.memory_space<vmem>> -> memref<1x40x128xf32, #tpu.memory_space<vmem>>
    %dma_start3A_528 = tpu.memref_squeeze %dma_start3A_527 : memref<1x40x128xf32, #tpu.memory_space<vmem>> -> memref<40x128xf32, #tpu.memory_space<vmem>>
    %dma_start3A_529 = tpu.memref_slice %arg7[%add3A_522] : memref<5120xi32, #tpu.memory_space<vmem>> -> memref<40xi32, #tpu.memory_space<vmem>>
    %dma_start3A_530 = arith.constant 0 : i32
    %dma_start3A_531 = arith.constant 0 : i32
    %dma_start3A_532 = tpu.memref_slice %arg2[%dma_start3A_530, %dma_start3A_531] : memref<10000x128xf32, #tpu.memory_space<hbm>> -> memref<10000x128xf32, #tpu.memory_space<hbm>>
    %dma_start3A_533 = tpu.memref_slice %arg11[%dma_start3A_524] : memref<7x!tpu.dma_semaphore, #tpu.memory_space<semaphore_mem>> -> memref<1x!tpu.dma_semaphore, #tpu.memory_space<semaphore_mem>>
    %dma_start3A_534 = tpu.memref_squeeze %dma_start3A_533 : memref<1x!tpu.dma_semaphore, #tpu.memory_space<semaphore_mem>> -> memref<!tpu.dma_semaphore, #tpu.memory_space<semaphore_mem>>
    tpu.enqueue_indirect_dma source(%dma_start3A_532 : memref<10000x128xf32, #tpu.memory_space<hbm>>) target(%dma_start3A_528 : memref<40x128xf32, #tpu.memory_space<vmem>>) offsets(%dma_start3A_529 : memref<40xi32, #tpu.memory_space<vmem>>) semaphore(%dma_start3A_534 : memref<!tpu.dma_semaphore, #tpu.memory_space<semaphore_mem>>)
    %add3A_535 = arith.constant 40 : i32
    %add3A_536 = arith.addi %mul3A_2, %add3A_535 : i32
    %dma_start3A_537 = arith.constant 1 : i32
    %dma_start3A_538 = arith.constant 1 : i32
    %dma_start3A_539 = arith.constant 0 : i32
    %dma_start3A_540 = arith.constant 0 : i32
    %dma_start3A_541 = tpu.memref_slice %arg9[%dma_start3A_537, %dma_start3A_539, %dma_start3A_540] : memref<7x40x128xf32, #tpu.memory_space<vmem>> -> memref<1x40x128xf32, #tpu.memory_space<vmem>>
    %dma_start3A_542 = tpu.memref_squeeze %dma_start3A_541 : memref<1x40x128xf32, #tpu.memory_space<vmem>> -> memref<40x128xf32, #tpu.memory_space<vmem>>
    %dma_start3A_543 = tpu.memref_slice %arg7[%add3A_536] : memref<5120xi32, #tpu.memory_space<vmem>> -> memref<40xi32, #tpu.memory_space<vmem>>
    %dma_start3A_544 = arith.constant 0 : i32
    %dma_start3A_545 = arith.constant 0 : i32
    %dma_start3A_546 = tpu.memref_slice %arg2[%dma_start3A_544, %dma_start3A_545] : memref<10000x128xf32, #tpu.memory_space<hbm>> -> memref<10000x128xf32, #tpu.memory_space<hbm>>
    %dma_start3A_547 = tpu.memref_slice %arg11[%dma_start3A_538] : memref<7x!tpu.dma_semaphore, #tpu.memory_space<semaphore_mem>> -> memref<1x!tpu.dma_semaphore, #tpu.memory_space<semaphore_mem>>
    %dma_start3A_548 = tpu.memref_squeeze %dma_start3A_547 : memref<1x!tpu.dma_semaphore, #tpu.memory_space<semaphore_mem>> -> memref<!tpu.dma_semaphore, #tpu.memory_space<semaphore_mem>>
    tpu.enqueue_indirect_dma source(%dma_start3A_546 : memref<10000x128xf32, #tpu.memory_space<hbm>>) target(%dma_start3A_542 : memref<40x128xf32, #tpu.memory_space<vmem>>) offsets(%dma_start3A_543 : memref<40xi32, #tpu.memory_space<vmem>>) semaphore(%dma_start3A_548 : memref<!tpu.dma_semaphore, #tpu.memory_space<semaphore_mem>>)
    %add3A_549 = arith.constant 80 : i32
    %add3A_550 = arith.addi %mul3A_2, %add3A_549 : i32
    %dma_start3A_551 = arith.constant 2 : i32
    %dma_start3A_552 = arith.constant 2 : i32
    %dma_start3A_553 = arith.constant 0 : i32
    %dma_start3A_554 = arith.constant 0 : i32
    %dma_start3A_555 = tpu.memref_slice %arg9[%dma_start3A_551, %dma_start3A_553, %dma_start3A_554] : memref<7x40x128xf32, #tpu.memory_space<vmem>> -> memref<1x40x128xf32, #tpu.memory_space<vmem>>
    %dma_start3A_556 = tpu.memref_squeeze %dma_start3A_555 : memref<1x40x128xf32, #tpu.memory_space<vmem>> -> memref<40x128xf32, #tpu.memory_space<vmem>>
    %dma_start3A_557 = tpu.memref_slice %arg7[%add3A_550] : memref<5120xi32, #tpu.memory_space<vmem>> -> memref<40xi32, #tpu.memory_space<vmem>>
    %dma_start3A_558 = arith.constant 0 : i32
    %dma_start3A_559 = arith.constant 0 : i32
    %dma_start3A_560 = tpu.memref_slice %arg2[%dma_start3A_558, %dma_start3A_559] : memref<10000x128xf32, #tpu.memory_space<hbm>> -> memref<10000x128xf32, #tpu.memory_space<hbm>>
    %dma_start3A_561 = tpu.memref_slice %arg11[%dma_start3A_552] : memref<7x!tpu.dma_semaphore, #tpu.memory_space<semaphore_mem>> -> memref<1x!tpu.dma_semaphore, #tpu.memory_space<semaphore_mem>>
    %dma_start3A_562 = tpu.memref_squeeze %dma_start3A_561 : memref<1x!tpu.dma_semaphore, #tpu.memory_space<semaphore_mem>> -> memref<!tpu.dma_semaphore, #tpu.memory_space<semaphore_mem>>
    tpu.enqueue_indirect_dma source(%dma_start3A_560 : memref<10000x128xf32, #tpu.memory_space<hbm>>) target(%dma_start3A_556 : memref<40x128xf32, #tpu.memory_space<vmem>>) offsets(%dma_start3A_557 : memref<40xi32, #tpu.memory_space<vmem>>) semaphore(%dma_start3A_562 : memref<!tpu.dma_semaphore, #tpu.memory_space<semaphore_mem>>)
    %add3A_563 = arith.constant 120 : i32
    %add3A_564 = arith.addi %mul3A_2, %add3A_563 : i32
    %dma_start3A_565 = arith.constant 3 : i32
    %dma_start3A_566 = arith.constant 3 : i32
    %dma_start3A_567 = arith.constant 0 : i32
    %dma_start3A_568 = arith.constant 0 : i32
    %dma_start3A_569 = tpu.memref_slice %arg9[%dma_start3A_565, %dma_start3A_567, %dma_start3A_568] : memref<7x40x128xf32, #tpu.memory_space<vmem>> -> memref<1x40x128xf32, #tpu.memory_space<vmem>>
    %dma_start3A_570 = tpu.memref_squeeze %dma_start3A_569 : memref<1x40x128xf32, #tpu.memory_space<vmem>> -> memref<40x128xf32, #tpu.memory_space<vmem>>
    %dma_start3A_571 = tpu.memref_slice %arg7[%add3A_564] : memref<5120xi32, #tpu.memory_space<vmem>> -> memref<40xi32, #tpu.memory_space<vmem>>
    %dma_start3A_572 = arith.constant 0 : i32
    %dma_start3A_573 = arith.constant 0 : i32
    %dma_start3A_574 = tpu.memref_slice %arg2[%dma_start3A_572, %dma_start3A_573] : memref<10000x128xf32, #tpu.memory_space<hbm>> -> memref<10000x128xf32, #tpu.memory_space<hbm>>
    %dma_start3A_575 = tpu.memref_slice %arg11[%dma_start3A_566] : memref<7x!tpu.dma_semaphore, #tpu.memory_space<semaphore_mem>> -> memref<1x!tpu.dma_semaphore, #tpu.memory_space<semaphore_mem>>
    %dma_start3A_576 = tpu.memref_squeeze %dma_start3A_575 : memref<1x!tpu.dma_semaphore, #tpu.memory_space<semaphore_mem>> -> memref<!tpu.dma_semaphore, #tpu.memory_space<semaphore_mem>>
    tpu.enqueue_indirect_dma source(%dma_start3A_574 : memref<10000x128xf32, #tpu.memory_space<hbm>>) target(%dma_start3A_570 : memref<40x128xf32, #tpu.memory_space<vmem>>) offsets(%dma_start3A_571 : memref<40xi32, #tpu.memory_space<vmem>>) semaphore(%dma_start3A_576 : memref<!tpu.dma_semaphore, #tpu.memory_space<semaphore_mem>>)
    %add3A_577 = arith.constant 160 : i32
    %add3A_578 = arith.addi %mul3A_2, %add3A_577 : i32
    %dma_start3A_579 = arith.constant 4 : i32
    %dma_start3A_580 = arith.constant 4 : i32
    %dma_start3A_581 = arith.constant 0 : i32
    %dma_start3A_582 = arith.constant 0 : i32
    %dma_start3A_583 = tpu.memref_slice %arg9[%dma_start3A_579, %dma_start3A_581, %dma_start3A_582] : memref<7x40x128xf32, #tpu.memory_space<vmem>> -> memref<1x40x128xf32, #tpu.memory_space<vmem>>
    %dma_start3A_584 = tpu.memref_squeeze %dma_start3A_583 : memref<1x40x128xf32, #tpu.memory_space<vmem>> -> memref<40x128xf32, #tpu.memory_space<vmem>>
    %dma_start3A_585 = tpu.memref_slice %arg7[%add3A_578] : memref<5120xi32, #tpu.memory_space<vmem>> -> memref<40xi32, #tpu.memory_space<vmem>>
    %dma_start3A_586 = arith.constant 0 : i32
    %dma_start3A_587 = arith.constant 0 : i32
    %dma_start3A_588 = tpu.memref_slice %arg2[%dma_start3A_586, %dma_start3A_587] : memref<10000x128xf32, #tpu.memory_space<hbm>> -> memref<10000x128xf32, #tpu.memory_space<hbm>>
    %dma_start3A_589 = tpu.memref_slice %arg11[%dma_start3A_580] : memref<7x!tpu.dma_semaphore, #tpu.memory_space<semaphore_mem>> -> memref<1x!tpu.dma_semaphore, #tpu.memory_space<semaphore_mem>>
    %dma_start3A_590 = tpu.memref_squeeze %dma_start3A_589 : memref<1x!tpu.dma_semaphore, #tpu.memory_space<semaphore_mem>> -> memref<!tpu.dma_semaphore, #tpu.memory_space<semaphore_mem>>
    tpu.enqueue_indirect_dma source(%dma_start3A_588 : memref<10000x128xf32, #tpu.memory_space<hbm>>) target(%dma_start3A_584 : memref<40x128xf32, #tpu.memory_space<vmem>>) offsets(%dma_start3A_585 : memref<40xi32, #tpu.memory_space<vmem>>) semaphore(%dma_start3A_590 : memref<!tpu.dma_semaphore, #tpu.memory_space<semaphore_mem>>)
    %add3A_591 = arith.constant 200 : i32
    %add3A_592 = arith.addi %mul3A_2, %add3A_591 : i32
    %dma_start3A_593 = arith.constant 5 : i32
    %dma_start3A_594 = arith.constant 5 : i32
    %dma_start3A_595 = arith.constant 0 : i32
    %dma_start3A_596 = arith.constant 0 : i32
    %dma_start3A_597 = tpu.memref_slice %arg9[%dma_start3A_593, %dma_start3A_595, %dma_start3A_596] : memref<7x40x128xf32, #tpu.memory_space<vmem>> -> memref<1x40x128xf32, #tpu.memory_space<vmem>>
    %dma_start3A_598 = tpu.memref_squeeze %dma_start3A_597 : memref<1x40x128xf32, #tpu.memory_space<vmem>> -> memref<40x128xf32, #tpu.memory_space<vmem>>
    %dma_start3A_599 = tpu.memref_slice %arg7[%add3A_592] : memref<5120xi32, #tpu.memory_space<vmem>> -> memref<40xi32, #tpu.memory_space<vmem>>
    %dma_start3A_600 = arith.constant 0 : i32
    %dma_start3A_601 = arith.constant 0 : i32
    %dma_start3A_602 = tpu.memref_slice %arg2[%dma_start3A_600, %dma_start3A_601] : memref<10000x128xf32, #tpu.memory_space<hbm>> -> memref<10000x128xf32, #tpu.memory_space<hbm>>
    %dma_start3A_603 = tpu.memref_slice %arg11[%dma_start3A_594] : memref<7x!tpu.dma_semaphore, #tpu.memory_space<semaphore_mem>> -> memref<1x!tpu.dma_semaphore, #tpu.memory_space<semaphore_mem>>
    %dma_start3A_604 = tpu.memref_squeeze %dma_start3A_603 : memref<1x!tpu.dma_semaphore, #tpu.memory_space<semaphore_mem>> -> memref<!tpu.dma_semaphore, #tpu.memory_space<semaphore_mem>>
    tpu.enqueue_indirect_dma source(%dma_start3A_602 : memref<10000x128xf32, #tpu.memory_space<hbm>>) target(%dma_start3A_598 : memref<40x128xf32, #tpu.memory_space<vmem>>) offsets(%dma_start3A_599 : memref<40xi32, #tpu.memory_space<vmem>>) semaphore(%dma_start3A_604 : memref<!tpu.dma_semaphore, #tpu.memory_space<semaphore_mem>>)
    %add3A_605 = arith.constant 240 : i32
    %add3A_606 = arith.addi %mul3A_2, %add3A_605 : i32
    %dma_start3A_607 = arith.constant 6 : i32
    %dma_start3A_608 = arith.constant 6 : i32
    %dma_start3A_609 = arith.constant 0 : i32
    %dma_start3A_610 = arith.constant 0 : i32
    %dma_start3A_611 = tpu.memref_slice %arg9[%dma_start3A_607, %dma_start3A_609, %dma_start3A_610] : memref<7x40x128xf32, #tpu.memory_space<vmem>> -> memref<1x40x128xf32, #tpu.memory_space<vmem>>
    %dma_start3A_612 = tpu.memref_squeeze %dma_start3A_611 : memref<1x40x128xf32, #tpu.memory_space<vmem>> -> memref<40x128xf32, #tpu.memory_space<vmem>>
    %dma_start3A_613 = tpu.memref_slice %arg7[%add3A_606] : memref<5120xi32, #tpu.memory_space<vmem>> -> memref<40xi32, #tpu.memory_space<vmem>>
    %dma_start3A_614 = arith.constant 0 : i32
    %dma_start3A_615 = arith.constant 0 : i32
    %dma_start3A_616 = tpu.memref_slice %arg2[%dma_start3A_614, %dma_start3A_615] : memref<10000x128xf32, #tpu.memory_space<hbm>> -> memref<10000x128xf32, #tpu.memory_space<hbm>>
    %dma_start3A_617 = tpu.memref_slice %arg11[%dma_start3A_608] : memref<7x!tpu.dma_semaphore, #tpu.memory_space<semaphore_mem>> -> memref<1x!tpu.dma_semaphore, #tpu.memory_space<semaphore_mem>>
    %dma_start3A_618 = tpu.memref_squeeze %dma_start3A_617 : memref<1x!tpu.dma_semaphore, #tpu.memory_space<semaphore_mem>> -> memref<!tpu.dma_semaphore, #tpu.memory_space<semaphore_mem>>
    tpu.enqueue_indirect_dma source(%dma_start3A_616 : memref<10000x128xf32, #tpu.memory_space<hbm>>) target(%dma_start3A_612 : memref<40x128xf32, #tpu.memory_space<vmem>>) offsets(%dma_start3A_613 : memref<40xi32, #tpu.memory_space<vmem>>) semaphore(%dma_start3A_618 : memref<!tpu.dma_semaphore, #tpu.memory_space<semaphore_mem>>)
    %scan3A = arith.constant 0 : i32
    %scan3A_619 = arith.constant 18 : i32
    %scan3A_620 = arith.addi %scan3A, %scan3A_619 : i32
    %scan3A_621 = arith.constant 1 : i32
    scf.for %scan3A_1489 = %scan3A to %scan3A_620 step %scan3A_621  : i32 {
      %mul3A_1490 = arith.constant 1 : i32
      %mul3A_1491 = arith.muli %scan3A_1489, %mul3A_1490 : i32
      %add3A_1492 = arith.constant 0 : i32
      %add3A_1493 = arith.addi %add3A_1492, %mul3A_1491 : i32
      %mul3A_1494 = arith.constant 7 : i32
      %mul3A_1495 = arith.muli %add3A_1493, %mul3A_1494 : i32
      %add3A_1496 = arith.constant 0 : i32
      %add3A_1497 = arith.addi %mul3A_1495, %add3A_1496 : i32
      %lt3A = arith.constant 125 : i32
      %lt3A_1498 = arith.cmpi slt, %add3A_1497, %lt3A : i32
      %convert_element_type3A_1499 = arith.extui %lt3A_1498 : i1 to i32
      %cond3A_1500 = arith.constant 0 : i32
      %cond3A_1501 = arith.cmpi ne, %convert_element_type3A_1499, %cond3A_1500 : i32
      scf.if %cond3A_1501 {
        %mul3A_1605 = arith.constant 40 : i32
        %mul3A_1606 = arith.muli %add3A_1497, %mul3A_1605 : i32
        %add3A_1607 = arith.addi %mul3A_2, %mul3A_1606 : i32
        %dma_wait3A_1608 = arith.constant 0 : i32
        %dma_wait3A_1609 = arith.constant 0 : i32
        %dma_wait3A_1610 = arith.constant 0 : i32
        %dma_wait3A_1611 = arith.constant 0 : i32
        %dma_wait3A_1612 = tpu.memref_slice %arg9[%dma_wait3A_1608, %dma_wait3A_1610, %dma_wait3A_1611] : memref<7x40x128xf32, #tpu.memory_space<vmem>> -> memref<1x40x128xf32, #tpu.memory_space<vmem>>
        %dma_wait3A_1613 = tpu.memref_squeeze %dma_wait3A_1612 : memref<1x40x128xf32, #tpu.memory_space<vmem>> -> memref<40x128xf32, #tpu.memory_space<vmem>>
        %dma_wait3A_1614 = tpu.memref_slice %arg7[%add3A_1607] : memref<5120xi32, #tpu.memory_space<vmem>> -> memref<40xi32, #tpu.memory_space<vmem>>
        %dma_wait3A_1615 = arith.constant 0 : i32
        %dma_wait3A_1616 = arith.constant 0 : i32
        %dma_wait3A_1617 = tpu.memref_slice %arg2[%dma_wait3A_1615, %dma_wait3A_1616] : memref<10000x128xf32, #tpu.memory_space<hbm>> -> memref<10000x128xf32, #tpu.memory_space<hbm>>
        %dma_wait3A_1618 = tpu.memref_slice %arg11[%dma_wait3A_1609] : memref<7x!tpu.dma_semaphore, #tpu.memory_space<semaphore_mem>> -> memref<1x!tpu.dma_semaphore, #tpu.memory_space<semaphore_mem>>
        %dma_wait3A_1619 = tpu.memref_squeeze %dma_wait3A_1618 : memref<1x!tpu.dma_semaphore, #tpu.memory_space<semaphore_mem>> -> memref<!tpu.dma_semaphore, #tpu.memory_space<semaphore_mem>>
        tpu.wait_indirect_dma semaphore(%dma_wait3A_1619 : memref<!tpu.dma_semaphore, #tpu.memory_space<semaphore_mem>>) src(%dma_wait3A_1617 : memref<10000x128xf32, #tpu.memory_space<hbm>>) dst(%dma_wait3A_1613 : memref<40x128xf32, #tpu.memory_space<vmem>>)
        %mul3A_1620 = arith.constant 40 : i32
        %mul3A_1621 = arith.muli %add3A_1497, %mul3A_1620 : i32
        %add3A_1622 = arith.addi %mul3A_2, %mul3A_1621 : i32
        %dma_start3A_1623 = arith.constant 0 : i32
        %dma_start3A_1624 = arith.constant 0 : i32
        %dma_start3A_1625 = arith.constant 0 : i32
        %dma_start3A_1626 = arith.constant 0 : i32
        %dma_start3A_1627 = tpu.memref_slice %arg9[%dma_start3A_1623, %dma_start3A_1625, %dma_start3A_1626] : memref<7x40x128xf32, #tpu.memory_space<vmem>> -> memref<1x40x128xf32, #tpu.memory_space<vmem>>
        %dma_start3A_1628 = tpu.memref_squeeze %dma_start3A_1627 : memref<1x40x128xf32, #tpu.memory_space<vmem>> -> memref<40x128xf32, #tpu.memory_space<vmem>>
        %dma_start3A_1629 = tpu.memref_slice %arg8[%add3A_1622] : memref<5120xi32, #tpu.memory_space<vmem>> -> memref<40xi32, #tpu.memory_space<vmem>>
        %dma_start3A_1630 = arith.constant 0 : i32
        %dma_start3A_1631 = arith.constant 0 : i32
        %dma_start3A_1632 = tpu.memref_slice %arg6[%dma_start3A_1630, %dma_start3A_1631] : memref<10000x128xf32, #tpu.memory_space<vmem_shared>> -> memref<10000x128xf32, #tpu.memory_space<vmem_shared>>
        %dma_start3A_1633 = tpu.memref_slice %arg12[%dma_start3A_1624] : memref<7x!tpu.dma_semaphore, #tpu.memory_space<semaphore_mem>> -> memref<1x!tpu.dma_semaphore, #tpu.memory_space<semaphore_mem>>
        %dma_start3A_1634 = tpu.memref_squeeze %dma_start3A_1633 : memref<1x!tpu.dma_semaphore, #tpu.memory_space<semaphore_mem>> -> memref<!tpu.dma_semaphore, #tpu.memory_space<semaphore_mem>>
        tpu.enqueue_indirect_dma source(%dma_start3A_1628 : memref<40x128xf32, #tpu.memory_space<vmem>>) target(%dma_start3A_1632 : memref<10000x128xf32, #tpu.memory_space<vmem_shared>>) offsets(%dma_start3A_1629 : memref<40xi32, #tpu.memory_space<vmem>>) semaphore(%dma_start3A_1634 : memref<!tpu.dma_semaphore, #tpu.memory_space<semaphore_mem>>) {add = true}
      } else {
      }
      %add3A_1502 = arith.constant 7 : i32
      %add3A_1503 = arith.addi %add3A_1497, %add3A_1502 : i32
      %lt3A_1504 = arith.constant 125 : i32
      %lt3A_1505 = arith.cmpi slt, %add3A_1503, %lt3A_1504 : i32
      %convert_element_type3A_1506 = arith.extui %lt3A_1505 : i1 to i32
      %cond3A_1507 = arith.constant 0 : i32
      %cond3A_1508 = arith.cmpi ne, %convert_element_type3A_1506, %cond3A_1507 : i32
      scf.if %cond3A_1508 {
        %mul3A_1605 = arith.constant 40 : i32
        %mul3A_1606 = arith.muli %add3A_1497, %mul3A_1605 : i32
        %add3A_1607 = arith.addi %mul3A_2, %mul3A_1606 : i32
        %dma_wait3A_1608 = arith.constant 0 : i32
        %dma_wait3A_1609 = arith.constant 0 : i32
        %dma_wait3A_1610 = arith.constant 0 : i32
        %dma_wait3A_1611 = arith.constant 0 : i32
        %dma_wait3A_1612 = tpu.memref_slice %arg9[%dma_wait3A_1608, %dma_wait3A_1610, %dma_wait3A_1611] : memref<7x40x128xf32, #tpu.memory_space<vmem>> -> memref<1x40x128xf32, #tpu.memory_space<vmem>>
        %dma_wait3A_1613 = tpu.memref_squeeze %dma_wait3A_1612 : memref<1x40x128xf32, #tpu.memory_space<vmem>> -> memref<40x128xf32, #tpu.memory_space<vmem>>
        %dma_wait3A_1614 = tpu.memref_slice %arg8[%add3A_1607] : memref<5120xi32, #tpu.memory_space<vmem>> -> memref<40xi32, #tpu.memory_space<vmem>>
        %dma_wait3A_1615 = arith.constant 0 : i32
        %dma_wait3A_1616 = arith.constant 0 : i32
        %dma_wait3A_1617 = tpu.memref_slice %arg6[%dma_wait3A_1615, %dma_wait3A_1616] : memref<10000x128xf32, #tpu.memory_space<vmem_shared>> -> memref<10000x128xf32, #tpu.memory_space<vmem_shared>>
        %dma_wait3A_1618 = tpu.memref_slice %arg12[%dma_wait3A_1609] : memref<7x!tpu.dma_semaphore, #tpu.memory_space<semaphore_mem>> -> memref<1x!tpu.dma_semaphore, #tpu.memory_space<semaphore_mem>>
        %dma_wait3A_1619 = tpu.memref_squeeze %dma_wait3A_1618 : memref<1x!tpu.dma_semaphore, #tpu.memory_space<semaphore_mem>> -> memref<!tpu.dma_semaphore, #tpu.memory_space<semaphore_mem>>
        tpu.wait_indirect_dma semaphore(%dma_wait3A_1619 : memref<!tpu.dma_semaphore, #tpu.memory_space<semaphore_mem>>) src(%dma_wait3A_1613 : memref<40x128xf32, #tpu.memory_space<vmem>>) dst(%dma_wait3A_1617 : memref<10000x128xf32, #tpu.memory_space<vmem_shared>>)
        %add3A_1620 = arith.constant 7 : i32
        %add3A_1621 = arith.addi %add3A_1497, %add3A_1620 : i32
        %mul3A_1622 = arith.constant 40 : i32
        %mul3A_1623 = arith.muli %add3A_1621, %mul3A_1622 : i32
        %add3A_1624 = arith.addi %mul3A_2, %mul3A_1623 : i32
        %dma_start3A_1625 = arith.constant 0 : i32
        %dma_start3A_1626 = arith.constant 0 : i32
        %dma_start3A_1627 = arith.constant 0 : i32
        %dma_start3A_1628 = arith.constant 0 : i32
        %dma_start3A_1629 = tpu.memref_slice %arg9[%dma_start3A_1625, %dma_start3A_1627, %dma_start3A_1628] : memref<7x40x128xf32, #tpu.memory_space<vmem>> -> memref<1x40x128xf32, #tpu.memory_space<vmem>>
        %dma_start3A_1630 = tpu.memref_squeeze %dma_start3A_1629 : memref<1x40x128xf32, #tpu.memory_space<vmem>> -> memref<40x128xf32, #tpu.memory_space<vmem>>
        %dma_start3A_1631 = tpu.memref_slice %arg7[%add3A_1624] : memref<5120xi32, #tpu.memory_space<vmem>> -> memref<40xi32, #tpu.memory_space<vmem>>
        %dma_start3A_1632 = arith.constant 0 : i32
        %dma_start3A_1633 = arith.constant 0 : i32
        %dma_start3A_1634 = tpu.memref_slice %arg2[%dma_start3A_1632, %dma_start3A_1633] : memref<10000x128xf32, #tpu.memory_space<hbm>> -> memref<10000x128xf32, #tpu.memory_space<hbm>>
        %dma_start3A_1635 = tpu.memref_slice %arg11[%dma_start3A_1626] : memref<7x!tpu.dma_semaphore, #tpu.memory_space<semaphore_mem>> -> memref<1x!tpu.dma_semaphore, #tpu.memory_space<semaphore_mem>>
        %dma_start3A_1636 = tpu.memref_squeeze %dma_start3A_1635 : memref<1x!tpu.dma_semaphore, #tpu.memory_space<semaphore_mem>> -> memref<!tpu.dma_semaphore, #tpu.memory_space<semaphore_mem>>
        tpu.enqueue_indirect_dma source(%dma_start3A_1634 : memref<10000x128xf32, #tpu.memory_space<hbm>>) target(%dma_start3A_1630 : memref<40x128xf32, #tpu.memory_space<vmem>>) offsets(%dma_start3A_1631 : memref<40xi32, #tpu.memory_space<vmem>>) semaphore(%dma_start3A_1636 : memref<!tpu.dma_semaphore, #tpu.memory_space<semaphore_mem>>)
      } else {
      }
      %mul3A_1509 = arith.constant 7 : i32
      %mul3A_1510 = arith.muli %add3A_1493, %mul3A_1509 : i32
      %add3A_1511 = arith.constant 1 : i32
      %add3A_1512 = arith.addi %mul3A_1510, %add3A_1511 : i32
      %lt3A_1513 = arith.constant 125 : i32
      %lt3A_1514 = arith.cmpi slt, %add3A_1512, %lt3A_1513 : i32
      %convert_element_type3A_1515 = arith.extui %lt3A_1514 : i1 to i32
      %cond3A_1516 = arith.constant 0 : i32
      %cond3A_1517 = arith.cmpi ne, %convert_element_type3A_1515, %cond3A_1516 : i32
      scf.if %cond3A_1517 {
        %mul3A_1605 = arith.constant 40 : i32
        %mul3A_1606 = arith.muli %add3A_1512, %mul3A_1605 : i32
        %add3A_1607 = arith.addi %mul3A_2, %mul3A_1606 : i32
        %dma_wait3A_1608 = arith.constant 1 : i32
        %dma_wait3A_1609 = arith.constant 1 : i32
        %dma_wait3A_1610 = arith.constant 0 : i32
        %dma_wait3A_1611 = arith.constant 0 : i32
        %dma_wait3A_1612 = tpu.memref_slice %arg9[%dma_wait3A_1608, %dma_wait3A_1610, %dma_wait3A_1611] : memref<7x40x128xf32, #tpu.memory_space<vmem>> -> memref<1x40x128xf32, #tpu.memory_space<vmem>>
        %dma_wait3A_1613 = tpu.memref_squeeze %dma_wait3A_1612 : memref<1x40x128xf32, #tpu.memory_space<vmem>> -> memref<40x128xf32, #tpu.memory_space<vmem>>
        %dma_wait3A_1614 = tpu.memref_slice %arg7[%add3A_1607] : memref<5120xi32, #tpu.memory_space<vmem>> -> memref<40xi32, #tpu.memory_space<vmem>>
        %dma_wait3A_1615 = arith.constant 0 : i32
        %dma_wait3A_1616 = arith.constant 0 : i32
        %dma_wait3A_1617 = tpu.memref_slice %arg2[%dma_wait3A_1615, %dma_wait3A_1616] : memref<10000x128xf32, #tpu.memory_space<hbm>> -> memref<10000x128xf32, #tpu.memory_space<hbm>>
        %dma_wait3A_1618 = tpu.memref_slice %arg11[%dma_wait3A_1609] : memref<7x!tpu.dma_semaphore, #tpu.memory_space<semaphore_mem>> -> memref<1x!tpu.dma_semaphore, #tpu.memory_space<semaphore_mem>>
        %dma_wait3A_1619 = tpu.memref_squeeze %dma_wait3A_1618 : memref<1x!tpu.dma_semaphore, #tpu.memory_space<semaphore_mem>> -> memref<!tpu.dma_semaphore, #tpu.memory_space<semaphore_mem>>
        tpu.wait_indirect_dma semaphore(%dma_wait3A_1619 : memref<!tpu.dma_semaphore, #tpu.memory_space<semaphore_mem>>) src(%dma_wait3A_1617 : memref<10000x128xf32, #tpu.memory_space<hbm>>) dst(%dma_wait3A_1613 : memref<40x128xf32, #tpu.memory_space<vmem>>)
        %mul3A_1620 = arith.constant 40 : i32
        %mul3A_1621 = arith.muli %add3A_1512, %mul3A_1620 : i32
        %add3A_1622 = arith.addi %mul3A_2, %mul3A_1621 : i32
        %dma_start3A_1623 = arith.constant 1 : i32
        %dma_start3A_1624 = arith.constant 1 : i32
        %dma_start3A_1625 = arith.constant 0 : i32
        %dma_start3A_1626 = arith.constant 0 : i32
        %dma_start3A_1627 = tpu.memref_slice %arg9[%dma_start3A_1623, %dma_start3A_1625, %dma_start3A_1626] : memref<7x40x128xf32, #tpu.memory_space<vmem>> -> memref<1x40x128xf32, #tpu.memory_space<vmem>>
        %dma_start3A_1628 = tpu.memref_squeeze %dma_start3A_1627 : memref<1x40x128xf32, #tpu.memory_space<vmem>> -> memref<40x128xf32, #tpu.memory_space<vmem>>
        %dma_start3A_1629 = tpu.memref_slice %arg8[%add3A_1622] : memref<5120xi32, #tpu.memory_space<vmem>> -> memref<40xi32, #tpu.memory_space<vmem>>
        %dma_start3A_1630 = arith.constant 0 : i32
        %dma_start3A_1631 = arith.constant 0 : i32
        %dma_start3A_1632 = tpu.memref_slice %arg6[%dma_start3A_1630, %dma_start3A_1631] : memref<10000x128xf32, #tpu.memory_space<vmem_shared>> -> memref<10000x128xf32, #tpu.memory_space<vmem_shared>>
        %dma_start3A_1633 = tpu.memref_slice %arg12[%dma_start3A_1624] : memref<7x!tpu.dma_semaphore, #tpu.memory_space<semaphore_mem>> -> memref<1x!tpu.dma_semaphore, #tpu.memory_space<semaphore_mem>>
        %dma_start3A_1634 = tpu.memref_squeeze %dma_start3A_1633 : memref<1x!tpu.dma_semaphore, #tpu.memory_space<semaphore_mem>> -> memref<!tpu.dma_semaphore, #tpu.memory_space<semaphore_mem>>
        tpu.enqueue_indirect_dma source(%dma_start3A_1628 : memref<40x128xf32, #tpu.memory_space<vmem>>) target(%dma_start3A_1632 : memref<10000x128xf32, #tpu.memory_space<vmem_shared>>) offsets(%dma_start3A_1629 : memref<40xi32, #tpu.memory_space<vmem>>) semaphore(%dma_start3A_1634 : memref<!tpu.dma_semaphore, #tpu.memory_space<semaphore_mem>>) {add = true}
      } else {
      }
      %add3A_1518 = arith.constant 7 : i32
      %add3A_1519 = arith.addi %add3A_1512, %add3A_1518 : i32
      %lt3A_1520 = arith.constant 125 : i32
      %lt3A_1521 = arith.cmpi slt, %add3A_1519, %lt3A_1520 : i32
      %convert_element_type3A_1522 = arith.extui %lt3A_1521 : i1 to i32
      %cond3A_1523 = arith.constant 0 : i32
      %cond3A_1524 = arith.cmpi ne, %convert_element_type3A_1522, %cond3A_1523 : i32
      scf.if %cond3A_1524 {
        %mul3A_1605 = arith.constant 40 : i32
        %mul3A_1606 = arith.muli %add3A_1512, %mul3A_1605 : i32
        %add3A_1607 = arith.addi %mul3A_2, %mul3A_1606 : i32
        %dma_wait3A_1608 = arith.constant 1 : i32
        %dma_wait3A_1609 = arith.constant 1 : i32
        %dma_wait3A_1610 = arith.constant 0 : i32
        %dma_wait3A_1611 = arith.constant 0 : i32
        %dma_wait3A_1612 = tpu.memref_slice %arg9[%dma_wait3A_1608, %dma_wait3A_1610, %dma_wait3A_1611] : memref<7x40x128xf32, #tpu.memory_space<vmem>> -> memref<1x40x128xf32, #tpu.memory_space<vmem>>
        %dma_wait3A_1613 = tpu.memref_squeeze %dma_wait3A_1612 : memref<1x40x128xf32, #tpu.memory_space<vmem>> -> memref<40x128xf32, #tpu.memory_space<vmem>>
        %dma_wait3A_1614 = tpu.memref_slice %arg8[%add3A_1607] : memref<5120xi32, #tpu.memory_space<vmem>> -> memref<40xi32, #tpu.memory_space<vmem>>
        %dma_wait3A_1615 = arith.constant 0 : i32
        %dma_wait3A_1616 = arith.constant 0 : i32
        %dma_wait3A_1617 = tpu.memref_slice %arg6[%dma_wait3A_1615, %dma_wait3A_1616] : memref<10000x128xf32, #tpu.memory_space<vmem_shared>> -> memref<10000x128xf32, #tpu.memory_space<vmem_shared>>
        %dma_wait3A_1618 = tpu.memref_slice %arg12[%dma_wait3A_1609] : memref<7x!tpu.dma_semaphore, #tpu.memory_space<semaphore_mem>> -> memref<1x!tpu.dma_semaphore, #tpu.memory_space<semaphore_mem>>
        %dma_wait3A_1619 = tpu.memref_squeeze %dma_wait3A_1618 : memref<1x!tpu.dma_semaphore, #tpu.memory_space<semaphore_mem>> -> memref<!tpu.dma_semaphore, #tpu.memory_space<semaphore_mem>>
        tpu.wait_indirect_dma semaphore(%dma_wait3A_1619 : memref<!tpu.dma_semaphore, #tpu.memory_space<semaphore_mem>>) src(%dma_wait3A_1613 : memref<40x128xf32, #tpu.memory_space<vmem>>) dst(%dma_wait3A_1617 : memref<10000x128xf32, #tpu.memory_space<vmem_shared>>)
        %add3A_1620 = arith.constant 7 : i32
        %add3A_1621 = arith.addi %add3A_1512, %add3A_1620 : i32
        %mul3A_1622 = arith.constant 40 : i32
        %mul3A_1623 = arith.muli %add3A_1621, %mul3A_1622 : i32
        %add3A_1624 = arith.addi %mul3A_2, %mul3A_1623 : i32
        %dma_start3A_1625 = arith.constant 1 : i32
        %dma_start3A_1626 = arith.constant 1 : i32
        %dma_start3A_1627 = arith.constant 0 : i32
        %dma_start3A_1628 = arith.constant 0 : i32
        %dma_start3A_1629 = tpu.memref_slice %arg9[%dma_start3A_1625, %dma_start3A_1627, %dma_start3A_1628] : memref<7x40x128xf32, #tpu.memory_space<vmem>> -> memref<1x40x128xf32, #tpu.memory_space<vmem>>
        %dma_start3A_1630 = tpu.memref_squeeze %dma_start3A_1629 : memref<1x40x128xf32, #tpu.memory_space<vmem>> -> memref<40x128xf32, #tpu.memory_space<vmem>>
        %dma_start3A_1631 = tpu.memref_slice %arg7[%add3A_1624] : memref<5120xi32, #tpu.memory_space<vmem>> -> memref<40xi32, #tpu.memory_space<vmem>>
        %dma_start3A_1632 = arith.constant 0 : i32
        %dma_start3A_1633 = arith.constant 0 : i32
        %dma_start3A_1634 = tpu.memref_slice %arg2[%dma_start3A_1632, %dma_start3A_1633] : memref<10000x128xf32, #tpu.memory_space<hbm>> -> memref<10000x128xf32, #tpu.memory_space<hbm>>
        %dma_start3A_1635 = tpu.memref_slice %arg11[%dma_start3A_1626] : memref<7x!tpu.dma_semaphore, #tpu.memory_space<semaphore_mem>> -> memref<1x!tpu.dma_semaphore, #tpu.memory_space<semaphore_mem>>
        %dma_start3A_1636 = tpu.memref_squeeze %dma_start3A_1635 : memref<1x!tpu.dma_semaphore, #tpu.memory_space<semaphore_mem>> -> memref<!tpu.dma_semaphore, #tpu.memory_space<semaphore_mem>>
        tpu.enqueue_indirect_dma source(%dma_start3A_1634 : memref<10000x128xf32, #tpu.memory_space<hbm>>) target(%dma_start3A_1630 : memref<40x128xf32, #tpu.memory_space<vmem>>) offsets(%dma_start3A_1631 : memref<40xi32, #tpu.memory_space<vmem>>) semaphore(%dma_start3A_1636 : memref<!tpu.dma_semaphore, #tpu.memory_space<semaphore_mem>>)
      } else {
      }
      %mul3A_1525 = arith.constant 7 : i32
      %mul3A_1526 = arith.muli %add3A_1493, %mul3A_1525 : i32
      %add3A_1527 = arith.constant 2 : i32
      %add3A_1528 = arith.addi %mul3A_1526, %add3A_1527 : i32
      %lt3A_1529 = arith.constant 125 : i32
      %lt3A_1530 = arith.cmpi slt, %add3A_1528, %lt3A_1529 : i32
      %convert_element_type3A_1531 = arith.extui %lt3A_1530 : i1 to i32
      %cond3A_1532 = arith.constant 0 : i32
      %cond3A_1533 = arith.cmpi ne, %convert_element_type3A_1531, %cond3A_1532 : i32
      scf.if %cond3A_1533 {
        %mul3A_1605 = arith.constant 40 : i32
        %mul3A_1606 = arith.muli %add3A_1528, %mul3A_1605 : i32
        %add3A_1607 = arith.addi %mul3A_2, %mul3A_1606 : i32
        %dma_wait3A_1608 = arith.constant 2 : i32
        %dma_wait3A_1609 = arith.constant 2 : i32
        %dma_wait3A_1610 = arith.constant 0 : i32
        %dma_wait3A_1611 = arith.constant 0 : i32
        %dma_wait3A_1612 = tpu.memref_slice %arg9[%dma_wait3A_1608, %dma_wait3A_1610, %dma_wait3A_1611] : memref<7x40x128xf32, #tpu.memory_space<vmem>> -> memref<1x40x128xf32, #tpu.memory_space<vmem>>
        %dma_wait3A_1613 = tpu.memref_squeeze %dma_wait3A_1612 : memref<1x40x128xf32, #tpu.memory_space<vmem>> -> memref<40x128xf32, #tpu.memory_space<vmem>>
        %dma_wait3A_1614 = tpu.memref_slice %arg7[%add3A_1607] : memref<5120xi32, #tpu.memory_space<vmem>> -> memref<40xi32, #tpu.memory_space<vmem>>
        %dma_wait3A_1615 = arith.constant 0 : i32
        %dma_wait3A_1616 = arith.constant 0 : i32
        %dma_wait3A_1617 = tpu.memref_slice %arg2[%dma_wait3A_1615, %dma_wait3A_1616] : memref<10000x128xf32, #tpu.memory_space<hbm>> -> memref<10000x128xf32, #tpu.memory_space<hbm>>
        %dma_wait3A_1618 = tpu.memref_slice %arg11[%dma_wait3A_1609] : memref<7x!tpu.dma_semaphore, #tpu.memory_space<semaphore_mem>> -> memref<1x!tpu.dma_semaphore, #tpu.memory_space<semaphore_mem>>
        %dma_wait3A_1619 = tpu.memref_squeeze %dma_wait3A_1618 : memref<1x!tpu.dma_semaphore, #tpu.memory_space<semaphore_mem>> -> memref<!tpu.dma_semaphore, #tpu.memory_space<semaphore_mem>>
        tpu.wait_indirect_dma semaphore(%dma_wait3A_1619 : memref<!tpu.dma_semaphore, #tpu.memory_space<semaphore_mem>>) src(%dma_wait3A_1617 : memref<10000x128xf32, #tpu.memory_space<hbm>>) dst(%dma_wait3A_1613 : memref<40x128xf32, #tpu.memory_space<vmem>>)
        %mul3A_1620 = arith.constant 40 : i32
        %mul3A_1621 = arith.muli %add3A_1528, %mul3A_1620 : i32
        %add3A_1622 = arith.addi %mul3A_2, %mul3A_1621 : i32
        %dma_start3A_1623 = arith.constant 2 : i32
        %dma_start3A_1624 = arith.constant 2 : i32
        %dma_start3A_1625 = arith.constant 0 : i32
        %dma_start3A_1626 = arith.constant 0 : i32
        %dma_start3A_1627 = tpu.memref_slice %arg9[%dma_start3A_1623, %dma_start3A_1625, %dma_start3A_1626] : memref<7x40x128xf32, #tpu.memory_space<vmem>> -> memref<1x40x128xf32, #tpu.memory_space<vmem>>
        %dma_start3A_1628 = tpu.memref_squeeze %dma_start3A_1627 : memref<1x40x128xf32, #tpu.memory_space<vmem>> -> memref<40x128xf32, #tpu.memory_space<vmem>>
        %dma_start3A_1629 = tpu.memref_slice %arg8[%add3A_1622] : memref<5120xi32, #tpu.memory_space<vmem>> -> memref<40xi32, #tpu.memory_space<vmem>>
        %dma_start3A_1630 = arith.constant 0 : i32
        %dma_start3A_1631 = arith.constant 0 : i32
        %dma_start3A_1632 = tpu.memref_slice %arg6[%dma_start3A_1630, %dma_start3A_1631] : memref<10000x128xf32, #tpu.memory_space<vmem_shared>> -> memref<10000x128xf32, #tpu.memory_space<vmem_shared>>
        %dma_start3A_1633 = tpu.memref_slice %arg12[%dma_start3A_1624] : memref<7x!tpu.dma_semaphore, #tpu.memory_space<semaphore_mem>> -> memref<1x!tpu.dma_semaphore, #tpu.memory_space<semaphore_mem>>
        %dma_start3A_1634 = tpu.memref_squeeze %dma_start3A_1633 : memref<1x!tpu.dma_semaphore, #tpu.memory_space<semaphore_mem>> -> memref<!tpu.dma_semaphore, #tpu.memory_space<semaphore_mem>>
        tpu.enqueue_indirect_dma source(%dma_start3A_1628 : memref<40x128xf32, #tpu.memory_space<vmem>>) target(%dma_start3A_1632 : memref<10000x128xf32, #tpu.memory_space<vmem_shared>>) offsets(%dma_start3A_1629 : memref<40xi32, #tpu.memory_space<vmem>>) semaphore(%dma_start3A_1634 : memref<!tpu.dma_semaphore, #tpu.memory_space<semaphore_mem>>) {add = true}
      } else {
      }
      %add3A_1534 = arith.constant 7 : i32
      %add3A_1535 = arith.addi %add3A_1528, %add3A_1534 : i32
      %lt3A_1536 = arith.constant 125 : i32
      %lt3A_1537 = arith.cmpi slt, %add3A_1535, %lt3A_1536 : i32
      %convert_element_type3A_1538 = arith.extui %lt3A_1537 : i1 to i32
      %cond3A_1539 = arith.constant 0 : i32
      %cond3A_1540 = arith.cmpi ne, %convert_element_type3A_1538, %cond3A_1539 : i32
      scf.if %cond3A_1540 {
        %mul3A_1605 = arith.constant 40 : i32
        %mul3A_1606 = arith.muli %add3A_1528, %mul3A_1605 : i32
        %add3A_1607 = arith.addi %mul3A_2, %mul3A_1606 : i32
        %dma_wait3A_1608 = arith.constant 2 : i32
        %dma_wait3A_1609 = arith.constant 2 : i32
        %dma_wait3A_1610 = arith.constant 0 : i32
        %dma_wait3A_1611 = arith.constant 0 : i32
        %dma_wait3A_1612 = tpu.memref_slice %arg9[%dma_wait3A_1608, %dma_wait3A_1610, %dma_wait3A_1611] : memref<7x40x128xf32, #tpu.memory_space<vmem>> -> memref<1x40x128xf32, #tpu.memory_space<vmem>>
        %dma_wait3A_1613 = tpu.memref_squeeze %dma_wait3A_1612 : memref<1x40x128xf32, #tpu.memory_space<vmem>> -> memref<40x128xf32, #tpu.memory_space<vmem>>
        %dma_wait3A_1614 = tpu.memref_slice %arg8[%add3A_1607] : memref<5120xi32, #tpu.memory_space<vmem>> -> memref<40xi32, #tpu.memory_space<vmem>>
        %dma_wait3A_1615 = arith.constant 0 : i32
        %dma_wait3A_1616 = arith.constant 0 : i32
        %dma_wait3A_1617 = tpu.memref_slice %arg6[%dma_wait3A_1615, %dma_wait3A_1616] : memref<10000x128xf32, #tpu.memory_space<vmem_shared>> -> memref<10000x128xf32, #tpu.memory_space<vmem_shared>>
        %dma_wait3A_1618 = tpu.memref_slice %arg12[%dma_wait3A_1609] : memref<7x!tpu.dma_semaphore, #tpu.memory_space<semaphore_mem>> -> memref<1x!tpu.dma_semaphore, #tpu.memory_space<semaphore_mem>>
        %dma_wait3A_1619 = tpu.memref_squeeze %dma_wait3A_1618 : memref<1x!tpu.dma_semaphore, #tpu.memory_space<semaphore_mem>> -> memref<!tpu.dma_semaphore, #tpu.memory_space<semaphore_mem>>
        tpu.wait_indirect_dma semaphore(%dma_wait3A_1619 : memref<!tpu.dma_semaphore, #tpu.memory_space<semaphore_mem>>) src(%dma_wait3A_1613 : memref<40x128xf32, #tpu.memory_space<vmem>>) dst(%dma_wait3A_1617 : memref<10000x128xf32, #tpu.memory_space<vmem_shared>>)
        %add3A_1620 = arith.constant 7 : i32
        %add3A_1621 = arith.addi %add3A_1528, %add3A_1620 : i32
        %mul3A_1622 = arith.constant 40 : i32
        %mul3A_1623 = arith.muli %add3A_1621, %mul3A_1622 : i32
        %add3A_1624 = arith.addi %mul3A_2, %mul3A_1623 : i32
        %dma_start3A_1625 = arith.constant 2 : i32
        %dma_start3A_1626 = arith.constant 2 : i32
        %dma_start3A_1627 = arith.constant 0 : i32
        %dma_start3A_1628 = arith.constant 0 : i32
        %dma_start3A_1629 = tpu.memref_slice %arg9[%dma_start3A_1625, %dma_start3A_1627, %dma_start3A_1628] : memref<7x40x128xf32, #tpu.memory_space<vmem>> -> memref<1x40x128xf32, #tpu.memory_space<vmem>>
        %dma_start3A_1630 = tpu.memref_squeeze %dma_start3A_1629 : memref<1x40x128xf32, #tpu.memory_space<vmem>> -> memref<40x128xf32, #tpu.memory_space<vmem>>
        %dma_start3A_1631 = tpu.memref_slice %arg7[%add3A_1624] : memref<5120xi32, #tpu.memory_space<vmem>> -> memref<40xi32, #tpu.memory_space<vmem>>
        %dma_start3A_1632 = arith.constant 0 : i32
        %dma_start3A_1633 = arith.constant 0 : i32
        %dma_start3A_1634 = tpu.memref_slice %arg2[%dma_start3A_1632, %dma_start3A_1633] : memref<10000x128xf32, #tpu.memory_space<hbm>> -> memref<10000x128xf32, #tpu.memory_space<hbm>>
        %dma_start3A_1635 = tpu.memref_slice %arg11[%dma_start3A_1626] : memref<7x!tpu.dma_semaphore, #tpu.memory_space<semaphore_mem>> -> memref<1x!tpu.dma_semaphore, #tpu.memory_space<semaphore_mem>>
        %dma_start3A_1636 = tpu.memref_squeeze %dma_start3A_1635 : memref<1x!tpu.dma_semaphore, #tpu.memory_space<semaphore_mem>> -> memref<!tpu.dma_semaphore, #tpu.memory_space<semaphore_mem>>
        tpu.enqueue_indirect_dma source(%dma_start3A_1634 : memref<10000x128xf32, #tpu.memory_space<hbm>>) target(%dma_start3A_1630 : memref<40x128xf32, #tpu.memory_space<vmem>>) offsets(%dma_start3A_1631 : memref<40xi32, #tpu.memory_space<vmem>>) semaphore(%dma_start3A_1636 : memref<!tpu.dma_semaphore, #tpu.memory_space<semaphore_mem>>)
      } else {
      }
      %mul3A_1541 = arith.constant 7 : i32
      %mul3A_1542 = arith.muli %add3A_1493, %mul3A_1541 : i32
      %add3A_1543 = arith.constant 3 : i32
      %add3A_1544 = arith.addi %mul3A_1542, %add3A_1543 : i32
      %lt3A_1545 = arith.constant 125 : i32
      %lt3A_1546 = arith.cmpi slt, %add3A_1544, %lt3A_1545 : i32
      %convert_element_type3A_1547 = arith.extui %lt3A_1546 : i1 to i32
      %cond3A_1548 = arith.constant 0 : i32
      %cond3A_1549 = arith.cmpi ne, %convert_element_type3A_1547, %cond3A_1548 : i32
      scf.if %cond3A_1549 {
        %mul3A_1605 = arith.constant 40 : i32
        %mul3A_1606 = arith.muli %add3A_1544, %mul3A_1605 : i32
        %add3A_1607 = arith.addi %mul3A_2, %mul3A_1606 : i32
        %dma_wait3A_1608 = arith.constant 3 : i32
        %dma_wait3A_1609 = arith.constant 3 : i32
        %dma_wait3A_1610 = arith.constant 0 : i32
        %dma_wait3A_1611 = arith.constant 0 : i32
        %dma_wait3A_1612 = tpu.memref_slice %arg9[%dma_wait3A_1608, %dma_wait3A_1610, %dma_wait3A_1611] : memref<7x40x128xf32, #tpu.memory_space<vmem>> -> memref<1x40x128xf32, #tpu.memory_space<vmem>>
        %dma_wait3A_1613 = tpu.memref_squeeze %dma_wait3A_1612 : memref<1x40x128xf32, #tpu.memory_space<vmem>> -> memref<40x128xf32, #tpu.memory_space<vmem>>
        %dma_wait3A_1614 = tpu.memref_slice %arg7[%add3A_1607] : memref<5120xi32, #tpu.memory_space<vmem>> -> memref<40xi32, #tpu.memory_space<vmem>>
        %dma_wait3A_1615 = arith.constant 0 : i32
        %dma_wait3A_1616 = arith.constant 0 : i32
        %dma_wait3A_1617 = tpu.memref_slice %arg2[%dma_wait3A_1615, %dma_wait3A_1616] : memref<10000x128xf32, #tpu.memory_space<hbm>> -> memref<10000x128xf32, #tpu.memory_space<hbm>>
        %dma_wait3A_1618 = tpu.memref_slice %arg11[%dma_wait3A_1609] : memref<7x!tpu.dma_semaphore, #tpu.memory_space<semaphore_mem>> -> memref<1x!tpu.dma_semaphore, #tpu.memory_space<semaphore_mem>>
        %dma_wait3A_1619 = tpu.memref_squeeze %dma_wait3A_1618 : memref<1x!tpu.dma_semaphore, #tpu.memory_space<semaphore_mem>> -> memref<!tpu.dma_semaphore, #tpu.memory_space<semaphore_mem>>
        tpu.wait_indirect_dma semaphore(%dma_wait3A_1619 : memref<!tpu.dma_semaphore, #tpu.memory_space<semaphore_mem>>) src(%dma_wait3A_1617 : memref<10000x128xf32, #tpu.memory_space<hbm>>) dst(%dma_wait3A_1613 : memref<40x128xf32, #tpu.memory_space<vmem>>)
        %mul3A_1620 = arith.constant 40 : i32
        %mul3A_1621 = arith.muli %add3A_1544, %mul3A_1620 : i32
        %add3A_1622 = arith.addi %mul3A_2, %mul3A_1621 : i32
        %dma_start3A_1623 = arith.constant 3 : i32
        %dma_start3A_1624 = arith.constant 3 : i32
        %dma_start3A_1625 = arith.constant 0 : i32
        %dma_start3A_1626 = arith.constant 0 : i32
        %dma_start3A_1627 = tpu.memref_slice %arg9[%dma_start3A_1623, %dma_start3A_1625, %dma_start3A_1626] : memref<7x40x128xf32, #tpu.memory_space<vmem>> -> memref<1x40x128xf32, #tpu.memory_space<vmem>>
        %dma_start3A_1628 = tpu.memref_squeeze %dma_start3A_1627 : memref<1x40x128xf32, #tpu.memory_space<vmem>> -> memref<40x128xf32, #tpu.memory_space<vmem>>
        %dma_start3A_1629 = tpu.memref_slice %arg8[%add3A_1622] : memref<5120xi32, #tpu.memory_space<vmem>> -> memref<40xi32, #tpu.memory_space<vmem>>
        %dma_start3A_1630 = arith.constant 0 : i32
        %dma_start3A_1631 = arith.constant 0 : i32
        %dma_start3A_1632 = tpu.memref_slice %arg6[%dma_start3A_1630, %dma_start3A_1631] : memref<10000x128xf32, #tpu.memory_space<vmem_shared>> -> memref<10000x128xf32, #tpu.memory_space<vmem_shared>>
        %dma_start3A_1633 = tpu.memref_slice %arg12[%dma_start3A_1624] : memref<7x!tpu.dma_semaphore, #tpu.memory_space<semaphore_mem>> -> memref<1x!tpu.dma_semaphore, #tpu.memory_space<semaphore_mem>>
        %dma_start3A_1634 = tpu.memref_squeeze %dma_start3A_1633 : memref<1x!tpu.dma_semaphore, #tpu.memory_space<semaphore_mem>> -> memref<!tpu.dma_semaphore, #tpu.memory_space<semaphore_mem>>
        tpu.enqueue_indirect_dma source(%dma_start3A_1628 : memref<40x128xf32, #tpu.memory_space<vmem>>) target(%dma_start3A_1632 : memref<10000x128xf32, #tpu.memory_space<vmem_shared>>) offsets(%dma_start3A_1629 : memref<40xi32, #tpu.memory_space<vmem>>) semaphore(%dma_start3A_1634 : memref<!tpu.dma_semaphore, #tpu.memory_space<semaphore_mem>>) {add = true}
      } else {
      }
      %add3A_1550 = arith.constant 7 : i32
      %add3A_1551 = arith.addi %add3A_1544, %add3A_1550 : i32
      %lt3A_1552 = arith.constant 125 : i32
      %lt3A_1553 = arith.cmpi slt, %add3A_1551, %lt3A_1552 : i32
      %convert_element_type3A_1554 = arith.extui %lt3A_1553 : i1 to i32
      %cond3A_1555 = arith.constant 0 : i32
      %cond3A_1556 = arith.cmpi ne, %convert_element_type3A_1554, %cond3A_1555 : i32
      scf.if %cond3A_1556 {
        %mul3A_1605 = arith.constant 40 : i32
        %mul3A_1606 = arith.muli %add3A_1544, %mul3A_1605 : i32
        %add3A_1607 = arith.addi %mul3A_2, %mul3A_1606 : i32
        %dma_wait3A_1608 = arith.constant 3 : i32
        %dma_wait3A_1609 = arith.constant 3 : i32
        %dma_wait3A_1610 = arith.constant 0 : i32
        %dma_wait3A_1611 = arith.constant 0 : i32
        %dma_wait3A_1612 = tpu.memref_slice %arg9[%dma_wait3A_1608, %dma_wait3A_1610, %dma_wait3A_1611] : memref<7x40x128xf32, #tpu.memory_space<vmem>> -> memref<1x40x128xf32, #tpu.memory_space<vmem>>
        %dma_wait3A_1613 = tpu.memref_squeeze %dma_wait3A_1612 : memref<1x40x128xf32, #tpu.memory_space<vmem>> -> memref<40x128xf32, #tpu.memory_space<vmem>>
        %dma_wait3A_1614 = tpu.memref_slice %arg8[%add3A_1607] : memref<5120xi32, #tpu.memory_space<vmem>> -> memref<40xi32, #tpu.memory_space<vmem>>
        %dma_wait3A_1615 = arith.constant 0 : i32
        %dma_wait3A_1616 = arith.constant 0 : i32
        %dma_wait3A_1617 = tpu.memref_slice %arg6[%dma_wait3A_1615, %dma_wait3A_1616] : memref<10000x128xf32, #tpu.memory_space<vmem_shared>> -> memref<10000x128xf32, #tpu.memory_space<vmem_shared>>
        %dma_wait3A_1618 = tpu.memref_slice %arg12[%dma_wait3A_1609] : memref<7x!tpu.dma_semaphore, #tpu.memory_space<semaphore_mem>> -> memref<1x!tpu.dma_semaphore, #tpu.memory_space<semaphore_mem>>
        %dma_wait3A_1619 = tpu.memref_squeeze %dma_wait3A_1618 : memref<1x!tpu.dma_semaphore, #tpu.memory_space<semaphore_mem>> -> memref<!tpu.dma_semaphore, #tpu.memory_space<semaphore_mem>>
        tpu.wait_indirect_dma semaphore(%dma_wait3A_1619 : memref<!tpu.dma_semaphore, #tpu.memory_space<semaphore_mem>>) src(%dma_wait3A_1613 : memref<40x128xf32, #tpu.memory_space<vmem>>) dst(%dma_wait3A_1617 : memref<10000x128xf32, #tpu.memory_space<vmem_shared>>)
        %add3A_1620 = arith.constant 7 : i32
        %add3A_1621 = arith.addi %add3A_1544, %add3A_1620 : i32
        %mul3A_1622 = arith.constant 40 : i32
        %mul3A_1623 = arith.muli %add3A_1621, %mul3A_1622 : i32
        %add3A_1624 = arith.addi %mul3A_2, %mul3A_1623 : i32
        %dma_start3A_1625 = arith.constant 3 : i32
        %dma_start3A_1626 = arith.constant 3 : i32
        %dma_start3A_1627 = arith.constant 0 : i32
        %dma_start3A_1628 = arith.constant 0 : i32
        %dma_start3A_1629 = tpu.memref_slice %arg9[%dma_start3A_1625, %dma_start3A_1627, %dma_start3A_1628] : memref<7x40x128xf32, #tpu.memory_space<vmem>> -> memref<1x40x128xf32, #tpu.memory_space<vmem>>
        %dma_start3A_1630 = tpu.memref_squeeze %dma_start3A_1629 : memref<1x40x128xf32, #tpu.memory_space<vmem>> -> memref<40x128xf32, #tpu.memory_space<vmem>>
        %dma_start3A_1631 = tpu.memref_slice %arg7[%add3A_1624] : memref<5120xi32, #tpu.memory_space<vmem>> -> memref<40xi32, #tpu.memory_space<vmem>>
        %dma_start3A_1632 = arith.constant 0 : i32
        %dma_start3A_1633 = arith.constant 0 : i32
        %dma_start3A_1634 = tpu.memref_slice %arg2[%dma_start3A_1632, %dma_start3A_1633] : memref<10000x128xf32, #tpu.memory_space<hbm>> -> memref<10000x128xf32, #tpu.memory_space<hbm>>
        %dma_start3A_1635 = tpu.memref_slice %arg11[%dma_start3A_1626] : memref<7x!tpu.dma_semaphore, #tpu.memory_space<semaphore_mem>> -> memref<1x!tpu.dma_semaphore, #tpu.memory_space<semaphore_mem>>
        %dma_start3A_1636 = tpu.memref_squeeze %dma_start3A_1635 : memref<1x!tpu.dma_semaphore, #tpu.memory_space<semaphore_mem>> -> memref<!tpu.dma_semaphore, #tpu.memory_space<semaphore_mem>>
        tpu.enqueue_indirect_dma source(%dma_start3A_1634 : memref<10000x128xf32, #tpu.memory_space<hbm>>) target(%dma_start3A_1630 : memref<40x128xf32, #tpu.memory_space<vmem>>) offsets(%dma_start3A_1631 : memref<40xi32, #tpu.memory_space<vmem>>) semaphore(%dma_start3A_1636 : memref<!tpu.dma_semaphore, #tpu.memory_space<semaphore_mem>>)
      } else {
      }
      %mul3A_1557 = arith.constant 7 : i32
      %mul3A_1558 = arith.muli %add3A_1493, %mul3A_1557 : i32
      %add3A_1559 = arith.constant 4 : i32
      %add3A_1560 = arith.addi %mul3A_1558, %add3A_1559 : i32
      %lt3A_1561 = arith.constant 125 : i32
      %lt3A_1562 = arith.cmpi slt, %add3A_1560, %lt3A_1561 : i32
      %convert_element_type3A_1563 = arith.extui %lt3A_1562 : i1 to i32
      %cond3A_1564 = arith.constant 0 : i32
      %cond3A_1565 = arith.cmpi ne, %convert_element_type3A_1563, %cond3A_1564 : i32
      scf.if %cond3A_1565 {
        %mul3A_1605 = arith.constant 40 : i32
        %mul3A_1606 = arith.muli %add3A_1560, %mul3A_1605 : i32
        %add3A_1607 = arith.addi %mul3A_2, %mul3A_1606 : i32
        %dma_wait3A_1608 = arith.constant 4 : i32
        %dma_wait3A_1609 = arith.constant 4 : i32
        %dma_wait3A_1610 = arith.constant 0 : i32
        %dma_wait3A_1611 = arith.constant 0 : i32
        %dma_wait3A_1612 = tpu.memref_slice %arg9[%dma_wait3A_1608, %dma_wait3A_1610, %dma_wait3A_1611] : memref<7x40x128xf32, #tpu.memory_space<vmem>> -> memref<1x40x128xf32, #tpu.memory_space<vmem>>
        %dma_wait3A_1613 = tpu.memref_squeeze %dma_wait3A_1612 : memref<1x40x128xf32, #tpu.memory_space<vmem>> -> memref<40x128xf32, #tpu.memory_space<vmem>>
        %dma_wait3A_1614 = tpu.memref_slice %arg7[%add3A_1607] : memref<5120xi32, #tpu.memory_space<vmem>> -> memref<40xi32, #tpu.memory_space<vmem>>
        %dma_wait3A_1615 = arith.constant 0 : i32
        %dma_wait3A_1616 = arith.constant 0 : i32
        %dma_wait3A_1617 = tpu.memref_slice %arg2[%dma_wait3A_1615, %dma_wait3A_1616] : memref<10000x128xf32, #tpu.memory_space<hbm>> -> memref<10000x128xf32, #tpu.memory_space<hbm>>
        %dma_wait3A_1618 = tpu.memref_slice %arg11[%dma_wait3A_1609] : memref<7x!tpu.dma_semaphore, #tpu.memory_space<semaphore_mem>> -> memref<1x!tpu.dma_semaphore, #tpu.memory_space<semaphore_mem>>
        %dma_wait3A_1619 = tpu.memref_squeeze %dma_wait3A_1618 : memref<1x!tpu.dma_semaphore, #tpu.memory_space<semaphore_mem>> -> memref<!tpu.dma_semaphore, #tpu.memory_space<semaphore_mem>>
        tpu.wait_indirect_dma semaphore(%dma_wait3A_1619 : memref<!tpu.dma_semaphore, #tpu.memory_space<semaphore_mem>>) src(%dma_wait3A_1617 : memref<10000x128xf32, #tpu.memory_space<hbm>>) dst(%dma_wait3A_1613 : memref<40x128xf32, #tpu.memory_space<vmem>>)
        %mul3A_1620 = arith.constant 40 : i32
        %mul3A_1621 = arith.muli %add3A_1560, %mul3A_1620 : i32
        %add3A_1622 = arith.addi %mul3A_2, %mul3A_1621 : i32
        %dma_start3A_1623 = arith.constant 4 : i32
        %dma_start3A_1624 = arith.constant 4 : i32
        %dma_start3A_1625 = arith.constant 0 : i32
        %dma_start3A_1626 = arith.constant 0 : i32
        %dma_start3A_1627 = tpu.memref_slice %arg9[%dma_start3A_1623, %dma_start3A_1625, %dma_start3A_1626] : memref<7x40x128xf32, #tpu.memory_space<vmem>> -> memref<1x40x128xf32, #tpu.memory_space<vmem>>
        %dma_start3A_1628 = tpu.memref_squeeze %dma_start3A_1627 : memref<1x40x128xf32, #tpu.memory_space<vmem>> -> memref<40x128xf32, #tpu.memory_space<vmem>>
        %dma_start3A_1629 = tpu.memref_slice %arg8[%add3A_1622] : memref<5120xi32, #tpu.memory_space<vmem>> -> memref<40xi32, #tpu.memory_space<vmem>>
        %dma_start3A_1630 = arith.constant 0 : i32
        %dma_start3A_1631 = arith.constant 0 : i32
        %dma_start3A_1632 = tpu.memref_slice %arg6[%dma_start3A_1630, %dma_start3A_1631] : memref<10000x128xf32, #tpu.memory_space<vmem_shared>> -> memref<10000x128xf32, #tpu.memory_space<vmem_shared>>
        %dma_start3A_1633 = tpu.memref_slice %arg12[%dma_start3A_1624] : memref<7x!tpu.dma_semaphore, #tpu.memory_space<semaphore_mem>> -> memref<1x!tpu.dma_semaphore, #tpu.memory_space<semaphore_mem>>
        %dma_start3A_1634 = tpu.memref_squeeze %dma_start3A_1633 : memref<1x!tpu.dma_semaphore, #tpu.memory_space<semaphore_mem>> -> memref<!tpu.dma_semaphore, #tpu.memory_space<semaphore_mem>>
        tpu.enqueue_indirect_dma source(%dma_start3A_1628 : memref<40x128xf32, #tpu.memory_space<vmem>>) target(%dma_start3A_1632 : memref<10000x128xf32, #tpu.memory_space<vmem_shared>>) offsets(%dma_start3A_1629 : memref<40xi32, #tpu.memory_space<vmem>>) semaphore(%dma_start3A_1634 : memref<!tpu.dma_semaphore, #tpu.memory_space<semaphore_mem>>) {add = true}
      } else {
      }
      %add3A_1566 = arith.constant 7 : i32
      %add3A_1567 = arith.addi %add3A_1560, %add3A_1566 : i32
      %lt3A_1568 = arith.constant 125 : i32
      %lt3A_1569 = arith.cmpi slt, %add3A_1567, %lt3A_1568 : i32
      %convert_element_type3A_1570 = arith.extui %lt3A_1569 : i1 to i32
      %cond3A_1571 = arith.constant 0 : i32
      %cond3A_1572 = arith.cmpi ne, %convert_element_type3A_1570, %cond3A_1571 : i32
      scf.if %cond3A_1572 {
        %mul3A_1605 = arith.constant 40 : i32
        %mul3A_1606 = arith.muli %add3A_1560, %mul3A_1605 : i32
        %add3A_1607 = arith.addi %mul3A_2, %mul3A_1606 : i32
        %dma_wait3A_1608 = arith.constant 4 : i32
        %dma_wait3A_1609 = arith.constant 4 : i32
        %dma_wait3A_1610 = arith.constant 0 : i32
        %dma_wait3A_1611 = arith.constant 0 : i32
        %dma_wait3A_1612 = tpu.memref_slice %arg9[%dma_wait3A_1608, %dma_wait3A_1610, %dma_wait3A_1611] : memref<7x40x128xf32, #tpu.memory_space<vmem>> -> memref<1x40x128xf32, #tpu.memory_space<vmem>>
        %dma_wait3A_1613 = tpu.memref_squeeze %dma_wait3A_1612 : memref<1x40x128xf32, #tpu.memory_space<vmem>> -> memref<40x128xf32, #tpu.memory_space<vmem>>
        %dma_wait3A_1614 = tpu.memref_slice %arg8[%add3A_1607] : memref<5120xi32, #tpu.memory_space<vmem>> -> memref<40xi32, #tpu.memory_space<vmem>>
        %dma_wait3A_1615 = arith.constant 0 : i32
        %dma_wait3A_1616 = arith.constant 0 : i32
        %dma_wait3A_1617 = tpu.memref_slice %arg6[%dma_wait3A_1615, %dma_wait3A_1616] : memref<10000x128xf32, #tpu.memory_space<vmem_shared>> -> memref<10000x128xf32, #tpu.memory_space<vmem_shared>>
        %dma_wait3A_1618 = tpu.memref_slice %arg12[%dma_wait3A_1609] : memref<7x!tpu.dma_semaphore, #tpu.memory_space<semaphore_mem>> -> memref<1x!tpu.dma_semaphore, #tpu.memory_space<semaphore_mem>>
        %dma_wait3A_1619 = tpu.memref_squeeze %dma_wait3A_1618 : memref<1x!tpu.dma_semaphore, #tpu.memory_space<semaphore_mem>> -> memref<!tpu.dma_semaphore, #tpu.memory_space<semaphore_mem>>
        tpu.wait_indirect_dma semaphore(%dma_wait3A_1619 : memref<!tpu.dma_semaphore, #tpu.memory_space<semaphore_mem>>) src(%dma_wait3A_1613 : memref<40x128xf32, #tpu.memory_space<vmem>>) dst(%dma_wait3A_1617 : memref<10000x128xf32, #tpu.memory_space<vmem_shared>>)
        %add3A_1620 = arith.constant 7 : i32
        %add3A_1621 = arith.addi %add3A_1560, %add3A_1620 : i32
        %mul3A_1622 = arith.constant 40 : i32
        %mul3A_1623 = arith.muli %add3A_1621, %mul3A_1622 : i32
        %add3A_1624 = arith.addi %mul3A_2, %mul3A_1623 : i32
        %dma_start3A_1625 = arith.constant 4 : i32
        %dma_start3A_1626 = arith.constant 4 : i32
        %dma_start3A_1627 = arith.constant 0 : i32
        %dma_start3A_1628 = arith.constant 0 : i32
        %dma_start3A_1629 = tpu.memref_slice %arg9[%dma_start3A_1625, %dma_start3A_1627, %dma_start3A_1628] : memref<7x40x128xf32, #tpu.memory_space<vmem>> -> memref<1x40x128xf32, #tpu.memory_space<vmem>>
        %dma_start3A_1630 = tpu.memref_squeeze %dma_start3A_1629 : memref<1x40x128xf32, #tpu.memory_space<vmem>> -> memref<40x128xf32, #tpu.memory_space<vmem>>
        %dma_start3A_1631 = tpu.memref_slice %arg7[%add3A_1624] : memref<5120xi32, #tpu.memory_space<vmem>> -> memref<40xi32, #tpu.memory_space<vmem>>
        %dma_start3A_1632 = arith.constant 0 : i32
        %dma_start3A_1633 = arith.constant 0 : i32
        %dma_start3A_1634 = tpu.memref_slice %arg2[%dma_start3A_1632, %dma_start3A_1633] : memref<10000x128xf32, #tpu.memory_space<hbm>> -> memref<10000x128xf32, #tpu.memory_space<hbm>>
        %dma_start3A_1635 = tpu.memref_slice %arg11[%dma_start3A_1626] : memref<7x!tpu.dma_semaphore, #tpu.memory_space<semaphore_mem>> -> memref<1x!tpu.dma_semaphore, #tpu.memory_space<semaphore_mem>>
        %dma_start3A_1636 = tpu.memref_squeeze %dma_start3A_1635 : memref<1x!tpu.dma_semaphore, #tpu.memory_space<semaphore_mem>> -> memref<!tpu.dma_semaphore, #tpu.memory_space<semaphore_mem>>
        tpu.enqueue_indirect_dma source(%dma_start3A_1634 : memref<10000x128xf32, #tpu.memory_space<hbm>>) target(%dma_start3A_1630 : memref<40x128xf32, #tpu.memory_space<vmem>>) offsets(%dma_start3A_1631 : memref<40xi32, #tpu.memory_space<vmem>>) semaphore(%dma_start3A_1636 : memref<!tpu.dma_semaphore, #tpu.memory_space<semaphore_mem>>)
      } else {
      }
      %mul3A_1573 = arith.constant 7 : i32
      %mul3A_1574 = arith.muli %add3A_1493, %mul3A_1573 : i32
      %add3A_1575 = arith.constant 5 : i32
      %add3A_1576 = arith.addi %mul3A_1574, %add3A_1575 : i32
      %lt3A_1577 = arith.constant 125 : i32
      %lt3A_1578 = arith.cmpi slt, %add3A_1576, %lt3A_1577 : i32
      %convert_element_type3A_1579 = arith.extui %lt3A_1578 : i1 to i32
      %cond3A_1580 = arith.constant 0 : i32
      %cond3A_1581 = arith.cmpi ne, %convert_element_type3A_1579, %cond3A_1580 : i32
      scf.if %cond3A_1581 {
        %mul3A_1605 = arith.constant 40 : i32
        %mul3A_1606 = arith.muli %add3A_1576, %mul3A_1605 : i32
        %add3A_1607 = arith.addi %mul3A_2, %mul3A_1606 : i32
        %dma_wait3A_1608 = arith.constant 5 : i32
        %dma_wait3A_1609 = arith.constant 5 : i32
        %dma_wait3A_1610 = arith.constant 0 : i32
        %dma_wait3A_1611 = arith.constant 0 : i32
        %dma_wait3A_1612 = tpu.memref_slice %arg9[%dma_wait3A_1608, %dma_wait3A_1610, %dma_wait3A_1611] : memref<7x40x128xf32, #tpu.memory_space<vmem>> -> memref<1x40x128xf32, #tpu.memory_space<vmem>>
        %dma_wait3A_1613 = tpu.memref_squeeze %dma_wait3A_1612 : memref<1x40x128xf32, #tpu.memory_space<vmem>> -> memref<40x128xf32, #tpu.memory_space<vmem>>
        %dma_wait3A_1614 = tpu.memref_slice %arg7[%add3A_1607] : memref<5120xi32, #tpu.memory_space<vmem>> -> memref<40xi32, #tpu.memory_space<vmem>>
        %dma_wait3A_1615 = arith.constant 0 : i32
        %dma_wait3A_1616 = arith.constant 0 : i32
        %dma_wait3A_1617 = tpu.memref_slice %arg2[%dma_wait3A_1615, %dma_wait3A_1616] : memref<10000x128xf32, #tpu.memory_space<hbm>> -> memref<10000x128xf32, #tpu.memory_space<hbm>>
        %dma_wait3A_1618 = tpu.memref_slice %arg11[%dma_wait3A_1609] : memref<7x!tpu.dma_semaphore, #tpu.memory_space<semaphore_mem>> -> memref<1x!tpu.dma_semaphore, #tpu.memory_space<semaphore_mem>>
        %dma_wait3A_1619 = tpu.memref_squeeze %dma_wait3A_1618 : memref<1x!tpu.dma_semaphore, #tpu.memory_space<semaphore_mem>> -> memref<!tpu.dma_semaphore, #tpu.memory_space<semaphore_mem>>
        tpu.wait_indirect_dma semaphore(%dma_wait3A_1619 : memref<!tpu.dma_semaphore, #tpu.memory_space<semaphore_mem>>) src(%dma_wait3A_1617 : memref<10000x128xf32, #tpu.memory_space<hbm>>) dst(%dma_wait3A_1613 : memref<40x128xf32, #tpu.memory_space<vmem>>)
        %mul3A_1620 = arith.constant 40 : i32
        %mul3A_1621 = arith.muli %add3A_1576, %mul3A_1620 : i32
        %add3A_1622 = arith.addi %mul3A_2, %mul3A_1621 : i32
        %dma_start3A_1623 = arith.constant 5 : i32
        %dma_start3A_1624 = arith.constant 5 : i32
        %dma_start3A_1625 = arith.constant 0 : i32
        %dma_start3A_1626 = arith.constant 0 : i32
        %dma_start3A_1627 = tpu.memref_slice %arg9[%dma_start3A_1623, %dma_start3A_1625, %dma_start3A_1626] : memref<7x40x128xf32, #tpu.memory_space<vmem>> -> memref<1x40x128xf32, #tpu.memory_space<vmem>>
        %dma_start3A_1628 = tpu.memref_squeeze %dma_start3A_1627 : memref<1x40x128xf32, #tpu.memory_space<vmem>> -> memref<40x128xf32, #tpu.memory_space<vmem>>
        %dma_start3A_1629 = tpu.memref_slice %arg8[%add3A_1622] : memref<5120xi32, #tpu.memory_space<vmem>> -> memref<40xi32, #tpu.memory_space<vmem>>
        %dma_start3A_1630 = arith.constant 0 : i32
        %dma_start3A_1631 = arith.constant 0 : i32
        %dma_start3A_1632 = tpu.memref_slice %arg6[%dma_start3A_1630, %dma_start3A_1631] : memref<10000x128xf32, #tpu.memory_space<vmem_shared>> -> memref<10000x128xf32, #tpu.memory_space<vmem_shared>>
        %dma_start3A_1633 = tpu.memref_slice %arg12[%dma_start3A_1624] : memref<7x!tpu.dma_semaphore, #tpu.memory_space<semaphore_mem>> -> memref<1x!tpu.dma_semaphore, #tpu.memory_space<semaphore_mem>>
        %dma_start3A_1634 = tpu.memref_squeeze %dma_start3A_1633 : memref<1x!tpu.dma_semaphore, #tpu.memory_space<semaphore_mem>> -> memref<!tpu.dma_semaphore, #tpu.memory_space<semaphore_mem>>
        tpu.enqueue_indirect_dma source(%dma_start3A_1628 : memref<40x128xf32, #tpu.memory_space<vmem>>) target(%dma_start3A_1632 : memref<10000x128xf32, #tpu.memory_space<vmem_shared>>) offsets(%dma_start3A_1629 : memref<40xi32, #tpu.memory_space<vmem>>) semaphore(%dma_start3A_1634 : memref<!tpu.dma_semaphore, #tpu.memory_space<semaphore_mem>>) {add = true}
      } else {
      }
      %add3A_1582 = arith.constant 7 : i32
      %add3A_1583 = arith.addi %add3A_1576, %add3A_1582 : i32
      %lt3A_1584 = arith.constant 125 : i32
      %lt3A_1585 = arith.cmpi slt, %add3A_1583, %lt3A_1584 : i32
      %convert_element_type3A_1586 = arith.extui %lt3A_1585 : i1 to i32
      %cond3A_1587 = arith.constant 0 : i32
      %cond3A_1588 = arith.cmpi ne, %convert_element_type3A_1586, %cond3A_1587 : i32
      scf.if %cond3A_1588 {
        %mul3A_1605 = arith.constant 40 : i32
        %mul3A_1606 = arith.muli %add3A_1576, %mul3A_1605 : i32
        %add3A_1607 = arith.addi %mul3A_2, %mul3A_1606 : i32
        %dma_wait3A_1608 = arith.constant 5 : i32
        %dma_wait3A_1609 = arith.constant 5 : i32
        %dma_wait3A_1610 = arith.constant 0 : i32
        %dma_wait3A_1611 = arith.constant 0 : i32
        %dma_wait3A_1612 = tpu.memref_slice %arg9[%dma_wait3A_1608, %dma_wait3A_1610, %dma_wait3A_1611] : memref<7x40x128xf32, #tpu.memory_space<vmem>> -> memref<1x40x128xf32, #tpu.memory_space<vmem>>
        %dma_wait3A_1613 = tpu.memref_squeeze %dma_wait3A_1612 : memref<1x40x128xf32, #tpu.memory_space<vmem>> -> memref<40x128xf32, #tpu.memory_space<vmem>>
        %dma_wait3A_1614 = tpu.memref_slice %arg8[%add3A_1607] : memref<5120xi32, #tpu.memory_space<vmem>> -> memref<40xi32, #tpu.memory_space<vmem>>
        %dma_wait3A_1615 = arith.constant 0 : i32
        %dma_wait3A_1616 = arith.constant 0 : i32
        %dma_wait3A_1617 = tpu.memref_slice %arg6[%dma_wait3A_1615, %dma_wait3A_1616] : memref<10000x128xf32, #tpu.memory_space<vmem_shared>> -> memref<10000x128xf32, #tpu.memory_space<vmem_shared>>
        %dma_wait3A_1618 = tpu.memref_slice %arg12[%dma_wait3A_1609] : memref<7x!tpu.dma_semaphore, #tpu.memory_space<semaphore_mem>> -> memref<1x!tpu.dma_semaphore, #tpu.memory_space<semaphore_mem>>
        %dma_wait3A_1619 = tpu.memref_squeeze %dma_wait3A_1618 : memref<1x!tpu.dma_semaphore, #tpu.memory_space<semaphore_mem>> -> memref<!tpu.dma_semaphore, #tpu.memory_space<semaphore_mem>>
        tpu.wait_indirect_dma semaphore(%dma_wait3A_1619 : memref<!tpu.dma_semaphore, #tpu.memory_space<semaphore_mem>>) src(%dma_wait3A_1613 : memref<40x128xf32, #tpu.memory_space<vmem>>) dst(%dma_wait3A_1617 : memref<10000x128xf32, #tpu.memory_space<vmem_shared>>)
        %add3A_1620 = arith.constant 7 : i32
        %add3A_1621 = arith.addi %add3A_1576, %add3A_1620 : i32
        %mul3A_1622 = arith.constant 40 : i32
        %mul3A_1623 = arith.muli %add3A_1621, %mul3A_1622 : i32
        %add3A_1624 = arith.addi %mul3A_2, %mul3A_1623 : i32
        %dma_start3A_1625 = arith.constant 5 : i32
        %dma_start3A_1626 = arith.constant 5 : i32
        %dma_start3A_1627 = arith.constant 0 : i32
        %dma_start3A_1628 = arith.constant 0 : i32
        %dma_start3A_1629 = tpu.memref_slice %arg9[%dma_start3A_1625, %dma_start3A_1627, %dma_start3A_1628] : memref<7x40x128xf32, #tpu.memory_space<vmem>> -> memref<1x40x128xf32, #tpu.memory_space<vmem>>
        %dma_start3A_1630 = tpu.memref_squeeze %dma_start3A_1629 : memref<1x40x128xf32, #tpu.memory_space<vmem>> -> memref<40x128xf32, #tpu.memory_space<vmem>>
        %dma_start3A_1631 = tpu.memref_slice %arg7[%add3A_1624] : memref<5120xi32, #tpu.memory_space<vmem>> -> memref<40xi32, #tpu.memory_space<vmem>>
        %dma_start3A_1632 = arith.constant 0 : i32
        %dma_start3A_1633 = arith.constant 0 : i32
        %dma_start3A_1634 = tpu.memref_slice %arg2[%dma_start3A_1632, %dma_start3A_1633] : memref<10000x128xf32, #tpu.memory_space<hbm>> -> memref<10000x128xf32, #tpu.memory_space<hbm>>
        %dma_start3A_1635 = tpu.memref_slice %arg11[%dma_start3A_1626] : memref<7x!tpu.dma_semaphore, #tpu.memory_space<semaphore_mem>> -> memref<1x!tpu.dma_semaphore, #tpu.memory_space<semaphore_mem>>
        %dma_start3A_1636 = tpu.memref_squeeze %dma_start3A_1635 : memref<1x!tpu.dma_semaphore, #tpu.memory_space<semaphore_mem>> -> memref<!tpu.dma_semaphore, #tpu.memory_space<semaphore_mem>>
        tpu.enqueue_indirect_dma source(%dma_start3A_1634 : memref<10000x128xf32, #tpu.memory_space<hbm>>) target(%dma_start3A_1630 : memref<40x128xf32, #tpu.memory_space<vmem>>) offsets(%dma_start3A_1631 : memref<40xi32, #tpu.memory_space<vmem>>) semaphore(%dma_start3A_1636 : memref<!tpu.dma_semaphore, #tpu.memory_space<semaphore_mem>>)
      } else {
      }
      %mul3A_1589 = arith.constant 7 : i32
      %mul3A_1590 = arith.muli %add3A_1493, %mul3A_1589 : i32
      %add3A_1591 = arith.constant 6 : i32
      %add3A_1592 = arith.addi %mul3A_1590, %add3A_1591 : i32
      %lt3A_1593 = arith.constant 125 : i32
      %lt3A_1594 = arith.cmpi slt, %add3A_1592, %lt3A_1593 : i32
      %convert_element_type3A_1595 = arith.extui %lt3A_1594 : i1 to i32
      %cond3A_1596 = arith.constant 0 : i32
      %cond3A_1597 = arith.cmpi ne, %convert_element_type3A_1595, %cond3A_1596 : i32
      scf.if %cond3A_1597 {
        %mul3A_1605 = arith.constant 40 : i32
        %mul3A_1606 = arith.muli %add3A_1592, %mul3A_1605 : i32
        %add3A_1607 = arith.addi %mul3A_2, %mul3A_1606 : i32
        %dma_wait3A_1608 = arith.constant 6 : i32
        %dma_wait3A_1609 = arith.constant 6 : i32
        %dma_wait3A_1610 = arith.constant 0 : i32
        %dma_wait3A_1611 = arith.constant 0 : i32
        %dma_wait3A_1612 = tpu.memref_slice %arg9[%dma_wait3A_1608, %dma_wait3A_1610, %dma_wait3A_1611] : memref<7x40x128xf32, #tpu.memory_space<vmem>> -> memref<1x40x128xf32, #tpu.memory_space<vmem>>
        %dma_wait3A_1613 = tpu.memref_squeeze %dma_wait3A_1612 : memref<1x40x128xf32, #tpu.memory_space<vmem>> -> memref<40x128xf32, #tpu.memory_space<vmem>>
        %dma_wait3A_1614 = tpu.memref_slice %arg7[%add3A_1607] : memref<5120xi32, #tpu.memory_space<vmem>> -> memref<40xi32, #tpu.memory_space<vmem>>
        %dma_wait3A_1615 = arith.constant 0 : i32
        %dma_wait3A_1616 = arith.constant 0 : i32
        %dma_wait3A_1617 = tpu.memref_slice %arg2[%dma_wait3A_1615, %dma_wait3A_1616] : memref<10000x128xf32, #tpu.memory_space<hbm>> -> memref<10000x128xf32, #tpu.memory_space<hbm>>
        %dma_wait3A_1618 = tpu.memref_slice %arg11[%dma_wait3A_1609] : memref<7x!tpu.dma_semaphore, #tpu.memory_space<semaphore_mem>> -> memref<1x!tpu.dma_semaphore, #tpu.memory_space<semaphore_mem>>
        %dma_wait3A_1619 = tpu.memref_squeeze %dma_wait3A_1618 : memref<1x!tpu.dma_semaphore, #tpu.memory_space<semaphore_mem>> -> memref<!tpu.dma_semaphore, #tpu.memory_space<semaphore_mem>>
        tpu.wait_indirect_dma semaphore(%dma_wait3A_1619 : memref<!tpu.dma_semaphore, #tpu.memory_space<semaphore_mem>>) src(%dma_wait3A_1617 : memref<10000x128xf32, #tpu.memory_space<hbm>>) dst(%dma_wait3A_1613 : memref<40x128xf32, #tpu.memory_space<vmem>>)
        %mul3A_1620 = arith.constant 40 : i32
        %mul3A_1621 = arith.muli %add3A_1592, %mul3A_1620 : i32
        %add3A_1622 = arith.addi %mul3A_2, %mul3A_1621 : i32
        %dma_start3A_1623 = arith.constant 6 : i32
        %dma_start3A_1624 = arith.constant 6 : i32
        %dma_start3A_1625 = arith.constant 0 : i32
        %dma_start3A_1626 = arith.constant 0 : i32
        %dma_start3A_1627 = tpu.memref_slice %arg9[%dma_start3A_1623, %dma_start3A_1625, %dma_start3A_1626] : memref<7x40x128xf32, #tpu.memory_space<vmem>> -> memref<1x40x128xf32, #tpu.memory_space<vmem>>
        %dma_start3A_1628 = tpu.memref_squeeze %dma_start3A_1627 : memref<1x40x128xf32, #tpu.memory_space<vmem>> -> memref<40x128xf32, #tpu.memory_space<vmem>>
        %dma_start3A_1629 = tpu.memref_slice %arg8[%add3A_1622] : memref<5120xi32, #tpu.memory_space<vmem>> -> memref<40xi32, #tpu.memory_space<vmem>>
        %dma_start3A_1630 = arith.constant 0 : i32
        %dma_start3A_1631 = arith.constant 0 : i32
        %dma_start3A_1632 = tpu.memref_slice %arg6[%dma_start3A_1630, %dma_start3A_1631] : memref<10000x128xf32, #tpu.memory_space<vmem_shared>> -> memref<10000x128xf32, #tpu.memory_space<vmem_shared>>
        %dma_start3A_1633 = tpu.memref_slice %arg12[%dma_start3A_1624] : memref<7x!tpu.dma_semaphore, #tpu.memory_space<semaphore_mem>> -> memref<1x!tpu.dma_semaphore, #tpu.memory_space<semaphore_mem>>
        %dma_start3A_1634 = tpu.memref_squeeze %dma_start3A_1633 : memref<1x!tpu.dma_semaphore, #tpu.memory_space<semaphore_mem>> -> memref<!tpu.dma_semaphore, #tpu.memory_space<semaphore_mem>>
        tpu.enqueue_indirect_dma source(%dma_start3A_1628 : memref<40x128xf32, #tpu.memory_space<vmem>>) target(%dma_start3A_1632 : memref<10000x128xf32, #tpu.memory_space<vmem_shared>>) offsets(%dma_start3A_1629 : memref<40xi32, #tpu.memory_space<vmem>>) semaphore(%dma_start3A_1634 : memref<!tpu.dma_semaphore, #tpu.memory_space<semaphore_mem>>) {add = true}
      } else {
      }
      %add3A_1598 = arith.constant 7 : i32
      %add3A_1599 = arith.addi %add3A_1592, %add3A_1598 : i32
      %lt3A_1600 = arith.constant 125 : i32
      %lt3A_1601 = arith.cmpi slt, %add3A_1599, %lt3A_1600 : i32
      %convert_element_type3A_1602 = arith.extui %lt3A_1601 : i1 to i32
      %cond3A_1603 = arith.constant 0 : i32
      %cond3A_1604 = arith.cmpi ne, %convert_element_type3A_1602, %cond3A_1603 : i32
      scf.if %cond3A_1604 {
        %mul3A_1605 = arith.constant 40 : i32
        %mul3A_1606 = arith.muli %add3A_1592, %mul3A_1605 : i32
        %add3A_1607 = arith.addi %mul3A_2, %mul3A_1606 : i32
        %dma_wait3A_1608 = arith.constant 6 : i32
        %dma_wait3A_1609 = arith.constant 6 : i32
        %dma_wait3A_1610 = arith.constant 0 : i32
        %dma_wait3A_1611 = arith.constant 0 : i32
        %dma_wait3A_1612 = tpu.memref_slice %arg9[%dma_wait3A_1608, %dma_wait3A_1610, %dma_wait3A_1611] : memref<7x40x128xf32, #tpu.memory_space<vmem>> -> memref<1x40x128xf32, #tpu.memory_space<vmem>>
        %dma_wait3A_1613 = tpu.memref_squeeze %dma_wait3A_1612 : memref<1x40x128xf32, #tpu.memory_space<vmem>> -> memref<40x128xf32, #tpu.memory_space<vmem>>
        %dma_wait3A_1614 = tpu.memref_slice %arg8[%add3A_1607] : memref<5120xi32, #tpu.memory_space<vmem>> -> memref<40xi32, #tpu.memory_space<vmem>>
        %dma_wait3A_1615 = arith.constant 0 : i32
        %dma_wait3A_1616 = arith.constant 0 : i32
        %dma_wait3A_1617 = tpu.memref_slice %arg6[%dma_wait3A_1615, %dma_wait3A_1616] : memref<10000x128xf32, #tpu.memory_space<vmem_shared>> -> memref<10000x128xf32, #tpu.memory_space<vmem_shared>>
        %dma_wait3A_1618 = tpu.memref_slice %arg12[%dma_wait3A_1609] : memref<7x!tpu.dma_semaphore, #tpu.memory_space<semaphore_mem>> -> memref<1x!tpu.dma_semaphore, #tpu.memory_space<semaphore_mem>>
        %dma_wait3A_1619 = tpu.memref_squeeze %dma_wait3A_1618 : memref<1x!tpu.dma_semaphore, #tpu.memory_space<semaphore_mem>> -> memref<!tpu.dma_semaphore, #tpu.memory_space<semaphore_mem>>
        tpu.wait_indirect_dma semaphore(%dma_wait3A_1619 : memref<!tpu.dma_semaphore, #tpu.memory_space<semaphore_mem>>) src(%dma_wait3A_1613 : memref<40x128xf32, #tpu.memory_space<vmem>>) dst(%dma_wait3A_1617 : memref<10000x128xf32, #tpu.memory_space<vmem_shared>>)
        %add3A_1620 = arith.constant 7 : i32
        %add3A_1621 = arith.addi %add3A_1592, %add3A_1620 : i32
        %mul3A_1622 = arith.constant 40 : i32
        %mul3A_1623 = arith.muli %add3A_1621, %mul3A_1622 : i32
        %add3A_1624 = arith.addi %mul3A_2, %mul3A_1623 : i32
        %dma_start3A_1625 = arith.constant 6 : i32
        %dma_start3A_1626 = arith.constant 6 : i32
        %dma_start3A_1627 = arith.constant 0 : i32
        %dma_start3A_1628 = arith.constant 0 : i32
        %dma_start3A_1629 = tpu.memref_slice %arg9[%dma_start3A_1625, %dma_start3A_1627, %dma_start3A_1628] : memref<7x40x128xf32, #tpu.memory_space<vmem>> -> memref<1x40x128xf32, #tpu.memory_space<vmem>>
        %dma_start3A_1630 = tpu.memref_squeeze %dma_start3A_1629 : memref<1x40x128xf32, #tpu.memory_space<vmem>> -> memref<40x128xf32, #tpu.memory_space<vmem>>
        %dma_start3A_1631 = tpu.memref_slice %arg7[%add3A_1624] : memref<5120xi32, #tpu.memory_space<vmem>> -> memref<40xi32, #tpu.memory_space<vmem>>
        %dma_start3A_1632 = arith.constant 0 : i32
        %dma_start3A_1633 = arith.constant 0 : i32
        %dma_start3A_1634 = tpu.memref_slice %arg2[%dma_start3A_1632, %dma_start3A_1633] : memref<10000x128xf32, #tpu.memory_space<hbm>> -> memref<10000x128xf32, #tpu.memory_space<hbm>>
        %dma_start3A_1635 = tpu.memref_slice %arg11[%dma_start3A_1626] : memref<7x!tpu.dma_semaphore, #tpu.memory_space<semaphore_mem>> -> memref<1x!tpu.dma_semaphore, #tpu.memory_space<semaphore_mem>>
        %dma_start3A_1636 = tpu.memref_squeeze %dma_start3A_1635 : memref<1x!tpu.dma_semaphore, #tpu.memory_space<semaphore_mem>> -> memref<!tpu.dma_semaphore, #tpu.memory_space<semaphore_mem>>
        tpu.enqueue_indirect_dma source(%dma_start3A_1634 : memref<10000x128xf32, #tpu.memory_space<hbm>>) target(%dma_start3A_1630 : memref<40x128xf32, #tpu.memory_space<vmem>>) offsets(%dma_start3A_1631 : memref<40xi32, #tpu.memory_space<vmem>>) semaphore(%dma_start3A_1636 : memref<!tpu.dma_semaphore, #tpu.memory_space<semaphore_mem>>)
      } else {
      }
    }
    %scan3A_622 = arith.constant 18 : i32
    %add3A_623 = arith.constant 0 : i32
    %add3A_624 = arith.addi %mul3A_2, %add3A_623 : i32
    %dma_wait3A_625 = arith.constant 0 : i32
    %dma_wait3A_626 = arith.constant 0 : i32
    %dma_wait3A_627 = arith.constant 0 : i32
    %dma_wait3A_628 = arith.constant 0 : i32
    %dma_wait3A_629 = tpu.memref_slice %arg9[%dma_wait3A_625, %dma_wait3A_627, %dma_wait3A_628] : memref<7x40x128xf32, #tpu.memory_space<vmem>> -> memref<1x40x128xf32, #tpu.memory_space<vmem>>
    %dma_wait3A_630 = tpu.memref_squeeze %dma_wait3A_629 : memref<1x40x128xf32, #tpu.memory_space<vmem>> -> memref<40x128xf32, #tpu.memory_space<vmem>>
    %dma_wait3A_631 = tpu.memref_slice %arg8[%add3A_624] : memref<5120xi32, #tpu.memory_space<vmem>> -> memref<40xi32, #tpu.memory_space<vmem>>
    %dma_wait3A_632 = arith.constant 0 : i32
    %dma_wait3A_633 = arith.constant 0 : i32
    %dma_wait3A_634 = tpu.memref_slice %arg6[%dma_wait3A_632, %dma_wait3A_633] : memref<10000x128xf32, #tpu.memory_space<vmem_shared>> -> memref<10000x128xf32, #tpu.memory_space<vmem_shared>>
    %dma_wait3A_635 = tpu.memref_slice %arg12[%dma_wait3A_626] : memref<7x!tpu.dma_semaphore, #tpu.memory_space<semaphore_mem>> -> memref<1x!tpu.dma_semaphore, #tpu.memory_space<semaphore_mem>>
    %dma_wait3A_636 = tpu.memref_squeeze %dma_wait3A_635 : memref<1x!tpu.dma_semaphore, #tpu.memory_space<semaphore_mem>> -> memref<!tpu.dma_semaphore, #tpu.memory_space<semaphore_mem>>
    tpu.wait_indirect_dma semaphore(%dma_wait3A_636 : memref<!tpu.dma_semaphore, #tpu.memory_space<semaphore_mem>>) src(%dma_wait3A_630 : memref<40x128xf32, #tpu.memory_space<vmem>>) dst(%dma_wait3A_634 : memref<10000x128xf32, #tpu.memory_space<vmem_shared>>)
    %add3A_637 = arith.constant 0 : i32
    %add3A_638 = arith.addi %mul3A_2, %add3A_637 : i32
    %dma_wait3A_639 = arith.constant 1 : i32
    %dma_wait3A_640 = arith.constant 1 : i32
    %dma_wait3A_641 = arith.constant 0 : i32
    %dma_wait3A_642 = arith.constant 0 : i32
    %dma_wait3A_643 = tpu.memref_slice %arg9[%dma_wait3A_639, %dma_wait3A_641, %dma_wait3A_642] : memref<7x40x128xf32, #tpu.memory_space<vmem>> -> memref<1x40x128xf32, #tpu.memory_space<vmem>>
    %dma_wait3A_644 = tpu.memref_squeeze %dma_wait3A_643 : memref<1x40x128xf32, #tpu.memory_space<vmem>> -> memref<40x128xf32, #tpu.memory_space<vmem>>
    %dma_wait3A_645 = tpu.memref_slice %arg8[%add3A_638] : memref<5120xi32, #tpu.memory_space<vmem>> -> memref<40xi32, #tpu.memory_space<vmem>>
    %dma_wait3A_646 = arith.constant 0 : i32
    %dma_wait3A_647 = arith.constant 0 : i32
    %dma_wait3A_648 = tpu.memref_slice %arg6[%dma_wait3A_646, %dma_wait3A_647] : memref<10000x128xf32, #tpu.memory_space<vmem_shared>> -> memref<10000x128xf32, #tpu.memory_space<vmem_shared>>
    %dma_wait3A_649 = tpu.memref_slice %arg12[%dma_wait3A_640] : memref<7x!tpu.dma_semaphore, #tpu.memory_space<semaphore_mem>> -> memref<1x!tpu.dma_semaphore, #tpu.memory_space<semaphore_mem>>
    %dma_wait3A_650 = tpu.memref_squeeze %dma_wait3A_649 : memref<1x!tpu.dma_semaphore, #tpu.memory_space<semaphore_mem>> -> memref<!tpu.dma_semaphore, #tpu.memory_space<semaphore_mem>>
    tpu.wait_indirect_dma semaphore(%dma_wait3A_650 : memref<!tpu.dma_semaphore, #tpu.memory_space<semaphore_mem>>) src(%dma_wait3A_644 : memref<40x128xf32, #tpu.memory_space<vmem>>) dst(%dma_wait3A_648 : memref<10000x128xf32, #tpu.memory_space<vmem_shared>>)
    %add3A_651 = arith.constant 0 : i32
    %add3A_652 = arith.addi %mul3A_2, %add3A_651 : i32
    %dma_wait3A_653 = arith.constant 2 : i32
    %dma_wait3A_654 = arith.constant 2 : i32
    %dma_wait3A_655 = arith.constant 0 : i32
    %dma_wait3A_656 = arith.constant 0 : i32
    %dma_wait3A_657 = tpu.memref_slice %arg9[%dma_wait3A_653, %dma_wait3A_655, %dma_wait3A_656] : memref<7x40x128xf32, #tpu.memory_space<vmem>> -> memref<1x40x128xf32, #tpu.memory_space<vmem>>
    %dma_wait3A_658 = tpu.memref_squeeze %dma_wait3A_657 : memref<1x40x128xf32, #tpu.memory_space<vmem>> -> memref<40x128xf32, #tpu.memory_space<vmem>>
    %dma_wait3A_659 = tpu.memref_slice %arg8[%add3A_652] : memref<5120xi32, #tpu.memory_space<vmem>> -> memref<40xi32, #tpu.memory_space<vmem>>
    %dma_wait3A_660 = arith.constant 0 : i32
    %dma_wait3A_661 = arith.constant 0 : i32
    %dma_wait3A_662 = tpu.memref_slice %arg6[%dma_wait3A_660, %dma_wait3A_661] : memref<10000x128xf32, #tpu.memory_space<vmem_shared>> -> memref<10000x128xf32, #tpu.memory_space<vmem_shared>>
    %dma_wait3A_663 = tpu.memref_slice %arg12[%dma_wait3A_654] : memref<7x!tpu.dma_semaphore, #tpu.memory_space<semaphore_mem>> -> memref<1x!tpu.dma_semaphore, #tpu.memory_space<semaphore_mem>>
    %dma_wait3A_664 = tpu.memref_squeeze %dma_wait3A_663 : memref<1x!tpu.dma_semaphore, #tpu.memory_space<semaphore_mem>> -> memref<!tpu.dma_semaphore, #tpu.memory_space<semaphore_mem>>
    tpu.wait_indirect_dma semaphore(%dma_wait3A_664 : memref<!tpu.dma_semaphore, #tpu.memory_space<semaphore_mem>>) src(%dma_wait3A_658 : memref<40x128xf32, #tpu.memory_space<vmem>>) dst(%dma_wait3A_662 : memref<10000x128xf32, #tpu.memory_space<vmem_shared>>)
    %add3A_665 = arith.constant 0 : i32
    %add3A_666 = arith.addi %mul3A_2, %add3A_665 : i32
    %dma_wait3A_667 = arith.constant 3 : i32
    %dma_wait3A_668 = arith.constant 3 : i32
    %dma_wait3A_669 = arith.constant 0 : i32
    %dma_wait3A_670 = arith.constant 0 : i32
    %dma_wait3A_671 = tpu.memref_slice %arg9[%dma_wait3A_667, %dma_wait3A_669, %dma_wait3A_670] : memref<7x40x128xf32, #tpu.memory_space<vmem>> -> memref<1x40x128xf32, #tpu.memory_space<vmem>>
    %dma_wait3A_672 = tpu.memref_squeeze %dma_wait3A_671 : memref<1x40x128xf32, #tpu.memory_space<vmem>> -> memref<40x128xf32, #tpu.memory_space<vmem>>
    %dma_wait3A_673 = tpu.memref_slice %arg8[%add3A_666] : memref<5120xi32, #tpu.memory_space<vmem>> -> memref<40xi32, #tpu.memory_space<vmem>>
    %dma_wait3A_674 = arith.constant 0 : i32
    %dma_wait3A_675 = arith.constant 0 : i32
    %dma_wait3A_676 = tpu.memref_slice %arg6[%dma_wait3A_674, %dma_wait3A_675] : memref<10000x128xf32, #tpu.memory_space<vmem_shared>> -> memref<10000x128xf32, #tpu.memory_space<vmem_shared>>
    %dma_wait3A_677 = tpu.memref_slice %arg12[%dma_wait3A_668] : memref<7x!tpu.dma_semaphore, #tpu.memory_space<semaphore_mem>> -> memref<1x!tpu.dma_semaphore, #tpu.memory_space<semaphore_mem>>
    %dma_wait3A_678 = tpu.memref_squeeze %dma_wait3A_677 : memref<1x!tpu.dma_semaphore, #tpu.memory_space<semaphore_mem>> -> memref<!tpu.dma_semaphore, #tpu.memory_space<semaphore_mem>>
    tpu.wait_indirect_dma semaphore(%dma_wait3A_678 : memref<!tpu.dma_semaphore, #tpu.memory_space<semaphore_mem>>) src(%dma_wait3A_672 : memref<40x128xf32, #tpu.memory_space<vmem>>) dst(%dma_wait3A_676 : memref<10000x128xf32, #tpu.memory_space<vmem_shared>>)
    %add3A_679 = arith.constant 0 : i32
    %add3A_680 = arith.addi %mul3A_2, %add3A_679 : i32
    %dma_wait3A_681 = arith.constant 4 : i32
    %dma_wait3A_682 = arith.constant 4 : i32
    %dma_wait3A_683 = arith.constant 0 : i32
    %dma_wait3A_684 = arith.constant 0 : i32
    %dma_wait3A_685 = tpu.memref_slice %arg9[%dma_wait3A_681, %dma_wait3A_683, %dma_wait3A_684] : memref<7x40x128xf32, #tpu.memory_space<vmem>> -> memref<1x40x128xf32, #tpu.memory_space<vmem>>
    %dma_wait3A_686 = tpu.memref_squeeze %dma_wait3A_685 : memref<1x40x128xf32, #tpu.memory_space<vmem>> -> memref<40x128xf32, #tpu.memory_space<vmem>>
    %dma_wait3A_687 = tpu.memref_slice %arg8[%add3A_680] : memref<5120xi32, #tpu.memory_space<vmem>> -> memref<40xi32, #tpu.memory_space<vmem>>
    %dma_wait3A_688 = arith.constant 0 : i32
    %dma_wait3A_689 = arith.constant 0 : i32
    %dma_wait3A_690 = tpu.memref_slice %arg6[%dma_wait3A_688, %dma_wait3A_689] : memref<10000x128xf32, #tpu.memory_space<vmem_shared>> -> memref<10000x128xf32, #tpu.memory_space<vmem_shared>>
    %dma_wait3A_691 = tpu.memref_slice %arg12[%dma_wait3A_682] : memref<7x!tpu.dma_semaphore, #tpu.memory_space<semaphore_mem>> -> memref<1x!tpu.dma_semaphore, #tpu.memory_space<semaphore_mem>>
    %dma_wait3A_692 = tpu.memref_squeeze %dma_wait3A_691 : memref<1x!tpu.dma_semaphore, #tpu.memory_space<semaphore_mem>> -> memref<!tpu.dma_semaphore, #tpu.memory_space<semaphore_mem>>
    tpu.wait_indirect_dma semaphore(%dma_wait3A_692 : memref<!tpu.dma_semaphore, #tpu.memory_space<semaphore_mem>>) src(%dma_wait3A_686 : memref<40x128xf32, #tpu.memory_space<vmem>>) dst(%dma_wait3A_690 : memref<10000x128xf32, #tpu.memory_space<vmem_shared>>)
    %add3A_693 = arith.constant 0 : i32
    %add3A_694 = arith.addi %mul3A_2, %add3A_693 : i32
    %dma_wait3A_695 = arith.constant 5 : i32
    %dma_wait3A_696 = arith.constant 5 : i32
    %dma_wait3A_697 = arith.constant 0 : i32
    %dma_wait3A_698 = arith.constant 0 : i32
    %dma_wait3A_699 = tpu.memref_slice %arg9[%dma_wait3A_695, %dma_wait3A_697, %dma_wait3A_698] : memref<7x40x128xf32, #tpu.memory_space<vmem>> -> memref<1x40x128xf32, #tpu.memory_space<vmem>>
    %dma_wait3A_700 = tpu.memref_squeeze %dma_wait3A_699 : memref<1x40x128xf32, #tpu.memory_space<vmem>> -> memref<40x128xf32, #tpu.memory_space<vmem>>
    %dma_wait3A_701 = tpu.memref_slice %arg8[%add3A_694] : memref<5120xi32, #tpu.memory_space<vmem>> -> memref<40xi32, #tpu.memory_space<vmem>>
    %dma_wait3A_702 = arith.constant 0 : i32
    %dma_wait3A_703 = arith.constant 0 : i32
    %dma_wait3A_704 = tpu.memref_slice %arg6[%dma_wait3A_702, %dma_wait3A_703] : memref<10000x128xf32, #tpu.memory_space<vmem_shared>> -> memref<10000x128xf32, #tpu.memory_space<vmem_shared>>
    %dma_wait3A_705 = tpu.memref_slice %arg12[%dma_wait3A_696] : memref<7x!tpu.dma_semaphore, #tpu.memory_space<semaphore_mem>> -> memref<1x!tpu.dma_semaphore, #tpu.memory_space<semaphore_mem>>
    %dma_wait3A_706 = tpu.memref_squeeze %dma_wait3A_705 : memref<1x!tpu.dma_semaphore, #tpu.memory_space<semaphore_mem>> -> memref<!tpu.dma_semaphore, #tpu.memory_space<semaphore_mem>>
    tpu.wait_indirect_dma semaphore(%dma_wait3A_706 : memref<!tpu.dma_semaphore, #tpu.memory_space<semaphore_mem>>) src(%dma_wait3A_700 : memref<40x128xf32, #tpu.memory_space<vmem>>) dst(%dma_wait3A_704 : memref<10000x128xf32, #tpu.memory_space<vmem_shared>>)
    %add3A_707 = arith.constant 0 : i32
    %add3A_708 = arith.addi %mul3A_2, %add3A_707 : i32
    %dma_wait3A_709 = arith.constant 6 : i32
    %dma_wait3A_710 = arith.constant 6 : i32
    %dma_wait3A_711 = arith.constant 0 : i32
    %dma_wait3A_712 = arith.constant 0 : i32
    %dma_wait3A_713 = tpu.memref_slice %arg9[%dma_wait3A_709, %dma_wait3A_711, %dma_wait3A_712] : memref<7x40x128xf32, #tpu.memory_space<vmem>> -> memref<1x40x128xf32, #tpu.memory_space<vmem>>
    %dma_wait3A_714 = tpu.memref_squeeze %dma_wait3A_713 : memref<1x40x128xf32, #tpu.memory_space<vmem>> -> memref<40x128xf32, #tpu.memory_space<vmem>>
    %dma_wait3A_715 = tpu.memref_slice %arg8[%add3A_708] : memref<5120xi32, #tpu.memory_space<vmem>> -> memref<40xi32, #tpu.memory_space<vmem>>
    %dma_wait3A_716 = arith.constant 0 : i32
    %dma_wait3A_717 = arith.constant 0 : i32
    %dma_wait3A_718 = tpu.memref_slice %arg6[%dma_wait3A_716, %dma_wait3A_717] : memref<10000x128xf32, #tpu.memory_space<vmem_shared>> -> memref<10000x128xf32, #tpu.memory_space<vmem_shared>>
    %dma_wait3A_719 = tpu.memref_slice %arg12[%dma_wait3A_710] : memref<7x!tpu.dma_semaphore, #tpu.memory_space<semaphore_mem>> -> memref<1x!tpu.dma_semaphore, #tpu.memory_space<semaphore_mem>>
    %dma_wait3A_720 = tpu.memref_squeeze %dma_wait3A_719 : memref<1x!tpu.dma_semaphore, #tpu.memory_space<semaphore_mem>> -> memref<!tpu.dma_semaphore, #tpu.memory_space<semaphore_mem>>
    tpu.wait_indirect_dma semaphore(%dma_wait3A_720 : memref<!tpu.dma_semaphore, #tpu.memory_space<semaphore_mem>>) src(%dma_wait3A_714 : memref<40x128xf32, #tpu.memory_space<vmem>>) dst(%dma_wait3A_718 : memref<10000x128xf32, #tpu.memory_space<vmem_shared>>)
    %barrier3A_721 = arith.constant 0 : index
    tpu.barrier barrier_id(%barrier3A_721)
    %mul3A_722 = arith.constant 128 : i32
    %mul3A_723 = arith.muli %add3A_26, %mul3A_722 : i32
    %dma_start3A_724 = tpu.memref_slice %arg5[%mul3A_0, %mul3A_723] : memref<10000x512xf32, #tpu.memory_space<hbm>> -> memref<624x128xf32, #tpu.memory_space<hbm>>
    %dma_start3A_725 = arith.constant 0 : i32
    %dma_start3A_726 = tpu.memref_slice %arg6[%mul3A_0, %dma_start3A_725] : memref<10000x128xf32, #tpu.memory_space<vmem_shared>> -> memref<624x128xf32, #tpu.memory_space<vmem_shared>>
    tpu.enqueue_dma source(%dma_start3A_726 : memref<624x128xf32, #tpu.memory_space<vmem_shared>>) target(%dma_start3A_724 : memref<624x128xf32, #tpu.memory_space<hbm>>) target_semaphore(%arg13 : memref<!tpu.dma_semaphore, #tpu.memory_space<semaphore_mem>>)
    %eq3A_727 = arith.constant 15 : i32
    %eq3A_728 = arith.cmpi eq, %arg1, %eq3A_727 : i32
    %convert_element_type3A_729 = arith.extui %eq3A_728 : i1 to i32
    %cond3A_730 = arith.constant 0 : i32
    %cond3A_731 = arith.cmpi ne, %convert_element_type3A_729, %cond3A_730 : i32
    scf.if %cond3A_731 {
      %mul3A_1489 = arith.constant 128 : i32
      %mul3A_1490 = arith.muli %add3A_26, %mul3A_1489 : i32
      %dma_start3A_1491 = arith.constant 9984 : i32
      %dma_start3A_1492 = tpu.memref_slice %arg5[%dma_start3A_1491, %mul3A_1490] : memref<10000x512xf32, #tpu.memory_space<hbm>> -> memref<16x128xf32, #tpu.memory_space<hbm>>
      %dma_start3A_1493 = arith.constant 9984 : i32
      %dma_start3A_1494 = arith.constant 0 : i32
      %dma_start3A_1495 = tpu.memref_slice %arg6[%dma_start3A_1493, %dma_start3A_1494] : memref<10000x128xf32, #tpu.memory_space<vmem_shared>> -> memref<16x128xf32, #tpu.memory_space<vmem_shared>>
      tpu.enqueue_dma source(%dma_start3A_1495 : memref<16x128xf32, #tpu.memory_space<vmem_shared>>) target(%dma_start3A_1492 : memref<16x128xf32, #tpu.memory_space<hbm>>) target_semaphore(%arg13 : memref<!tpu.dma_semaphore, #tpu.memory_space<semaphore_mem>>)
    } else {
    }
    %add3A_732 = arith.constant 1 : i32
    %add3A_733 = arith.addi %add3A_26, %add3A_732 : i32
    %mul3A_734 = arith.constant 4992 : i32
    %mul3A_735 = arith.muli %mul3A_734, %arg1 : i32
    %dma_start3A_736 = arith.constant 0 : i32
    %dma_start3A_737 = arith.constant 0 : i32
    %dma_start3A_738 = tpu.memref_slice %arg3[%add3A_733, %dma_start3A_736, %mul3A_735] : memref<4x2x80000xi32, #tpu.memory_space<hbm>> -> memref<1x1x5120xi32, #tpu.memory_space<hbm>>
    %dma_start3A_739 = tpu.memref_squeeze %dma_start3A_738 : memref<1x1x5120xi32, #tpu.memory_space<hbm>> -> memref<5120xi32, #tpu.memory_space<hbm>>
    %dma_start3A_740 = tpu.memref_slice %arg11[%dma_start3A_737] : memref<7x!tpu.dma_semaphore, #tpu.memory_space<semaphore_mem>> -> memref<1x!tpu.dma_semaphore, #tpu.memory_space<semaphore_mem>>
    %dma_start3A_741 = tpu.memref_squeeze %dma_start3A_740 : memref<1x!tpu.dma_semaphore, #tpu.memory_space<semaphore_mem>> -> memref<!tpu.dma_semaphore, #tpu.memory_space<semaphore_mem>>
    %dma_start3A_742 = tpu.memref_slice %arg3[%add3A_733, %dma_start3A_736, %mul3A_735] : memref<4x2x80000xi32, #tpu.memory_space<hbm>> -> memref<1x1x5120xi32, #tpu.memory_space<hbm>>
    %dma_start3A_743 = tpu.memref_squeeze %dma_start3A_742 : memref<1x1x5120xi32, #tpu.memory_space<hbm>> -> memref<5120xi32, #tpu.memory_space<hbm>>
    tpu.enqueue_dma source(%dma_start3A_743 : memref<5120xi32, #tpu.memory_space<hbm>>) target(%arg7 : memref<5120xi32, #tpu.memory_space<vmem>>) target_semaphore(%dma_start3A_741 : memref<!tpu.dma_semaphore, #tpu.memory_space<semaphore_mem>>)
    %mul3A_744 = arith.constant 4992 : i32
    %mul3A_745 = arith.muli %mul3A_744, %arg1 : i32
    %dma_start3A_746 = arith.constant 1 : i32
    %dma_start3A_747 = arith.constant 1 : i32
    %dma_start3A_748 = tpu.memref_slice %arg3[%add3A_733, %dma_start3A_746, %mul3A_745] : memref<4x2x80000xi32, #tpu.memory_space<hbm>> -> memref<1x1x5120xi32, #tpu.memory_space<hbm>>
    %dma_start3A_749 = tpu.memref_squeeze %dma_start3A_748 : memref<1x1x5120xi32, #tpu.memory_space<hbm>> -> memref<5120xi32, #tpu.memory_space<hbm>>
    %dma_start3A_750 = tpu.memref_slice %arg11[%dma_start3A_747] : memref<7x!tpu.dma_semaphore, #tpu.memory_space<semaphore_mem>> -> memref<1x!tpu.dma_semaphore, #tpu.memory_space<semaphore_mem>>
    %dma_start3A_751 = tpu.memref_squeeze %dma_start3A_750 : memref<1x!tpu.dma_semaphore, #tpu.memory_space<semaphore_mem>> -> memref<!tpu.dma_semaphore, #tpu.memory_space<semaphore_mem>>
    %dma_start3A_752 = tpu.memref_slice %arg3[%add3A_733, %dma_start3A_746, %mul3A_745] : memref<4x2x80000xi32, #tpu.memory_space<hbm>> -> memref<1x1x5120xi32, #tpu.memory_space<hbm>>
    %dma_start3A_753 = tpu.memref_squeeze %dma_start3A_752 : memref<1x1x5120xi32, #tpu.memory_space<hbm>> -> memref<5120xi32, #tpu.memory_space<hbm>>
    tpu.enqueue_dma source(%dma_start3A_753 : memref<5120xi32, #tpu.memory_space<hbm>>) target(%arg8 : memref<5120xi32, #tpu.memory_space<vmem>>) target_semaphore(%dma_start3A_751 : memref<!tpu.dma_semaphore, #tpu.memory_space<semaphore_mem>>)
    %mul3A_754 = arith.constant 128 : i32
    %mul3A_755 = arith.muli %add3A_26, %mul3A_754 : i32
    %dma_wait3A_756 = tpu.memref_slice %arg5[%mul3A_0, %mul3A_755] : memref<10000x512xf32, #tpu.memory_space<hbm>> -> memref<624x128xf32, #tpu.memory_space<hbm>>
    %dma_wait3A_757 = arith.constant 0 : i32
    %dma_wait3A_758 = tpu.memref_slice %arg6[%mul3A_0, %dma_wait3A_757] : memref<10000x128xf32, #tpu.memory_space<vmem_shared>> -> memref<624x128xf32, #tpu.memory_space<vmem_shared>>
    tpu.wait_dma2 semaphore(%arg13 : memref<!tpu.dma_semaphore, #tpu.memory_space<semaphore_mem>>) src(%dma_wait3A_758 : memref<624x128xf32, #tpu.memory_space<vmem_shared>>) dst(%dma_wait3A_756 : memref<624x128xf32, #tpu.memory_space<hbm>>)
    %eq3A_759 = arith.constant 15 : i32
    %eq3A_760 = arith.cmpi eq, %arg1, %eq3A_759 : i32
    %convert_element_type3A_761 = arith.extui %eq3A_760 : i1 to i32
    %cond3A_762 = arith.constant 0 : i32
    %cond3A_763 = arith.cmpi ne, %convert_element_type3A_761, %cond3A_762 : i32
    scf.if %cond3A_763 {
      %mul3A_1489 = arith.constant 128 : i32
      %mul3A_1490 = arith.muli %add3A_26, %mul3A_1489 : i32
      %dma_wait3A_1491 = arith.constant 9984 : i32
      %dma_wait3A_1492 = tpu.memref_slice %arg5[%dma_wait3A_1491, %mul3A_1490] : memref<10000x512xf32, #tpu.memory_space<hbm>> -> memref<16x128xf32, #tpu.memory_space<hbm>>
      %dma_wait3A_1493 = arith.constant 9984 : i32
      %dma_wait3A_1494 = arith.constant 0 : i32
      %dma_wait3A_1495 = tpu.memref_slice %arg6[%dma_wait3A_1493, %dma_wait3A_1494] : memref<10000x128xf32, #tpu.memory_space<vmem_shared>> -> memref<16x128xf32, #tpu.memory_space<vmem_shared>>
      tpu.wait_dma2 semaphore(%arg13 : memref<!tpu.dma_semaphore, #tpu.memory_space<semaphore_mem>>) src(%dma_wait3A_1495 : memref<16x128xf32, #tpu.memory_space<vmem_shared>>) dst(%dma_wait3A_1492 : memref<16x128xf32, #tpu.memory_space<hbm>>)
    } else {
    }
    %mul3A_764 = arith.constant 2 : i32
    %mul3A_765 = arith.muli %arg0, %mul3A_764 : i32
    %add3A_766 = arith.constant 1 : i32
    %add3A_767 = arith.addi %mul3A_765, %add3A_766 : i32
    %add3A_768 = arith.constant 0 : i32
    %add3A_769 = arith.addi %mul3A_0, %add3A_768 : i32
    %dma_start3A_770 = arith.constant 0 : i32
    %dma_start3A_771 = tpu.memref_slice %arg6[%add3A_769, %dma_start3A_770] : memref<10000x128xf32, #tpu.memory_space<vmem_shared>> -> memref<16x128xf32, #tpu.memory_space<vmem_shared>>
    %dma_start3A_772 = arith.constant 0 : i32
    %dma_start3A_773 = tpu.memref_slice %arg6[%add3A_769, %dma_start3A_772] : memref<10000x128xf32, #tpu.memory_space<vmem_shared>> -> memref<16x128xf32, #tpu.memory_space<vmem_shared>>
    tpu.enqueue_dma source(%arg10 : memref<16x128xf32, #tpu.memory_space<vmem>>) target(%dma_start3A_773 : memref<16x128xf32, #tpu.memory_space<vmem_shared>>) target_semaphore(%arg13 : memref<!tpu.dma_semaphore, #tpu.memory_space<semaphore_mem>>)
    %add3A_774 = arith.constant 16 : i32
    %add3A_775 = arith.addi %mul3A_0, %add3A_774 : i32
    %dma_start3A_776 = arith.constant 0 : i32
    %dma_start3A_777 = tpu.memref_slice %arg6[%add3A_775, %dma_start3A_776] : memref<10000x128xf32, #tpu.memory_space<vmem_shared>> -> memref<16x128xf32, #tpu.memory_space<vmem_shared>>
    %dma_start3A_778 = arith.constant 0 : i32
    %dma_start3A_779 = tpu.memref_slice %arg6[%add3A_775, %dma_start3A_778] : memref<10000x128xf32, #tpu.memory_space<vmem_shared>> -> memref<16x128xf32, #tpu.memory_space<vmem_shared>>
    tpu.enqueue_dma source(%arg10 : memref<16x128xf32, #tpu.memory_space<vmem>>) target(%dma_start3A_779 : memref<16x128xf32, #tpu.memory_space<vmem_shared>>) target_semaphore(%arg13 : memref<!tpu.dma_semaphore, #tpu.memory_space<semaphore_mem>>)
    %add3A_780 = arith.constant 32 : i32
    %add3A_781 = arith.addi %mul3A_0, %add3A_780 : i32
    %dma_start3A_782 = arith.constant 0 : i32
    %dma_start3A_783 = tpu.memref_slice %arg6[%add3A_781, %dma_start3A_782] : memref<10000x128xf32, #tpu.memory_space<vmem_shared>> -> memref<16x128xf32, #tpu.memory_space<vmem_shared>>
    %dma_start3A_784 = arith.constant 0 : i32
    %dma_start3A_785 = tpu.memref_slice %arg6[%add3A_781, %dma_start3A_784] : memref<10000x128xf32, #tpu.memory_space<vmem_shared>> -> memref<16x128xf32, #tpu.memory_space<vmem_shared>>
    tpu.enqueue_dma source(%arg10 : memref<16x128xf32, #tpu.memory_space<vmem>>) target(%dma_start3A_785 : memref<16x128xf32, #tpu.memory_space<vmem_shared>>) target_semaphore(%arg13 : memref<!tpu.dma_semaphore, #tpu.memory_space<semaphore_mem>>)
    %add3A_786 = arith.constant 48 : i32
    %add3A_787 = arith.addi %mul3A_0, %add3A_786 : i32
    %dma_start3A_788 = arith.constant 0 : i32
    %dma_start3A_789 = tpu.memref_slice %arg6[%add3A_787, %dma_start3A_788] : memref<10000x128xf32, #tpu.memory_space<vmem_shared>> -> memref<16x128xf32, #tpu.memory_space<vmem_shared>>
    %dma_start3A_790 = arith.constant 0 : i32
    %dma_start3A_791 = tpu.memref_slice %arg6[%add3A_787, %dma_start3A_790] : memref<10000x128xf32, #tpu.memory_space<vmem_shared>> -> memref<16x128xf32, #tpu.memory_space<vmem_shared>>
    tpu.enqueue_dma source(%arg10 : memref<16x128xf32, #tpu.memory_space<vmem>>) target(%dma_start3A_791 : memref<16x128xf32, #tpu.memory_space<vmem_shared>>) target_semaphore(%arg13 : memref<!tpu.dma_semaphore, #tpu.memory_space<semaphore_mem>>)
    %add3A_792 = arith.constant 64 : i32
    %add3A_793 = arith.addi %mul3A_0, %add3A_792 : i32
    %dma_start3A_794 = arith.constant 0 : i32
    %dma_start3A_795 = tpu.memref_slice %arg6[%add3A_793, %dma_start3A_794] : memref<10000x128xf32, #tpu.memory_space<vmem_shared>> -> memref<16x128xf32, #tpu.memory_space<vmem_shared>>
    %dma_start3A_796 = arith.constant 0 : i32
    %dma_start3A_797 = tpu.memref_slice %arg6[%add3A_793, %dma_start3A_796] : memref<10000x128xf32, #tpu.memory_space<vmem_shared>> -> memref<16x128xf32, #tpu.memory_space<vmem_shared>>
    tpu.enqueue_dma source(%arg10 : memref<16x128xf32, #tpu.memory_space<vmem>>) target(%dma_start3A_797 : memref<16x128xf32, #tpu.memory_space<vmem_shared>>) target_semaphore(%arg13 : memref<!tpu.dma_semaphore, #tpu.memory_space<semaphore_mem>>)
    %add3A_798 = arith.constant 80 : i32
    %add3A_799 = arith.addi %mul3A_0, %add3A_798 : i32
    %dma_start3A_800 = arith.constant 0 : i32
    %dma_start3A_801 = tpu.memref_slice %arg6[%add3A_799, %dma_start3A_800] : memref<10000x128xf32, #tpu.memory_space<vmem_shared>> -> memref<16x128xf32, #tpu.memory_space<vmem_shared>>
    %dma_start3A_802 = arith.constant 0 : i32
    %dma_start3A_803 = tpu.memref_slice %arg6[%add3A_799, %dma_start3A_802] : memref<10000x128xf32, #tpu.memory_space<vmem_shared>> -> memref<16x128xf32, #tpu.memory_space<vmem_shared>>
    tpu.enqueue_dma source(%arg10 : memref<16x128xf32, #tpu.memory_space<vmem>>) target(%dma_start3A_803 : memref<16x128xf32, #tpu.memory_space<vmem_shared>>) target_semaphore(%arg13 : memref<!tpu.dma_semaphore, #tpu.memory_space<semaphore_mem>>)
    %add3A_804 = arith.constant 96 : i32
    %add3A_805 = arith.addi %mul3A_0, %add3A_804 : i32
    %dma_start3A_806 = arith.constant 0 : i32
    %dma_start3A_807 = tpu.memref_slice %arg6[%add3A_805, %dma_start3A_806] : memref<10000x128xf32, #tpu.memory_space<vmem_shared>> -> memref<16x128xf32, #tpu.memory_space<vmem_shared>>
    %dma_start3A_808 = arith.constant 0 : i32
    %dma_start3A_809 = tpu.memref_slice %arg6[%add3A_805, %dma_start3A_808] : memref<10000x128xf32, #tpu.memory_space<vmem_shared>> -> memref<16x128xf32, #tpu.memory_space<vmem_shared>>
    tpu.enqueue_dma source(%arg10 : memref<16x128xf32, #tpu.memory_space<vmem>>) target(%dma_start3A_809 : memref<16x128xf32, #tpu.memory_space<vmem_shared>>) target_semaphore(%arg13 : memref<!tpu.dma_semaphore, #tpu.memory_space<semaphore_mem>>)
    %add3A_810 = arith.constant 112 : i32
    %add3A_811 = arith.addi %mul3A_0, %add3A_810 : i32
    %dma_start3A_812 = arith.constant 0 : i32
    %dma_start3A_813 = tpu.memref_slice %arg6[%add3A_811, %dma_start3A_812] : memref<10000x128xf32, #tpu.memory_space<vmem_shared>> -> memref<16x128xf32, #tpu.memory_space<vmem_shared>>
    %dma_start3A_814 = arith.constant 0 : i32
    %dma_start3A_815 = tpu.memref_slice %arg6[%add3A_811, %dma_start3A_814] : memref<10000x128xf32, #tpu.memory_space<vmem_shared>> -> memref<16x128xf32, #tpu.memory_space<vmem_shared>>
    tpu.enqueue_dma source(%arg10 : memref<16x128xf32, #tpu.memory_space<vmem>>) target(%dma_start3A_815 : memref<16x128xf32, #tpu.memory_space<vmem_shared>>) target_semaphore(%arg13 : memref<!tpu.dma_semaphore, #tpu.memory_space<semaphore_mem>>)
    %add3A_816 = arith.constant 128 : i32
    %add3A_817 = arith.addi %mul3A_0, %add3A_816 : i32
    %dma_start3A_818 = arith.constant 0 : i32
    %dma_start3A_819 = tpu.memref_slice %arg6[%add3A_817, %dma_start3A_818] : memref<10000x128xf32, #tpu.memory_space<vmem_shared>> -> memref<16x128xf32, #tpu.memory_space<vmem_shared>>
    %dma_start3A_820 = arith.constant 0 : i32
    %dma_start3A_821 = tpu.memref_slice %arg6[%add3A_817, %dma_start3A_820] : memref<10000x128xf32, #tpu.memory_space<vmem_shared>> -> memref<16x128xf32, #tpu.memory_space<vmem_shared>>
    tpu.enqueue_dma source(%arg10 : memref<16x128xf32, #tpu.memory_space<vmem>>) target(%dma_start3A_821 : memref<16x128xf32, #tpu.memory_space<vmem_shared>>) target_semaphore(%arg13 : memref<!tpu.dma_semaphore, #tpu.memory_space<semaphore_mem>>)
    %add3A_822 = arith.constant 144 : i32
    %add3A_823 = arith.addi %mul3A_0, %add3A_822 : i32
    %dma_start3A_824 = arith.constant 0 : i32
    %dma_start3A_825 = tpu.memref_slice %arg6[%add3A_823, %dma_start3A_824] : memref<10000x128xf32, #tpu.memory_space<vmem_shared>> -> memref<16x128xf32, #tpu.memory_space<vmem_shared>>
    %dma_start3A_826 = arith.constant 0 : i32
    %dma_start3A_827 = tpu.memref_slice %arg6[%add3A_823, %dma_start3A_826] : memref<10000x128xf32, #tpu.memory_space<vmem_shared>> -> memref<16x128xf32, #tpu.memory_space<vmem_shared>>
    tpu.enqueue_dma source(%arg10 : memref<16x128xf32, #tpu.memory_space<vmem>>) target(%dma_start3A_827 : memref<16x128xf32, #tpu.memory_space<vmem_shared>>) target_semaphore(%arg13 : memref<!tpu.dma_semaphore, #tpu.memory_space<semaphore_mem>>)
    %add3A_828 = arith.constant 160 : i32
    %add3A_829 = arith.addi %mul3A_0, %add3A_828 : i32
    %dma_start3A_830 = arith.constant 0 : i32
    %dma_start3A_831 = tpu.memref_slice %arg6[%add3A_829, %dma_start3A_830] : memref<10000x128xf32, #tpu.memory_space<vmem_shared>> -> memref<16x128xf32, #tpu.memory_space<vmem_shared>>
    %dma_start3A_832 = arith.constant 0 : i32
    %dma_start3A_833 = tpu.memref_slice %arg6[%add3A_829, %dma_start3A_832] : memref<10000x128xf32, #tpu.memory_space<vmem_shared>> -> memref<16x128xf32, #tpu.memory_space<vmem_shared>>
    tpu.enqueue_dma source(%arg10 : memref<16x128xf32, #tpu.memory_space<vmem>>) target(%dma_start3A_833 : memref<16x128xf32, #tpu.memory_space<vmem_shared>>) target_semaphore(%arg13 : memref<!tpu.dma_semaphore, #tpu.memory_space<semaphore_mem>>)
    %add3A_834 = arith.constant 176 : i32
    %add3A_835 = arith.addi %mul3A_0, %add3A_834 : i32
    %dma_start3A_836 = arith.constant 0 : i32
    %dma_start3A_837 = tpu.memref_slice %arg6[%add3A_835, %dma_start3A_836] : memref<10000x128xf32, #tpu.memory_space<vmem_shared>> -> memref<16x128xf32, #tpu.memory_space<vmem_shared>>
    %dma_start3A_838 = arith.constant 0 : i32
    %dma_start3A_839 = tpu.memref_slice %arg6[%add3A_835, %dma_start3A_838] : memref<10000x128xf32, #tpu.memory_space<vmem_shared>> -> memref<16x128xf32, #tpu.memory_space<vmem_shared>>
    tpu.enqueue_dma source(%arg10 : memref<16x128xf32, #tpu.memory_space<vmem>>) target(%dma_start3A_839 : memref<16x128xf32, #tpu.memory_space<vmem_shared>>) target_semaphore(%arg13 : memref<!tpu.dma_semaphore, #tpu.memory_space<semaphore_mem>>)
    %add3A_840 = arith.constant 192 : i32
    %add3A_841 = arith.addi %mul3A_0, %add3A_840 : i32
    %dma_start3A_842 = arith.constant 0 : i32
    %dma_start3A_843 = tpu.memref_slice %arg6[%add3A_841, %dma_start3A_842] : memref<10000x128xf32, #tpu.memory_space<vmem_shared>> -> memref<16x128xf32, #tpu.memory_space<vmem_shared>>
    %dma_start3A_844 = arith.constant 0 : i32
    %dma_start3A_845 = tpu.memref_slice %arg6[%add3A_841, %dma_start3A_844] : memref<10000x128xf32, #tpu.memory_space<vmem_shared>> -> memref<16x128xf32, #tpu.memory_space<vmem_shared>>
    tpu.enqueue_dma source(%arg10 : memref<16x128xf32, #tpu.memory_space<vmem>>) target(%dma_start3A_845 : memref<16x128xf32, #tpu.memory_space<vmem_shared>>) target_semaphore(%arg13 : memref<!tpu.dma_semaphore, #tpu.memory_space<semaphore_mem>>)
    %add3A_846 = arith.constant 208 : i32
    %add3A_847 = arith.addi %mul3A_0, %add3A_846 : i32
    %dma_start3A_848 = arith.constant 0 : i32
    %dma_start3A_849 = tpu.memref_slice %arg6[%add3A_847, %dma_start3A_848] : memref<10000x128xf32, #tpu.memory_space<vmem_shared>> -> memref<16x128xf32, #tpu.memory_space<vmem_shared>>
    %dma_start3A_850 = arith.constant 0 : i32
    %dma_start3A_851 = tpu.memref_slice %arg6[%add3A_847, %dma_start3A_850] : memref<10000x128xf32, #tpu.memory_space<vmem_shared>> -> memref<16x128xf32, #tpu.memory_space<vmem_shared>>
    tpu.enqueue_dma source(%arg10 : memref<16x128xf32, #tpu.memory_space<vmem>>) target(%dma_start3A_851 : memref<16x128xf32, #tpu.memory_space<vmem_shared>>) target_semaphore(%arg13 : memref<!tpu.dma_semaphore, #tpu.memory_space<semaphore_mem>>)
    %add3A_852 = arith.constant 224 : i32
    %add3A_853 = arith.addi %mul3A_0, %add3A_852 : i32
    %dma_start3A_854 = arith.constant 0 : i32
    %dma_start3A_855 = tpu.memref_slice %arg6[%add3A_853, %dma_start3A_854] : memref<10000x128xf32, #tpu.memory_space<vmem_shared>> -> memref<16x128xf32, #tpu.memory_space<vmem_shared>>
    %dma_start3A_856 = arith.constant 0 : i32
    %dma_start3A_857 = tpu.memref_slice %arg6[%add3A_853, %dma_start3A_856] : memref<10000x128xf32, #tpu.memory_space<vmem_shared>> -> memref<16x128xf32, #tpu.memory_space<vmem_shared>>
    tpu.enqueue_dma source(%arg10 : memref<16x128xf32, #tpu.memory_space<vmem>>) target(%dma_start3A_857 : memref<16x128xf32, #tpu.memory_space<vmem_shared>>) target_semaphore(%arg13 : memref<!tpu.dma_semaphore, #tpu.memory_space<semaphore_mem>>)
    %add3A_858 = arith.constant 240 : i32
    %add3A_859 = arith.addi %mul3A_0, %add3A_858 : i32
    %dma_start3A_860 = arith.constant 0 : i32
    %dma_start3A_861 = tpu.memref_slice %arg6[%add3A_859, %dma_start3A_860] : memref<10000x128xf32, #tpu.memory_space<vmem_shared>> -> memref<16x128xf32, #tpu.memory_space<vmem_shared>>
    %dma_start3A_862 = arith.constant 0 : i32
    %dma_start3A_863 = tpu.memref_slice %arg6[%add3A_859, %dma_start3A_862] : memref<10000x128xf32, #tpu.memory_space<vmem_shared>> -> memref<16x128xf32, #tpu.memory_space<vmem_shared>>
    tpu.enqueue_dma source(%arg10 : memref<16x128xf32, #tpu.memory_space<vmem>>) target(%dma_start3A_863 : memref<16x128xf32, #tpu.memory_space<vmem_shared>>) target_semaphore(%arg13 : memref<!tpu.dma_semaphore, #tpu.memory_space<semaphore_mem>>)
    %add3A_864 = arith.constant 256 : i32
    %add3A_865 = arith.addi %mul3A_0, %add3A_864 : i32
    %dma_start3A_866 = arith.constant 0 : i32
    %dma_start3A_867 = tpu.memref_slice %arg6[%add3A_865, %dma_start3A_866] : memref<10000x128xf32, #tpu.memory_space<vmem_shared>> -> memref<16x128xf32, #tpu.memory_space<vmem_shared>>
    %dma_start3A_868 = arith.constant 0 : i32
    %dma_start3A_869 = tpu.memref_slice %arg6[%add3A_865, %dma_start3A_868] : memref<10000x128xf32, #tpu.memory_space<vmem_shared>> -> memref<16x128xf32, #tpu.memory_space<vmem_shared>>
    tpu.enqueue_dma source(%arg10 : memref<16x128xf32, #tpu.memory_space<vmem>>) target(%dma_start3A_869 : memref<16x128xf32, #tpu.memory_space<vmem_shared>>) target_semaphore(%arg13 : memref<!tpu.dma_semaphore, #tpu.memory_space<semaphore_mem>>)
    %add3A_870 = arith.constant 272 : i32
    %add3A_871 = arith.addi %mul3A_0, %add3A_870 : i32
    %dma_start3A_872 = arith.constant 0 : i32
    %dma_start3A_873 = tpu.memref_slice %arg6[%add3A_871, %dma_start3A_872] : memref<10000x128xf32, #tpu.memory_space<vmem_shared>> -> memref<16x128xf32, #tpu.memory_space<vmem_shared>>
    %dma_start3A_874 = arith.constant 0 : i32
    %dma_start3A_875 = tpu.memref_slice %arg6[%add3A_871, %dma_start3A_874] : memref<10000x128xf32, #tpu.memory_space<vmem_shared>> -> memref<16x128xf32, #tpu.memory_space<vmem_shared>>
    tpu.enqueue_dma source(%arg10 : memref<16x128xf32, #tpu.memory_space<vmem>>) target(%dma_start3A_875 : memref<16x128xf32, #tpu.memory_space<vmem_shared>>) target_semaphore(%arg13 : memref<!tpu.dma_semaphore, #tpu.memory_space<semaphore_mem>>)
    %add3A_876 = arith.constant 288 : i32
    %add3A_877 = arith.addi %mul3A_0, %add3A_876 : i32
    %dma_start3A_878 = arith.constant 0 : i32
    %dma_start3A_879 = tpu.memref_slice %arg6[%add3A_877, %dma_start3A_878] : memref<10000x128xf32, #tpu.memory_space<vmem_shared>> -> memref<16x128xf32, #tpu.memory_space<vmem_shared>>
    %dma_start3A_880 = arith.constant 0 : i32
    %dma_start3A_881 = tpu.memref_slice %arg6[%add3A_877, %dma_start3A_880] : memref<10000x128xf32, #tpu.memory_space<vmem_shared>> -> memref<16x128xf32, #tpu.memory_space<vmem_shared>>
    tpu.enqueue_dma source(%arg10 : memref<16x128xf32, #tpu.memory_space<vmem>>) target(%dma_start3A_881 : memref<16x128xf32, #tpu.memory_space<vmem_shared>>) target_semaphore(%arg13 : memref<!tpu.dma_semaphore, #tpu.memory_space<semaphore_mem>>)
    %add3A_882 = arith.constant 304 : i32
    %add3A_883 = arith.addi %mul3A_0, %add3A_882 : i32
    %dma_start3A_884 = arith.constant 0 : i32
    %dma_start3A_885 = tpu.memref_slice %arg6[%add3A_883, %dma_start3A_884] : memref<10000x128xf32, #tpu.memory_space<vmem_shared>> -> memref<16x128xf32, #tpu.memory_space<vmem_shared>>
    %dma_start3A_886 = arith.constant 0 : i32
    %dma_start3A_887 = tpu.memref_slice %arg6[%add3A_883, %dma_start3A_886] : memref<10000x128xf32, #tpu.memory_space<vmem_shared>> -> memref<16x128xf32, #tpu.memory_space<vmem_shared>>
    tpu.enqueue_dma source(%arg10 : memref<16x128xf32, #tpu.memory_space<vmem>>) target(%dma_start3A_887 : memref<16x128xf32, #tpu.memory_space<vmem_shared>>) target_semaphore(%arg13 : memref<!tpu.dma_semaphore, #tpu.memory_space<semaphore_mem>>)
    %add3A_888 = arith.constant 320 : i32
    %add3A_889 = arith.addi %mul3A_0, %add3A_888 : i32
    %dma_start3A_890 = arith.constant 0 : i32
    %dma_start3A_891 = tpu.memref_slice %arg6[%add3A_889, %dma_start3A_890] : memref<10000x128xf32, #tpu.memory_space<vmem_shared>> -> memref<16x128xf32, #tpu.memory_space<vmem_shared>>
    %dma_start3A_892 = arith.constant 0 : i32
    %dma_start3A_893 = tpu.memref_slice %arg6[%add3A_889, %dma_start3A_892] : memref<10000x128xf32, #tpu.memory_space<vmem_shared>> -> memref<16x128xf32, #tpu.memory_space<vmem_shared>>
    tpu.enqueue_dma source(%arg10 : memref<16x128xf32, #tpu.memory_space<vmem>>) target(%dma_start3A_893 : memref<16x128xf32, #tpu.memory_space<vmem_shared>>) target_semaphore(%arg13 : memref<!tpu.dma_semaphore, #tpu.memory_space<semaphore_mem>>)
    %add3A_894 = arith.constant 336 : i32
    %add3A_895 = arith.addi %mul3A_0, %add3A_894 : i32
    %dma_start3A_896 = arith.constant 0 : i32
    %dma_start3A_897 = tpu.memref_slice %arg6[%add3A_895, %dma_start3A_896] : memref<10000x128xf32, #tpu.memory_space<vmem_shared>> -> memref<16x128xf32, #tpu.memory_space<vmem_shared>>
    %dma_start3A_898 = arith.constant 0 : i32
    %dma_start3A_899 = tpu.memref_slice %arg6[%add3A_895, %dma_start3A_898] : memref<10000x128xf32, #tpu.memory_space<vmem_shared>> -> memref<16x128xf32, #tpu.memory_space<vmem_shared>>
    tpu.enqueue_dma source(%arg10 : memref<16x128xf32, #tpu.memory_space<vmem>>) target(%dma_start3A_899 : memref<16x128xf32, #tpu.memory_space<vmem_shared>>) target_semaphore(%arg13 : memref<!tpu.dma_semaphore, #tpu.memory_space<semaphore_mem>>)
    %add3A_900 = arith.constant 352 : i32
    %add3A_901 = arith.addi %mul3A_0, %add3A_900 : i32
    %dma_start3A_902 = arith.constant 0 : i32
    %dma_start3A_903 = tpu.memref_slice %arg6[%add3A_901, %dma_start3A_902] : memref<10000x128xf32, #tpu.memory_space<vmem_shared>> -> memref<16x128xf32, #tpu.memory_space<vmem_shared>>
    %dma_start3A_904 = arith.constant 0 : i32
    %dma_start3A_905 = tpu.memref_slice %arg6[%add3A_901, %dma_start3A_904] : memref<10000x128xf32, #tpu.memory_space<vmem_shared>> -> memref<16x128xf32, #tpu.memory_space<vmem_shared>>
    tpu.enqueue_dma source(%arg10 : memref<16x128xf32, #tpu.memory_space<vmem>>) target(%dma_start3A_905 : memref<16x128xf32, #tpu.memory_space<vmem_shared>>) target_semaphore(%arg13 : memref<!tpu.dma_semaphore, #tpu.memory_space<semaphore_mem>>)
    %add3A_906 = arith.constant 368 : i32
    %add3A_907 = arith.addi %mul3A_0, %add3A_906 : i32
    %dma_start3A_908 = arith.constant 0 : i32
    %dma_start3A_909 = tpu.memref_slice %arg6[%add3A_907, %dma_start3A_908] : memref<10000x128xf32, #tpu.memory_space<vmem_shared>> -> memref<16x128xf32, #tpu.memory_space<vmem_shared>>
    %dma_start3A_910 = arith.constant 0 : i32
    %dma_start3A_911 = tpu.memref_slice %arg6[%add3A_907, %dma_start3A_910] : memref<10000x128xf32, #tpu.memory_space<vmem_shared>> -> memref<16x128xf32, #tpu.memory_space<vmem_shared>>
    tpu.enqueue_dma source(%arg10 : memref<16x128xf32, #tpu.memory_space<vmem>>) target(%dma_start3A_911 : memref<16x128xf32, #tpu.memory_space<vmem_shared>>) target_semaphore(%arg13 : memref<!tpu.dma_semaphore, #tpu.memory_space<semaphore_mem>>)
    %add3A_912 = arith.constant 384 : i32
    %add3A_913 = arith.addi %mul3A_0, %add3A_912 : i32
    %dma_start3A_914 = arith.constant 0 : i32
    %dma_start3A_915 = tpu.memref_slice %arg6[%add3A_913, %dma_start3A_914] : memref<10000x128xf32, #tpu.memory_space<vmem_shared>> -> memref<16x128xf32, #tpu.memory_space<vmem_shared>>
    %dma_start3A_916 = arith.constant 0 : i32
    %dma_start3A_917 = tpu.memref_slice %arg6[%add3A_913, %dma_start3A_916] : memref<10000x128xf32, #tpu.memory_space<vmem_shared>> -> memref<16x128xf32, #tpu.memory_space<vmem_shared>>
    tpu.enqueue_dma source(%arg10 : memref<16x128xf32, #tpu.memory_space<vmem>>) target(%dma_start3A_917 : memref<16x128xf32, #tpu.memory_space<vmem_shared>>) target_semaphore(%arg13 : memref<!tpu.dma_semaphore, #tpu.memory_space<semaphore_mem>>)
    %add3A_918 = arith.constant 400 : i32
    %add3A_919 = arith.addi %mul3A_0, %add3A_918 : i32
    %dma_start3A_920 = arith.constant 0 : i32
    %dma_start3A_921 = tpu.memref_slice %arg6[%add3A_919, %dma_start3A_920] : memref<10000x128xf32, #tpu.memory_space<vmem_shared>> -> memref<16x128xf32, #tpu.memory_space<vmem_shared>>
    %dma_start3A_922 = arith.constant 0 : i32
    %dma_start3A_923 = tpu.memref_slice %arg6[%add3A_919, %dma_start3A_922] : memref<10000x128xf32, #tpu.memory_space<vmem_shared>> -> memref<16x128xf32, #tpu.memory_space<vmem_shared>>
    tpu.enqueue_dma source(%arg10 : memref<16x128xf32, #tpu.memory_space<vmem>>) target(%dma_start3A_923 : memref<16x128xf32, #tpu.memory_space<vmem_shared>>) target_semaphore(%arg13 : memref<!tpu.dma_semaphore, #tpu.memory_space<semaphore_mem>>)
    %add3A_924 = arith.constant 416 : i32
    %add3A_925 = arith.addi %mul3A_0, %add3A_924 : i32
    %dma_start3A_926 = arith.constant 0 : i32
    %dma_start3A_927 = tpu.memref_slice %arg6[%add3A_925, %dma_start3A_926] : memref<10000x128xf32, #tpu.memory_space<vmem_shared>> -> memref<16x128xf32, #tpu.memory_space<vmem_shared>>
    %dma_start3A_928 = arith.constant 0 : i32
    %dma_start3A_929 = tpu.memref_slice %arg6[%add3A_925, %dma_start3A_928] : memref<10000x128xf32, #tpu.memory_space<vmem_shared>> -> memref<16x128xf32, #tpu.memory_space<vmem_shared>>
    tpu.enqueue_dma source(%arg10 : memref<16x128xf32, #tpu.memory_space<vmem>>) target(%dma_start3A_929 : memref<16x128xf32, #tpu.memory_space<vmem_shared>>) target_semaphore(%arg13 : memref<!tpu.dma_semaphore, #tpu.memory_space<semaphore_mem>>)
    %add3A_930 = arith.constant 432 : i32
    %add3A_931 = arith.addi %mul3A_0, %add3A_930 : i32
    %dma_start3A_932 = arith.constant 0 : i32
    %dma_start3A_933 = tpu.memref_slice %arg6[%add3A_931, %dma_start3A_932] : memref<10000x128xf32, #tpu.memory_space<vmem_shared>> -> memref<16x128xf32, #tpu.memory_space<vmem_shared>>
    %dma_start3A_934 = arith.constant 0 : i32
    %dma_start3A_935 = tpu.memref_slice %arg6[%add3A_931, %dma_start3A_934] : memref<10000x128xf32, #tpu.memory_space<vmem_shared>> -> memref<16x128xf32, #tpu.memory_space<vmem_shared>>
    tpu.enqueue_dma source(%arg10 : memref<16x128xf32, #tpu.memory_space<vmem>>) target(%dma_start3A_935 : memref<16x128xf32, #tpu.memory_space<vmem_shared>>) target_semaphore(%arg13 : memref<!tpu.dma_semaphore, #tpu.memory_space<semaphore_mem>>)
    %add3A_936 = arith.constant 448 : i32
    %add3A_937 = arith.addi %mul3A_0, %add3A_936 : i32
    %dma_start3A_938 = arith.constant 0 : i32
    %dma_start3A_939 = tpu.memref_slice %arg6[%add3A_937, %dma_start3A_938] : memref<10000x128xf32, #tpu.memory_space<vmem_shared>> -> memref<16x128xf32, #tpu.memory_space<vmem_shared>>
    %dma_start3A_940 = arith.constant 0 : i32
    %dma_start3A_941 = tpu.memref_slice %arg6[%add3A_937, %dma_start3A_940] : memref<10000x128xf32, #tpu.memory_space<vmem_shared>> -> memref<16x128xf32, #tpu.memory_space<vmem_shared>>
    tpu.enqueue_dma source(%arg10 : memref<16x128xf32, #tpu.memory_space<vmem>>) target(%dma_start3A_941 : memref<16x128xf32, #tpu.memory_space<vmem_shared>>) target_semaphore(%arg13 : memref<!tpu.dma_semaphore, #tpu.memory_space<semaphore_mem>>)
    %add3A_942 = arith.constant 464 : i32
    %add3A_943 = arith.addi %mul3A_0, %add3A_942 : i32
    %dma_start3A_944 = arith.constant 0 : i32
    %dma_start3A_945 = tpu.memref_slice %arg6[%add3A_943, %dma_start3A_944] : memref<10000x128xf32, #tpu.memory_space<vmem_shared>> -> memref<16x128xf32, #tpu.memory_space<vmem_shared>>
    %dma_start3A_946 = arith.constant 0 : i32
    %dma_start3A_947 = tpu.memref_slice %arg6[%add3A_943, %dma_start3A_946] : memref<10000x128xf32, #tpu.memory_space<vmem_shared>> -> memref<16x128xf32, #tpu.memory_space<vmem_shared>>
    tpu.enqueue_dma source(%arg10 : memref<16x128xf32, #tpu.memory_space<vmem>>) target(%dma_start3A_947 : memref<16x128xf32, #tpu.memory_space<vmem_shared>>) target_semaphore(%arg13 : memref<!tpu.dma_semaphore, #tpu.memory_space<semaphore_mem>>)
    %add3A_948 = arith.constant 480 : i32
    %add3A_949 = arith.addi %mul3A_0, %add3A_948 : i32
    %dma_start3A_950 = arith.constant 0 : i32
    %dma_start3A_951 = tpu.memref_slice %arg6[%add3A_949, %dma_start3A_950] : memref<10000x128xf32, #tpu.memory_space<vmem_shared>> -> memref<16x128xf32, #tpu.memory_space<vmem_shared>>
    %dma_start3A_952 = arith.constant 0 : i32
    %dma_start3A_953 = tpu.memref_slice %arg6[%add3A_949, %dma_start3A_952] : memref<10000x128xf32, #tpu.memory_space<vmem_shared>> -> memref<16x128xf32, #tpu.memory_space<vmem_shared>>
    tpu.enqueue_dma source(%arg10 : memref<16x128xf32, #tpu.memory_space<vmem>>) target(%dma_start3A_953 : memref<16x128xf32, #tpu.memory_space<vmem_shared>>) target_semaphore(%arg13 : memref<!tpu.dma_semaphore, #tpu.memory_space<semaphore_mem>>)
    %add3A_954 = arith.constant 496 : i32
    %add3A_955 = arith.addi %mul3A_0, %add3A_954 : i32
    %dma_start3A_956 = arith.constant 0 : i32
    %dma_start3A_957 = tpu.memref_slice %arg6[%add3A_955, %dma_start3A_956] : memref<10000x128xf32, #tpu.memory_space<vmem_shared>> -> memref<16x128xf32, #tpu.memory_space<vmem_shared>>
    %dma_start3A_958 = arith.constant 0 : i32
    %dma_start3A_959 = tpu.memref_slice %arg6[%add3A_955, %dma_start3A_958] : memref<10000x128xf32, #tpu.memory_space<vmem_shared>> -> memref<16x128xf32, #tpu.memory_space<vmem_shared>>
    tpu.enqueue_dma source(%arg10 : memref<16x128xf32, #tpu.memory_space<vmem>>) target(%dma_start3A_959 : memref<16x128xf32, #tpu.memory_space<vmem_shared>>) target_semaphore(%arg13 : memref<!tpu.dma_semaphore, #tpu.memory_space<semaphore_mem>>)
    %add3A_960 = arith.constant 512 : i32
    %add3A_961 = arith.addi %mul3A_0, %add3A_960 : i32
    %dma_start3A_962 = arith.constant 0 : i32
    %dma_start3A_963 = tpu.memref_slice %arg6[%add3A_961, %dma_start3A_962] : memref<10000x128xf32, #tpu.memory_space<vmem_shared>> -> memref<16x128xf32, #tpu.memory_space<vmem_shared>>
    %dma_start3A_964 = arith.constant 0 : i32
    %dma_start3A_965 = tpu.memref_slice %arg6[%add3A_961, %dma_start3A_964] : memref<10000x128xf32, #tpu.memory_space<vmem_shared>> -> memref<16x128xf32, #tpu.memory_space<vmem_shared>>
    tpu.enqueue_dma source(%arg10 : memref<16x128xf32, #tpu.memory_space<vmem>>) target(%dma_start3A_965 : memref<16x128xf32, #tpu.memory_space<vmem_shared>>) target_semaphore(%arg13 : memref<!tpu.dma_semaphore, #tpu.memory_space<semaphore_mem>>)
    %add3A_966 = arith.constant 528 : i32
    %add3A_967 = arith.addi %mul3A_0, %add3A_966 : i32
    %dma_start3A_968 = arith.constant 0 : i32
    %dma_start3A_969 = tpu.memref_slice %arg6[%add3A_967, %dma_start3A_968] : memref<10000x128xf32, #tpu.memory_space<vmem_shared>> -> memref<16x128xf32, #tpu.memory_space<vmem_shared>>
    %dma_start3A_970 = arith.constant 0 : i32
    %dma_start3A_971 = tpu.memref_slice %arg6[%add3A_967, %dma_start3A_970] : memref<10000x128xf32, #tpu.memory_space<vmem_shared>> -> memref<16x128xf32, #tpu.memory_space<vmem_shared>>
    tpu.enqueue_dma source(%arg10 : memref<16x128xf32, #tpu.memory_space<vmem>>) target(%dma_start3A_971 : memref<16x128xf32, #tpu.memory_space<vmem_shared>>) target_semaphore(%arg13 : memref<!tpu.dma_semaphore, #tpu.memory_space<semaphore_mem>>)
    %add3A_972 = arith.constant 544 : i32
    %add3A_973 = arith.addi %mul3A_0, %add3A_972 : i32
    %dma_start3A_974 = arith.constant 0 : i32
    %dma_start3A_975 = tpu.memref_slice %arg6[%add3A_973, %dma_start3A_974] : memref<10000x128xf32, #tpu.memory_space<vmem_shared>> -> memref<16x128xf32, #tpu.memory_space<vmem_shared>>
    %dma_start3A_976 = arith.constant 0 : i32
    %dma_start3A_977 = tpu.memref_slice %arg6[%add3A_973, %dma_start3A_976] : memref<10000x128xf32, #tpu.memory_space<vmem_shared>> -> memref<16x128xf32, #tpu.memory_space<vmem_shared>>
    tpu.enqueue_dma source(%arg10 : memref<16x128xf32, #tpu.memory_space<vmem>>) target(%dma_start3A_977 : memref<16x128xf32, #tpu.memory_space<vmem_shared>>) target_semaphore(%arg13 : memref<!tpu.dma_semaphore, #tpu.memory_space<semaphore_mem>>)
    %add3A_978 = arith.constant 560 : i32
    %add3A_979 = arith.addi %mul3A_0, %add3A_978 : i32
    %dma_start3A_980 = arith.constant 0 : i32
    %dma_start3A_981 = tpu.memref_slice %arg6[%add3A_979, %dma_start3A_980] : memref<10000x128xf32, #tpu.memory_space<vmem_shared>> -> memref<16x128xf32, #tpu.memory_space<vmem_shared>>
    %dma_start3A_982 = arith.constant 0 : i32
    %dma_start3A_983 = tpu.memref_slice %arg6[%add3A_979, %dma_start3A_982] : memref<10000x128xf32, #tpu.memory_space<vmem_shared>> -> memref<16x128xf32, #tpu.memory_space<vmem_shared>>
    tpu.enqueue_dma source(%arg10 : memref<16x128xf32, #tpu.memory_space<vmem>>) target(%dma_start3A_983 : memref<16x128xf32, #tpu.memory_space<vmem_shared>>) target_semaphore(%arg13 : memref<!tpu.dma_semaphore, #tpu.memory_space<semaphore_mem>>)
    %add3A_984 = arith.constant 576 : i32
    %add3A_985 = arith.addi %mul3A_0, %add3A_984 : i32
    %dma_start3A_986 = arith.constant 0 : i32
    %dma_start3A_987 = tpu.memref_slice %arg6[%add3A_985, %dma_start3A_986] : memref<10000x128xf32, #tpu.memory_space<vmem_shared>> -> memref<16x128xf32, #tpu.memory_space<vmem_shared>>
    %dma_start3A_988 = arith.constant 0 : i32
    %dma_start3A_989 = tpu.memref_slice %arg6[%add3A_985, %dma_start3A_988] : memref<10000x128xf32, #tpu.memory_space<vmem_shared>> -> memref<16x128xf32, #tpu.memory_space<vmem_shared>>
    tpu.enqueue_dma source(%arg10 : memref<16x128xf32, #tpu.memory_space<vmem>>) target(%dma_start3A_989 : memref<16x128xf32, #tpu.memory_space<vmem_shared>>) target_semaphore(%arg13 : memref<!tpu.dma_semaphore, #tpu.memory_space<semaphore_mem>>)
    %add3A_990 = arith.constant 592 : i32
    %add3A_991 = arith.addi %mul3A_0, %add3A_990 : i32
    %dma_start3A_992 = arith.constant 0 : i32
    %dma_start3A_993 = tpu.memref_slice %arg6[%add3A_991, %dma_start3A_992] : memref<10000x128xf32, #tpu.memory_space<vmem_shared>> -> memref<16x128xf32, #tpu.memory_space<vmem_shared>>
    %dma_start3A_994 = arith.constant 0 : i32
    %dma_start3A_995 = tpu.memref_slice %arg6[%add3A_991, %dma_start3A_994] : memref<10000x128xf32, #tpu.memory_space<vmem_shared>> -> memref<16x128xf32, #tpu.memory_space<vmem_shared>>
    tpu.enqueue_dma source(%arg10 : memref<16x128xf32, #tpu.memory_space<vmem>>) target(%dma_start3A_995 : memref<16x128xf32, #tpu.memory_space<vmem_shared>>) target_semaphore(%arg13 : memref<!tpu.dma_semaphore, #tpu.memory_space<semaphore_mem>>)
    %add3A_996 = arith.constant 608 : i32
    %add3A_997 = arith.addi %mul3A_0, %add3A_996 : i32
    %dma_start3A_998 = arith.constant 0 : i32
    %dma_start3A_999 = tpu.memref_slice %arg6[%add3A_997, %dma_start3A_998] : memref<10000x128xf32, #tpu.memory_space<vmem_shared>> -> memref<16x128xf32, #tpu.memory_space<vmem_shared>>
    %dma_start3A_1000 = arith.constant 0 : i32
    %dma_start3A_1001 = tpu.memref_slice %arg6[%add3A_997, %dma_start3A_1000] : memref<10000x128xf32, #tpu.memory_space<vmem_shared>> -> memref<16x128xf32, #tpu.memory_space<vmem_shared>>
    tpu.enqueue_dma source(%arg10 : memref<16x128xf32, #tpu.memory_space<vmem>>) target(%dma_start3A_1001 : memref<16x128xf32, #tpu.memory_space<vmem_shared>>) target_semaphore(%arg13 : memref<!tpu.dma_semaphore, #tpu.memory_space<semaphore_mem>>)
    %eq3A_1002 = arith.constant 15 : i32
    %eq3A_1003 = arith.cmpi eq, %arg1, %eq3A_1002 : i32
    %convert_element_type3A_1004 = arith.extui %eq3A_1003 : i1 to i32
    %cond3A_1005 = arith.constant 0 : i32
    %cond3A_1006 = arith.cmpi ne, %convert_element_type3A_1004, %cond3A_1005 : i32
    scf.if %cond3A_1006 {
      %dma_start3A_1489 = arith.constant 0 : i32
      %dma_start3A_1490 = arith.constant 0 : i32
      %dma_start3A_1491 = tpu.memref_slice %arg10[%dma_start3A_1489, %dma_start3A_1490] : memref<16x128xf32, #tpu.memory_space<vmem>> -> memref<16x128xf32, #tpu.memory_space<vmem>>
      %dma_start3A_1492 = arith.constant 9984 : i32
      %dma_start3A_1493 = arith.constant 0 : i32
      %dma_start3A_1494 = tpu.memref_slice %arg6[%dma_start3A_1492, %dma_start3A_1493] : memref<10000x128xf32, #tpu.memory_space<vmem_shared>> -> memref<16x128xf32, #tpu.memory_space<vmem_shared>>
      %dma_start3A_1495 = arith.constant 9984 : i32
      %dma_start3A_1496 = arith.constant 0 : i32
      %dma_start3A_1497 = tpu.memref_slice %arg6[%dma_start3A_1495, %dma_start3A_1496] : memref<10000x128xf32, #tpu.memory_space<vmem_shared>> -> memref<16x128xf32, #tpu.memory_space<vmem_shared>>
      %dma_start3A_1498 = arith.constant 0 : i32
      %dma_start3A_1499 = arith.constant 0 : i32
      %dma_start3A_1500 = tpu.memref_slice %arg10[%dma_start3A_1498, %dma_start3A_1499] : memref<16x128xf32, #tpu.memory_space<vmem>> -> memref<16x128xf32, #tpu.memory_space<vmem>>
      tpu.enqueue_dma source(%dma_start3A_1500 : memref<16x128xf32, #tpu.memory_space<vmem>>) target(%dma_start3A_1497 : memref<16x128xf32, #tpu.memory_space<vmem_shared>>) target_semaphore(%arg13 : memref<!tpu.dma_semaphore, #tpu.memory_space<semaphore_mem>>)
    } else {
    }
    %mul3A_1007 = arith.constant 4992 : i32
    %mul3A_1008 = arith.muli %mul3A_1007, %arg1 : i32
    %dma_wait3A_1009 = arith.constant 0 : i32
    %dma_wait3A_1010 = arith.constant 0 : i32
    %dma_wait3A_1011 = tpu.memref_slice %arg3[%add3A_767, %dma_wait3A_1009, %mul3A_1008] : memref<4x2x80000xi32, #tpu.memory_space<hbm>> -> memref<1x1x5120xi32, #tpu.memory_space<hbm>>
    %dma_wait3A_1012 = tpu.memref_squeeze %dma_wait3A_1011 : memref<1x1x5120xi32, #tpu.memory_space<hbm>> -> memref<5120xi32, #tpu.memory_space<hbm>>
    %dma_wait3A_1013 = tpu.memref_slice %arg11[%dma_wait3A_1010] : memref<7x!tpu.dma_semaphore, #tpu.memory_space<semaphore_mem>> -> memref<1x!tpu.dma_semaphore, #tpu.memory_space<semaphore_mem>>
    %dma_wait3A_1014 = tpu.memref_squeeze %dma_wait3A_1013 : memref<1x!tpu.dma_semaphore, #tpu.memory_space<semaphore_mem>> -> memref<!tpu.dma_semaphore, #tpu.memory_space<semaphore_mem>>
    %dma_wait3A_1015 = tpu.memref_slice %arg3[%add3A_767, %dma_wait3A_1009, %mul3A_1008] : memref<4x2x80000xi32, #tpu.memory_space<hbm>> -> memref<1x1x5120xi32, #tpu.memory_space<hbm>>
    %dma_wait3A_1016 = tpu.memref_squeeze %dma_wait3A_1015 : memref<1x1x5120xi32, #tpu.memory_space<hbm>> -> memref<5120xi32, #tpu.memory_space<hbm>>
    tpu.wait_dma2 semaphore(%dma_wait3A_1014 : memref<!tpu.dma_semaphore, #tpu.memory_space<semaphore_mem>>) src(%dma_wait3A_1016 : memref<5120xi32, #tpu.memory_space<hbm>>) dst(%arg7 : memref<5120xi32, #tpu.memory_space<vmem>>)
    %mul3A_1017 = arith.constant 4992 : i32
    %mul3A_1018 = arith.muli %mul3A_1017, %arg1 : i32
    %dma_wait3A_1019 = arith.constant 1 : i32
    %dma_wait3A_1020 = arith.constant 1 : i32
    %dma_wait3A_1021 = tpu.memref_slice %arg3[%add3A_767, %dma_wait3A_1019, %mul3A_1018] : memref<4x2x80000xi32, #tpu.memory_space<hbm>> -> memref<1x1x5120xi32, #tpu.memory_space<hbm>>
    %dma_wait3A_1022 = tpu.memref_squeeze %dma_wait3A_1021 : memref<1x1x5120xi32, #tpu.memory_space<hbm>> -> memref<5120xi32, #tpu.memory_space<hbm>>
    %dma_wait3A_1023 = tpu.memref_slice %arg11[%dma_wait3A_1020] : memref<7x!tpu.dma_semaphore, #tpu.memory_space<semaphore_mem>> -> memref<1x!tpu.dma_semaphore, #tpu.memory_space<semaphore_mem>>
    %dma_wait3A_1024 = tpu.memref_squeeze %dma_wait3A_1023 : memref<1x!tpu.dma_semaphore, #tpu.memory_space<semaphore_mem>> -> memref<!tpu.dma_semaphore, #tpu.memory_space<semaphore_mem>>
    %dma_wait3A_1025 = tpu.memref_slice %arg3[%add3A_767, %dma_wait3A_1019, %mul3A_1018] : memref<4x2x80000xi32, #tpu.memory_space<hbm>> -> memref<1x1x5120xi32, #tpu.memory_space<hbm>>
    %dma_wait3A_1026 = tpu.memref_squeeze %dma_wait3A_1025 : memref<1x1x5120xi32, #tpu.memory_space<hbm>> -> memref<5120xi32, #tpu.memory_space<hbm>>
    tpu.wait_dma2 semaphore(%dma_wait3A_1024 : memref<!tpu.dma_semaphore, #tpu.memory_space<semaphore_mem>>) src(%dma_wait3A_1026 : memref<5120xi32, #tpu.memory_space<hbm>>) dst(%arg8 : memref<5120xi32, #tpu.memory_space<vmem>>)
    %add3A_1027 = arith.constant 0 : i32
    %add3A_1028 = arith.addi %mul3A_0, %add3A_1027 : i32
    %dma_wait3A_1029 = arith.constant 0 : i32
    %dma_wait3A_1030 = tpu.memref_slice %arg6[%add3A_1028, %dma_wait3A_1029] : memref<10000x128xf32, #tpu.memory_space<vmem_shared>> -> memref<16x128xf32, #tpu.memory_space<vmem_shared>>
    %dma_wait3A_1031 = arith.constant 0 : i32
    %dma_wait3A_1032 = tpu.memref_slice %arg6[%add3A_1028, %dma_wait3A_1031] : memref<10000x128xf32, #tpu.memory_space<vmem_shared>> -> memref<16x128xf32, #tpu.memory_space<vmem_shared>>
    tpu.wait_dma2 semaphore(%arg13 : memref<!tpu.dma_semaphore, #tpu.memory_space<semaphore_mem>>) src(%arg10 : memref<16x128xf32, #tpu.memory_space<vmem>>) dst(%dma_wait3A_1032 : memref<16x128xf32, #tpu.memory_space<vmem_shared>>)
    %add3A_1033 = arith.constant 16 : i32
    %add3A_1034 = arith.addi %mul3A_0, %add3A_1033 : i32
    %dma_wait3A_1035 = arith.constant 0 : i32
    %dma_wait3A_1036 = tpu.memref_slice %arg6[%add3A_1034, %dma_wait3A_1035] : memref<10000x128xf32, #tpu.memory_space<vmem_shared>> -> memref<16x128xf32, #tpu.memory_space<vmem_shared>>
    %dma_wait3A_1037 = arith.constant 0 : i32
    %dma_wait3A_1038 = tpu.memref_slice %arg6[%add3A_1034, %dma_wait3A_1037] : memref<10000x128xf32, #tpu.memory_space<vmem_shared>> -> memref<16x128xf32, #tpu.memory_space<vmem_shared>>
    tpu.wait_dma2 semaphore(%arg13 : memref<!tpu.dma_semaphore, #tpu.memory_space<semaphore_mem>>) src(%arg10 : memref<16x128xf32, #tpu.memory_space<vmem>>) dst(%dma_wait3A_1038 : memref<16x128xf32, #tpu.memory_space<vmem_shared>>)
    %add3A_1039 = arith.constant 32 : i32
    %add3A_1040 = arith.addi %mul3A_0, %add3A_1039 : i32
    %dma_wait3A_1041 = arith.constant 0 : i32
    %dma_wait3A_1042 = tpu.memref_slice %arg6[%add3A_1040, %dma_wait3A_1041] : memref<10000x128xf32, #tpu.memory_space<vmem_shared>> -> memref<16x128xf32, #tpu.memory_space<vmem_shared>>
    %dma_wait3A_1043 = arith.constant 0 : i32
    %dma_wait3A_1044 = tpu.memref_slice %arg6[%add3A_1040, %dma_wait3A_1043] : memref<10000x128xf32, #tpu.memory_space<vmem_shared>> -> memref<16x128xf32, #tpu.memory_space<vmem_shared>>
    tpu.wait_dma2 semaphore(%arg13 : memref<!tpu.dma_semaphore, #tpu.memory_space<semaphore_mem>>) src(%arg10 : memref<16x128xf32, #tpu.memory_space<vmem>>) dst(%dma_wait3A_1044 : memref<16x128xf32, #tpu.memory_space<vmem_shared>>)
    %add3A_1045 = arith.constant 48 : i32
    %add3A_1046 = arith.addi %mul3A_0, %add3A_1045 : i32
    %dma_wait3A_1047 = arith.constant 0 : i32
    %dma_wait3A_1048 = tpu.memref_slice %arg6[%add3A_1046, %dma_wait3A_1047] : memref<10000x128xf32, #tpu.memory_space<vmem_shared>> -> memref<16x128xf32, #tpu.memory_space<vmem_shared>>
    %dma_wait3A_1049 = arith.constant 0 : i32
    %dma_wait3A_1050 = tpu.memref_slice %arg6[%add3A_1046, %dma_wait3A_1049] : memref<10000x128xf32, #tpu.memory_space<vmem_shared>> -> memref<16x128xf32, #tpu.memory_space<vmem_shared>>
    tpu.wait_dma2 semaphore(%arg13 : memref<!tpu.dma_semaphore, #tpu.memory_space<semaphore_mem>>) src(%arg10 : memref<16x128xf32, #tpu.memory_space<vmem>>) dst(%dma_wait3A_1050 : memref<16x128xf32, #tpu.memory_space<vmem_shared>>)
    %add3A_1051 = arith.constant 64 : i32
    %add3A_1052 = arith.addi %mul3A_0, %add3A_1051 : i32
    %dma_wait3A_1053 = arith.constant 0 : i32
    %dma_wait3A_1054 = tpu.memref_slice %arg6[%add3A_1052, %dma_wait3A_1053] : memref<10000x128xf32, #tpu.memory_space<vmem_shared>> -> memref<16x128xf32, #tpu.memory_space<vmem_shared>>
    %dma_wait3A_1055 = arith.constant 0 : i32
    %dma_wait3A_1056 = tpu.memref_slice %arg6[%add3A_1052, %dma_wait3A_1055] : memref<10000x128xf32, #tpu.memory_space<vmem_shared>> -> memref<16x128xf32, #tpu.memory_space<vmem_shared>>
    tpu.wait_dma2 semaphore(%arg13 : memref<!tpu.dma_semaphore, #tpu.memory_space<semaphore_mem>>) src(%arg10 : memref<16x128xf32, #tpu.memory_space<vmem>>) dst(%dma_wait3A_1056 : memref<16x128xf32, #tpu.memory_space<vmem_shared>>)
    %add3A_1057 = arith.constant 80 : i32
    %add3A_1058 = arith.addi %mul3A_0, %add3A_1057 : i32
    %dma_wait3A_1059 = arith.constant 0 : i32
    %dma_wait3A_1060 = tpu.memref_slice %arg6[%add3A_1058, %dma_wait3A_1059] : memref<10000x128xf32, #tpu.memory_space<vmem_shared>> -> memref<16x128xf32, #tpu.memory_space<vmem_shared>>
    %dma_wait3A_1061 = arith.constant 0 : i32
    %dma_wait3A_1062 = tpu.memref_slice %arg6[%add3A_1058, %dma_wait3A_1061] : memref<10000x128xf32, #tpu.memory_space<vmem_shared>> -> memref<16x128xf32, #tpu.memory_space<vmem_shared>>
    tpu.wait_dma2 semaphore(%arg13 : memref<!tpu.dma_semaphore, #tpu.memory_space<semaphore_mem>>) src(%arg10 : memref<16x128xf32, #tpu.memory_space<vmem>>) dst(%dma_wait3A_1062 : memref<16x128xf32, #tpu.memory_space<vmem_shared>>)
    %add3A_1063 = arith.constant 96 : i32
    %add3A_1064 = arith.addi %mul3A_0, %add3A_1063 : i32
    %dma_wait3A_1065 = arith.constant 0 : i32
    %dma_wait3A_1066 = tpu.memref_slice %arg6[%add3A_1064, %dma_wait3A_1065] : memref<10000x128xf32, #tpu.memory_space<vmem_shared>> -> memref<16x128xf32, #tpu.memory_space<vmem_shared>>
    %dma_wait3A_1067 = arith.constant 0 : i32
    %dma_wait3A_1068 = tpu.memref_slice %arg6[%add3A_1064, %dma_wait3A_1067] : memref<10000x128xf32, #tpu.memory_space<vmem_shared>> -> memref<16x128xf32, #tpu.memory_space<vmem_shared>>
    tpu.wait_dma2 semaphore(%arg13 : memref<!tpu.dma_semaphore, #tpu.memory_space<semaphore_mem>>) src(%arg10 : memref<16x128xf32, #tpu.memory_space<vmem>>) dst(%dma_wait3A_1068 : memref<16x128xf32, #tpu.memory_space<vmem_shared>>)
    %add3A_1069 = arith.constant 112 : i32
    %add3A_1070 = arith.addi %mul3A_0, %add3A_1069 : i32
    %dma_wait3A_1071 = arith.constant 0 : i32
    %dma_wait3A_1072 = tpu.memref_slice %arg6[%add3A_1070, %dma_wait3A_1071] : memref<10000x128xf32, #tpu.memory_space<vmem_shared>> -> memref<16x128xf32, #tpu.memory_space<vmem_shared>>
    %dma_wait3A_1073 = arith.constant 0 : i32
    %dma_wait3A_1074 = tpu.memref_slice %arg6[%add3A_1070, %dma_wait3A_1073] : memref<10000x128xf32, #tpu.memory_space<vmem_shared>> -> memref<16x128xf32, #tpu.memory_space<vmem_shared>>
    tpu.wait_dma2 semaphore(%arg13 : memref<!tpu.dma_semaphore, #tpu.memory_space<semaphore_mem>>) src(%arg10 : memref<16x128xf32, #tpu.memory_space<vmem>>) dst(%dma_wait3A_1074 : memref<16x128xf32, #tpu.memory_space<vmem_shared>>)
    %add3A_1075 = arith.constant 128 : i32
    %add3A_1076 = arith.addi %mul3A_0, %add3A_1075 : i32
    %dma_wait3A_1077 = arith.constant 0 : i32
    %dma_wait3A_1078 = tpu.memref_slice %arg6[%add3A_1076, %dma_wait3A_1077] : memref<10000x128xf32, #tpu.memory_space<vmem_shared>> -> memref<16x128xf32, #tpu.memory_space<vmem_shared>>
    %dma_wait3A_1079 = arith.constant 0 : i32
    %dma_wait3A_1080 = tpu.memref_slice %arg6[%add3A_1076, %dma_wait3A_1079] : memref<10000x128xf32, #tpu.memory_space<vmem_shared>> -> memref<16x128xf32, #tpu.memory_space<vmem_shared>>
    tpu.wait_dma2 semaphore(%arg13 : memref<!tpu.dma_semaphore, #tpu.memory_space<semaphore_mem>>) src(%arg10 : memref<16x128xf32, #tpu.memory_space<vmem>>) dst(%dma_wait3A_1080 : memref<16x128xf32, #tpu.memory_space<vmem_shared>>)
    %add3A_1081 = arith.constant 144 : i32
    %add3A_1082 = arith.addi %mul3A_0, %add3A_1081 : i32
    %dma_wait3A_1083 = arith.constant 0 : i32
    %dma_wait3A_1084 = tpu.memref_slice %arg6[%add3A_1082, %dma_wait3A_1083] : memref<10000x128xf32, #tpu.memory_space<vmem_shared>> -> memref<16x128xf32, #tpu.memory_space<vmem_shared>>
    %dma_wait3A_1085 = arith.constant 0 : i32
    %dma_wait3A_1086 = tpu.memref_slice %arg6[%add3A_1082, %dma_wait3A_1085] : memref<10000x128xf32, #tpu.memory_space<vmem_shared>> -> memref<16x128xf32, #tpu.memory_space<vmem_shared>>
    tpu.wait_dma2 semaphore(%arg13 : memref<!tpu.dma_semaphore, #tpu.memory_space<semaphore_mem>>) src(%arg10 : memref<16x128xf32, #tpu.memory_space<vmem>>) dst(%dma_wait3A_1086 : memref<16x128xf32, #tpu.memory_space<vmem_shared>>)
    %add3A_1087 = arith.constant 160 : i32
    %add3A_1088 = arith.addi %mul3A_0, %add3A_1087 : i32
    %dma_wait3A_1089 = arith.constant 0 : i32
    %dma_wait3A_1090 = tpu.memref_slice %arg6[%add3A_1088, %dma_wait3A_1089] : memref<10000x128xf32, #tpu.memory_space<vmem_shared>> -> memref<16x128xf32, #tpu.memory_space<vmem_shared>>
    %dma_wait3A_1091 = arith.constant 0 : i32
    %dma_wait3A_1092 = tpu.memref_slice %arg6[%add3A_1088, %dma_wait3A_1091] : memref<10000x128xf32, #tpu.memory_space<vmem_shared>> -> memref<16x128xf32, #tpu.memory_space<vmem_shared>>
    tpu.wait_dma2 semaphore(%arg13 : memref<!tpu.dma_semaphore, #tpu.memory_space<semaphore_mem>>) src(%arg10 : memref<16x128xf32, #tpu.memory_space<vmem>>) dst(%dma_wait3A_1092 : memref<16x128xf32, #tpu.memory_space<vmem_shared>>)
    %add3A_1093 = arith.constant 176 : i32
    %add3A_1094 = arith.addi %mul3A_0, %add3A_1093 : i32
    %dma_wait3A_1095 = arith.constant 0 : i32
    %dma_wait3A_1096 = tpu.memref_slice %arg6[%add3A_1094, %dma_wait3A_1095] : memref<10000x128xf32, #tpu.memory_space<vmem_shared>> -> memref<16x128xf32, #tpu.memory_space<vmem_shared>>
    %dma_wait3A_1097 = arith.constant 0 : i32
    %dma_wait3A_1098 = tpu.memref_slice %arg6[%add3A_1094, %dma_wait3A_1097] : memref<10000x128xf32, #tpu.memory_space<vmem_shared>> -> memref<16x128xf32, #tpu.memory_space<vmem_shared>>
    tpu.wait_dma2 semaphore(%arg13 : memref<!tpu.dma_semaphore, #tpu.memory_space<semaphore_mem>>) src(%arg10 : memref<16x128xf32, #tpu.memory_space<vmem>>) dst(%dma_wait3A_1098 : memref<16x128xf32, #tpu.memory_space<vmem_shared>>)
    %add3A_1099 = arith.constant 192 : i32
    %add3A_1100 = arith.addi %mul3A_0, %add3A_1099 : i32
    %dma_wait3A_1101 = arith.constant 0 : i32
    %dma_wait3A_1102 = tpu.memref_slice %arg6[%add3A_1100, %dma_wait3A_1101] : memref<10000x128xf32, #tpu.memory_space<vmem_shared>> -> memref<16x128xf32, #tpu.memory_space<vmem_shared>>
    %dma_wait3A_1103 = arith.constant 0 : i32
    %dma_wait3A_1104 = tpu.memref_slice %arg6[%add3A_1100, %dma_wait3A_1103] : memref<10000x128xf32, #tpu.memory_space<vmem_shared>> -> memref<16x128xf32, #tpu.memory_space<vmem_shared>>
    tpu.wait_dma2 semaphore(%arg13 : memref<!tpu.dma_semaphore, #tpu.memory_space<semaphore_mem>>) src(%arg10 : memref<16x128xf32, #tpu.memory_space<vmem>>) dst(%dma_wait3A_1104 : memref<16x128xf32, #tpu.memory_space<vmem_shared>>)
    %add3A_1105 = arith.constant 208 : i32
    %add3A_1106 = arith.addi %mul3A_0, %add3A_1105 : i32
    %dma_wait3A_1107 = arith.constant 0 : i32
    %dma_wait3A_1108 = tpu.memref_slice %arg6[%add3A_1106, %dma_wait3A_1107] : memref<10000x128xf32, #tpu.memory_space<vmem_shared>> -> memref<16x128xf32, #tpu.memory_space<vmem_shared>>
    %dma_wait3A_1109 = arith.constant 0 : i32
    %dma_wait3A_1110 = tpu.memref_slice %arg6[%add3A_1106, %dma_wait3A_1109] : memref<10000x128xf32, #tpu.memory_space<vmem_shared>> -> memref<16x128xf32, #tpu.memory_space<vmem_shared>>
    tpu.wait_dma2 semaphore(%arg13 : memref<!tpu.dma_semaphore, #tpu.memory_space<semaphore_mem>>) src(%arg10 : memref<16x128xf32, #tpu.memory_space<vmem>>) dst(%dma_wait3A_1110 : memref<16x128xf32, #tpu.memory_space<vmem_shared>>)
    %add3A_1111 = arith.constant 224 : i32
    %add3A_1112 = arith.addi %mul3A_0, %add3A_1111 : i32
    %dma_wait3A_1113 = arith.constant 0 : i32
    %dma_wait3A_1114 = tpu.memref_slice %arg6[%add3A_1112, %dma_wait3A_1113] : memref<10000x128xf32, #tpu.memory_space<vmem_shared>> -> memref<16x128xf32, #tpu.memory_space<vmem_shared>>
    %dma_wait3A_1115 = arith.constant 0 : i32
    %dma_wait3A_1116 = tpu.memref_slice %arg6[%add3A_1112, %dma_wait3A_1115] : memref<10000x128xf32, #tpu.memory_space<vmem_shared>> -> memref<16x128xf32, #tpu.memory_space<vmem_shared>>
    tpu.wait_dma2 semaphore(%arg13 : memref<!tpu.dma_semaphore, #tpu.memory_space<semaphore_mem>>) src(%arg10 : memref<16x128xf32, #tpu.memory_space<vmem>>) dst(%dma_wait3A_1116 : memref<16x128xf32, #tpu.memory_space<vmem_shared>>)
    %add3A_1117 = arith.constant 240 : i32
    %add3A_1118 = arith.addi %mul3A_0, %add3A_1117 : i32
    %dma_wait3A_1119 = arith.constant 0 : i32
    %dma_wait3A_1120 = tpu.memref_slice %arg6[%add3A_1118, %dma_wait3A_1119] : memref<10000x128xf32, #tpu.memory_space<vmem_shared>> -> memref<16x128xf32, #tpu.memory_space<vmem_shared>>
    %dma_wait3A_1121 = arith.constant 0 : i32
    %dma_wait3A_1122 = tpu.memref_slice %arg6[%add3A_1118, %dma_wait3A_1121] : memref<10000x128xf32, #tpu.memory_space<vmem_shared>> -> memref<16x128xf32, #tpu.memory_space<vmem_shared>>
    tpu.wait_dma2 semaphore(%arg13 : memref<!tpu.dma_semaphore, #tpu.memory_space<semaphore_mem>>) src(%arg10 : memref<16x128xf32, #tpu.memory_space<vmem>>) dst(%dma_wait3A_1122 : memref<16x128xf32, #tpu.memory_space<vmem_shared>>)
    %add3A_1123 = arith.constant 256 : i32
    %add3A_1124 = arith.addi %mul3A_0, %add3A_1123 : i32
    %dma_wait3A_1125 = arith.constant 0 : i32
    %dma_wait3A_1126 = tpu.memref_slice %arg6[%add3A_1124, %dma_wait3A_1125] : memref<10000x128xf32, #tpu.memory_space<vmem_shared>> -> memref<16x128xf32, #tpu.memory_space<vmem_shared>>
    %dma_wait3A_1127 = arith.constant 0 : i32
    %dma_wait3A_1128 = tpu.memref_slice %arg6[%add3A_1124, %dma_wait3A_1127] : memref<10000x128xf32, #tpu.memory_space<vmem_shared>> -> memref<16x128xf32, #tpu.memory_space<vmem_shared>>
    tpu.wait_dma2 semaphore(%arg13 : memref<!tpu.dma_semaphore, #tpu.memory_space<semaphore_mem>>) src(%arg10 : memref<16x128xf32, #tpu.memory_space<vmem>>) dst(%dma_wait3A_1128 : memref<16x128xf32, #tpu.memory_space<vmem_shared>>)
    %add3A_1129 = arith.constant 272 : i32
    %add3A_1130 = arith.addi %mul3A_0, %add3A_1129 : i32
    %dma_wait3A_1131 = arith.constant 0 : i32
    %dma_wait3A_1132 = tpu.memref_slice %arg6[%add3A_1130, %dma_wait3A_1131] : memref<10000x128xf32, #tpu.memory_space<vmem_shared>> -> memref<16x128xf32, #tpu.memory_space<vmem_shared>>
    %dma_wait3A_1133 = arith.constant 0 : i32
    %dma_wait3A_1134 = tpu.memref_slice %arg6[%add3A_1130, %dma_wait3A_1133] : memref<10000x128xf32, #tpu.memory_space<vmem_shared>> -> memref<16x128xf32, #tpu.memory_space<vmem_shared>>
    tpu.wait_dma2 semaphore(%arg13 : memref<!tpu.dma_semaphore, #tpu.memory_space<semaphore_mem>>) src(%arg10 : memref<16x128xf32, #tpu.memory_space<vmem>>) dst(%dma_wait3A_1134 : memref<16x128xf32, #tpu.memory_space<vmem_shared>>)
    %add3A_1135 = arith.constant 288 : i32
    %add3A_1136 = arith.addi %mul3A_0, %add3A_1135 : i32
    %dma_wait3A_1137 = arith.constant 0 : i32
    %dma_wait3A_1138 = tpu.memref_slice %arg6[%add3A_1136, %dma_wait3A_1137] : memref<10000x128xf32, #tpu.memory_space<vmem_shared>> -> memref<16x128xf32, #tpu.memory_space<vmem_shared>>
    %dma_wait3A_1139 = arith.constant 0 : i32
    %dma_wait3A_1140 = tpu.memref_slice %arg6[%add3A_1136, %dma_wait3A_1139] : memref<10000x128xf32, #tpu.memory_space<vmem_shared>> -> memref<16x128xf32, #tpu.memory_space<vmem_shared>>
    tpu.wait_dma2 semaphore(%arg13 : memref<!tpu.dma_semaphore, #tpu.memory_space<semaphore_mem>>) src(%arg10 : memref<16x128xf32, #tpu.memory_space<vmem>>) dst(%dma_wait3A_1140 : memref<16x128xf32, #tpu.memory_space<vmem_shared>>)
    %add3A_1141 = arith.constant 304 : i32
    %add3A_1142 = arith.addi %mul3A_0, %add3A_1141 : i32
    %dma_wait3A_1143 = arith.constant 0 : i32
    %dma_wait3A_1144 = tpu.memref_slice %arg6[%add3A_1142, %dma_wait3A_1143] : memref<10000x128xf32, #tpu.memory_space<vmem_shared>> -> memref<16x128xf32, #tpu.memory_space<vmem_shared>>
    %dma_wait3A_1145 = arith.constant 0 : i32
    %dma_wait3A_1146 = tpu.memref_slice %arg6[%add3A_1142, %dma_wait3A_1145] : memref<10000x128xf32, #tpu.memory_space<vmem_shared>> -> memref<16x128xf32, #tpu.memory_space<vmem_shared>>
    tpu.wait_dma2 semaphore(%arg13 : memref<!tpu.dma_semaphore, #tpu.memory_space<semaphore_mem>>) src(%arg10 : memref<16x128xf32, #tpu.memory_space<vmem>>) dst(%dma_wait3A_1146 : memref<16x128xf32, #tpu.memory_space<vmem_shared>>)
    %add3A_1147 = arith.constant 320 : i32
    %add3A_1148 = arith.addi %mul3A_0, %add3A_1147 : i32
    %dma_wait3A_1149 = arith.constant 0 : i32
    %dma_wait3A_1150 = tpu.memref_slice %arg6[%add3A_1148, %dma_wait3A_1149] : memref<10000x128xf32, #tpu.memory_space<vmem_shared>> -> memref<16x128xf32, #tpu.memory_space<vmem_shared>>
    %dma_wait3A_1151 = arith.constant 0 : i32
    %dma_wait3A_1152 = tpu.memref_slice %arg6[%add3A_1148, %dma_wait3A_1151] : memref<10000x128xf32, #tpu.memory_space<vmem_shared>> -> memref<16x128xf32, #tpu.memory_space<vmem_shared>>
    tpu.wait_dma2 semaphore(%arg13 : memref<!tpu.dma_semaphore, #tpu.memory_space<semaphore_mem>>) src(%arg10 : memref<16x128xf32, #tpu.memory_space<vmem>>) dst(%dma_wait3A_1152 : memref<16x128xf32, #tpu.memory_space<vmem_shared>>)
    %add3A_1153 = arith.constant 336 : i32
    %add3A_1154 = arith.addi %mul3A_0, %add3A_1153 : i32
    %dma_wait3A_1155 = arith.constant 0 : i32
    %dma_wait3A_1156 = tpu.memref_slice %arg6[%add3A_1154, %dma_wait3A_1155] : memref<10000x128xf32, #tpu.memory_space<vmem_shared>> -> memref<16x128xf32, #tpu.memory_space<vmem_shared>>
    %dma_wait3A_1157 = arith.constant 0 : i32
    %dma_wait3A_1158 = tpu.memref_slice %arg6[%add3A_1154, %dma_wait3A_1157] : memref<10000x128xf32, #tpu.memory_space<vmem_shared>> -> memref<16x128xf32, #tpu.memory_space<vmem_shared>>
    tpu.wait_dma2 semaphore(%arg13 : memref<!tpu.dma_semaphore, #tpu.memory_space<semaphore_mem>>) src(%arg10 : memref<16x128xf32, #tpu.memory_space<vmem>>) dst(%dma_wait3A_1158 : memref<16x128xf32, #tpu.memory_space<vmem_shared>>)
    %add3A_1159 = arith.constant 352 : i32
    %add3A_1160 = arith.addi %mul3A_0, %add3A_1159 : i32
    %dma_wait3A_1161 = arith.constant 0 : i32
    %dma_wait3A_1162 = tpu.memref_slice %arg6[%add3A_1160, %dma_wait3A_1161] : memref<10000x128xf32, #tpu.memory_space<vmem_shared>> -> memref<16x128xf32, #tpu.memory_space<vmem_shared>>
    %dma_wait3A_1163 = arith.constant 0 : i32
    %dma_wait3A_1164 = tpu.memref_slice %arg6[%add3A_1160, %dma_wait3A_1163] : memref<10000x128xf32, #tpu.memory_space<vmem_shared>> -> memref<16x128xf32, #tpu.memory_space<vmem_shared>>
    tpu.wait_dma2 semaphore(%arg13 : memref<!tpu.dma_semaphore, #tpu.memory_space<semaphore_mem>>) src(%arg10 : memref<16x128xf32, #tpu.memory_space<vmem>>) dst(%dma_wait3A_1164 : memref<16x128xf32, #tpu.memory_space<vmem_shared>>)
    %add3A_1165 = arith.constant 368 : i32
    %add3A_1166 = arith.addi %mul3A_0, %add3A_1165 : i32
    %dma_wait3A_1167 = arith.constant 0 : i32
    %dma_wait3A_1168 = tpu.memref_slice %arg6[%add3A_1166, %dma_wait3A_1167] : memref<10000x128xf32, #tpu.memory_space<vmem_shared>> -> memref<16x128xf32, #tpu.memory_space<vmem_shared>>
    %dma_wait3A_1169 = arith.constant 0 : i32
    %dma_wait3A_1170 = tpu.memref_slice %arg6[%add3A_1166, %dma_wait3A_1169] : memref<10000x128xf32, #tpu.memory_space<vmem_shared>> -> memref<16x128xf32, #tpu.memory_space<vmem_shared>>
    tpu.wait_dma2 semaphore(%arg13 : memref<!tpu.dma_semaphore, #tpu.memory_space<semaphore_mem>>) src(%arg10 : memref<16x128xf32, #tpu.memory_space<vmem>>) dst(%dma_wait3A_1170 : memref<16x128xf32, #tpu.memory_space<vmem_shared>>)
    %add3A_1171 = arith.constant 384 : i32
    %add3A_1172 = arith.addi %mul3A_0, %add3A_1171 : i32
    %dma_wait3A_1173 = arith.constant 0 : i32
    %dma_wait3A_1174 = tpu.memref_slice %arg6[%add3A_1172, %dma_wait3A_1173] : memref<10000x128xf32, #tpu.memory_space<vmem_shared>> -> memref<16x128xf32, #tpu.memory_space<vmem_shared>>
    %dma_wait3A_1175 = arith.constant 0 : i32
    %dma_wait3A_1176 = tpu.memref_slice %arg6[%add3A_1172, %dma_wait3A_1175] : memref<10000x128xf32, #tpu.memory_space<vmem_shared>> -> memref<16x128xf32, #tpu.memory_space<vmem_shared>>
    tpu.wait_dma2 semaphore(%arg13 : memref<!tpu.dma_semaphore, #tpu.memory_space<semaphore_mem>>) src(%arg10 : memref<16x128xf32, #tpu.memory_space<vmem>>) dst(%dma_wait3A_1176 : memref<16x128xf32, #tpu.memory_space<vmem_shared>>)
    %add3A_1177 = arith.constant 400 : i32
    %add3A_1178 = arith.addi %mul3A_0, %add3A_1177 : i32
    %dma_wait3A_1179 = arith.constant 0 : i32
    %dma_wait3A_1180 = tpu.memref_slice %arg6[%add3A_1178, %dma_wait3A_1179] : memref<10000x128xf32, #tpu.memory_space<vmem_shared>> -> memref<16x128xf32, #tpu.memory_space<vmem_shared>>
    %dma_wait3A_1181 = arith.constant 0 : i32
    %dma_wait3A_1182 = tpu.memref_slice %arg6[%add3A_1178, %dma_wait3A_1181] : memref<10000x128xf32, #tpu.memory_space<vmem_shared>> -> memref<16x128xf32, #tpu.memory_space<vmem_shared>>
    tpu.wait_dma2 semaphore(%arg13 : memref<!tpu.dma_semaphore, #tpu.memory_space<semaphore_mem>>) src(%arg10 : memref<16x128xf32, #tpu.memory_space<vmem>>) dst(%dma_wait3A_1182 : memref<16x128xf32, #tpu.memory_space<vmem_shared>>)
    %add3A_1183 = arith.constant 416 : i32
    %add3A_1184 = arith.addi %mul3A_0, %add3A_1183 : i32
    %dma_wait3A_1185 = arith.constant 0 : i32
    %dma_wait3A_1186 = tpu.memref_slice %arg6[%add3A_1184, %dma_wait3A_1185] : memref<10000x128xf32, #tpu.memory_space<vmem_shared>> -> memref<16x128xf32, #tpu.memory_space<vmem_shared>>
    %dma_wait3A_1187 = arith.constant 0 : i32
    %dma_wait3A_1188 = tpu.memref_slice %arg6[%add3A_1184, %dma_wait3A_1187] : memref<10000x128xf32, #tpu.memory_space<vmem_shared>> -> memref<16x128xf32, #tpu.memory_space<vmem_shared>>
    tpu.wait_dma2 semaphore(%arg13 : memref<!tpu.dma_semaphore, #tpu.memory_space<semaphore_mem>>) src(%arg10 : memref<16x128xf32, #tpu.memory_space<vmem>>) dst(%dma_wait3A_1188 : memref<16x128xf32, #tpu.memory_space<vmem_shared>>)
    %add3A_1189 = arith.constant 432 : i32
    %add3A_1190 = arith.addi %mul3A_0, %add3A_1189 : i32
    %dma_wait3A_1191 = arith.constant 0 : i32
    %dma_wait3A_1192 = tpu.memref_slice %arg6[%add3A_1190, %dma_wait3A_1191] : memref<10000x128xf32, #tpu.memory_space<vmem_shared>> -> memref<16x128xf32, #tpu.memory_space<vmem_shared>>
    %dma_wait3A_1193 = arith.constant 0 : i32
    %dma_wait3A_1194 = tpu.memref_slice %arg6[%add3A_1190, %dma_wait3A_1193] : memref<10000x128xf32, #tpu.memory_space<vmem_shared>> -> memref<16x128xf32, #tpu.memory_space<vmem_shared>>
    tpu.wait_dma2 semaphore(%arg13 : memref<!tpu.dma_semaphore, #tpu.memory_space<semaphore_mem>>) src(%arg10 : memref<16x128xf32, #tpu.memory_space<vmem>>) dst(%dma_wait3A_1194 : memref<16x128xf32, #tpu.memory_space<vmem_shared>>)
    %add3A_1195 = arith.constant 448 : i32
    %add3A_1196 = arith.addi %mul3A_0, %add3A_1195 : i32
    %dma_wait3A_1197 = arith.constant 0 : i32
    %dma_wait3A_1198 = tpu.memref_slice %arg6[%add3A_1196, %dma_wait3A_1197] : memref<10000x128xf32, #tpu.memory_space<vmem_shared>> -> memref<16x128xf32, #tpu.memory_space<vmem_shared>>
    %dma_wait3A_1199 = arith.constant 0 : i32
    %dma_wait3A_1200 = tpu.memref_slice %arg6[%add3A_1196, %dma_wait3A_1199] : memref<10000x128xf32, #tpu.memory_space<vmem_shared>> -> memref<16x128xf32, #tpu.memory_space<vmem_shared>>
    tpu.wait_dma2 semaphore(%arg13 : memref<!tpu.dma_semaphore, #tpu.memory_space<semaphore_mem>>) src(%arg10 : memref<16x128xf32, #tpu.memory_space<vmem>>) dst(%dma_wait3A_1200 : memref<16x128xf32, #tpu.memory_space<vmem_shared>>)
    %add3A_1201 = arith.constant 464 : i32
    %add3A_1202 = arith.addi %mul3A_0, %add3A_1201 : i32
    %dma_wait3A_1203 = arith.constant 0 : i32
    %dma_wait3A_1204 = tpu.memref_slice %arg6[%add3A_1202, %dma_wait3A_1203] : memref<10000x128xf32, #tpu.memory_space<vmem_shared>> -> memref<16x128xf32, #tpu.memory_space<vmem_shared>>
    %dma_wait3A_1205 = arith.constant 0 : i32
    %dma_wait3A_1206 = tpu.memref_slice %arg6[%add3A_1202, %dma_wait3A_1205] : memref<10000x128xf32, #tpu.memory_space<vmem_shared>> -> memref<16x128xf32, #tpu.memory_space<vmem_shared>>
    tpu.wait_dma2 semaphore(%arg13 : memref<!tpu.dma_semaphore, #tpu.memory_space<semaphore_mem>>) src(%arg10 : memref<16x128xf32, #tpu.memory_space<vmem>>) dst(%dma_wait3A_1206 : memref<16x128xf32, #tpu.memory_space<vmem_shared>>)
    %add3A_1207 = arith.constant 480 : i32
    %add3A_1208 = arith.addi %mul3A_0, %add3A_1207 : i32
    %dma_wait3A_1209 = arith.constant 0 : i32
    %dma_wait3A_1210 = tpu.memref_slice %arg6[%add3A_1208, %dma_wait3A_1209] : memref<10000x128xf32, #tpu.memory_space<vmem_shared>> -> memref<16x128xf32, #tpu.memory_space<vmem_shared>>
    %dma_wait3A_1211 = arith.constant 0 : i32
    %dma_wait3A_1212 = tpu.memref_slice %arg6[%add3A_1208, %dma_wait3A_1211] : memref<10000x128xf32, #tpu.memory_space<vmem_shared>> -> memref<16x128xf32, #tpu.memory_space<vmem_shared>>
    tpu.wait_dma2 semaphore(%arg13 : memref<!tpu.dma_semaphore, #tpu.memory_space<semaphore_mem>>) src(%arg10 : memref<16x128xf32, #tpu.memory_space<vmem>>) dst(%dma_wait3A_1212 : memref<16x128xf32, #tpu.memory_space<vmem_shared>>)
    %add3A_1213 = arith.constant 496 : i32
    %add3A_1214 = arith.addi %mul3A_0, %add3A_1213 : i32
    %dma_wait3A_1215 = arith.constant 0 : i32
    %dma_wait3A_1216 = tpu.memref_slice %arg6[%add3A_1214, %dma_wait3A_1215] : memref<10000x128xf32, #tpu.memory_space<vmem_shared>> -> memref<16x128xf32, #tpu.memory_space<vmem_shared>>
    %dma_wait3A_1217 = arith.constant 0 : i32
    %dma_wait3A_1218 = tpu.memref_slice %arg6[%add3A_1214, %dma_wait3A_1217] : memref<10000x128xf32, #tpu.memory_space<vmem_shared>> -> memref<16x128xf32, #tpu.memory_space<vmem_shared>>
    tpu.wait_dma2 semaphore(%arg13 : memref<!tpu.dma_semaphore, #tpu.memory_space<semaphore_mem>>) src(%arg10 : memref<16x128xf32, #tpu.memory_space<vmem>>) dst(%dma_wait3A_1218 : memref<16x128xf32, #tpu.memory_space<vmem_shared>>)
    %add3A_1219 = arith.constant 512 : i32
    %add3A_1220 = arith.addi %mul3A_0, %add3A_1219 : i32
    %dma_wait3A_1221 = arith.constant 0 : i32
    %dma_wait3A_1222 = tpu.memref_slice %arg6[%add3A_1220, %dma_wait3A_1221] : memref<10000x128xf32, #tpu.memory_space<vmem_shared>> -> memref<16x128xf32, #tpu.memory_space<vmem_shared>>
    %dma_wait3A_1223 = arith.constant 0 : i32
    %dma_wait3A_1224 = tpu.memref_slice %arg6[%add3A_1220, %dma_wait3A_1223] : memref<10000x128xf32, #tpu.memory_space<vmem_shared>> -> memref<16x128xf32, #tpu.memory_space<vmem_shared>>
    tpu.wait_dma2 semaphore(%arg13 : memref<!tpu.dma_semaphore, #tpu.memory_space<semaphore_mem>>) src(%arg10 : memref<16x128xf32, #tpu.memory_space<vmem>>) dst(%dma_wait3A_1224 : memref<16x128xf32, #tpu.memory_space<vmem_shared>>)
    %add3A_1225 = arith.constant 528 : i32
    %add3A_1226 = arith.addi %mul3A_0, %add3A_1225 : i32
    %dma_wait3A_1227 = arith.constant 0 : i32
    %dma_wait3A_1228 = tpu.memref_slice %arg6[%add3A_1226, %dma_wait3A_1227] : memref<10000x128xf32, #tpu.memory_space<vmem_shared>> -> memref<16x128xf32, #tpu.memory_space<vmem_shared>>
    %dma_wait3A_1229 = arith.constant 0 : i32
    %dma_wait3A_1230 = tpu.memref_slice %arg6[%add3A_1226, %dma_wait3A_1229] : memref<10000x128xf32, #tpu.memory_space<vmem_shared>> -> memref<16x128xf32, #tpu.memory_space<vmem_shared>>
    tpu.wait_dma2 semaphore(%arg13 : memref<!tpu.dma_semaphore, #tpu.memory_space<semaphore_mem>>) src(%arg10 : memref<16x128xf32, #tpu.memory_space<vmem>>) dst(%dma_wait3A_1230 : memref<16x128xf32, #tpu.memory_space<vmem_shared>>)
    %add3A_1231 = arith.constant 544 : i32
    %add3A_1232 = arith.addi %mul3A_0, %add3A_1231 : i32
    %dma_wait3A_1233 = arith.constant 0 : i32
    %dma_wait3A_1234 = tpu.memref_slice %arg6[%add3A_1232, %dma_wait3A_1233] : memref<10000x128xf32, #tpu.memory_space<vmem_shared>> -> memref<16x128xf32, #tpu.memory_space<vmem_shared>>
    %dma_wait3A_1235 = arith.constant 0 : i32
    %dma_wait3A_1236 = tpu.memref_slice %arg6[%add3A_1232, %dma_wait3A_1235] : memref<10000x128xf32, #tpu.memory_space<vmem_shared>> -> memref<16x128xf32, #tpu.memory_space<vmem_shared>>
    tpu.wait_dma2 semaphore(%arg13 : memref<!tpu.dma_semaphore, #tpu.memory_space<semaphore_mem>>) src(%arg10 : memref<16x128xf32, #tpu.memory_space<vmem>>) dst(%dma_wait3A_1236 : memref<16x128xf32, #tpu.memory_space<vmem_shared>>)
    %add3A_1237 = arith.constant 560 : i32
    %add3A_1238 = arith.addi %mul3A_0, %add3A_1237 : i32
    %dma_wait3A_1239 = arith.constant 0 : i32
    %dma_wait3A_1240 = tpu.memref_slice %arg6[%add3A_1238, %dma_wait3A_1239] : memref<10000x128xf32, #tpu.memory_space<vmem_shared>> -> memref<16x128xf32, #tpu.memory_space<vmem_shared>>
    %dma_wait3A_1241 = arith.constant 0 : i32
    %dma_wait3A_1242 = tpu.memref_slice %arg6[%add3A_1238, %dma_wait3A_1241] : memref<10000x128xf32, #tpu.memory_space<vmem_shared>> -> memref<16x128xf32, #tpu.memory_space<vmem_shared>>
    tpu.wait_dma2 semaphore(%arg13 : memref<!tpu.dma_semaphore, #tpu.memory_space<semaphore_mem>>) src(%arg10 : memref<16x128xf32, #tpu.memory_space<vmem>>) dst(%dma_wait3A_1242 : memref<16x128xf32, #tpu.memory_space<vmem_shared>>)
    %add3A_1243 = arith.constant 576 : i32
    %add3A_1244 = arith.addi %mul3A_0, %add3A_1243 : i32
    %dma_wait3A_1245 = arith.constant 0 : i32
    %dma_wait3A_1246 = tpu.memref_slice %arg6[%add3A_1244, %dma_wait3A_1245] : memref<10000x128xf32, #tpu.memory_space<vmem_shared>> -> memref<16x128xf32, #tpu.memory_space<vmem_shared>>
    %dma_wait3A_1247 = arith.constant 0 : i32
    %dma_wait3A_1248 = tpu.memref_slice %arg6[%add3A_1244, %dma_wait3A_1247] : memref<10000x128xf32, #tpu.memory_space<vmem_shared>> -> memref<16x128xf32, #tpu.memory_space<vmem_shared>>
    tpu.wait_dma2 semaphore(%arg13 : memref<!tpu.dma_semaphore, #tpu.memory_space<semaphore_mem>>) src(%arg10 : memref<16x128xf32, #tpu.memory_space<vmem>>) dst(%dma_wait3A_1248 : memref<16x128xf32, #tpu.memory_space<vmem_shared>>)
    %add3A_1249 = arith.constant 592 : i32
    %add3A_1250 = arith.addi %mul3A_0, %add3A_1249 : i32
    %dma_wait3A_1251 = arith.constant 0 : i32
    %dma_wait3A_1252 = tpu.memref_slice %arg6[%add3A_1250, %dma_wait3A_1251] : memref<10000x128xf32, #tpu.memory_space<vmem_shared>> -> memref<16x128xf32, #tpu.memory_space<vmem_shared>>
    %dma_wait3A_1253 = arith.constant 0 : i32
    %dma_wait3A_1254 = tpu.memref_slice %arg6[%add3A_1250, %dma_wait3A_1253] : memref<10000x128xf32, #tpu.memory_space<vmem_shared>> -> memref<16x128xf32, #tpu.memory_space<vmem_shared>>
    tpu.wait_dma2 semaphore(%arg13 : memref<!tpu.dma_semaphore, #tpu.memory_space<semaphore_mem>>) src(%arg10 : memref<16x128xf32, #tpu.memory_space<vmem>>) dst(%dma_wait3A_1254 : memref<16x128xf32, #tpu.memory_space<vmem_shared>>)
    %add3A_1255 = arith.constant 608 : i32
    %add3A_1256 = arith.addi %mul3A_0, %add3A_1255 : i32
    %dma_wait3A_1257 = arith.constant 0 : i32
    %dma_wait3A_1258 = tpu.memref_slice %arg6[%add3A_1256, %dma_wait3A_1257] : memref<10000x128xf32, #tpu.memory_space<vmem_shared>> -> memref<16x128xf32, #tpu.memory_space<vmem_shared>>
    %dma_wait3A_1259 = arith.constant 0 : i32
    %dma_wait3A_1260 = tpu.memref_slice %arg6[%add3A_1256, %dma_wait3A_1259] : memref<10000x128xf32, #tpu.memory_space<vmem_shared>> -> memref<16x128xf32, #tpu.memory_space<vmem_shared>>
    tpu.wait_dma2 semaphore(%arg13 : memref<!tpu.dma_semaphore, #tpu.memory_space<semaphore_mem>>) src(%arg10 : memref<16x128xf32, #tpu.memory_space<vmem>>) dst(%dma_wait3A_1260 : memref<16x128xf32, #tpu.memory_space<vmem_shared>>)
    %eq3A_1261 = arith.constant 15 : i32
    %eq3A_1262 = arith.cmpi eq, %arg1, %eq3A_1261 : i32
    %convert_element_type3A_1263 = arith.extui %eq3A_1262 : i1 to i32
    %cond3A_1264 = arith.constant 0 : i32
    %cond3A_1265 = arith.cmpi ne, %convert_element_type3A_1263, %cond3A_1264 : i32
    scf.if %cond3A_1265 {
      %dma_wait3A_1489 = arith.constant 0 : i32
      %dma_wait3A_1490 = arith.constant 0 : i32
      %dma_wait3A_1491 = tpu.memref_slice %arg10[%dma_wait3A_1489, %dma_wait3A_1490] : memref<16x128xf32, #tpu.memory_space<vmem>> -> memref<16x128xf32, #tpu.memory_space<vmem>>
      %dma_wait3A_1492 = arith.constant 9984 : i32
      %dma_wait3A_1493 = arith.constant 0 : i32
      %dma_wait3A_1494 = tpu.memref_slice %arg6[%dma_wait3A_1492, %dma_wait3A_1493] : memref<10000x128xf32, #tpu.memory_space<vmem_shared>> -> memref<16x128xf32, #tpu.memory_space<vmem_shared>>
      %dma_wait3A_1495 = arith.constant 9984 : i32
      %dma_wait3A_1496 = arith.constant 0 : i32
      %dma_wait3A_1497 = tpu.memref_slice %arg6[%dma_wait3A_1495, %dma_wait3A_1496] : memref<10000x128xf32, #tpu.memory_space<vmem_shared>> -> memref<16x128xf32, #tpu.memory_space<vmem_shared>>
      %dma_wait3A_1498 = arith.constant 0 : i32
      %dma_wait3A_1499 = arith.constant 0 : i32
      %dma_wait3A_1500 = tpu.memref_slice %arg10[%dma_wait3A_1498, %dma_wait3A_1499] : memref<16x128xf32, #tpu.memory_space<vmem>> -> memref<16x128xf32, #tpu.memory_space<vmem>>
      tpu.wait_dma2 semaphore(%arg13 : memref<!tpu.dma_semaphore, #tpu.memory_space<semaphore_mem>>) src(%dma_wait3A_1500 : memref<16x128xf32, #tpu.memory_space<vmem>>) dst(%dma_wait3A_1497 : memref<16x128xf32, #tpu.memory_space<vmem_shared>>)
    } else {
    }
    %barrier3A_1266 = arith.constant 0 : index
    tpu.barrier barrier_id(%barrier3A_1266)
    %add3A_1267 = arith.constant 0 : i32
    %add3A_1268 = arith.addi %mul3A_2, %add3A_1267 : i32
    %dma_start3A_1269 = arith.constant 0 : i32
    %dma_start3A_1270 = arith.constant 0 : i32
    %dma_start3A_1271 = arith.constant 0 : i32
    %dma_start3A_1272 = arith.constant 0 : i32
    %dma_start3A_1273 = tpu.memref_slice %arg9[%dma_start3A_1269, %dma_start3A_1271, %dma_start3A_1272] : memref<7x40x128xf32, #tpu.memory_space<vmem>> -> memref<1x40x128xf32, #tpu.memory_space<vmem>>
    %dma_start3A_1274 = tpu.memref_squeeze %dma_start3A_1273 : memref<1x40x128xf32, #tpu.memory_space<vmem>> -> memref<40x128xf32, #tpu.memory_space<vmem>>
    %dma_start3A_1275 = tpu.memref_slice %arg7[%add3A_1268] : memref<5120xi32, #tpu.memory_space<vmem>> -> memref<40xi32, #tpu.memory_space<vmem>>
    %dma_start3A_1276 = arith.constant 0 : i32
    %dma_start3A_1277 = arith.constant 0 : i32
    %dma_start3A_1278 = tpu.memref_slice %arg2[%dma_start3A_1276, %dma_start3A_1277] : memref<10000x128xf32, #tpu.memory_space<hbm>> -> memref<10000x128xf32, #tpu.memory_space<hbm>>
    %dma_start3A_1279 = tpu.memref_slice %arg11[%dma_start3A_1270] : memref<7x!tpu.dma_semaphore, #tpu.memory_space<semaphore_mem>> -> memref<1x!tpu.dma_semaphore, #tpu.memory_space<semaphore_mem>>
    %dma_start3A_1280 = tpu.memref_squeeze %dma_start3A_1279 : memref<1x!tpu.dma_semaphore, #tpu.memory_space<semaphore_mem>> -> memref<!tpu.dma_semaphore, #tpu.memory_space<semaphore_mem>>
    tpu.enqueue_indirect_dma source(%dma_start3A_1278 : memref<10000x128xf32, #tpu.memory_space<hbm>>) target(%dma_start3A_1274 : memref<40x128xf32, #tpu.memory_space<vmem>>) offsets(%dma_start3A_1275 : memref<40xi32, #tpu.memory_space<vmem>>) semaphore(%dma_start3A_1280 : memref<!tpu.dma_semaphore, #tpu.memory_space<semaphore_mem>>)
    %add3A_1281 = arith.constant 40 : i32
    %add3A_1282 = arith.addi %mul3A_2, %add3A_1281 : i32
    %dma_start3A_1283 = arith.constant 1 : i32
    %dma_start3A_1284 = arith.constant 1 : i32
    %dma_start3A_1285 = arith.constant 0 : i32
    %dma_start3A_1286 = arith.constant 0 : i32
    %dma_start3A_1287 = tpu.memref_slice %arg9[%dma_start3A_1283, %dma_start3A_1285, %dma_start3A_1286] : memref<7x40x128xf32, #tpu.memory_space<vmem>> -> memref<1x40x128xf32, #tpu.memory_space<vmem>>
    %dma_start3A_1288 = tpu.memref_squeeze %dma_start3A_1287 : memref<1x40x128xf32, #tpu.memory_space<vmem>> -> memref<40x128xf32, #tpu.memory_space<vmem>>
    %dma_start3A_1289 = tpu.memref_slice %arg7[%add3A_1282] : memref<5120xi32, #tpu.memory_space<vmem>> -> memref<40xi32, #tpu.memory_space<vmem>>
    %dma_start3A_1290 = arith.constant 0 : i32
    %dma_start3A_1291 = arith.constant 0 : i32
    %dma_start3A_1292 = tpu.memref_slice %arg2[%dma_start3A_1290, %dma_start3A_1291] : memref<10000x128xf32, #tpu.memory_space<hbm>> -> memref<10000x128xf32, #tpu.memory_space<hbm>>
    %dma_start3A_1293 = tpu.memref_slice %arg11[%dma_start3A_1284] : memref<7x!tpu.dma_semaphore, #tpu.memory_space<semaphore_mem>> -> memref<1x!tpu.dma_semaphore, #tpu.memory_space<semaphore_mem>>
    %dma_start3A_1294 = tpu.memref_squeeze %dma_start3A_1293 : memref<1x!tpu.dma_semaphore, #tpu.memory_space<semaphore_mem>> -> memref<!tpu.dma_semaphore, #tpu.memory_space<semaphore_mem>>
    tpu.enqueue_indirect_dma source(%dma_start3A_1292 : memref<10000x128xf32, #tpu.memory_space<hbm>>) target(%dma_start3A_1288 : memref<40x128xf32, #tpu.memory_space<vmem>>) offsets(%dma_start3A_1289 : memref<40xi32, #tpu.memory_space<vmem>>) semaphore(%dma_start3A_1294 : memref<!tpu.dma_semaphore, #tpu.memory_space<semaphore_mem>>)
    %add3A_1295 = arith.constant 80 : i32
    %add3A_1296 = arith.addi %mul3A_2, %add3A_1295 : i32
    %dma_start3A_1297 = arith.constant 2 : i32
    %dma_start3A_1298 = arith.constant 2 : i32
    %dma_start3A_1299 = arith.constant 0 : i32
    %dma_start3A_1300 = arith.constant 0 : i32
    %dma_start3A_1301 = tpu.memref_slice %arg9[%dma_start3A_1297, %dma_start3A_1299, %dma_start3A_1300] : memref<7x40x128xf32, #tpu.memory_space<vmem>> -> memref<1x40x128xf32, #tpu.memory_space<vmem>>
    %dma_start3A_1302 = tpu.memref_squeeze %dma_start3A_1301 : memref<1x40x128xf32, #tpu.memory_space<vmem>> -> memref<40x128xf32, #tpu.memory_space<vmem>>
    %dma_start3A_1303 = tpu.memref_slice %arg7[%add3A_1296] : memref<5120xi32, #tpu.memory_space<vmem>> -> memref<40xi32, #tpu.memory_space<vmem>>
    %dma_start3A_1304 = arith.constant 0 : i32
    %dma_start3A_1305 = arith.constant 0 : i32
    %dma_start3A_1306 = tpu.memref_slice %arg2[%dma_start3A_1304, %dma_start3A_1305] : memref<10000x128xf32, #tpu.memory_space<hbm>> -> memref<10000x128xf32, #tpu.memory_space<hbm>>
    %dma_start3A_1307 = tpu.memref_slice %arg11[%dma_start3A_1298] : memref<7x!tpu.dma_semaphore, #tpu.memory_space<semaphore_mem>> -> memref<1x!tpu.dma_semaphore, #tpu.memory_space<semaphore_mem>>
    %dma_start3A_1308 = tpu.memref_squeeze %dma_start3A_1307 : memref<1x!tpu.dma_semaphore, #tpu.memory_space<semaphore_mem>> -> memref<!tpu.dma_semaphore, #tpu.memory_space<semaphore_mem>>
    tpu.enqueue_indirect_dma source(%dma_start3A_1306 : memref<10000x128xf32, #tpu.memory_space<hbm>>) target(%dma_start3A_1302 : memref<40x128xf32, #tpu.memory_space<vmem>>) offsets(%dma_start3A_1303 : memref<40xi32, #tpu.memory_space<vmem>>) semaphore(%dma_start3A_1308 : memref<!tpu.dma_semaphore, #tpu.memory_space<semaphore_mem>>)
    %add3A_1309 = arith.constant 120 : i32
    %add3A_1310 = arith.addi %mul3A_2, %add3A_1309 : i32
    %dma_start3A_1311 = arith.constant 3 : i32
    %dma_start3A_1312 = arith.constant 3 : i32
    %dma_start3A_1313 = arith.constant 0 : i32
    %dma_start3A_1314 = arith.constant 0 : i32
    %dma_start3A_1315 = tpu.memref_slice %arg9[%dma_start3A_1311, %dma_start3A_1313, %dma_start3A_1314] : memref<7x40x128xf32, #tpu.memory_space<vmem>> -> memref<1x40x128xf32, #tpu.memory_space<vmem>>
    %dma_start3A_1316 = tpu.memref_squeeze %dma_start3A_1315 : memref<1x40x128xf32, #tpu.memory_space<vmem>> -> memref<40x128xf32, #tpu.memory_space<vmem>>
    %dma_start3A_1317 = tpu.memref_slice %arg7[%add3A_1310] : memref<5120xi32, #tpu.memory_space<vmem>> -> memref<40xi32, #tpu.memory_space<vmem>>
    %dma_start3A_1318 = arith.constant 0 : i32
    %dma_start3A_1319 = arith.constant 0 : i32
    %dma_start3A_1320 = tpu.memref_slice %arg2[%dma_start3A_1318, %dma_start3A_1319] : memref<10000x128xf32, #tpu.memory_space<hbm>> -> memref<10000x128xf32, #tpu.memory_space<hbm>>
    %dma_start3A_1321 = tpu.memref_slice %arg11[%dma_start3A_1312] : memref<7x!tpu.dma_semaphore, #tpu.memory_space<semaphore_mem>> -> memref<1x!tpu.dma_semaphore, #tpu.memory_space<semaphore_mem>>
    %dma_start3A_1322 = tpu.memref_squeeze %dma_start3A_1321 : memref<1x!tpu.dma_semaphore, #tpu.memory_space<semaphore_mem>> -> memref<!tpu.dma_semaphore, #tpu.memory_space<semaphore_mem>>
    tpu.enqueue_indirect_dma source(%dma_start3A_1320 : memref<10000x128xf32, #tpu.memory_space<hbm>>) target(%dma_start3A_1316 : memref<40x128xf32, #tpu.memory_space<vmem>>) offsets(%dma_start3A_1317 : memref<40xi32, #tpu.memory_space<vmem>>) semaphore(%dma_start3A_1322 : memref<!tpu.dma_semaphore, #tpu.memory_space<semaphore_mem>>)
    %add3A_1323 = arith.constant 160 : i32
    %add3A_1324 = arith.addi %mul3A_2, %add3A_1323 : i32
    %dma_start3A_1325 = arith.constant 4 : i32
    %dma_start3A_1326 = arith.constant 4 : i32
    %dma_start3A_1327 = arith.constant 0 : i32
    %dma_start3A_1328 = arith.constant 0 : i32
    %dma_start3A_1329 = tpu.memref_slice %arg9[%dma_start3A_1325, %dma_start3A_1327, %dma_start3A_1328] : memref<7x40x128xf32, #tpu.memory_space<vmem>> -> memref<1x40x128xf32, #tpu.memory_space<vmem>>
    %dma_start3A_1330 = tpu.memref_squeeze %dma_start3A_1329 : memref<1x40x128xf32, #tpu.memory_space<vmem>> -> memref<40x128xf32, #tpu.memory_space<vmem>>
    %dma_start3A_1331 = tpu.memref_slice %arg7[%add3A_1324] : memref<5120xi32, #tpu.memory_space<vmem>> -> memref<40xi32, #tpu.memory_space<vmem>>
    %dma_start3A_1332 = arith.constant 0 : i32
    %dma_start3A_1333 = arith.constant 0 : i32
    %dma_start3A_1334 = tpu.memref_slice %arg2[%dma_start3A_1332, %dma_start3A_1333] : memref<10000x128xf32, #tpu.memory_space<hbm>> -> memref<10000x128xf32, #tpu.memory_space<hbm>>
    %dma_start3A_1335 = tpu.memref_slice %arg11[%dma_start3A_1326] : memref<7x!tpu.dma_semaphore, #tpu.memory_space<semaphore_mem>> -> memref<1x!tpu.dma_semaphore, #tpu.memory_space<semaphore_mem>>
    %dma_start3A_1336 = tpu.memref_squeeze %dma_start3A_1335 : memref<1x!tpu.dma_semaphore, #tpu.memory_space<semaphore_mem>> -> memref<!tpu.dma_semaphore, #tpu.memory_space<semaphore_mem>>
    tpu.enqueue_indirect_dma source(%dma_start3A_1334 : memref<10000x128xf32, #tpu.memory_space<hbm>>) target(%dma_start3A_1330 : memref<40x128xf32, #tpu.memory_space<vmem>>) offsets(%dma_start3A_1331 : memref<40xi32, #tpu.memory_space<vmem>>) semaphore(%dma_start3A_1336 : memref<!tpu.dma_semaphore, #tpu.memory_space<semaphore_mem>>)
    %add3A_1337 = arith.constant 200 : i32
    %add3A_1338 = arith.addi %mul3A_2, %add3A_1337 : i32
    %dma_start3A_1339 = arith.constant 5 : i32
    %dma_start3A_1340 = arith.constant 5 : i32
    %dma_start3A_1341 = arith.constant 0 : i32
    %dma_start3A_1342 = arith.constant 0 : i32
    %dma_start3A_1343 = tpu.memref_slice %arg9[%dma_start3A_1339, %dma_start3A_1341, %dma_start3A_1342] : memref<7x40x128xf32, #tpu.memory_space<vmem>> -> memref<1x40x128xf32, #tpu.memory_space<vmem>>
    %dma_start3A_1344 = tpu.memref_squeeze %dma_start3A_1343 : memref<1x40x128xf32, #tpu.memory_space<vmem>> -> memref<40x128xf32, #tpu.memory_space<vmem>>
    %dma_start3A_1345 = tpu.memref_slice %arg7[%add3A_1338] : memref<5120xi32, #tpu.memory_space<vmem>> -> memref<40xi32, #tpu.memory_space<vmem>>
    %dma_start3A_1346 = arith.constant 0 : i32
    %dma_start3A_1347 = arith.constant 0 : i32
    %dma_start3A_1348 = tpu.memref_slice %arg2[%dma_start3A_1346, %dma_start3A_1347] : memref<10000x128xf32, #tpu.memory_space<hbm>> -> memref<10000x128xf32, #tpu.memory_space<hbm>>
    %dma_start3A_1349 = tpu.memref_slice %arg11[%dma_start3A_1340] : memref<7x!tpu.dma_semaphore, #tpu.memory_space<semaphore_mem>> -> memref<1x!tpu.dma_semaphore, #tpu.memory_space<semaphore_mem>>
    %dma_start3A_1350 = tpu.memref_squeeze %dma_start3A_1349 : memref<1x!tpu.dma_semaphore, #tpu.memory_space<semaphore_mem>> -> memref<!tpu.dma_semaphore, #tpu.memory_space<semaphore_mem>>
    tpu.enqueue_indirect_dma source(%dma_start3A_1348 : memref<10000x128xf32, #tpu.memory_space<hbm>>) target(%dma_start3A_1344 : memref<40x128xf32, #tpu.memory_space<vmem>>) offsets(%dma_start3A_1345 : memref<40xi32, #tpu.memory_space<vmem>>) semaphore(%dma_start3A_1350 : memref<!tpu.dma_semaphore, #tpu.memory_space<semaphore_mem>>)
    %add3A_1351 = arith.constant 240 : i32
    %add3A_1352 = arith.addi %mul3A_2, %add3A_1351 : i32
    %dma_start3A_1353 = arith.constant 6 : i32
    %dma_start3A_1354 = arith.constant 6 : i32
    %dma_start3A_1355 = arith.constant 0 : i32
    %dma_start3A_1356 = arith.constant 0 : i32
    %dma_start3A_1357 = tpu.memref_slice %arg9[%dma_start3A_1353, %dma_start3A_1355, %dma_start3A_1356] : memref<7x40x128xf32, #tpu.memory_space<vmem>> -> memref<1x40x128xf32, #tpu.memory_space<vmem>>
    %dma_start3A_1358 = tpu.memref_squeeze %dma_start3A_1357 : memref<1x40x128xf32, #tpu.memory_space<vmem>> -> memref<40x128xf32, #tpu.memory_space<vmem>>
    %dma_start3A_1359 = tpu.memref_slice %arg7[%add3A_1352] : memref<5120xi32, #tpu.memory_space<vmem>> -> memref<40xi32, #tpu.memory_space<vmem>>
    %dma_start3A_1360 = arith.constant 0 : i32
    %dma_start3A_1361 = arith.constant 0 : i32
    %dma_start3A_1362 = tpu.memref_slice %arg2[%dma_start3A_1360, %dma_start3A_1361] : memref<10000x128xf32, #tpu.memory_space<hbm>> -> memref<10000x128xf32, #tpu.memory_space<hbm>>
    %dma_start3A_1363 = tpu.memref_slice %arg11[%dma_start3A_1354] : memref<7x!tpu.dma_semaphore, #tpu.memory_space<semaphore_mem>> -> memref<1x!tpu.dma_semaphore, #tpu.memory_space<semaphore_mem>>
    %dma_start3A_1364 = tpu.memref_squeeze %dma_start3A_1363 : memref<1x!tpu.dma_semaphore, #tpu.memory_space<semaphore_mem>> -> memref<!tpu.dma_semaphore, #tpu.memory_space<semaphore_mem>>
    tpu.enqueue_indirect_dma source(%dma_start3A_1362 : memref<10000x128xf32, #tpu.memory_space<hbm>>) target(%dma_start3A_1358 : memref<40x128xf32, #tpu.memory_space<vmem>>) offsets(%dma_start3A_1359 : memref<40xi32, #tpu.memory_space<vmem>>) semaphore(%dma_start3A_1364 : memref<!tpu.dma_semaphore, #tpu.memory_space<semaphore_mem>>)
    %scan3A_1365 = arith.constant 0 : i32
    %scan3A_1366 = arith.constant 18 : i32
    %scan3A_1367 = arith.addi %scan3A_1365, %scan3A_1366 : i32
    %scan3A_1368 = arith.constant 1 : i32
    scf.for %scan3A_1489 = %scan3A_1365 to %scan3A_1367 step %scan3A_1368  : i32 {
      %mul3A_1490 = arith.constant 1 : i32
      %mul3A_1491 = arith.muli %scan3A_1489, %mul3A_1490 : i32
      %add3A_1492 = arith.constant 0 : i32
      %add3A_1493 = arith.addi %add3A_1492, %mul3A_1491 : i32
      %mul3A_1494 = arith.constant 7 : i32
      %mul3A_1495 = arith.muli %add3A_1493, %mul3A_1494 : i32
      %add3A_1496 = arith.constant 0 : i32
      %add3A_1497 = arith.addi %mul3A_1495, %add3A_1496 : i32
      %lt3A = arith.constant 125 : i32
      %lt3A_1498 = arith.cmpi slt, %add3A_1497, %lt3A : i32
      %convert_element_type3A_1499 = arith.extui %lt3A_1498 : i1 to i32
      %cond3A_1500 = arith.constant 0 : i32
      %cond3A_1501 = arith.cmpi ne, %convert_element_type3A_1499, %cond3A_1500 : i32
      scf.if %cond3A_1501 {
        %mul3A_1605 = arith.constant 40 : i32
        %mul3A_1606 = arith.muli %add3A_1497, %mul3A_1605 : i32
        %add3A_1607 = arith.addi %mul3A_2, %mul3A_1606 : i32
        %dma_wait3A_1608 = arith.constant 0 : i32
        %dma_wait3A_1609 = arith.constant 0 : i32
        %dma_wait3A_1610 = arith.constant 0 : i32
        %dma_wait3A_1611 = arith.constant 0 : i32
        %dma_wait3A_1612 = tpu.memref_slice %arg9[%dma_wait3A_1608, %dma_wait3A_1610, %dma_wait3A_1611] : memref<7x40x128xf32, #tpu.memory_space<vmem>> -> memref<1x40x128xf32, #tpu.memory_space<vmem>>
        %dma_wait3A_1613 = tpu.memref_squeeze %dma_wait3A_1612 : memref<1x40x128xf32, #tpu.memory_space<vmem>> -> memref<40x128xf32, #tpu.memory_space<vmem>>
        %dma_wait3A_1614 = tpu.memref_slice %arg7[%add3A_1607] : memref<5120xi32, #tpu.memory_space<vmem>> -> memref<40xi32, #tpu.memory_space<vmem>>
        %dma_wait3A_1615 = arith.constant 0 : i32
        %dma_wait3A_1616 = arith.constant 0 : i32
        %dma_wait3A_1617 = tpu.memref_slice %arg2[%dma_wait3A_1615, %dma_wait3A_1616] : memref<10000x128xf32, #tpu.memory_space<hbm>> -> memref<10000x128xf32, #tpu.memory_space<hbm>>
        %dma_wait3A_1618 = tpu.memref_slice %arg11[%dma_wait3A_1609] : memref<7x!tpu.dma_semaphore, #tpu.memory_space<semaphore_mem>> -> memref<1x!tpu.dma_semaphore, #tpu.memory_space<semaphore_mem>>
        %dma_wait3A_1619 = tpu.memref_squeeze %dma_wait3A_1618 : memref<1x!tpu.dma_semaphore, #tpu.memory_space<semaphore_mem>> -> memref<!tpu.dma_semaphore, #tpu.memory_space<semaphore_mem>>
        tpu.wait_indirect_dma semaphore(%dma_wait3A_1619 : memref<!tpu.dma_semaphore, #tpu.memory_space<semaphore_mem>>) src(%dma_wait3A_1617 : memref<10000x128xf32, #tpu.memory_space<hbm>>) dst(%dma_wait3A_1613 : memref<40x128xf32, #tpu.memory_space<vmem>>)
        %mul3A_1620 = arith.constant 40 : i32
        %mul3A_1621 = arith.muli %add3A_1497, %mul3A_1620 : i32
        %add3A_1622 = arith.addi %mul3A_2, %mul3A_1621 : i32
        %dma_start3A_1623 = arith.constant 0 : i32
        %dma_start3A_1624 = arith.constant 0 : i32
        %dma_start3A_1625 = arith.constant 0 : i32
        %dma_start3A_1626 = arith.constant 0 : i32
        %dma_start3A_1627 = tpu.memref_slice %arg9[%dma_start3A_1623, %dma_start3A_1625, %dma_start3A_1626] : memref<7x40x128xf32, #tpu.memory_space<vmem>> -> memref<1x40x128xf32, #tpu.memory_space<vmem>>
        %dma_start3A_1628 = tpu.memref_squeeze %dma_start3A_1627 : memref<1x40x128xf32, #tpu.memory_space<vmem>> -> memref<40x128xf32, #tpu.memory_space<vmem>>
        %dma_start3A_1629 = tpu.memref_slice %arg8[%add3A_1622] : memref<5120xi32, #tpu.memory_space<vmem>> -> memref<40xi32, #tpu.memory_space<vmem>>
        %dma_start3A_1630 = arith.constant 0 : i32
        %dma_start3A_1631 = arith.constant 0 : i32
        %dma_start3A_1632 = tpu.memref_slice %arg6[%dma_start3A_1630, %dma_start3A_1631] : memref<10000x128xf32, #tpu.memory_space<vmem_shared>> -> memref<10000x128xf32, #tpu.memory_space<vmem_shared>>
        %dma_start3A_1633 = tpu.memref_slice %arg12[%dma_start3A_1624] : memref<7x!tpu.dma_semaphore, #tpu.memory_space<semaphore_mem>> -> memref<1x!tpu.dma_semaphore, #tpu.memory_space<semaphore_mem>>
        %dma_start3A_1634 = tpu.memref_squeeze %dma_start3A_1633 : memref<1x!tpu.dma_semaphore, #tpu.memory_space<semaphore_mem>> -> memref<!tpu.dma_semaphore, #tpu.memory_space<semaphore_mem>>
        tpu.enqueue_indirect_dma source(%dma_start3A_1628 : memref<40x128xf32, #tpu.memory_space<vmem>>) target(%dma_start3A_1632 : memref<10000x128xf32, #tpu.memory_space<vmem_shared>>) offsets(%dma_start3A_1629 : memref<40xi32, #tpu.memory_space<vmem>>) semaphore(%dma_start3A_1634 : memref<!tpu.dma_semaphore, #tpu.memory_space<semaphore_mem>>) {add = true}
      } else {
      }
      %add3A_1502 = arith.constant 7 : i32
      %add3A_1503 = arith.addi %add3A_1497, %add3A_1502 : i32
      %lt3A_1504 = arith.constant 125 : i32
      %lt3A_1505 = arith.cmpi slt, %add3A_1503, %lt3A_1504 : i32
      %convert_element_type3A_1506 = arith.extui %lt3A_1505 : i1 to i32
      %cond3A_1507 = arith.constant 0 : i32
      %cond3A_1508 = arith.cmpi ne, %convert_element_type3A_1506, %cond3A_1507 : i32
      scf.if %cond3A_1508 {
        %mul3A_1605 = arith.constant 40 : i32
        %mul3A_1606 = arith.muli %add3A_1497, %mul3A_1605 : i32
        %add3A_1607 = arith.addi %mul3A_2, %mul3A_1606 : i32
        %dma_wait3A_1608 = arith.constant 0 : i32
        %dma_wait3A_1609 = arith.constant 0 : i32
        %dma_wait3A_1610 = arith.constant 0 : i32
        %dma_wait3A_1611 = arith.constant 0 : i32
        %dma_wait3A_1612 = tpu.memref_slice %arg9[%dma_wait3A_1608, %dma_wait3A_1610, %dma_wait3A_1611] : memref<7x40x128xf32, #tpu.memory_space<vmem>> -> memref<1x40x128xf32, #tpu.memory_space<vmem>>
        %dma_wait3A_1613 = tpu.memref_squeeze %dma_wait3A_1612 : memref<1x40x128xf32, #tpu.memory_space<vmem>> -> memref<40x128xf32, #tpu.memory_space<vmem>>
        %dma_wait3A_1614 = tpu.memref_slice %arg8[%add3A_1607] : memref<5120xi32, #tpu.memory_space<vmem>> -> memref<40xi32, #tpu.memory_space<vmem>>
        %dma_wait3A_1615 = arith.constant 0 : i32
        %dma_wait3A_1616 = arith.constant 0 : i32
        %dma_wait3A_1617 = tpu.memref_slice %arg6[%dma_wait3A_1615, %dma_wait3A_1616] : memref<10000x128xf32, #tpu.memory_space<vmem_shared>> -> memref<10000x128xf32, #tpu.memory_space<vmem_shared>>
        %dma_wait3A_1618 = tpu.memref_slice %arg12[%dma_wait3A_1609] : memref<7x!tpu.dma_semaphore, #tpu.memory_space<semaphore_mem>> -> memref<1x!tpu.dma_semaphore, #tpu.memory_space<semaphore_mem>>
        %dma_wait3A_1619 = tpu.memref_squeeze %dma_wait3A_1618 : memref<1x!tpu.dma_semaphore, #tpu.memory_space<semaphore_mem>> -> memref<!tpu.dma_semaphore, #tpu.memory_space<semaphore_mem>>
        tpu.wait_indirect_dma semaphore(%dma_wait3A_1619 : memref<!tpu.dma_semaphore, #tpu.memory_space<semaphore_mem>>) src(%dma_wait3A_1613 : memref<40x128xf32, #tpu.memory_space<vmem>>) dst(%dma_wait3A_1617 : memref<10000x128xf32, #tpu.memory_space<vmem_shared>>)
        %add3A_1620 = arith.constant 7 : i32
        %add3A_1621 = arith.addi %add3A_1497, %add3A_1620 : i32
        %mul3A_1622 = arith.constant 40 : i32
        %mul3A_1623 = arith.muli %add3A_1621, %mul3A_1622 : i32
        %add3A_1624 = arith.addi %mul3A_2, %mul3A_1623 : i32
        %dma_start3A_1625 = arith.constant 0 : i32
        %dma_start3A_1626 = arith.constant 0 : i32
        %dma_start3A_1627 = arith.constant 0 : i32
        %dma_start3A_1628 = arith.constant 0 : i32
        %dma_start3A_1629 = tpu.memref_slice %arg9[%dma_start3A_1625, %dma_start3A_1627, %dma_start3A_1628] : memref<7x40x128xf32, #tpu.memory_space<vmem>> -> memref<1x40x128xf32, #tpu.memory_space<vmem>>
        %dma_start3A_1630 = tpu.memref_squeeze %dma_start3A_1629 : memref<1x40x128xf32, #tpu.memory_space<vmem>> -> memref<40x128xf32, #tpu.memory_space<vmem>>
        %dma_start3A_1631 = tpu.memref_slice %arg7[%add3A_1624] : memref<5120xi32, #tpu.memory_space<vmem>> -> memref<40xi32, #tpu.memory_space<vmem>>
        %dma_start3A_1632 = arith.constant 0 : i32
        %dma_start3A_1633 = arith.constant 0 : i32
        %dma_start3A_1634 = tpu.memref_slice %arg2[%dma_start3A_1632, %dma_start3A_1633] : memref<10000x128xf32, #tpu.memory_space<hbm>> -> memref<10000x128xf32, #tpu.memory_space<hbm>>
        %dma_start3A_1635 = tpu.memref_slice %arg11[%dma_start3A_1626] : memref<7x!tpu.dma_semaphore, #tpu.memory_space<semaphore_mem>> -> memref<1x!tpu.dma_semaphore, #tpu.memory_space<semaphore_mem>>
        %dma_start3A_1636 = tpu.memref_squeeze %dma_start3A_1635 : memref<1x!tpu.dma_semaphore, #tpu.memory_space<semaphore_mem>> -> memref<!tpu.dma_semaphore, #tpu.memory_space<semaphore_mem>>
        tpu.enqueue_indirect_dma source(%dma_start3A_1634 : memref<10000x128xf32, #tpu.memory_space<hbm>>) target(%dma_start3A_1630 : memref<40x128xf32, #tpu.memory_space<vmem>>) offsets(%dma_start3A_1631 : memref<40xi32, #tpu.memory_space<vmem>>) semaphore(%dma_start3A_1636 : memref<!tpu.dma_semaphore, #tpu.memory_space<semaphore_mem>>)
      } else {
      }
      %mul3A_1509 = arith.constant 7 : i32
      %mul3A_1510 = arith.muli %add3A_1493, %mul3A_1509 : i32
      %add3A_1511 = arith.constant 1 : i32
      %add3A_1512 = arith.addi %mul3A_1510, %add3A_1511 : i32
      %lt3A_1513 = arith.constant 125 : i32
      %lt3A_1514 = arith.cmpi slt, %add3A_1512, %lt3A_1513 : i32
      %convert_element_type3A_1515 = arith.extui %lt3A_1514 : i1 to i32
      %cond3A_1516 = arith.constant 0 : i32
      %cond3A_1517 = arith.cmpi ne, %convert_element_type3A_1515, %cond3A_1516 : i32
      scf.if %cond3A_1517 {
        %mul3A_1605 = arith.constant 40 : i32
        %mul3A_1606 = arith.muli %add3A_1512, %mul3A_1605 : i32
        %add3A_1607 = arith.addi %mul3A_2, %mul3A_1606 : i32
        %dma_wait3A_1608 = arith.constant 1 : i32
        %dma_wait3A_1609 = arith.constant 1 : i32
        %dma_wait3A_1610 = arith.constant 0 : i32
        %dma_wait3A_1611 = arith.constant 0 : i32
        %dma_wait3A_1612 = tpu.memref_slice %arg9[%dma_wait3A_1608, %dma_wait3A_1610, %dma_wait3A_1611] : memref<7x40x128xf32, #tpu.memory_space<vmem>> -> memref<1x40x128xf32, #tpu.memory_space<vmem>>
        %dma_wait3A_1613 = tpu.memref_squeeze %dma_wait3A_1612 : memref<1x40x128xf32, #tpu.memory_space<vmem>> -> memref<40x128xf32, #tpu.memory_space<vmem>>
        %dma_wait3A_1614 = tpu.memref_slice %arg7[%add3A_1607] : memref<5120xi32, #tpu.memory_space<vmem>> -> memref<40xi32, #tpu.memory_space<vmem>>
        %dma_wait3A_1615 = arith.constant 0 : i32
        %dma_wait3A_1616 = arith.constant 0 : i32
        %dma_wait3A_1617 = tpu.memref_slice %arg2[%dma_wait3A_1615, %dma_wait3A_1616] : memref<10000x128xf32, #tpu.memory_space<hbm>> -> memref<10000x128xf32, #tpu.memory_space<hbm>>
        %dma_wait3A_1618 = tpu.memref_slice %arg11[%dma_wait3A_1609] : memref<7x!tpu.dma_semaphore, #tpu.memory_space<semaphore_mem>> -> memref<1x!tpu.dma_semaphore, #tpu.memory_space<semaphore_mem>>
        %dma_wait3A_1619 = tpu.memref_squeeze %dma_wait3A_1618 : memref<1x!tpu.dma_semaphore, #tpu.memory_space<semaphore_mem>> -> memref<!tpu.dma_semaphore, #tpu.memory_space<semaphore_mem>>
        tpu.wait_indirect_dma semaphore(%dma_wait3A_1619 : memref<!tpu.dma_semaphore, #tpu.memory_space<semaphore_mem>>) src(%dma_wait3A_1617 : memref<10000x128xf32, #tpu.memory_space<hbm>>) dst(%dma_wait3A_1613 : memref<40x128xf32, #tpu.memory_space<vmem>>)
        %mul3A_1620 = arith.constant 40 : i32
        %mul3A_1621 = arith.muli %add3A_1512, %mul3A_1620 : i32
        %add3A_1622 = arith.addi %mul3A_2, %mul3A_1621 : i32
        %dma_start3A_1623 = arith.constant 1 : i32
        %dma_start3A_1624 = arith.constant 1 : i32
        %dma_start3A_1625 = arith.constant 0 : i32
        %dma_start3A_1626 = arith.constant 0 : i32
        %dma_start3A_1627 = tpu.memref_slice %arg9[%dma_start3A_1623, %dma_start3A_1625, %dma_start3A_1626] : memref<7x40x128xf32, #tpu.memory_space<vmem>> -> memref<1x40x128xf32, #tpu.memory_space<vmem>>
        %dma_start3A_1628 = tpu.memref_squeeze %dma_start3A_1627 : memref<1x40x128xf32, #tpu.memory_space<vmem>> -> memref<40x128xf32, #tpu.memory_space<vmem>>
        %dma_start3A_1629 = tpu.memref_slice %arg8[%add3A_1622] : memref<5120xi32, #tpu.memory_space<vmem>> -> memref<40xi32, #tpu.memory_space<vmem>>
        %dma_start3A_1630 = arith.constant 0 : i32
        %dma_start3A_1631 = arith.constant 0 : i32
        %dma_start3A_1632 = tpu.memref_slice %arg6[%dma_start3A_1630, %dma_start3A_1631] : memref<10000x128xf32, #tpu.memory_space<vmem_shared>> -> memref<10000x128xf32, #tpu.memory_space<vmem_shared>>
        %dma_start3A_1633 = tpu.memref_slice %arg12[%dma_start3A_1624] : memref<7x!tpu.dma_semaphore, #tpu.memory_space<semaphore_mem>> -> memref<1x!tpu.dma_semaphore, #tpu.memory_space<semaphore_mem>>
        %dma_start3A_1634 = tpu.memref_squeeze %dma_start3A_1633 : memref<1x!tpu.dma_semaphore, #tpu.memory_space<semaphore_mem>> -> memref<!tpu.dma_semaphore, #tpu.memory_space<semaphore_mem>>
        tpu.enqueue_indirect_dma source(%dma_start3A_1628 : memref<40x128xf32, #tpu.memory_space<vmem>>) target(%dma_start3A_1632 : memref<10000x128xf32, #tpu.memory_space<vmem_shared>>) offsets(%dma_start3A_1629 : memref<40xi32, #tpu.memory_space<vmem>>) semaphore(%dma_start3A_1634 : memref<!tpu.dma_semaphore, #tpu.memory_space<semaphore_mem>>) {add = true}
      } else {
      }
      %add3A_1518 = arith.constant 7 : i32
      %add3A_1519 = arith.addi %add3A_1512, %add3A_1518 : i32
      %lt3A_1520 = arith.constant 125 : i32
      %lt3A_1521 = arith.cmpi slt, %add3A_1519, %lt3A_1520 : i32
      %convert_element_type3A_1522 = arith.extui %lt3A_1521 : i1 to i32
      %cond3A_1523 = arith.constant 0 : i32
      %cond3A_1524 = arith.cmpi ne, %convert_element_type3A_1522, %cond3A_1523 : i32
      scf.if %cond3A_1524 {
        %mul3A_1605 = arith.constant 40 : i32
        %mul3A_1606 = arith.muli %add3A_1512, %mul3A_1605 : i32
        %add3A_1607 = arith.addi %mul3A_2, %mul3A_1606 : i32
        %dma_wait3A_1608 = arith.constant 1 : i32
        %dma_wait3A_1609 = arith.constant 1 : i32
        %dma_wait3A_1610 = arith.constant 0 : i32
        %dma_wait3A_1611 = arith.constant 0 : i32
        %dma_wait3A_1612 = tpu.memref_slice %arg9[%dma_wait3A_1608, %dma_wait3A_1610, %dma_wait3A_1611] : memref<7x40x128xf32, #tpu.memory_space<vmem>> -> memref<1x40x128xf32, #tpu.memory_space<vmem>>
        %dma_wait3A_1613 = tpu.memref_squeeze %dma_wait3A_1612 : memref<1x40x128xf32, #tpu.memory_space<vmem>> -> memref<40x128xf32, #tpu.memory_space<vmem>>
        %dma_wait3A_1614 = tpu.memref_slice %arg8[%add3A_1607] : memref<5120xi32, #tpu.memory_space<vmem>> -> memref<40xi32, #tpu.memory_space<vmem>>
        %dma_wait3A_1615 = arith.constant 0 : i32
        %dma_wait3A_1616 = arith.constant 0 : i32
        %dma_wait3A_1617 = tpu.memref_slice %arg6[%dma_wait3A_1615, %dma_wait3A_1616] : memref<10000x128xf32, #tpu.memory_space<vmem_shared>> -> memref<10000x128xf32, #tpu.memory_space<vmem_shared>>
        %dma_wait3A_1618 = tpu.memref_slice %arg12[%dma_wait3A_1609] : memref<7x!tpu.dma_semaphore, #tpu.memory_space<semaphore_mem>> -> memref<1x!tpu.dma_semaphore, #tpu.memory_space<semaphore_mem>>
        %dma_wait3A_1619 = tpu.memref_squeeze %dma_wait3A_1618 : memref<1x!tpu.dma_semaphore, #tpu.memory_space<semaphore_mem>> -> memref<!tpu.dma_semaphore, #tpu.memory_space<semaphore_mem>>
        tpu.wait_indirect_dma semaphore(%dma_wait3A_1619 : memref<!tpu.dma_semaphore, #tpu.memory_space<semaphore_mem>>) src(%dma_wait3A_1613 : memref<40x128xf32, #tpu.memory_space<vmem>>) dst(%dma_wait3A_1617 : memref<10000x128xf32, #tpu.memory_space<vmem_shared>>)
        %add3A_1620 = arith.constant 7 : i32
        %add3A_1621 = arith.addi %add3A_1512, %add3A_1620 : i32
        %mul3A_1622 = arith.constant 40 : i32
        %mul3A_1623 = arith.muli %add3A_1621, %mul3A_1622 : i32
        %add3A_1624 = arith.addi %mul3A_2, %mul3A_1623 : i32
        %dma_start3A_1625 = arith.constant 1 : i32
        %dma_start3A_1626 = arith.constant 1 : i32
        %dma_start3A_1627 = arith.constant 0 : i32
        %dma_start3A_1628 = arith.constant 0 : i32
        %dma_start3A_1629 = tpu.memref_slice %arg9[%dma_start3A_1625, %dma_start3A_1627, %dma_start3A_1628] : memref<7x40x128xf32, #tpu.memory_space<vmem>> -> memref<1x40x128xf32, #tpu.memory_space<vmem>>
        %dma_start3A_1630 = tpu.memref_squeeze %dma_start3A_1629 : memref<1x40x128xf32, #tpu.memory_space<vmem>> -> memref<40x128xf32, #tpu.memory_space<vmem>>
        %dma_start3A_1631 = tpu.memref_slice %arg7[%add3A_1624] : memref<5120xi32, #tpu.memory_space<vmem>> -> memref<40xi32, #tpu.memory_space<vmem>>
        %dma_start3A_1632 = arith.constant 0 : i32
        %dma_start3A_1633 = arith.constant 0 : i32
        %dma_start3A_1634 = tpu.memref_slice %arg2[%dma_start3A_1632, %dma_start3A_1633] : memref<10000x128xf32, #tpu.memory_space<hbm>> -> memref<10000x128xf32, #tpu.memory_space<hbm>>
        %dma_start3A_1635 = tpu.memref_slice %arg11[%dma_start3A_1626] : memref<7x!tpu.dma_semaphore, #tpu.memory_space<semaphore_mem>> -> memref<1x!tpu.dma_semaphore, #tpu.memory_space<semaphore_mem>>
        %dma_start3A_1636 = tpu.memref_squeeze %dma_start3A_1635 : memref<1x!tpu.dma_semaphore, #tpu.memory_space<semaphore_mem>> -> memref<!tpu.dma_semaphore, #tpu.memory_space<semaphore_mem>>
        tpu.enqueue_indirect_dma source(%dma_start3A_1634 : memref<10000x128xf32, #tpu.memory_space<hbm>>) target(%dma_start3A_1630 : memref<40x128xf32, #tpu.memory_space<vmem>>) offsets(%dma_start3A_1631 : memref<40xi32, #tpu.memory_space<vmem>>) semaphore(%dma_start3A_1636 : memref<!tpu.dma_semaphore, #tpu.memory_space<semaphore_mem>>)
      } else {
      }
      %mul3A_1525 = arith.constant 7 : i32
      %mul3A_1526 = arith.muli %add3A_1493, %mul3A_1525 : i32
      %add3A_1527 = arith.constant 2 : i32
      %add3A_1528 = arith.addi %mul3A_1526, %add3A_1527 : i32
      %lt3A_1529 = arith.constant 125 : i32
      %lt3A_1530 = arith.cmpi slt, %add3A_1528, %lt3A_1529 : i32
      %convert_element_type3A_1531 = arith.extui %lt3A_1530 : i1 to i32
      %cond3A_1532 = arith.constant 0 : i32
      %cond3A_1533 = arith.cmpi ne, %convert_element_type3A_1531, %cond3A_1532 : i32
      scf.if %cond3A_1533 {
        %mul3A_1605 = arith.constant 40 : i32
        %mul3A_1606 = arith.muli %add3A_1528, %mul3A_1605 : i32
        %add3A_1607 = arith.addi %mul3A_2, %mul3A_1606 : i32
        %dma_wait3A_1608 = arith.constant 2 : i32
        %dma_wait3A_1609 = arith.constant 2 : i32
        %dma_wait3A_1610 = arith.constant 0 : i32
        %dma_wait3A_1611 = arith.constant 0 : i32
        %dma_wait3A_1612 = tpu.memref_slice %arg9[%dma_wait3A_1608, %dma_wait3A_1610, %dma_wait3A_1611] : memref<7x40x128xf32, #tpu.memory_space<vmem>> -> memref<1x40x128xf32, #tpu.memory_space<vmem>>
        %dma_wait3A_1613 = tpu.memref_squeeze %dma_wait3A_1612 : memref<1x40x128xf32, #tpu.memory_space<vmem>> -> memref<40x128xf32, #tpu.memory_space<vmem>>
        %dma_wait3A_1614 = tpu.memref_slice %arg7[%add3A_1607] : memref<5120xi32, #tpu.memory_space<vmem>> -> memref<40xi32, #tpu.memory_space<vmem>>
        %dma_wait3A_1615 = arith.constant 0 : i32
        %dma_wait3A_1616 = arith.constant 0 : i32
        %dma_wait3A_1617 = tpu.memref_slice %arg2[%dma_wait3A_1615, %dma_wait3A_1616] : memref<10000x128xf32, #tpu.memory_space<hbm>> -> memref<10000x128xf32, #tpu.memory_space<hbm>>
        %dma_wait3A_1618 = tpu.memref_slice %arg11[%dma_wait3A_1609] : memref<7x!tpu.dma_semaphore, #tpu.memory_space<semaphore_mem>> -> memref<1x!tpu.dma_semaphore, #tpu.memory_space<semaphore_mem>>
        %dma_wait3A_1619 = tpu.memref_squeeze %dma_wait3A_1618 : memref<1x!tpu.dma_semaphore, #tpu.memory_space<semaphore_mem>> -> memref<!tpu.dma_semaphore, #tpu.memory_space<semaphore_mem>>
        tpu.wait_indirect_dma semaphore(%dma_wait3A_1619 : memref<!tpu.dma_semaphore, #tpu.memory_space<semaphore_mem>>) src(%dma_wait3A_1617 : memref<10000x128xf32, #tpu.memory_space<hbm>>) dst(%dma_wait3A_1613 : memref<40x128xf32, #tpu.memory_space<vmem>>)
        %mul3A_1620 = arith.constant 40 : i32
        %mul3A_1621 = arith.muli %add3A_1528, %mul3A_1620 : i32
        %add3A_1622 = arith.addi %mul3A_2, %mul3A_1621 : i32
        %dma_start3A_1623 = arith.constant 2 : i32
        %dma_start3A_1624 = arith.constant 2 : i32
        %dma_start3A_1625 = arith.constant 0 : i32
        %dma_start3A_1626 = arith.constant 0 : i32
        %dma_start3A_1627 = tpu.memref_slice %arg9[%dma_start3A_1623, %dma_start3A_1625, %dma_start3A_1626] : memref<7x40x128xf32, #tpu.memory_space<vmem>> -> memref<1x40x128xf32, #tpu.memory_space<vmem>>
        %dma_start3A_1628 = tpu.memref_squeeze %dma_start3A_1627 : memref<1x40x128xf32, #tpu.memory_space<vmem>> -> memref<40x128xf32, #tpu.memory_space<vmem>>
        %dma_start3A_1629 = tpu.memref_slice %arg8[%add3A_1622] : memref<5120xi32, #tpu.memory_space<vmem>> -> memref<40xi32, #tpu.memory_space<vmem>>
        %dma_start3A_1630 = arith.constant 0 : i32
        %dma_start3A_1631 = arith.constant 0 : i32
        %dma_start3A_1632 = tpu.memref_slice %arg6[%dma_start3A_1630, %dma_start3A_1631] : memref<10000x128xf32, #tpu.memory_space<vmem_shared>> -> memref<10000x128xf32, #tpu.memory_space<vmem_shared>>
        %dma_start3A_1633 = tpu.memref_slice %arg12[%dma_start3A_1624] : memref<7x!tpu.dma_semaphore, #tpu.memory_space<semaphore_mem>> -> memref<1x!tpu.dma_semaphore, #tpu.memory_space<semaphore_mem>>
        %dma_start3A_1634 = tpu.memref_squeeze %dma_start3A_1633 : memref<1x!tpu.dma_semaphore, #tpu.memory_space<semaphore_mem>> -> memref<!tpu.dma_semaphore, #tpu.memory_space<semaphore_mem>>
        tpu.enqueue_indirect_dma source(%dma_start3A_1628 : memref<40x128xf32, #tpu.memory_space<vmem>>) target(%dma_start3A_1632 : memref<10000x128xf32, #tpu.memory_space<vmem_shared>>) offsets(%dma_start3A_1629 : memref<40xi32, #tpu.memory_space<vmem>>) semaphore(%dma_start3A_1634 : memref<!tpu.dma_semaphore, #tpu.memory_space<semaphore_mem>>) {add = true}
      } else {
      }
      %add3A_1534 = arith.constant 7 : i32
      %add3A_1535 = arith.addi %add3A_1528, %add3A_1534 : i32
      %lt3A_1536 = arith.constant 125 : i32
      %lt3A_1537 = arith.cmpi slt, %add3A_1535, %lt3A_1536 : i32
      %convert_element_type3A_1538 = arith.extui %lt3A_1537 : i1 to i32
      %cond3A_1539 = arith.constant 0 : i32
      %cond3A_1540 = arith.cmpi ne, %convert_element_type3A_1538, %cond3A_1539 : i32
      scf.if %cond3A_1540 {
        %mul3A_1605 = arith.constant 40 : i32
        %mul3A_1606 = arith.muli %add3A_1528, %mul3A_1605 : i32
        %add3A_1607 = arith.addi %mul3A_2, %mul3A_1606 : i32
        %dma_wait3A_1608 = arith.constant 2 : i32
        %dma_wait3A_1609 = arith.constant 2 : i32
        %dma_wait3A_1610 = arith.constant 0 : i32
        %dma_wait3A_1611 = arith.constant 0 : i32
        %dma_wait3A_1612 = tpu.memref_slice %arg9[%dma_wait3A_1608, %dma_wait3A_1610, %dma_wait3A_1611] : memref<7x40x128xf32, #tpu.memory_space<vmem>> -> memref<1x40x128xf32, #tpu.memory_space<vmem>>
        %dma_wait3A_1613 = tpu.memref_squeeze %dma_wait3A_1612 : memref<1x40x128xf32, #tpu.memory_space<vmem>> -> memref<40x128xf32, #tpu.memory_space<vmem>>
        %dma_wait3A_1614 = tpu.memref_slice %arg8[%add3A_1607] : memref<5120xi32, #tpu.memory_space<vmem>> -> memref<40xi32, #tpu.memory_space<vmem>>
        %dma_wait3A_1615 = arith.constant 0 : i32
        %dma_wait3A_1616 = arith.constant 0 : i32
        %dma_wait3A_1617 = tpu.memref_slice %arg6[%dma_wait3A_1615, %dma_wait3A_1616] : memref<10000x128xf32, #tpu.memory_space<vmem_shared>> -> memref<10000x128xf32, #tpu.memory_space<vmem_shared>>
        %dma_wait3A_1618 = tpu.memref_slice %arg12[%dma_wait3A_1609] : memref<7x!tpu.dma_semaphore, #tpu.memory_space<semaphore_mem>> -> memref<1x!tpu.dma_semaphore, #tpu.memory_space<semaphore_mem>>
        %dma_wait3A_1619 = tpu.memref_squeeze %dma_wait3A_1618 : memref<1x!tpu.dma_semaphore, #tpu.memory_space<semaphore_mem>> -> memref<!tpu.dma_semaphore, #tpu.memory_space<semaphore_mem>>
        tpu.wait_indirect_dma semaphore(%dma_wait3A_1619 : memref<!tpu.dma_semaphore, #tpu.memory_space<semaphore_mem>>) src(%dma_wait3A_1613 : memref<40x128xf32, #tpu.memory_space<vmem>>) dst(%dma_wait3A_1617 : memref<10000x128xf32, #tpu.memory_space<vmem_shared>>)
        %add3A_1620 = arith.constant 7 : i32
        %add3A_1621 = arith.addi %add3A_1528, %add3A_1620 : i32
        %mul3A_1622 = arith.constant 40 : i32
        %mul3A_1623 = arith.muli %add3A_1621, %mul3A_1622 : i32
        %add3A_1624 = arith.addi %mul3A_2, %mul3A_1623 : i32
        %dma_start3A_1625 = arith.constant 2 : i32
        %dma_start3A_1626 = arith.constant 2 : i32
        %dma_start3A_1627 = arith.constant 0 : i32
        %dma_start3A_1628 = arith.constant 0 : i32
        %dma_start3A_1629 = tpu.memref_slice %arg9[%dma_start3A_1625, %dma_start3A_1627, %dma_start3A_1628] : memref<7x40x128xf32, #tpu.memory_space<vmem>> -> memref<1x40x128xf32, #tpu.memory_space<vmem>>
        %dma_start3A_1630 = tpu.memref_squeeze %dma_start3A_1629 : memref<1x40x128xf32, #tpu.memory_space<vmem>> -> memref<40x128xf32, #tpu.memory_space<vmem>>
        %dma_start3A_1631 = tpu.memref_slice %arg7[%add3A_1624] : memref<5120xi32, #tpu.memory_space<vmem>> -> memref<40xi32, #tpu.memory_space<vmem>>
        %dma_start3A_1632 = arith.constant 0 : i32
        %dma_start3A_1633 = arith.constant 0 : i32
        %dma_start3A_1634 = tpu.memref_slice %arg2[%dma_start3A_1632, %dma_start3A_1633] : memref<10000x128xf32, #tpu.memory_space<hbm>> -> memref<10000x128xf32, #tpu.memory_space<hbm>>
        %dma_start3A_1635 = tpu.memref_slice %arg11[%dma_start3A_1626] : memref<7x!tpu.dma_semaphore, #tpu.memory_space<semaphore_mem>> -> memref<1x!tpu.dma_semaphore, #tpu.memory_space<semaphore_mem>>
        %dma_start3A_1636 = tpu.memref_squeeze %dma_start3A_1635 : memref<1x!tpu.dma_semaphore, #tpu.memory_space<semaphore_mem>> -> memref<!tpu.dma_semaphore, #tpu.memory_space<semaphore_mem>>
        tpu.enqueue_indirect_dma source(%dma_start3A_1634 : memref<10000x128xf32, #tpu.memory_space<hbm>>) target(%dma_start3A_1630 : memref<40x128xf32, #tpu.memory_space<vmem>>) offsets(%dma_start3A_1631 : memref<40xi32, #tpu.memory_space<vmem>>) semaphore(%dma_start3A_1636 : memref<!tpu.dma_semaphore, #tpu.memory_space<semaphore_mem>>)
      } else {
      }
      %mul3A_1541 = arith.constant 7 : i32
      %mul3A_1542 = arith.muli %add3A_1493, %mul3A_1541 : i32
      %add3A_1543 = arith.constant 3 : i32
      %add3A_1544 = arith.addi %mul3A_1542, %add3A_1543 : i32
      %lt3A_1545 = arith.constant 125 : i32
      %lt3A_1546 = arith.cmpi slt, %add3A_1544, %lt3A_1545 : i32
      %convert_element_type3A_1547 = arith.extui %lt3A_1546 : i1 to i32
      %cond3A_1548 = arith.constant 0 : i32
      %cond3A_1549 = arith.cmpi ne, %convert_element_type3A_1547, %cond3A_1548 : i32
      scf.if %cond3A_1549 {
        %mul3A_1605 = arith.constant 40 : i32
        %mul3A_1606 = arith.muli %add3A_1544, %mul3A_1605 : i32
        %add3A_1607 = arith.addi %mul3A_2, %mul3A_1606 : i32
        %dma_wait3A_1608 = arith.constant 3 : i32
        %dma_wait3A_1609 = arith.constant 3 : i32
        %dma_wait3A_1610 = arith.constant 0 : i32
        %dma_wait3A_1611 = arith.constant 0 : i32
        %dma_wait3A_1612 = tpu.memref_slice %arg9[%dma_wait3A_1608, %dma_wait3A_1610, %dma_wait3A_1611] : memref<7x40x128xf32, #tpu.memory_space<vmem>> -> memref<1x40x128xf32, #tpu.memory_space<vmem>>
        %dma_wait3A_1613 = tpu.memref_squeeze %dma_wait3A_1612 : memref<1x40x128xf32, #tpu.memory_space<vmem>> -> memref<40x128xf32, #tpu.memory_space<vmem>>
        %dma_wait3A_1614 = tpu.memref_slice %arg7[%add3A_1607] : memref<5120xi32, #tpu.memory_space<vmem>> -> memref<40xi32, #tpu.memory_space<vmem>>
        %dma_wait3A_1615 = arith.constant 0 : i32
        %dma_wait3A_1616 = arith.constant 0 : i32
        %dma_wait3A_1617 = tpu.memref_slice %arg2[%dma_wait3A_1615, %dma_wait3A_1616] : memref<10000x128xf32, #tpu.memory_space<hbm>> -> memref<10000x128xf32, #tpu.memory_space<hbm>>
        %dma_wait3A_1618 = tpu.memref_slice %arg11[%dma_wait3A_1609] : memref<7x!tpu.dma_semaphore, #tpu.memory_space<semaphore_mem>> -> memref<1x!tpu.dma_semaphore, #tpu.memory_space<semaphore_mem>>
        %dma_wait3A_1619 = tpu.memref_squeeze %dma_wait3A_1618 : memref<1x!tpu.dma_semaphore, #tpu.memory_space<semaphore_mem>> -> memref<!tpu.dma_semaphore, #tpu.memory_space<semaphore_mem>>
        tpu.wait_indirect_dma semaphore(%dma_wait3A_1619 : memref<!tpu.dma_semaphore, #tpu.memory_space<semaphore_mem>>) src(%dma_wait3A_1617 : memref<10000x128xf32, #tpu.memory_space<hbm>>) dst(%dma_wait3A_1613 : memref<40x128xf32, #tpu.memory_space<vmem>>)
        %mul3A_1620 = arith.constant 40 : i32
        %mul3A_1621 = arith.muli %add3A_1544, %mul3A_1620 : i32
        %add3A_1622 = arith.addi %mul3A_2, %mul3A_1621 : i32
        %dma_start3A_1623 = arith.constant 3 : i32
        %dma_start3A_1624 = arith.constant 3 : i32
        %dma_start3A_1625 = arith.constant 0 : i32
        %dma_start3A_1626 = arith.constant 0 : i32
        %dma_start3A_1627 = tpu.memref_slice %arg9[%dma_start3A_1623, %dma_start3A_1625, %dma_start3A_1626] : memref<7x40x128xf32, #tpu.memory_space<vmem>> -> memref<1x40x128xf32, #tpu.memory_space<vmem>>
        %dma_start3A_1628 = tpu.memref_squeeze %dma_start3A_1627 : memref<1x40x128xf32, #tpu.memory_space<vmem>> -> memref<40x128xf32, #tpu.memory_space<vmem>>
        %dma_start3A_1629 = tpu.memref_slice %arg8[%add3A_1622] : memref<5120xi32, #tpu.memory_space<vmem>> -> memref<40xi32, #tpu.memory_space<vmem>>
        %dma_start3A_1630 = arith.constant 0 : i32
        %dma_start3A_1631 = arith.constant 0 : i32
        %dma_start3A_1632 = tpu.memref_slice %arg6[%dma_start3A_1630, %dma_start3A_1631] : memref<10000x128xf32, #tpu.memory_space<vmem_shared>> -> memref<10000x128xf32, #tpu.memory_space<vmem_shared>>
        %dma_start3A_1633 = tpu.memref_slice %arg12[%dma_start3A_1624] : memref<7x!tpu.dma_semaphore, #tpu.memory_space<semaphore_mem>> -> memref<1x!tpu.dma_semaphore, #tpu.memory_space<semaphore_mem>>
        %dma_start3A_1634 = tpu.memref_squeeze %dma_start3A_1633 : memref<1x!tpu.dma_semaphore, #tpu.memory_space<semaphore_mem>> -> memref<!tpu.dma_semaphore, #tpu.memory_space<semaphore_mem>>
        tpu.enqueue_indirect_dma source(%dma_start3A_1628 : memref<40x128xf32, #tpu.memory_space<vmem>>) target(%dma_start3A_1632 : memref<10000x128xf32, #tpu.memory_space<vmem_shared>>) offsets(%dma_start3A_1629 : memref<40xi32, #tpu.memory_space<vmem>>) semaphore(%dma_start3A_1634 : memref<!tpu.dma_semaphore, #tpu.memory_space<semaphore_mem>>) {add = true}
      } else {
      }
      %add3A_1550 = arith.constant 7 : i32
      %add3A_1551 = arith.addi %add3A_1544, %add3A_1550 : i32
      %lt3A_1552 = arith.constant 125 : i32
      %lt3A_1553 = arith.cmpi slt, %add3A_1551, %lt3A_1552 : i32
      %convert_element_type3A_1554 = arith.extui %lt3A_1553 : i1 to i32
      %cond3A_1555 = arith.constant 0 : i32
      %cond3A_1556 = arith.cmpi ne, %convert_element_type3A_1554, %cond3A_1555 : i32
      scf.if %cond3A_1556 {
        %mul3A_1605 = arith.constant 40 : i32
        %mul3A_1606 = arith.muli %add3A_1544, %mul3A_1605 : i32
        %add3A_1607 = arith.addi %mul3A_2, %mul3A_1606 : i32
        %dma_wait3A_1608 = arith.constant 3 : i32
        %dma_wait3A_1609 = arith.constant 3 : i32
        %dma_wait3A_1610 = arith.constant 0 : i32
        %dma_wait3A_1611 = arith.constant 0 : i32
        %dma_wait3A_1612 = tpu.memref_slice %arg9[%dma_wait3A_1608, %dma_wait3A_1610, %dma_wait3A_1611] : memref<7x40x128xf32, #tpu.memory_space<vmem>> -> memref<1x40x128xf32, #tpu.memory_space<vmem>>
        %dma_wait3A_1613 = tpu.memref_squeeze %dma_wait3A_1612 : memref<1x40x128xf32, #tpu.memory_space<vmem>> -> memref<40x128xf32, #tpu.memory_space<vmem>>
        %dma_wait3A_1614 = tpu.memref_slice %arg8[%add3A_1607] : memref<5120xi32, #tpu.memory_space<vmem>> -> memref<40xi32, #tpu.memory_space<vmem>>
        %dma_wait3A_1615 = arith.constant 0 : i32
        %dma_wait3A_1616 = arith.constant 0 : i32
        %dma_wait3A_1617 = tpu.memref_slice %arg6[%dma_wait3A_1615, %dma_wait3A_1616] : memref<10000x128xf32, #tpu.memory_space<vmem_shared>> -> memref<10000x128xf32, #tpu.memory_space<vmem_shared>>
        %dma_wait3A_1618 = tpu.memref_slice %arg12[%dma_wait3A_1609] : memref<7x!tpu.dma_semaphore, #tpu.memory_space<semaphore_mem>> -> memref<1x!tpu.dma_semaphore, #tpu.memory_space<semaphore_mem>>
        %dma_wait3A_1619 = tpu.memref_squeeze %dma_wait3A_1618 : memref<1x!tpu.dma_semaphore, #tpu.memory_space<semaphore_mem>> -> memref<!tpu.dma_semaphore, #tpu.memory_space<semaphore_mem>>
        tpu.wait_indirect_dma semaphore(%dma_wait3A_1619 : memref<!tpu.dma_semaphore, #tpu.memory_space<semaphore_mem>>) src(%dma_wait3A_1613 : memref<40x128xf32, #tpu.memory_space<vmem>>) dst(%dma_wait3A_1617 : memref<10000x128xf32, #tpu.memory_space<vmem_shared>>)
        %add3A_1620 = arith.constant 7 : i32
        %add3A_1621 = arith.addi %add3A_1544, %add3A_1620 : i32
        %mul3A_1622 = arith.constant 40 : i32
        %mul3A_1623 = arith.muli %add3A_1621, %mul3A_1622 : i32
        %add3A_1624 = arith.addi %mul3A_2, %mul3A_1623 : i32
        %dma_start3A_1625 = arith.constant 3 : i32
        %dma_start3A_1626 = arith.constant 3 : i32
        %dma_start3A_1627 = arith.constant 0 : i32
        %dma_start3A_1628 = arith.constant 0 : i32
        %dma_start3A_1629 = tpu.memref_slice %arg9[%dma_start3A_1625, %dma_start3A_1627, %dma_start3A_1628] : memref<7x40x128xf32, #tpu.memory_space<vmem>> -> memref<1x40x128xf32, #tpu.memory_space<vmem>>
        %dma_start3A_1630 = tpu.memref_squeeze %dma_start3A_1629 : memref<1x40x128xf32, #tpu.memory_space<vmem>> -> memref<40x128xf32, #tpu.memory_space<vmem>>
        %dma_start3A_1631 = tpu.memref_slice %arg7[%add3A_1624] : memref<5120xi32, #tpu.memory_space<vmem>> -> memref<40xi32, #tpu.memory_space<vmem>>
        %dma_start3A_1632 = arith.constant 0 : i32
        %dma_start3A_1633 = arith.constant 0 : i32
        %dma_start3A_1634 = tpu.memref_slice %arg2[%dma_start3A_1632, %dma_start3A_1633] : memref<10000x128xf32, #tpu.memory_space<hbm>> -> memref<10000x128xf32, #tpu.memory_space<hbm>>
        %dma_start3A_1635 = tpu.memref_slice %arg11[%dma_start3A_1626] : memref<7x!tpu.dma_semaphore, #tpu.memory_space<semaphore_mem>> -> memref<1x!tpu.dma_semaphore, #tpu.memory_space<semaphore_mem>>
        %dma_start3A_1636 = tpu.memref_squeeze %dma_start3A_1635 : memref<1x!tpu.dma_semaphore, #tpu.memory_space<semaphore_mem>> -> memref<!tpu.dma_semaphore, #tpu.memory_space<semaphore_mem>>
        tpu.enqueue_indirect_dma source(%dma_start3A_1634 : memref<10000x128xf32, #tpu.memory_space<hbm>>) target(%dma_start3A_1630 : memref<40x128xf32, #tpu.memory_space<vmem>>) offsets(%dma_start3A_1631 : memref<40xi32, #tpu.memory_space<vmem>>) semaphore(%dma_start3A_1636 : memref<!tpu.dma_semaphore, #tpu.memory_space<semaphore_mem>>)
      } else {
      }
      %mul3A_1557 = arith.constant 7 : i32
      %mul3A_1558 = arith.muli %add3A_1493, %mul3A_1557 : i32
      %add3A_1559 = arith.constant 4 : i32
      %add3A_1560 = arith.addi %mul3A_1558, %add3A_1559 : i32
      %lt3A_1561 = arith.constant 125 : i32
      %lt3A_1562 = arith.cmpi slt, %add3A_1560, %lt3A_1561 : i32
      %convert_element_type3A_1563 = arith.extui %lt3A_1562 : i1 to i32
      %cond3A_1564 = arith.constant 0 : i32
      %cond3A_1565 = arith.cmpi ne, %convert_element_type3A_1563, %cond3A_1564 : i32
      scf.if %cond3A_1565 {
        %mul3A_1605 = arith.constant 40 : i32
        %mul3A_1606 = arith.muli %add3A_1560, %mul3A_1605 : i32
        %add3A_1607 = arith.addi %mul3A_2, %mul3A_1606 : i32
        %dma_wait3A_1608 = arith.constant 4 : i32
        %dma_wait3A_1609 = arith.constant 4 : i32
        %dma_wait3A_1610 = arith.constant 0 : i32
        %dma_wait3A_1611 = arith.constant 0 : i32
        %dma_wait3A_1612 = tpu.memref_slice %arg9[%dma_wait3A_1608, %dma_wait3A_1610, %dma_wait3A_1611] : memref<7x40x128xf32, #tpu.memory_space<vmem>> -> memref<1x40x128xf32, #tpu.memory_space<vmem>>
        %dma_wait3A_1613 = tpu.memref_squeeze %dma_wait3A_1612 : memref<1x40x128xf32, #tpu.memory_space<vmem>> -> memref<40x128xf32, #tpu.memory_space<vmem>>
        %dma_wait3A_1614 = tpu.memref_slice %arg7[%add3A_1607] : memref<5120xi32, #tpu.memory_space<vmem>> -> memref<40xi32, #tpu.memory_space<vmem>>
        %dma_wait3A_1615 = arith.constant 0 : i32
        %dma_wait3A_1616 = arith.constant 0 : i32
        %dma_wait3A_1617 = tpu.memref_slice %arg2[%dma_wait3A_1615, %dma_wait3A_1616] : memref<10000x128xf32, #tpu.memory_space<hbm>> -> memref<10000x128xf32, #tpu.memory_space<hbm>>
        %dma_wait3A_1618 = tpu.memref_slice %arg11[%dma_wait3A_1609] : memref<7x!tpu.dma_semaphore, #tpu.memory_space<semaphore_mem>> -> memref<1x!tpu.dma_semaphore, #tpu.memory_space<semaphore_mem>>
        %dma_wait3A_1619 = tpu.memref_squeeze %dma_wait3A_1618 : memref<1x!tpu.dma_semaphore, #tpu.memory_space<semaphore_mem>> -> memref<!tpu.dma_semaphore, #tpu.memory_space<semaphore_mem>>
        tpu.wait_indirect_dma semaphore(%dma_wait3A_1619 : memref<!tpu.dma_semaphore, #tpu.memory_space<semaphore_mem>>) src(%dma_wait3A_1617 : memref<10000x128xf32, #tpu.memory_space<hbm>>) dst(%dma_wait3A_1613 : memref<40x128xf32, #tpu.memory_space<vmem>>)
        %mul3A_1620 = arith.constant 40 : i32
        %mul3A_1621 = arith.muli %add3A_1560, %mul3A_1620 : i32
        %add3A_1622 = arith.addi %mul3A_2, %mul3A_1621 : i32
        %dma_start3A_1623 = arith.constant 4 : i32
        %dma_start3A_1624 = arith.constant 4 : i32
        %dma_start3A_1625 = arith.constant 0 : i32
        %dma_start3A_1626 = arith.constant 0 : i32
        %dma_start3A_1627 = tpu.memref_slice %arg9[%dma_start3A_1623, %dma_start3A_1625, %dma_start3A_1626] : memref<7x40x128xf32, #tpu.memory_space<vmem>> -> memref<1x40x128xf32, #tpu.memory_space<vmem>>
        %dma_start3A_1628 = tpu.memref_squeeze %dma_start3A_1627 : memref<1x40x128xf32, #tpu.memory_space<vmem>> -> memref<40x128xf32, #tpu.memory_space<vmem>>
        %dma_start3A_1629 = tpu.memref_slice %arg8[%add3A_1622] : memref<5120xi32, #tpu.memory_space<vmem>> -> memref<40xi32, #tpu.memory_space<vmem>>
        %dma_start3A_1630 = arith.constant 0 : i32
        %dma_start3A_1631 = arith.constant 0 : i32
        %dma_start3A_1632 = tpu.memref_slice %arg6[%dma_start3A_1630, %dma_start3A_1631] : memref<10000x128xf32, #tpu.memory_space<vmem_shared>> -> memref<10000x128xf32, #tpu.memory_space<vmem_shared>>
        %dma_start3A_1633 = tpu.memref_slice %arg12[%dma_start3A_1624] : memref<7x!tpu.dma_semaphore, #tpu.memory_space<semaphore_mem>> -> memref<1x!tpu.dma_semaphore, #tpu.memory_space<semaphore_mem>>
        %dma_start3A_1634 = tpu.memref_squeeze %dma_start3A_1633 : memref<1x!tpu.dma_semaphore, #tpu.memory_space<semaphore_mem>> -> memref<!tpu.dma_semaphore, #tpu.memory_space<semaphore_mem>>
        tpu.enqueue_indirect_dma source(%dma_start3A_1628 : memref<40x128xf32, #tpu.memory_space<vmem>>) target(%dma_start3A_1632 : memref<10000x128xf32, #tpu.memory_space<vmem_shared>>) offsets(%dma_start3A_1629 : memref<40xi32, #tpu.memory_space<vmem>>) semaphore(%dma_start3A_1634 : memref<!tpu.dma_semaphore, #tpu.memory_space<semaphore_mem>>) {add = true}
      } else {
      }
      %add3A_1566 = arith.constant 7 : i32
      %add3A_1567 = arith.addi %add3A_1560, %add3A_1566 : i32
      %lt3A_1568 = arith.constant 125 : i32
      %lt3A_1569 = arith.cmpi slt, %add3A_1567, %lt3A_1568 : i32
      %convert_element_type3A_1570 = arith.extui %lt3A_1569 : i1 to i32
      %cond3A_1571 = arith.constant 0 : i32
      %cond3A_1572 = arith.cmpi ne, %convert_element_type3A_1570, %cond3A_1571 : i32
      scf.if %cond3A_1572 {
        %mul3A_1605 = arith.constant 40 : i32
        %mul3A_1606 = arith.muli %add3A_1560, %mul3A_1605 : i32
        %add3A_1607 = arith.addi %mul3A_2, %mul3A_1606 : i32
        %dma_wait3A_1608 = arith.constant 4 : i32
        %dma_wait3A_1609 = arith.constant 4 : i32
        %dma_wait3A_1610 = arith.constant 0 : i32
        %dma_wait3A_1611 = arith.constant 0 : i32
        %dma_wait3A_1612 = tpu.memref_slice %arg9[%dma_wait3A_1608, %dma_wait3A_1610, %dma_wait3A_1611] : memref<7x40x128xf32, #tpu.memory_space<vmem>> -> memref<1x40x128xf32, #tpu.memory_space<vmem>>
        %dma_wait3A_1613 = tpu.memref_squeeze %dma_wait3A_1612 : memref<1x40x128xf32, #tpu.memory_space<vmem>> -> memref<40x128xf32, #tpu.memory_space<vmem>>
        %dma_wait3A_1614 = tpu.memref_slice %arg8[%add3A_1607] : memref<5120xi32, #tpu.memory_space<vmem>> -> memref<40xi32, #tpu.memory_space<vmem>>
        %dma_wait3A_1615 = arith.constant 0 : i32
        %dma_wait3A_1616 = arith.constant 0 : i32
        %dma_wait3A_1617 = tpu.memref_slice %arg6[%dma_wait3A_1615, %dma_wait3A_1616] : memref<10000x128xf32, #tpu.memory_space<vmem_shared>> -> memref<10000x128xf32, #tpu.memory_space<vmem_shared>>
        %dma_wait3A_1618 = tpu.memref_slice %arg12[%dma_wait3A_1609] : memref<7x!tpu.dma_semaphore, #tpu.memory_space<semaphore_mem>> -> memref<1x!tpu.dma_semaphore, #tpu.memory_space<semaphore_mem>>
        %dma_wait3A_1619 = tpu.memref_squeeze %dma_wait3A_1618 : memref<1x!tpu.dma_semaphore, #tpu.memory_space<semaphore_mem>> -> memref<!tpu.dma_semaphore, #tpu.memory_space<semaphore_mem>>
        tpu.wait_indirect_dma semaphore(%dma_wait3A_1619 : memref<!tpu.dma_semaphore, #tpu.memory_space<semaphore_mem>>) src(%dma_wait3A_1613 : memref<40x128xf32, #tpu.memory_space<vmem>>) dst(%dma_wait3A_1617 : memref<10000x128xf32, #tpu.memory_space<vmem_shared>>)
        %add3A_1620 = arith.constant 7 : i32
        %add3A_1621 = arith.addi %add3A_1560, %add3A_1620 : i32
        %mul3A_1622 = arith.constant 40 : i32
        %mul3A_1623 = arith.muli %add3A_1621, %mul3A_1622 : i32
        %add3A_1624 = arith.addi %mul3A_2, %mul3A_1623 : i32
        %dma_start3A_1625 = arith.constant 4 : i32
        %dma_start3A_1626 = arith.constant 4 : i32
        %dma_start3A_1627 = arith.constant 0 : i32
        %dma_start3A_1628 = arith.constant 0 : i32
        %dma_start3A_1629 = tpu.memref_slice %arg9[%dma_start3A_1625, %dma_start3A_1627, %dma_start3A_1628] : memref<7x40x128xf32, #tpu.memory_space<vmem>> -> memref<1x40x128xf32, #tpu.memory_space<vmem>>
        %dma_start3A_1630 = tpu.memref_squeeze %dma_start3A_1629 : memref<1x40x128xf32, #tpu.memory_space<vmem>> -> memref<40x128xf32, #tpu.memory_space<vmem>>
        %dma_start3A_1631 = tpu.memref_slice %arg7[%add3A_1624] : memref<5120xi32, #tpu.memory_space<vmem>> -> memref<40xi32, #tpu.memory_space<vmem>>
        %dma_start3A_1632 = arith.constant 0 : i32
        %dma_start3A_1633 = arith.constant 0 : i32
        %dma_start3A_1634 = tpu.memref_slice %arg2[%dma_start3A_1632, %dma_start3A_1633] : memref<10000x128xf32, #tpu.memory_space<hbm>> -> memref<10000x128xf32, #tpu.memory_space<hbm>>
        %dma_start3A_1635 = tpu.memref_slice %arg11[%dma_start3A_1626] : memref<7x!tpu.dma_semaphore, #tpu.memory_space<semaphore_mem>> -> memref<1x!tpu.dma_semaphore, #tpu.memory_space<semaphore_mem>>
        %dma_start3A_1636 = tpu.memref_squeeze %dma_start3A_1635 : memref<1x!tpu.dma_semaphore, #tpu.memory_space<semaphore_mem>> -> memref<!tpu.dma_semaphore, #tpu.memory_space<semaphore_mem>>
        tpu.enqueue_indirect_dma source(%dma_start3A_1634 : memref<10000x128xf32, #tpu.memory_space<hbm>>) target(%dma_start3A_1630 : memref<40x128xf32, #tpu.memory_space<vmem>>) offsets(%dma_start3A_1631 : memref<40xi32, #tpu.memory_space<vmem>>) semaphore(%dma_start3A_1636 : memref<!tpu.dma_semaphore, #tpu.memory_space<semaphore_mem>>)
      } else {
      }
      %mul3A_1573 = arith.constant 7 : i32
      %mul3A_1574 = arith.muli %add3A_1493, %mul3A_1573 : i32
      %add3A_1575 = arith.constant 5 : i32
      %add3A_1576 = arith.addi %mul3A_1574, %add3A_1575 : i32
      %lt3A_1577 = arith.constant 125 : i32
      %lt3A_1578 = arith.cmpi slt, %add3A_1576, %lt3A_1577 : i32
      %convert_element_type3A_1579 = arith.extui %lt3A_1578 : i1 to i32
      %cond3A_1580 = arith.constant 0 : i32
      %cond3A_1581 = arith.cmpi ne, %convert_element_type3A_1579, %cond3A_1580 : i32
      scf.if %cond3A_1581 {
        %mul3A_1605 = arith.constant 40 : i32
        %mul3A_1606 = arith.muli %add3A_1576, %mul3A_1605 : i32
        %add3A_1607 = arith.addi %mul3A_2, %mul3A_1606 : i32
        %dma_wait3A_1608 = arith.constant 5 : i32
        %dma_wait3A_1609 = arith.constant 5 : i32
        %dma_wait3A_1610 = arith.constant 0 : i32
        %dma_wait3A_1611 = arith.constant 0 : i32
        %dma_wait3A_1612 = tpu.memref_slice %arg9[%dma_wait3A_1608, %dma_wait3A_1610, %dma_wait3A_1611] : memref<7x40x128xf32, #tpu.memory_space<vmem>> -> memref<1x40x128xf32, #tpu.memory_space<vmem>>
        %dma_wait3A_1613 = tpu.memref_squeeze %dma_wait3A_1612 : memref<1x40x128xf32, #tpu.memory_space<vmem>> -> memref<40x128xf32, #tpu.memory_space<vmem>>
        %dma_wait3A_1614 = tpu.memref_slice %arg7[%add3A_1607] : memref<5120xi32, #tpu.memory_space<vmem>> -> memref<40xi32, #tpu.memory_space<vmem>>
        %dma_wait3A_1615 = arith.constant 0 : i32
        %dma_wait3A_1616 = arith.constant 0 : i32
        %dma_wait3A_1617 = tpu.memref_slice %arg2[%dma_wait3A_1615, %dma_wait3A_1616] : memref<10000x128xf32, #tpu.memory_space<hbm>> -> memref<10000x128xf32, #tpu.memory_space<hbm>>
        %dma_wait3A_1618 = tpu.memref_slice %arg11[%dma_wait3A_1609] : memref<7x!tpu.dma_semaphore, #tpu.memory_space<semaphore_mem>> -> memref<1x!tpu.dma_semaphore, #tpu.memory_space<semaphore_mem>>
        %dma_wait3A_1619 = tpu.memref_squeeze %dma_wait3A_1618 : memref<1x!tpu.dma_semaphore, #tpu.memory_space<semaphore_mem>> -> memref<!tpu.dma_semaphore, #tpu.memory_space<semaphore_mem>>
        tpu.wait_indirect_dma semaphore(%dma_wait3A_1619 : memref<!tpu.dma_semaphore, #tpu.memory_space<semaphore_mem>>) src(%dma_wait3A_1617 : memref<10000x128xf32, #tpu.memory_space<hbm>>) dst(%dma_wait3A_1613 : memref<40x128xf32, #tpu.memory_space<vmem>>)
        %mul3A_1620 = arith.constant 40 : i32
        %mul3A_1621 = arith.muli %add3A_1576, %mul3A_1620 : i32
        %add3A_1622 = arith.addi %mul3A_2, %mul3A_1621 : i32
        %dma_start3A_1623 = arith.constant 5 : i32
        %dma_start3A_1624 = arith.constant 5 : i32
        %dma_start3A_1625 = arith.constant 0 : i32
        %dma_start3A_1626 = arith.constant 0 : i32
        %dma_start3A_1627 = tpu.memref_slice %arg9[%dma_start3A_1623, %dma_start3A_1625, %dma_start3A_1626] : memref<7x40x128xf32, #tpu.memory_space<vmem>> -> memref<1x40x128xf32, #tpu.memory_space<vmem>>
        %dma_start3A_1628 = tpu.memref_squeeze %dma_start3A_1627 : memref<1x40x128xf32, #tpu.memory_space<vmem>> -> memref<40x128xf32, #tpu.memory_space<vmem>>
        %dma_start3A_1629 = tpu.memref_slice %arg8[%add3A_1622] : memref<5120xi32, #tpu.memory_space<vmem>> -> memref<40xi32, #tpu.memory_space<vmem>>
        %dma_start3A_1630 = arith.constant 0 : i32
        %dma_start3A_1631 = arith.constant 0 : i32
        %dma_start3A_1632 = tpu.memref_slice %arg6[%dma_start3A_1630, %dma_start3A_1631] : memref<10000x128xf32, #tpu.memory_space<vmem_shared>> -> memref<10000x128xf32, #tpu.memory_space<vmem_shared>>
        %dma_start3A_1633 = tpu.memref_slice %arg12[%dma_start3A_1624] : memref<7x!tpu.dma_semaphore, #tpu.memory_space<semaphore_mem>> -> memref<1x!tpu.dma_semaphore, #tpu.memory_space<semaphore_mem>>
        %dma_start3A_1634 = tpu.memref_squeeze %dma_start3A_1633 : memref<1x!tpu.dma_semaphore, #tpu.memory_space<semaphore_mem>> -> memref<!tpu.dma_semaphore, #tpu.memory_space<semaphore_mem>>
        tpu.enqueue_indirect_dma source(%dma_start3A_1628 : memref<40x128xf32, #tpu.memory_space<vmem>>) target(%dma_start3A_1632 : memref<10000x128xf32, #tpu.memory_space<vmem_shared>>) offsets(%dma_start3A_1629 : memref<40xi32, #tpu.memory_space<vmem>>) semaphore(%dma_start3A_1634 : memref<!tpu.dma_semaphore, #tpu.memory_space<semaphore_mem>>) {add = true}
      } else {
      }
      %add3A_1582 = arith.constant 7 : i32
      %add3A_1583 = arith.addi %add3A_1576, %add3A_1582 : i32
      %lt3A_1584 = arith.constant 125 : i32
      %lt3A_1585 = arith.cmpi slt, %add3A_1583, %lt3A_1584 : i32
      %convert_element_type3A_1586 = arith.extui %lt3A_1585 : i1 to i32
      %cond3A_1587 = arith.constant 0 : i32
      %cond3A_1588 = arith.cmpi ne, %convert_element_type3A_1586, %cond3A_1587 : i32
      scf.if %cond3A_1588 {
        %mul3A_1605 = arith.constant 40 : i32
        %mul3A_1606 = arith.muli %add3A_1576, %mul3A_1605 : i32
        %add3A_1607 = arith.addi %mul3A_2, %mul3A_1606 : i32
        %dma_wait3A_1608 = arith.constant 5 : i32
        %dma_wait3A_1609 = arith.constant 5 : i32
        %dma_wait3A_1610 = arith.constant 0 : i32
        %dma_wait3A_1611 = arith.constant 0 : i32
        %dma_wait3A_1612 = tpu.memref_slice %arg9[%dma_wait3A_1608, %dma_wait3A_1610, %dma_wait3A_1611] : memref<7x40x128xf32, #tpu.memory_space<vmem>> -> memref<1x40x128xf32, #tpu.memory_space<vmem>>
        %dma_wait3A_1613 = tpu.memref_squeeze %dma_wait3A_1612 : memref<1x40x128xf32, #tpu.memory_space<vmem>> -> memref<40x128xf32, #tpu.memory_space<vmem>>
        %dma_wait3A_1614 = tpu.memref_slice %arg8[%add3A_1607] : memref<5120xi32, #tpu.memory_space<vmem>> -> memref<40xi32, #tpu.memory_space<vmem>>
        %dma_wait3A_1615 = arith.constant 0 : i32
        %dma_wait3A_1616 = arith.constant 0 : i32
        %dma_wait3A_1617 = tpu.memref_slice %arg6[%dma_wait3A_1615, %dma_wait3A_1616] : memref<10000x128xf32, #tpu.memory_space<vmem_shared>> -> memref<10000x128xf32, #tpu.memory_space<vmem_shared>>
        %dma_wait3A_1618 = tpu.memref_slice %arg12[%dma_wait3A_1609] : memref<7x!tpu.dma_semaphore, #tpu.memory_space<semaphore_mem>> -> memref<1x!tpu.dma_semaphore, #tpu.memory_space<semaphore_mem>>
        %dma_wait3A_1619 = tpu.memref_squeeze %dma_wait3A_1618 : memref<1x!tpu.dma_semaphore, #tpu.memory_space<semaphore_mem>> -> memref<!tpu.dma_semaphore, #tpu.memory_space<semaphore_mem>>
        tpu.wait_indirect_dma semaphore(%dma_wait3A_1619 : memref<!tpu.dma_semaphore, #tpu.memory_space<semaphore_mem>>) src(%dma_wait3A_1613 : memref<40x128xf32, #tpu.memory_space<vmem>>) dst(%dma_wait3A_1617 : memref<10000x128xf32, #tpu.memory_space<vmem_shared>>)
        %add3A_1620 = arith.constant 7 : i32
        %add3A_1621 = arith.addi %add3A_1576, %add3A_1620 : i32
        %mul3A_1622 = arith.constant 40 : i32
        %mul3A_1623 = arith.muli %add3A_1621, %mul3A_1622 : i32
        %add3A_1624 = arith.addi %mul3A_2, %mul3A_1623 : i32
        %dma_start3A_1625 = arith.constant 5 : i32
        %dma_start3A_1626 = arith.constant 5 : i32
        %dma_start3A_1627 = arith.constant 0 : i32
        %dma_start3A_1628 = arith.constant 0 : i32
        %dma_start3A_1629 = tpu.memref_slice %arg9[%dma_start3A_1625, %dma_start3A_1627, %dma_start3A_1628] : memref<7x40x128xf32, #tpu.memory_space<vmem>> -> memref<1x40x128xf32, #tpu.memory_space<vmem>>
        %dma_start3A_1630 = tpu.memref_squeeze %dma_start3A_1629 : memref<1x40x128xf32, #tpu.memory_space<vmem>> -> memref<40x128xf32, #tpu.memory_space<vmem>>
        %dma_start3A_1631 = tpu.memref_slice %arg7[%add3A_1624] : memref<5120xi32, #tpu.memory_space<vmem>> -> memref<40xi32, #tpu.memory_space<vmem>>
        %dma_start3A_1632 = arith.constant 0 : i32
        %dma_start3A_1633 = arith.constant 0 : i32
        %dma_start3A_1634 = tpu.memref_slice %arg2[%dma_start3A_1632, %dma_start3A_1633] : memref<10000x128xf32, #tpu.memory_space<hbm>> -> memref<10000x128xf32, #tpu.memory_space<hbm>>
        %dma_start3A_1635 = tpu.memref_slice %arg11[%dma_start3A_1626] : memref<7x!tpu.dma_semaphore, #tpu.memory_space<semaphore_mem>> -> memref<1x!tpu.dma_semaphore, #tpu.memory_space<semaphore_mem>>
        %dma_start3A_1636 = tpu.memref_squeeze %dma_start3A_1635 : memref<1x!tpu.dma_semaphore, #tpu.memory_space<semaphore_mem>> -> memref<!tpu.dma_semaphore, #tpu.memory_space<semaphore_mem>>
        tpu.enqueue_indirect_dma source(%dma_start3A_1634 : memref<10000x128xf32, #tpu.memory_space<hbm>>) target(%dma_start3A_1630 : memref<40x128xf32, #tpu.memory_space<vmem>>) offsets(%dma_start3A_1631 : memref<40xi32, #tpu.memory_space<vmem>>) semaphore(%dma_start3A_1636 : memref<!tpu.dma_semaphore, #tpu.memory_space<semaphore_mem>>)
      } else {
      }
      %mul3A_1589 = arith.constant 7 : i32
      %mul3A_1590 = arith.muli %add3A_1493, %mul3A_1589 : i32
      %add3A_1591 = arith.constant 6 : i32
      %add3A_1592 = arith.addi %mul3A_1590, %add3A_1591 : i32
      %lt3A_1593 = arith.constant 125 : i32
      %lt3A_1594 = arith.cmpi slt, %add3A_1592, %lt3A_1593 : i32
      %convert_element_type3A_1595 = arith.extui %lt3A_1594 : i1 to i32
      %cond3A_1596 = arith.constant 0 : i32
      %cond3A_1597 = arith.cmpi ne, %convert_element_type3A_1595, %cond3A_1596 : i32
      scf.if %cond3A_1597 {
        %mul3A_1605 = arith.constant 40 : i32
        %mul3A_1606 = arith.muli %add3A_1592, %mul3A_1605 : i32
        %add3A_1607 = arith.addi %mul3A_2, %mul3A_1606 : i32
        %dma_wait3A_1608 = arith.constant 6 : i32
        %dma_wait3A_1609 = arith.constant 6 : i32
        %dma_wait3A_1610 = arith.constant 0 : i32
        %dma_wait3A_1611 = arith.constant 0 : i32
        %dma_wait3A_1612 = tpu.memref_slice %arg9[%dma_wait3A_1608, %dma_wait3A_1610, %dma_wait3A_1611] : memref<7x40x128xf32, #tpu.memory_space<vmem>> -> memref<1x40x128xf32, #tpu.memory_space<vmem>>
        %dma_wait3A_1613 = tpu.memref_squeeze %dma_wait3A_1612 : memref<1x40x128xf32, #tpu.memory_space<vmem>> -> memref<40x128xf32, #tpu.memory_space<vmem>>
        %dma_wait3A_1614 = tpu.memref_slice %arg7[%add3A_1607] : memref<5120xi32, #tpu.memory_space<vmem>> -> memref<40xi32, #tpu.memory_space<vmem>>
        %dma_wait3A_1615 = arith.constant 0 : i32
        %dma_wait3A_1616 = arith.constant 0 : i32
        %dma_wait3A_1617 = tpu.memref_slice %arg2[%dma_wait3A_1615, %dma_wait3A_1616] : memref<10000x128xf32, #tpu.memory_space<hbm>> -> memref<10000x128xf32, #tpu.memory_space<hbm>>
        %dma_wait3A_1618 = tpu.memref_slice %arg11[%dma_wait3A_1609] : memref<7x!tpu.dma_semaphore, #tpu.memory_space<semaphore_mem>> -> memref<1x!tpu.dma_semaphore, #tpu.memory_space<semaphore_mem>>
        %dma_wait3A_1619 = tpu.memref_squeeze %dma_wait3A_1618 : memref<1x!tpu.dma_semaphore, #tpu.memory_space<semaphore_mem>> -> memref<!tpu.dma_semaphore, #tpu.memory_space<semaphore_mem>>
        tpu.wait_indirect_dma semaphore(%dma_wait3A_1619 : memref<!tpu.dma_semaphore, #tpu.memory_space<semaphore_mem>>) src(%dma_wait3A_1617 : memref<10000x128xf32, #tpu.memory_space<hbm>>) dst(%dma_wait3A_1613 : memref<40x128xf32, #tpu.memory_space<vmem>>)
        %mul3A_1620 = arith.constant 40 : i32
        %mul3A_1621 = arith.muli %add3A_1592, %mul3A_1620 : i32
        %add3A_1622 = arith.addi %mul3A_2, %mul3A_1621 : i32
        %dma_start3A_1623 = arith.constant 6 : i32
        %dma_start3A_1624 = arith.constant 6 : i32
        %dma_start3A_1625 = arith.constant 0 : i32
        %dma_start3A_1626 = arith.constant 0 : i32
        %dma_start3A_1627 = tpu.memref_slice %arg9[%dma_start3A_1623, %dma_start3A_1625, %dma_start3A_1626] : memref<7x40x128xf32, #tpu.memory_space<vmem>> -> memref<1x40x128xf32, #tpu.memory_space<vmem>>
        %dma_start3A_1628 = tpu.memref_squeeze %dma_start3A_1627 : memref<1x40x128xf32, #tpu.memory_space<vmem>> -> memref<40x128xf32, #tpu.memory_space<vmem>>
        %dma_start3A_1629 = tpu.memref_slice %arg8[%add3A_1622] : memref<5120xi32, #tpu.memory_space<vmem>> -> memref<40xi32, #tpu.memory_space<vmem>>
        %dma_start3A_1630 = arith.constant 0 : i32
        %dma_start3A_1631 = arith.constant 0 : i32
        %dma_start3A_1632 = tpu.memref_slice %arg6[%dma_start3A_1630, %dma_start3A_1631] : memref<10000x128xf32, #tpu.memory_space<vmem_shared>> -> memref<10000x128xf32, #tpu.memory_space<vmem_shared>>
        %dma_start3A_1633 = tpu.memref_slice %arg12[%dma_start3A_1624] : memref<7x!tpu.dma_semaphore, #tpu.memory_space<semaphore_mem>> -> memref<1x!tpu.dma_semaphore, #tpu.memory_space<semaphore_mem>>
        %dma_start3A_1634 = tpu.memref_squeeze %dma_start3A_1633 : memref<1x!tpu.dma_semaphore, #tpu.memory_space<semaphore_mem>> -> memref<!tpu.dma_semaphore, #tpu.memory_space<semaphore_mem>>
        tpu.enqueue_indirect_dma source(%dma_start3A_1628 : memref<40x128xf32, #tpu.memory_space<vmem>>) target(%dma_start3A_1632 : memref<10000x128xf32, #tpu.memory_space<vmem_shared>>) offsets(%dma_start3A_1629 : memref<40xi32, #tpu.memory_space<vmem>>) semaphore(%dma_start3A_1634 : memref<!tpu.dma_semaphore, #tpu.memory_space<semaphore_mem>>) {add = true}
      } else {
      }
      %add3A_1598 = arith.constant 7 : i32
      %add3A_1599 = arith.addi %add3A_1592, %add3A_1598 : i32
      %lt3A_1600 = arith.constant 125 : i32
      %lt3A_1601 = arith.cmpi slt, %add3A_1599, %lt3A_1600 : i32
      %convert_element_type3A_1602 = arith.extui %lt3A_1601 : i1 to i32
      %cond3A_1603 = arith.constant 0 : i32
      %cond3A_1604 = arith.cmpi ne, %convert_element_type3A_1602, %cond3A_1603 : i32
      scf.if %cond3A_1604 {
        %mul3A_1605 = arith.constant 40 : i32
        %mul3A_1606 = arith.muli %add3A_1592, %mul3A_1605 : i32
        %add3A_1607 = arith.addi %mul3A_2, %mul3A_1606 : i32
        %dma_wait3A_1608 = arith.constant 6 : i32
        %dma_wait3A_1609 = arith.constant 6 : i32
        %dma_wait3A_1610 = arith.constant 0 : i32
        %dma_wait3A_1611 = arith.constant 0 : i32
        %dma_wait3A_1612 = tpu.memref_slice %arg9[%dma_wait3A_1608, %dma_wait3A_1610, %dma_wait3A_1611] : memref<7x40x128xf32, #tpu.memory_space<vmem>> -> memref<1x40x128xf32, #tpu.memory_space<vmem>>
        %dma_wait3A_1613 = tpu.memref_squeeze %dma_wait3A_1612 : memref<1x40x128xf32, #tpu.memory_space<vmem>> -> memref<40x128xf32, #tpu.memory_space<vmem>>
        %dma_wait3A_1614 = tpu.memref_slice %arg8[%add3A_1607] : memref<5120xi32, #tpu.memory_space<vmem>> -> memref<40xi32, #tpu.memory_space<vmem>>
        %dma_wait3A_1615 = arith.constant 0 : i32
        %dma_wait3A_1616 = arith.constant 0 : i32
        %dma_wait3A_1617 = tpu.memref_slice %arg6[%dma_wait3A_1615, %dma_wait3A_1616] : memref<10000x128xf32, #tpu.memory_space<vmem_shared>> -> memref<10000x128xf32, #tpu.memory_space<vmem_shared>>
        %dma_wait3A_1618 = tpu.memref_slice %arg12[%dma_wait3A_1609] : memref<7x!tpu.dma_semaphore, #tpu.memory_space<semaphore_mem>> -> memref<1x!tpu.dma_semaphore, #tpu.memory_space<semaphore_mem>>
        %dma_wait3A_1619 = tpu.memref_squeeze %dma_wait3A_1618 : memref<1x!tpu.dma_semaphore, #tpu.memory_space<semaphore_mem>> -> memref<!tpu.dma_semaphore, #tpu.memory_space<semaphore_mem>>
        tpu.wait_indirect_dma semaphore(%dma_wait3A_1619 : memref<!tpu.dma_semaphore, #tpu.memory_space<semaphore_mem>>) src(%dma_wait3A_1613 : memref<40x128xf32, #tpu.memory_space<vmem>>) dst(%dma_wait3A_1617 : memref<10000x128xf32, #tpu.memory_space<vmem_shared>>)
        %add3A_1620 = arith.constant 7 : i32
        %add3A_1621 = arith.addi %add3A_1592, %add3A_1620 : i32
        %mul3A_1622 = arith.constant 40 : i32
        %mul3A_1623 = arith.muli %add3A_1621, %mul3A_1622 : i32
        %add3A_1624 = arith.addi %mul3A_2, %mul3A_1623 : i32
        %dma_start3A_1625 = arith.constant 6 : i32
        %dma_start3A_1626 = arith.constant 6 : i32
        %dma_start3A_1627 = arith.constant 0 : i32
        %dma_start3A_1628 = arith.constant 0 : i32
        %dma_start3A_1629 = tpu.memref_slice %arg9[%dma_start3A_1625, %dma_start3A_1627, %dma_start3A_1628] : memref<7x40x128xf32, #tpu.memory_space<vmem>> -> memref<1x40x128xf32, #tpu.memory_space<vmem>>
        %dma_start3A_1630 = tpu.memref_squeeze %dma_start3A_1629 : memref<1x40x128xf32, #tpu.memory_space<vmem>> -> memref<40x128xf32, #tpu.memory_space<vmem>>
        %dma_start3A_1631 = tpu.memref_slice %arg7[%add3A_1624] : memref<5120xi32, #tpu.memory_space<vmem>> -> memref<40xi32, #tpu.memory_space<vmem>>
        %dma_start3A_1632 = arith.constant 0 : i32
        %dma_start3A_1633 = arith.constant 0 : i32
        %dma_start3A_1634 = tpu.memref_slice %arg2[%dma_start3A_1632, %dma_start3A_1633] : memref<10000x128xf32, #tpu.memory_space<hbm>> -> memref<10000x128xf32, #tpu.memory_space<hbm>>
        %dma_start3A_1635 = tpu.memref_slice %arg11[%dma_start3A_1626] : memref<7x!tpu.dma_semaphore, #tpu.memory_space<semaphore_mem>> -> memref<1x!tpu.dma_semaphore, #tpu.memory_space<semaphore_mem>>
        %dma_start3A_1636 = tpu.memref_squeeze %dma_start3A_1635 : memref<1x!tpu.dma_semaphore, #tpu.memory_space<semaphore_mem>> -> memref<!tpu.dma_semaphore, #tpu.memory_space<semaphore_mem>>
        tpu.enqueue_indirect_dma source(%dma_start3A_1634 : memref<10000x128xf32, #tpu.memory_space<hbm>>) target(%dma_start3A_1630 : memref<40x128xf32, #tpu.memory_space<vmem>>) offsets(%dma_start3A_1631 : memref<40xi32, #tpu.memory_space<vmem>>) semaphore(%dma_start3A_1636 : memref<!tpu.dma_semaphore, #tpu.memory_space<semaphore_mem>>)
      } else {
      }
    }
    %scan3A_1369 = arith.constant 18 : i32
    %add3A_1370 = arith.constant 0 : i32
    %add3A_1371 = arith.addi %mul3A_2, %add3A_1370 : i32
    %dma_wait3A_1372 = arith.constant 0 : i32
    %dma_wait3A_1373 = arith.constant 0 : i32
    %dma_wait3A_1374 = arith.constant 0 : i32
    %dma_wait3A_1375 = arith.constant 0 : i32
    %dma_wait3A_1376 = tpu.memref_slice %arg9[%dma_wait3A_1372, %dma_wait3A_1374, %dma_wait3A_1375] : memref<7x40x128xf32, #tpu.memory_space<vmem>> -> memref<1x40x128xf32, #tpu.memory_space<vmem>>
    %dma_wait3A_1377 = tpu.memref_squeeze %dma_wait3A_1376 : memref<1x40x128xf32, #tpu.memory_space<vmem>> -> memref<40x128xf32, #tpu.memory_space<vmem>>
    %dma_wait3A_1378 = tpu.memref_slice %arg8[%add3A_1371] : memref<5120xi32, #tpu.memory_space<vmem>> -> memref<40xi32, #tpu.memory_space<vmem>>
    %dma_wait3A_1379 = arith.constant 0 : i32
    %dma_wait3A_1380 = arith.constant 0 : i32
    %dma_wait3A_1381 = tpu.memref_slice %arg6[%dma_wait3A_1379, %dma_wait3A_1380] : memref<10000x128xf32, #tpu.memory_space<vmem_shared>> -> memref<10000x128xf32, #tpu.memory_space<vmem_shared>>
    %dma_wait3A_1382 = tpu.memref_slice %arg12[%dma_wait3A_1373] : memref<7x!tpu.dma_semaphore, #tpu.memory_space<semaphore_mem>> -> memref<1x!tpu.dma_semaphore, #tpu.memory_space<semaphore_mem>>
    %dma_wait3A_1383 = tpu.memref_squeeze %dma_wait3A_1382 : memref<1x!tpu.dma_semaphore, #tpu.memory_space<semaphore_mem>> -> memref<!tpu.dma_semaphore, #tpu.memory_space<semaphore_mem>>
    tpu.wait_indirect_dma semaphore(%dma_wait3A_1383 : memref<!tpu.dma_semaphore, #tpu.memory_space<semaphore_mem>>) src(%dma_wait3A_1377 : memref<40x128xf32, #tpu.memory_space<vmem>>) dst(%dma_wait3A_1381 : memref<10000x128xf32, #tpu.memory_space<vmem_shared>>)
    %add3A_1384 = arith.constant 0 : i32
    %add3A_1385 = arith.addi %mul3A_2, %add3A_1384 : i32
    %dma_wait3A_1386 = arith.constant 1 : i32
    %dma_wait3A_1387 = arith.constant 1 : i32
    %dma_wait3A_1388 = arith.constant 0 : i32
    %dma_wait3A_1389 = arith.constant 0 : i32
    %dma_wait3A_1390 = tpu.memref_slice %arg9[%dma_wait3A_1386, %dma_wait3A_1388, %dma_wait3A_1389] : memref<7x40x128xf32, #tpu.memory_space<vmem>> -> memref<1x40x128xf32, #tpu.memory_space<vmem>>
    %dma_wait3A_1391 = tpu.memref_squeeze %dma_wait3A_1390 : memref<1x40x128xf32, #tpu.memory_space<vmem>> -> memref<40x128xf32, #tpu.memory_space<vmem>>
    %dma_wait3A_1392 = tpu.memref_slice %arg8[%add3A_1385] : memref<5120xi32, #tpu.memory_space<vmem>> -> memref<40xi32, #tpu.memory_space<vmem>>
    %dma_wait3A_1393 = arith.constant 0 : i32
    %dma_wait3A_1394 = arith.constant 0 : i32
    %dma_wait3A_1395 = tpu.memref_slice %arg6[%dma_wait3A_1393, %dma_wait3A_1394] : memref<10000x128xf32, #tpu.memory_space<vmem_shared>> -> memref<10000x128xf32, #tpu.memory_space<vmem_shared>>
    %dma_wait3A_1396 = tpu.memref_slice %arg12[%dma_wait3A_1387] : memref<7x!tpu.dma_semaphore, #tpu.memory_space<semaphore_mem>> -> memref<1x!tpu.dma_semaphore, #tpu.memory_space<semaphore_mem>>
    %dma_wait3A_1397 = tpu.memref_squeeze %dma_wait3A_1396 : memref<1x!tpu.dma_semaphore, #tpu.memory_space<semaphore_mem>> -> memref<!tpu.dma_semaphore, #tpu.memory_space<semaphore_mem>>
    tpu.wait_indirect_dma semaphore(%dma_wait3A_1397 : memref<!tpu.dma_semaphore, #tpu.memory_space<semaphore_mem>>) src(%dma_wait3A_1391 : memref<40x128xf32, #tpu.memory_space<vmem>>) dst(%dma_wait3A_1395 : memref<10000x128xf32, #tpu.memory_space<vmem_shared>>)
    %add3A_1398 = arith.constant 0 : i32
    %add3A_1399 = arith.addi %mul3A_2, %add3A_1398 : i32
    %dma_wait3A_1400 = arith.constant 2 : i32
    %dma_wait3A_1401 = arith.constant 2 : i32
    %dma_wait3A_1402 = arith.constant 0 : i32
    %dma_wait3A_1403 = arith.constant 0 : i32
    %dma_wait3A_1404 = tpu.memref_slice %arg9[%dma_wait3A_1400, %dma_wait3A_1402, %dma_wait3A_1403] : memref<7x40x128xf32, #tpu.memory_space<vmem>> -> memref<1x40x128xf32, #tpu.memory_space<vmem>>
    %dma_wait3A_1405 = tpu.memref_squeeze %dma_wait3A_1404 : memref<1x40x128xf32, #tpu.memory_space<vmem>> -> memref<40x128xf32, #tpu.memory_space<vmem>>
    %dma_wait3A_1406 = tpu.memref_slice %arg8[%add3A_1399] : memref<5120xi32, #tpu.memory_space<vmem>> -> memref<40xi32, #tpu.memory_space<vmem>>
    %dma_wait3A_1407 = arith.constant 0 : i32
    %dma_wait3A_1408 = arith.constant 0 : i32
    %dma_wait3A_1409 = tpu.memref_slice %arg6[%dma_wait3A_1407, %dma_wait3A_1408] : memref<10000x128xf32, #tpu.memory_space<vmem_shared>> -> memref<10000x128xf32, #tpu.memory_space<vmem_shared>>
    %dma_wait3A_1410 = tpu.memref_slice %arg12[%dma_wait3A_1401] : memref<7x!tpu.dma_semaphore, #tpu.memory_space<semaphore_mem>> -> memref<1x!tpu.dma_semaphore, #tpu.memory_space<semaphore_mem>>
    %dma_wait3A_1411 = tpu.memref_squeeze %dma_wait3A_1410 : memref<1x!tpu.dma_semaphore, #tpu.memory_space<semaphore_mem>> -> memref<!tpu.dma_semaphore, #tpu.memory_space<semaphore_mem>>
    tpu.wait_indirect_dma semaphore(%dma_wait3A_1411 : memref<!tpu.dma_semaphore, #tpu.memory_space<semaphore_mem>>) src(%dma_wait3A_1405 : memref<40x128xf32, #tpu.memory_space<vmem>>) dst(%dma_wait3A_1409 : memref<10000x128xf32, #tpu.memory_space<vmem_shared>>)
    %add3A_1412 = arith.constant 0 : i32
    %add3A_1413 = arith.addi %mul3A_2, %add3A_1412 : i32
    %dma_wait3A_1414 = arith.constant 3 : i32
    %dma_wait3A_1415 = arith.constant 3 : i32
    %dma_wait3A_1416 = arith.constant 0 : i32
    %dma_wait3A_1417 = arith.constant 0 : i32
    %dma_wait3A_1418 = tpu.memref_slice %arg9[%dma_wait3A_1414, %dma_wait3A_1416, %dma_wait3A_1417] : memref<7x40x128xf32, #tpu.memory_space<vmem>> -> memref<1x40x128xf32, #tpu.memory_space<vmem>>
    %dma_wait3A_1419 = tpu.memref_squeeze %dma_wait3A_1418 : memref<1x40x128xf32, #tpu.memory_space<vmem>> -> memref<40x128xf32, #tpu.memory_space<vmem>>
    %dma_wait3A_1420 = tpu.memref_slice %arg8[%add3A_1413] : memref<5120xi32, #tpu.memory_space<vmem>> -> memref<40xi32, #tpu.memory_space<vmem>>
    %dma_wait3A_1421 = arith.constant 0 : i32
    %dma_wait3A_1422 = arith.constant 0 : i32
    %dma_wait3A_1423 = tpu.memref_slice %arg6[%dma_wait3A_1421, %dma_wait3A_1422] : memref<10000x128xf32, #tpu.memory_space<vmem_shared>> -> memref<10000x128xf32, #tpu.memory_space<vmem_shared>>
    %dma_wait3A_1424 = tpu.memref_slice %arg12[%dma_wait3A_1415] : memref<7x!tpu.dma_semaphore, #tpu.memory_space<semaphore_mem>> -> memref<1x!tpu.dma_semaphore, #tpu.memory_space<semaphore_mem>>
    %dma_wait3A_1425 = tpu.memref_squeeze %dma_wait3A_1424 : memref<1x!tpu.dma_semaphore, #tpu.memory_space<semaphore_mem>> -> memref<!tpu.dma_semaphore, #tpu.memory_space<semaphore_mem>>
    tpu.wait_indirect_dma semaphore(%dma_wait3A_1425 : memref<!tpu.dma_semaphore, #tpu.memory_space<semaphore_mem>>) src(%dma_wait3A_1419 : memref<40x128xf32, #tpu.memory_space<vmem>>) dst(%dma_wait3A_1423 : memref<10000x128xf32, #tpu.memory_space<vmem_shared>>)
    %add3A_1426 = arith.constant 0 : i32
    %add3A_1427 = arith.addi %mul3A_2, %add3A_1426 : i32
    %dma_wait3A_1428 = arith.constant 4 : i32
    %dma_wait3A_1429 = arith.constant 4 : i32
    %dma_wait3A_1430 = arith.constant 0 : i32
    %dma_wait3A_1431 = arith.constant 0 : i32
    %dma_wait3A_1432 = tpu.memref_slice %arg9[%dma_wait3A_1428, %dma_wait3A_1430, %dma_wait3A_1431] : memref<7x40x128xf32, #tpu.memory_space<vmem>> -> memref<1x40x128xf32, #tpu.memory_space<vmem>>
    %dma_wait3A_1433 = tpu.memref_squeeze %dma_wait3A_1432 : memref<1x40x128xf32, #tpu.memory_space<vmem>> -> memref<40x128xf32, #tpu.memory_space<vmem>>
    %dma_wait3A_1434 = tpu.memref_slice %arg8[%add3A_1427] : memref<5120xi32, #tpu.memory_space<vmem>> -> memref<40xi32, #tpu.memory_space<vmem>>
    %dma_wait3A_1435 = arith.constant 0 : i32
    %dma_wait3A_1436 = arith.constant 0 : i32
    %dma_wait3A_1437 = tpu.memref_slice %arg6[%dma_wait3A_1435, %dma_wait3A_1436] : memref<10000x128xf32, #tpu.memory_space<vmem_shared>> -> memref<10000x128xf32, #tpu.memory_space<vmem_shared>>
    %dma_wait3A_1438 = tpu.memref_slice %arg12[%dma_wait3A_1429] : memref<7x!tpu.dma_semaphore, #tpu.memory_space<semaphore_mem>> -> memref<1x!tpu.dma_semaphore, #tpu.memory_space<semaphore_mem>>
    %dma_wait3A_1439 = tpu.memref_squeeze %dma_wait3A_1438 : memref<1x!tpu.dma_semaphore, #tpu.memory_space<semaphore_mem>> -> memref<!tpu.dma_semaphore, #tpu.memory_space<semaphore_mem>>
    tpu.wait_indirect_dma semaphore(%dma_wait3A_1439 : memref<!tpu.dma_semaphore, #tpu.memory_space<semaphore_mem>>) src(%dma_wait3A_1433 : memref<40x128xf32, #tpu.memory_space<vmem>>) dst(%dma_wait3A_1437 : memref<10000x128xf32, #tpu.memory_space<vmem_shared>>)
    %add3A_1440 = arith.constant 0 : i32
    %add3A_1441 = arith.addi %mul3A_2, %add3A_1440 : i32
    %dma_wait3A_1442 = arith.constant 5 : i32
    %dma_wait3A_1443 = arith.constant 5 : i32
    %dma_wait3A_1444 = arith.constant 0 : i32
    %dma_wait3A_1445 = arith.constant 0 : i32
    %dma_wait3A_1446 = tpu.memref_slice %arg9[%dma_wait3A_1442, %dma_wait3A_1444, %dma_wait3A_1445] : memref<7x40x128xf32, #tpu.memory_space<vmem>> -> memref<1x40x128xf32, #tpu.memory_space<vmem>>
    %dma_wait3A_1447 = tpu.memref_squeeze %dma_wait3A_1446 : memref<1x40x128xf32, #tpu.memory_space<vmem>> -> memref<40x128xf32, #tpu.memory_space<vmem>>
    %dma_wait3A_1448 = tpu.memref_slice %arg8[%add3A_1441] : memref<5120xi32, #tpu.memory_space<vmem>> -> memref<40xi32, #tpu.memory_space<vmem>>
    %dma_wait3A_1449 = arith.constant 0 : i32
    %dma_wait3A_1450 = arith.constant 0 : i32
    %dma_wait3A_1451 = tpu.memref_slice %arg6[%dma_wait3A_1449, %dma_wait3A_1450] : memref<10000x128xf32, #tpu.memory_space<vmem_shared>> -> memref<10000x128xf32, #tpu.memory_space<vmem_shared>>
    %dma_wait3A_1452 = tpu.memref_slice %arg12[%dma_wait3A_1443] : memref<7x!tpu.dma_semaphore, #tpu.memory_space<semaphore_mem>> -> memref<1x!tpu.dma_semaphore, #tpu.memory_space<semaphore_mem>>
    %dma_wait3A_1453 = tpu.memref_squeeze %dma_wait3A_1452 : memref<1x!tpu.dma_semaphore, #tpu.memory_space<semaphore_mem>> -> memref<!tpu.dma_semaphore, #tpu.memory_space<semaphore_mem>>
    tpu.wait_indirect_dma semaphore(%dma_wait3A_1453 : memref<!tpu.dma_semaphore, #tpu.memory_space<semaphore_mem>>) src(%dma_wait3A_1447 : memref<40x128xf32, #tpu.memory_space<vmem>>) dst(%dma_wait3A_1451 : memref<10000x128xf32, #tpu.memory_space<vmem_shared>>)
    %add3A_1454 = arith.constant 0 : i32
    %add3A_1455 = arith.addi %mul3A_2, %add3A_1454 : i32
    %dma_wait3A_1456 = arith.constant 6 : i32
    %dma_wait3A_1457 = arith.constant 6 : i32
    %dma_wait3A_1458 = arith.constant 0 : i32
    %dma_wait3A_1459 = arith.constant 0 : i32
    %dma_wait3A_1460 = tpu.memref_slice %arg9[%dma_wait3A_1456, %dma_wait3A_1458, %dma_wait3A_1459] : memref<7x40x128xf32, #tpu.memory_space<vmem>> -> memref<1x40x128xf32, #tpu.memory_space<vmem>>
    %dma_wait3A_1461 = tpu.memref_squeeze %dma_wait3A_1460 : memref<1x40x128xf32, #tpu.memory_space<vmem>> -> memref<40x128xf32, #tpu.memory_space<vmem>>
    %dma_wait3A_1462 = tpu.memref_slice %arg8[%add3A_1455] : memref<5120xi32, #tpu.memory_space<vmem>> -> memref<40xi32, #tpu.memory_space<vmem>>
    %dma_wait3A_1463 = arith.constant 0 : i32
    %dma_wait3A_1464 = arith.constant 0 : i32
    %dma_wait3A_1465 = tpu.memref_slice %arg6[%dma_wait3A_1463, %dma_wait3A_1464] : memref<10000x128xf32, #tpu.memory_space<vmem_shared>> -> memref<10000x128xf32, #tpu.memory_space<vmem_shared>>
    %dma_wait3A_1466 = tpu.memref_slice %arg12[%dma_wait3A_1457] : memref<7x!tpu.dma_semaphore, #tpu.memory_space<semaphore_mem>> -> memref<1x!tpu.dma_semaphore, #tpu.memory_space<semaphore_mem>>
    %dma_wait3A_1467 = tpu.memref_squeeze %dma_wait3A_1466 : memref<1x!tpu.dma_semaphore, #tpu.memory_space<semaphore_mem>> -> memref<!tpu.dma_semaphore, #tpu.memory_space<semaphore_mem>>
    tpu.wait_indirect_dma semaphore(%dma_wait3A_1467 : memref<!tpu.dma_semaphore, #tpu.memory_space<semaphore_mem>>) src(%dma_wait3A_1461 : memref<40x128xf32, #tpu.memory_space<vmem>>) dst(%dma_wait3A_1465 : memref<10000x128xf32, #tpu.memory_space<vmem_shared>>)
    %barrier3A_1468 = arith.constant 0 : index
    tpu.barrier barrier_id(%barrier3A_1468)
    %mul3A_1469 = arith.constant 128 : i32
    %mul3A_1470 = arith.muli %add3A_767, %mul3A_1469 : i32
    %dma_start3A_1471 = tpu.memref_slice %arg5[%mul3A_0, %mul3A_1470] : memref<10000x512xf32, #tpu.memory_space<hbm>> -> memref<624x128xf32, #tpu.memory_space<hbm>>
    %dma_start3A_1472 = arith.constant 0 : i32
    %dma_start3A_1473 = tpu.memref_slice %arg6[%mul3A_0, %dma_start3A_1472] : memref<10000x128xf32, #tpu.memory_space<vmem_shared>> -> memref<624x128xf32, #tpu.memory_space<vmem_shared>>
    tpu.enqueue_dma source(%dma_start3A_1473 : memref<624x128xf32, #tpu.memory_space<vmem_shared>>) target(%dma_start3A_1471 : memref<624x128xf32, #tpu.memory_space<hbm>>) target_semaphore(%arg13 : memref<!tpu.dma_semaphore, #tpu.memory_space<semaphore_mem>>)
    %eq3A_1474 = arith.constant 15 : i32
    %eq3A_1475 = arith.cmpi eq, %arg1, %eq3A_1474 : i32
    %convert_element_type3A_1476 = arith.extui %eq3A_1475 : i1 to i32
    %cond3A_1477 = arith.constant 0 : i32
    %cond3A_1478 = arith.cmpi ne, %convert_element_type3A_1476, %cond3A_1477 : i32
    scf.if %cond3A_1478 {
      %mul3A_1489 = arith.constant 128 : i32
      %mul3A_1490 = arith.muli %add3A_767, %mul3A_1489 : i32
      %dma_start3A_1491 = arith.constant 9984 : i32
      %dma_start3A_1492 = tpu.memref_slice %arg5[%dma_start3A_1491, %mul3A_1490] : memref<10000x512xf32, #tpu.memory_space<hbm>> -> memref<16x128xf32, #tpu.memory_space<hbm>>
      %dma_start3A_1493 = arith.constant 9984 : i32
      %dma_start3A_1494 = arith.constant 0 : i32
      %dma_start3A_1495 = tpu.memref_slice %arg6[%dma_start3A_1493, %dma_start3A_1494] : memref<10000x128xf32, #tpu.memory_space<vmem_shared>> -> memref<16x128xf32, #tpu.memory_space<vmem_shared>>
      tpu.enqueue_dma source(%dma_start3A_1495 : memref<16x128xf32, #tpu.memory_space<vmem_shared>>) target(%dma_start3A_1492 : memref<16x128xf32, #tpu.memory_space<hbm>>) target_semaphore(%arg13 : memref<!tpu.dma_semaphore, #tpu.memory_space<semaphore_mem>>)
    } else {
    }
    %mul3A_1479 = arith.constant 128 : i32
    %mul3A_1480 = arith.muli %add3A_767, %mul3A_1479 : i32
    %dma_wait3A_1481 = tpu.memref_slice %arg5[%mul3A_0, %mul3A_1480] : memref<10000x512xf32, #tpu.memory_space<hbm>> -> memref<624x128xf32, #tpu.memory_space<hbm>>
    %dma_wait3A_1482 = arith.constant 0 : i32
    %dma_wait3A_1483 = tpu.memref_slice %arg6[%mul3A_0, %dma_wait3A_1482] : memref<10000x128xf32, #tpu.memory_space<vmem_shared>> -> memref<624x128xf32, #tpu.memory_space<vmem_shared>>
    tpu.wait_dma2 semaphore(%arg13 : memref<!tpu.dma_semaphore, #tpu.memory_space<semaphore_mem>>) src(%dma_wait3A_1483 : memref<624x128xf32, #tpu.memory_space<vmem_shared>>) dst(%dma_wait3A_1481 : memref<624x128xf32, #tpu.memory_space<hbm>>)
    %eq3A_1484 = arith.constant 15 : i32
    %eq3A_1485 = arith.cmpi eq, %arg1, %eq3A_1484 : i32
    %convert_element_type3A_1486 = arith.extui %eq3A_1485 : i1 to i32
    %cond3A_1487 = arith.constant 0 : i32
    %cond3A_1488 = arith.cmpi ne, %convert_element_type3A_1486, %cond3A_1487 : i32
    scf.if %cond3A_1488 {
      %mul3A_1489 = arith.constant 128 : i32
      %mul3A_1490 = arith.muli %add3A_767, %mul3A_1489 : i32
      %dma_wait3A_1491 = arith.constant 9984 : i32
      %dma_wait3A_1492 = tpu.memref_slice %arg5[%dma_wait3A_1491, %mul3A_1490] : memref<10000x512xf32, #tpu.memory_space<hbm>> -> memref<16x128xf32, #tpu.memory_space<hbm>>
      %dma_wait3A_1493 = arith.constant 9984 : i32
      %dma_wait3A_1494 = arith.constant 0 : i32
      %dma_wait3A_1495 = tpu.memref_slice %arg6[%dma_wait3A_1493, %dma_wait3A_1494] : memref<10000x128xf32, #tpu.memory_space<vmem_shared>> -> memref<16x128xf32, #tpu.memory_space<vmem_shared>>
      tpu.wait_dma2 semaphore(%arg13 : memref<!tpu.dma_semaphore, #tpu.memory_space<semaphore_mem>>) src(%dma_wait3A_1495 : memref<16x128xf32, #tpu.memory_space<vmem_shared>>) dst(%dma_wait3A_1492 : memref<16x128xf32, #tpu.memory_space<hbm>>)
    } else {
    }
    return
  }
}

module attributes {stable_mosaic.version = 14 : i64} {
  func.func @_mm_body(%arg0: i32, %arg1: memref<5000x512xf32, #tpu.memory_space<vmem>>, %arg2: memref<512x128xf32, #tpu.memory_space<vmem>>, %arg3: memref<1x128xf32, #tpu.memory_space<vmem>>, %arg4: memref<5000x128xf32, #tpu.memory_space<vmem>>) attributes {dimension_semantics = [#tpu.dimension_semantics<parallel>], iteration_bounds = array<i64: 2>, scalar_prefetch = 0 : i64, scratch_operands = 0 : i64, tpu.core_type = #tpu.core_type<tc>, window_params = [{transform_indices = @transform_0, window_bounds = array<i64: 5000, 512>}, {pipeline_mode = #tpu.pipeline_mode<synchronous>, transform_indices = @transform_1, window_bounds = array<i64: 512, 128>}, {pipeline_mode = #tpu.pipeline_mode<synchronous>, transform_indices = @transform_2, window_bounds = array<i64: 1, 128>}, {transform_indices = @transform_3, window_bounds = array<i64: 5000, 128>}]} {
    %get3A = arith.constant 0 : index
    %get3A_0 = arith.constant 0 : index
    %get3A_1 = vector.load %arg3[%get3A, %get3A_0] : memref<1x128xf32, #tpu.memory_space<vmem>>, vector<1x128xf32>
    %get3A_2 = arith.constant 0 : index
    %get3A_3 = arith.constant 0 : index
    %get3A_4 = vector.load %arg1[%get3A_2, %get3A_3] : memref<5000x512xf32, #tpu.memory_space<vmem>>, vector<5000x512xf32>
    %get3A_5 = arith.constant 0 : index
    %get3A_6 = arith.constant 0 : index
    %get3A_7 = vector.load %arg2[%get3A_5, %get3A_6] : memref<512x128xf32, #tpu.memory_space<vmem>>, vector<512x128xf32>
    %dot_general3A = arith.constant dense<0.000000e+00> : vector<5000x128xf32>
    %dot_general3A_8 = tpu.matmul %get3A_4, %get3A_7, %dot_general3A {dimension_numbers = #tpu.dot_dimension_numbers<[1], [0], [0], [1], [0, 0, 1, 1], [], []>, transpose_lhs_hint = false} : vector<5000x512xf32>, vector<512x128xf32>, vector<5000x128xf32> -> vector<5000x128xf32>
    %add3A = vector.broadcast %get3A_1 : vector<1x128xf32> to vector<5000x128xf32>
    %add3A_9 = arith.addf %add3A, %dot_general3A_8 : vector<5000x128xf32>
    %swap3A = arith.constant 0 : index
    %swap3A_10 = arith.constant 0 : index
    %swap3A_11 = vector.load %arg4[%swap3A, %swap3A_10] : memref<5000x128xf32, #tpu.memory_space<vmem>>, vector<5000x128xf32>
    tpu.vector_store %arg4[%swap3A, %swap3A_10], %add3A_9 {strides = array<i32>} : memref<5000x128xf32, #tpu.memory_space<vmem>>, vector<5000x128xf32>,
    return
  }
  func.func @transform_0(%arg0: i32) -> (i32, i32) {
    %c0_i32 = arith.constant 0 : i32
    %c0_i32_0 = arith.constant 0 : i32
    return %arg0, %c0_i32 : i32, i32
  }
  func.func @transform_1(%arg0: i32) -> (i32, i32) {
    %c0_i32 = arith.constant 0 : i32
    %c0_i32_0 = arith.constant 0 : i32
    %c0_i32_1 = arith.constant 0 : i32
    return %c0_i32, %c0_i32_0 : i32, i32
  }
  func.func @transform_2(%arg0: i32) -> (i32, i32) {
    %c0_i32 = arith.constant 0 : i32
    %c0_i32_0 = arith.constant 0 : i32
    %c0_i32_1 = arith.constant 0 : i32
    return %c0_i32, %c0_i32_0 : i32, i32
  }
  func.func @transform_3(%arg0: i32) -> (i32, i32) {
    %c0_i32 = arith.constant 0 : i32
    %c0_i32_0 = arith.constant 0 : i32
    return %arg0, %c0_i32 : i32, i32
  }
}

</mosaic_0001>

<sc_bundles>
// kernel: kernel.4.cloned.1.call-start
scs
__scs_entry_jumppad:
0x0: {  	(pc) =	sbr.rel $0x88, $3  }
0x1: {  	(tag) =	ssettag $0x0;
	lr =	simm.s32 $0x1  }
0x2: {  	[smem:$0x3F9D] =	sst lr;
	_ =	strace $0xD0000000  }
0x3: {  	_ = 	snop  }
0x4: {  	_ = 	snop  }
0x5: {  	_ = 	snop  }
0x6: {  	_ = 	snop  }
0x7: {  	_ = 	snop  }
__scs_overlays_trampoline_lowered:
0x8: {  	[smem:$0x3FAC] =	sst s0  }
0x9: {  	[smem:$0x3FAD] =	sst s1  }
0xa: {  	[smem:$0x3FAE] =	sst s2  }
0xb: {  	[smem:$0x3FAF] =	sst s3  }
0xc: {  	[smem:$0x3FB0] =	sst s4  }
0xd: {  	[smem:$0x3FB1] =	sst s5  }
0xe: {  	[smem:$0x3FB2] =	sst s6  }
0xf: {  	[smem:$0x3FB3] =	sst s7  }
0x10: {  	[smem:$0x3FB4] =	sst s8  }
0x11: {  	[smem:$0x3FB5] =	sst s9;
	s0 =	simm.s32 @!p0 $0x0  }
0x12: {  	s1 =	sld [smem:$0x3F9B];
	s0 =	simm.s32 @p0 $0x1  }
0x13: {  	[smem:$0x3FB6] =	sst s0;
	s0 =	simm.s32 @!p1 $0x0  }
0x14: {  	s2 =	sld [smem:$0x3F9A];
	s0 =	simm.s32 @p1 $0x1  }
0x15: {  	[smem:$0x3FB7] =	sst s0;
	s0 =	simm.s32 @!p2 $0x0  }
0x16: {  	s3 =	sld [smem:$0x3FDB];
	s0 =	simm.s32 @p2 $0x1  }
0x17: {  	s4 =	simm.s32 $0x1BF5;
	[smem:$0x3FB9] =	sst s0  }
0x18: {  	s0 =	sld [smem:$0x3F9C];
	_ =	swait.ge [sflag:s4], $0x0  }
0x19: {  	s7 =	sld [smem:$0x3F9D]  }
0x1a: {  	s8 =	sadd.s32 $0xFFFFE003, lr  }
0x1b: {  	s9 =	sadd.s32 $0xFFFFFEF7, lr;
	s5 =	simm.s32 $0xFFFFFFFF;
	p2 =	slt.u32 s8, $0xFFFFF086  }
0x1c: {  	p1 =	slt.u32 s9, $0xF7A;
	s5 =	simm.s32 @!p2 $0x0  }
0x1d: {  	s5 =	simm.s32 @p1 $0x1;
	p0 =	seq.s32 s7, s2  }
0x1e: {  	s7 =	smul.u32 @!p0 $0xF7A, s2;
	p2 =	seq.s32 @!p0 s5, $0x0  }
0x1f: {  	s9 =	smul.u32 $0xF7A, s1;
	s8 =	simm.s32 @!p0 $0x1BF5;
	p2 =	por !p2, p0  }
0x20: {  	[sflag:s8] =	ssyncset.s32 @!p0 $0xFFFFF086;
	s6 =	sadd.s32 @!p0 s3, s7;
	s7 =	simm.s32 @!p0 $0x108  }
0x21: {  	s3 =	sadd.s32 s3, s9;
	s6 =	sadd.s32 @!p0 $0x88, s6;
	s7 =	simm.s32 @p2 $0x1082  }
0x22: {  	[simem:s7], [sflag:s8] =	dma.local @!p0 [hbm:s6], $0xF7A  }
0x23: {  	s9 =	sor.u32 $0xD0000000, s2;
	s6 =	simm.s32 $0x108;
	_ =	swait.ge @!p0 [sflag:s8], $0x0  }
0x24: {  	s3 =	sadd.s32 $0x88, s3;
	s6 =	simm.s32 @!p1 $0x1082;
	[sflag:s4] =	ssyncset.s32 $0xFFFFF086  }
0x25: {  	[simem:s6], [sflag:s4] =	dma.local [hbm:s3], $0xF7A  }
0x26: {  	[smem:$0x3F9D] =	sst s1;
	(tag) =	ssettag s2;
	_ =	strace s9  }
0x27: {  	s1 =	sld [smem:$0x3FAD]  }
0x28: {  	s2 =	sld [smem:$0x3FAE]  }
0x29: {  	s4 =	sld [smem:$0x3FB0]  }
0x2a: {  	p0 =	seq.s32 s5, $0x0;
	s5 =	sld [smem:$0x3FB1]  }
0x2b: {  	s6 =	sld [smem:$0x3FB2]  }
0x2c: {  	s7 =	sld [smem:$0x3FB3]  }
0x2d: {  	s3 =	simm.s32 $0x108;
	s8 =	sld [smem:$0x3FB4]  }
0x2e: {  	s3 =	simm.s32 @!p0 $0x1082;
	s9 =	sld [smem:$0x3FB5]  }
0x2f: {  	lr =	sadd.s32 s0, s3;
	s0 =	sld [smem:$0x3FAC]  }
0x30: {  	s3 =	sld [smem:$0x3FAF]  }
0x31: {  	[smem:$0x3FB8] =	sst s10  }
0x32: {  	s10 =	sld [smem:$0x3FB6];
	_ =	sdelay $0x3  }
0x33: {  	p0 =	seq.s32 s10, $0x1;
	s10 =	sld [smem:$0x3FB8];
	_ =	sdelay $0x3  }
0x34: {  	[smem:$0x3FB8] =	sst s10  }
0x35: {  	s10 =	sld [smem:$0x3FB7];
	_ =	sdelay $0x3  }
0x36: {  	p1 =	seq.s32 s10, $0x1;
	s10 =	sld [smem:$0x3FB8];
	_ =	sdelay $0x3  }
0x37: {  	[smem:$0x3FB8] =	sst s10  }
0x38: {  	s10 =	sld [smem:$0x3FB9]  }
0x39: {  	_ = 	snop;
	(pc) =	sbr.ind lr, $3  }
0x3a: {  	_ = 	snop  }
0x3b: {  	_ = 	snop  }
0x3c: {  	p2 =	seq.s32 s10, $0x1;
	s10 =	sld [smem:$0x3FB8]  }
0x3d: {  	_ =	shalt  }
0x3e: {  	_ =	shalt  }
0x3f: {  	_ =	shalt  }
0x40: {  	_ =	shalt  }
0x41: {  	_ =	shalt  }
0x42: {  	_ =	shalt  }
0x43: {  	_ =	shalt  }
0x44: {  	_ =	shalt  }
0x45: {  	_ =	shalt  }
0x46: {  	_ =	shalt  }
0x47: {  	_ =	shalt  }
0x48: {  	_ =	shalt  }
0x49: {  	_ =	shalt  }
0x4a: {  	_ =	shalt  }
0x4b: {  	_ =	shalt  }
0x4c: {  	_ =	shalt  }
0x4d: {  	_ =	shalt  }
0x4e: {  	_ =	shalt  }
0x4f: {  	_ =	shalt  }
0x50: {  	_ =	shalt  }
0x51: {  	_ =	shalt  }
0x52: {  	_ =	shalt  }
0x53: {  	_ =	shalt  }
0x54: {  	_ =	shalt  }
0x55: {  	_ =	shalt  }
0x56: {  	_ =	shalt  }
0x57: {  	_ =	shalt  }
0x58: {  	_ =	shalt  }
0x59: {  	_ =	shalt  }
0x5a: {  	_ =	shalt  }
0x5b: {  	_ =	shalt  }
0x5c: {  	_ =	shalt  }
0x5d: {  	_ =	shalt  }
0x5e: {  	_ =	shalt  }
0x5f: {  	_ =	shalt  }
0x60: {  	_ =	shalt  }
0x61: {  	_ =	shalt  }
0x62: {  	_ =	shalt  }
0x63: {  	_ =	shalt  }
0x64: {  	_ =	shalt  }
0x65: {  	_ =	shalt  }
0x66: {  	_ =	shalt  }
0x67: {  	_ =	shalt  }
0x68: {  	_ =	shalt  }
0x69: {  	_ =	shalt  }
0x6a: {  	_ =	shalt  }
0x6b: {  	_ =	shalt  }
0x6c: {  	_ =	shalt  }
0x6d: {  	_ =	shalt  }
0x6e: {  	_ =	shalt  }
0x6f: {  	_ =	shalt  }
0x70: {  	_ =	shalt  }
0x71: {  	_ =	shalt  }
0x72: {  	_ =	shalt  }
0x73: {  	_ =	shalt  }
0x74: {  	_ =	shalt  }
0x75: {  	_ =	shalt  }
0x76: {  	_ =	shalt  }
0x77: {  	_ =	shalt  }
0x78: {  	_ =	shalt  }
0x79: {  	_ =	shalt  }
0x7a: {  	_ =	shalt  }
0x7b: {  	_ =	shalt  }
0x7c: {  	_ =	shalt  }
0x7d: {  	_ =	shalt  }
0x7e: {  	_ =	shalt  }
0x7f: {  	_ =	shalt  }
0x80: {  	_ =	shalt  }
0x81: {  	_ =	shalt  }
0x82: {  	_ =	shalt  }
0x83: {  	_ =	shalt  }
0x84: {  	_ =	shalt  }
0x85: {  	_ =	shalt  }
0x86: {  	_ =	shalt  }
0x87: {  	_ =	shalt  }
.Lfunc_end0:
.L_simem_size_0:
called_computation_lowered:
.L_overlay_start_0:
0x88: {  	s2 =	sld [smem:$0x3FD9]  }
0x89: {  	s3 =	sld [smem:$0x3FFE];
	_ =	sdelay $0x1  }
0x8a: {  	s1 =	srdreg.scid  }
0x8b: {  	s0 =	sand.u32 $0x1, s1  }
0x8c: {  	s17 =	sshll.u32 s0, $0xA;
	s2 =	sadd.s32 s3, s2  }
0x8d: {  	s2 =	sadd.s32 s2, s17  }
0x8e: {  	[smem:$0x3FC4] =	sst s2  }
0x8f: {  	_ = 	snop  }
0x90: {  	s2 =	sld [smem:$0x3FC9]  }
0x91: {  	s18 =	sld [smem:$0x3FC8]  }
0x92: {  	s4 =	sld [smem:$0x3FD0];
	(tm) =	ssettm $0x1  }
0x93: {  	s5 =	sld [smem:$0x3FFB];
	_ =	sdelay $0x3  }
0x94: {  	_ =	strace s5  }
0x95: {  	s5 =	sld [smem:$0x3FFC];
	_ =	sdelay $0x3  }
0x96: {  	_ =	strace s5  }
0x97: {  	s5 =	sld [smem:$0x3FFD];
	_ =	sdelay $0x3  }
0x98: {  	_ =	strace s5  }
0x99: {  	_ =	strace $0x8FFFFFFF  }
0x9a: {  	s19 =	sld [smem:$0x3FDB];
	_ =	sdelay $0x1  }
0x9b: {  	s6 =	simm.s32 $_scs_section_size  }
0x9c: {  	s7 =	simm.s32 $_size__tile_overlayer_lowered;
	s8 =	simm.s32 $_tile_overlayer_lowered  }
0x9d: {  	s22 =	simm.s32 $0x1BFF;
	s21 =	sshll.u32 s8, $0x1;
	s5 =	sadd.s32 s6, s19  }
0x9e: {  	s9 =	simm.s32 $0x0;
	s20 =	sshll.u32 s7, $0x1;
	s7 =	sadd.s32 s21, s5  }
0x9f: {  	[timem:s9], [sflag:s22] =	dma.local [hbm:s7], s20  }
0xa0: {  	_ =	swait.ge [sflag:s22], s20  }
0xa1: {  	s6 =	ssub.s32 $0x0, s20;
	[sflag:s22] =	ssyncset.done $0x0  }
0xa2: {  	[sflag:s22] =	ssyncadd.s32 s6;
	_ =	sdelay $0x1  }
0xa3: {  	s23 =	simm.s32 $0x1B8B  }
0xa4: {  	_ =	swait.ge [sflag:s23], $0x1  }
0xa5: {  	[sflag:s23] =	ssyncset.done $0x0  }
0xa6: {  	s25 =	simm.s32 $0x1B8E;
	s24 =	sld [smem:$0x3FFE];
	[sflag:s23] =	ssyncadd.s32 $0xFFFFFFFF  }
0xa7: {  	s26 =	simm.s32 $execute0_lowered;
	[smem:$0x3FD2] =	sst s25  }
0xa8: {  	s7 =	sshll.u32 s26, $0x1;
	_ =	strace $0x80000046;
	[dreg:$0x1] =	wrdreg $0xFFFFFFFF  }
0xa9: {  	s28 =	simm.s32 $_size_execute0_lowered;
	s5 =	sadd.s32 s5, s7;
	[dreg:$0x0] =	wrdreg $0x0  }
0xaa: {  	s7 =	sshll.u32 s28, $0x1;
	[dreg:$0x2] =	wrdreg s5  }
0xab: {  	[dreg:$0x3] =	wrdreg s7  }
0xac: {  	[dreg:$0x4] =	wrdreg $0xC0  }
0xad: {  	_ =	task [dreg:s9], $0x5FFFF  }
0xae: {  	[dreg:$0x1] =	wrdreg $0xFFFFFFFF  }
0xaf: {  	[dreg:$0x0] =	wrdreg $0x60  }
0xb0: {  	[dreg:$0x2] =	wrdreg s2  }
0xb1: {  	[dreg:$0x3] =	wrdreg s18  }
0xb2: {  	[dreg:$0x4] =	wrdreg s4  }
0xb3: {  	[dreg:$0x5] =	wrdreg s24  }
0xb4: {  	[dreg:$0x6] =	wrdreg $0x0  }
0xb5: {  	[dreg:$0x7] =	wrdreg $0x9  }
0xb6: {  	_ =	task.clear_ibuf [dreg:s9], $0x8FFFF;
	_ =	strace $0x90000046  }
0xb7: {  	s29 =	simm.s32 $0x9;
	_ =	strace $0x80000048  }
0xb8: {  	_ =	swait.ge [sflag:s29], $0x1  }
0xb9: {  	[sflag:s29] =	ssyncadd.s32 $0xFFFFFFFF  }
0xba: {  	_ =	strace $0x90000048  }
0xbb: {  	_ =	sfence  }
0xbc: {  	s30 =	sld [smem:$0x0];
	_ =	sdelay $0x2  }
0xbd: {  	s31 =	sshll.u32 s1, $0xD;
	s1 =	sshrl.u32 s1, $0x2  }
0xbe: {  	s3 =	sand.u32 $0x4000, s31;
	s1 =	sadd.s32 s1, s30  }
0xbf: {  	s0 =	sor.u32 s3, s0;
	s1 =	sshll.u32 s1, $0x11  }
0xc0: {  	s0 =	sor.u32 s1, s0  }
0xc1: {  	s0 =	sadd.s32 $0x8F2B, s0  }
0xc2: {  	[sflag:s0] =	ssyncadd.remote.s32 $0x1  }
0xc3: {  	_ =	sfence.sel $0xFFFF  }
0xc4: {  	[dreg:$0x0] =	wrdreg $0xFFFFFFFF;
	(pc) =	sbr.abs _section_cstart, $3  }
0xc5: {  	[dreg:$0x1] =	wrdreg $0xFFFFFFFF  }
0xc6: {  	_ =	task.clear_ibuf [dreg:s9], $0x2FFFF;
	_ =	strace $0x9FFFFFFF  }
0xc7: {  	(tm) =	ssettm $0x7FFFFFFF  }
tec
execute0_lowered:
.L_overlay_start_1:
0x0: {  	(tag) =	ssettag $0x1  }
0x1: {  	s1 =	rddreg [dreg:$0x0]  }
0x2: {  	s0 =	rddreg [dreg:$0x1]  }
0x3: {  	s2 =	rddreg [dreg:$0x3]  }
0x4: {  	s3 =	rddreg [dreg:$0x4]  }
0x5: {  	s4 =	srdreg.scid;
	s6 =	simm.s32 $0x0;
	s16 =	stileid.u32  }
0x6: {  	s4 =	sand.u32 $0x1, s4;
	[smem:$0x7FF] =	sst s6;
	s12 =	sshll.u32 s16, $0x3  }
0x7: {  	s10 =	smul.u32 $0x4E000, s16;
	_ =	strace $0x80000047;
	s15 =	sadd.s32 $0x138A8, s12  }
0x8: {  	s8 =	ssub.s32 $0x2, s4;
	s23 =	sadd.s32 $0x138D0, s12;
	[dreg:$0xb] =	wrdreg s15  }
0x9: {  	s28 =	sadd.s32 $0x138F8, s12;
	s30 =	sadd.s32 $0x13920, s12;
	[dreg:$0xc] =	wrdreg s23  }
0xa: {  	s9 =	sshrl.u32 s8, $0x1;
	s19 =	sshrl.u32 s10, $0x2;
	[dreg:$0xf] =	wrdreg s28  }
0xb: {  	[dreg:$0x10] =	wrdreg s30;
	s9 =	ssub.s32 s8, s9;
	s8 =	sadd.s32 s19, s3  }
0xc: {  	s11 =	sadd.s32 $0x800, s8;
	[dreg:$0x8] =	wrdreg s8  }
0xd: {  	s21 =	sadd.s32 $0x1000, s8;
	[dreg:$0x9] =	wrdreg s11  }
0xe: {  	s17 =	smul.u32 $0x2700, s16;
	s15 =	smax.u32 s9, $0x1;
	[dreg:$0xa] =	wrdreg s21  }
0xf: {  	p0 =	sne.s32 s16, $0xF;
	s16 =	sadd.s32 $0x1800, s8;
	[dreg:$0x17] =	wrdreg s15  }
0x10: {  	s22 =	sshll.u32 s4, $0xB;
	s19 =	sadd.s32 $0x3000, s8;
	[dreg:$0x18] =	wrdreg s16  }
0x11: {  	s24 =	sor.u32 s22, s10;
	s22 =	sadd.s32 $0x4800, s8;
	[dreg:$0x1b] =	wrdreg s19  }
0x12: {  	s23 =	sadd.s32 $0x5000, s8;
	[dreg:$0x1e] =	wrdreg s22  }
0x13: {  	s5 =	smul.u32 $0x4E200, s4;
	s28 =	sadd.s32 $0x6800, s8;
	[dreg:$0x1f] =	wrdreg s23  }
0x14: {  	s30 =	sadd.s32 $0x7800, s8;
	[smem:$0x7E3] =	sst s28  }
0x15: {  	s5 =	sadd.s32 s17, s5;
	s6 =	sadd.s32 $0x9800, s8;
	[smem:$0x7E5] =	sst s30  }
0x16: {  	s5 =	sshrl.u32 s5, $0x3;
	s9 =	sadd.s32 $0xA800, s8;
	[smem:$0x7E9] =	sst s6  }
0x17: {  	s13 =	sadd.s32 $0x10, s0;
	s18 =	sadd.s32 s0, s5;
	[smem:$0x7EB] =	sst s9  }
0x18: {  	s5 =	sadd.s32 s5, s13;
	[dreg:$0x6] =	wrdreg s18  }
0x19: {  	s21 =	sadd.s32 $0x4000, s8;
	[dreg:$0x7] =	wrdreg s5  }
0x1a: {  	s15 =	sadd.s32 $0xD000, s8;
	[dreg:$0x1d] =	wrdreg s21  }
0x1b: {  	s16 =	sadd.s32 $0xD800, s8;
	[smem:$0x7F0] =	sst s15  }
0x1c: {  	s19 =	sadd.s32 $0xF000, s8;
	[smem:$0x7F1] =	sst s16  }
0x1d: {  	s22 =	sadd.s32 $0x10800, s8;
	[smem:$0x7F4] =	sst s19  }
0x1e: {  	s14 =	sshllo.u32 s4, $0x1;
	s23 =	sadd.s32 $0x11000, s8;
	[smem:$0x7F7] =	sst s22  }
0x1f: {  	s20 =	smul.u32 $0x27100, s14;
	s28 =	sadd.s32 $0x12800, s8;
	[smem:$0x7F8] =	sst s23  }
0x20: {  	s30 =	sadd.s32 $0x138000, s3;
	[smem:$0x7FB] =	sst s28  }
0x21: {  	s5 =	sadd.s32 s17, s20;
	s17 =	sadd.s32 $0x2000, s8;
	[smem:$0x7FD] =	sst s30  }
0x22: {  	s18 =	sadd.s32 $0x2800, s8;
	[dreg:$0x19] =	wrdreg s17  }
0x23: {  	s31 =	simm.s32 $0xC;
	s20 =	sadd.s32 $0x3800, s8;
	[dreg:$0x1a] =	wrdreg s18  }
0x24: {  	s7 =	sadd.s32 $0xA00, s2;
	s21 =	sadd.s32 $0x10000, s8;
	[dreg:$0x1c] =	wrdreg s20  }
0x25: {  	s2 =	sadd.s32 $0x9CA00, s2;
	s17 =	sadd.s32 $0xE000, s8;
	[smem:$0x7F6] =	sst s21  }
0x26: {  	s4 =	sshll.u32 s4, $0x8;
	s18 =	sadd.s32 $0xE800, s8;
	[smem:$0x7F2] =	sst s17  }
0x27: {  	s5 =	sshrl.u32 s5, $0x3;
	s20 =	sadd.s32 $0xF800, s8;
	[smem:$0x7F3] =	sst s18  }
0x28: {  	s26 =	sshll.u32 s14, $0xA;
	s0 =	sadd.s32 s0, s5;
	[smem:$0x7F5] =	sst s20  }
0x29: {  	s29 =	sshrl.u32 s24, $0x3;
	s25 =	sadd.s32 s5, s13;
	[dreg:$0xd] =	wrdreg s0  }
0x2a: {  	s24 =	sor.u32 $0x14C80, s12;
	s5 =	sadd.s32 s7, s29;
	[dreg:$0xe] =	wrdreg s25  }
0x2b: {  	s13 =	sshll.u32 s14, $0x7;
	s14 =	sadd.s32 $0x13970, s12;
	[dreg:$0x11] =	wrdreg s5  }
0x2c: {  	s11 =	sor.u32 $0x13880, s12;
	s29 =	sadd.s32 $0x7000, s8;
	[dreg:$0x16] =	wrdreg s14  }
0x2d: {  	s0 =	sor.u32 s10, s26;
	s10 =	sadd.s32 s4, s2;
	[smem:$0x7E4] =	sst s29  }
0x2e: {  	s9 =	simm.s32 $0x16080;
	s25 =	sadd.s32 $0x5800, s8;
	[dreg:$0x14] =	wrdreg s10  }
0x2f: {  	s6 =	simm.s32 $0x0;
	s26 =	sadd.s32 $0x6000, s8;
	[smem:$0x7E1] =	sst s25  }
0x30: {  	s19 =	simm.s32 $0x1;
	s4 =	sadd.s32 $0x8800, s8;
	[smem:$0x7E2] =	sst s26  }
0x31: {  	s22 =	simm.s32 $0xF;
	s5 =	sadd.s32 $0x9000, s8;
	[smem:$0x7E7] =	sst s4  }
0x32: {  	s16 =	simm.s32 $0x1D880;
	s14 =	sadd.s32 $0xC800, s8;
	[smem:$0x7E8] =	sst s5  }
0x33: {  	s23 =	simm.s32 $0x6;
	s29 =	sadd.s32 $0x13000, s8;
	[smem:$0x7EF] =	sst s14  }
0x34: {  	s17 =	simm.s32 $0x3;
	s10 =	sadd.s32 $0xB000, s8;
	[smem:$0x7FC] =	sst s29  }
0x35: {  	s20 =	simm.s32 $0x5;
	s25 =	sadd.s32 $0x11800, s8;
	[smem:$0x7EC] =	sst s10  }
0x36: {  	s0 =	sshrl.u32 s0, $0x3;
	s26 =	sadd.s32 $0x12000, s8;
	[smem:$0x7F9] =	sst s25  }
0x37: {  	s14 =	simm.s32 $0x1EC80;
	s0 =	sadd.s32 s7, s0;
	[smem:$0x7FA] =	sst s26  }
0x38: {  	s5 =	simm.s32 $0x7;
	s7 =	sadd.s32 $0x13948, s12;
	[dreg:$0x12] =	wrdreg s0  }
0x39: {  	s12 =	sadd.s32 $0xB800, s8;
	s25 =	simm.s32 $0x28;
	[dreg:$0x13] =	wrdreg s7  }
.Ltmp0:
0x3a: {  	s0 =	sadd.s32 s13, s2;
	[smem:$0x7ED] =	sst s12;
	(pc) =	sbr.rel .LBB2_1-.Ltmp0, $4  }
0x3b: {  	s10 =	simm.s32 $0x18880;
	s2 =	sadd.s32 $0x8000, s8;
	[dreg:$0x15] =	wrdreg s0  }
0x3c: {  	s7 =	sadd.s32 $0xA000, s8;
	s13 =	sadd.s32 $0xC000, s8;
	[smem:$0x7E6] =	sst s2  }
0x3d: {  	s8 =	simm.s32 $0x80;
	s12 =	simm.s32 $0x1B080;
	[smem:$0x7EA] =	sst s7  }
0x3e: {  	[smem:$0x7EE] =	sst s13;
	s13 =	simm.s32 $0x1C480;
	s0 =	simm.s32 $0xD  }
.LBB2_10:
0x3f: {  	_ =	swait.ge [sflag:s23], $0x1400  }
0x40: {  	[sflag:s23] =	ssyncset.done $0x0  }
0x41: {  	s2 =	sadd.s32 $0xC8, s28;
	[sflag:s23] =	ssyncadd.s32 $0xFFFFEC00  }
0x42: {  	[spmem:s3] =	stream.indirect.scatter.add.f32 [tilespmem:s13], [sflag:$0xD], $0x80, s2, s25, $0xb8;
	[tilespmem:$0x1F480] =	vst v63  }
.LBB2_7:
0x43: {  	s4 =	simm.s32 $0x8  }
0x44: {  	_ =	swait.ge [sflag:s4], $0x1400  }
0x45: {  	[sflag:s4] =	ssyncset.done $0x0  }
0x46: {  	s2 =	simm.s32 $0x9;
	[sflag:s4] =	ssyncadd.s32 $0xFFFFEC00  }
0x47: {  	_ =	swait.ge [sflag:s2], $0x1400  }
0x48: {  	[sflag:s2] =	ssyncset.done $0x0  }
0x49: {  	s15 =	simm.s32 $0xA;
	[sflag:s2] =	ssyncadd.s32 $0xFFFFEC00  }
0x4a: {  	_ =	swait.ge [sflag:s15], $0x1400  }
0x4b: {  	[sflag:s15] =	ssyncset.done $0x0  }
0x4c: {  	s21 =	simm.s32 $0xB;
	[sflag:s15] =	ssyncadd.s32 $0xFFFFEC00  }
0x4d: {  	_ =	swait.ge [sflag:s21], $0x1400  }
0x4e: {  	[sflag:s21] =	ssyncset.done $0x0  }
0x4f: {  	[sflag:s21] =	ssyncadd.s32 $0xFFFFEC00  }
0x50: {  	_ =	swait.ge [sflag:s31], $0x1400  }
0x51: {  	[sflag:s31] =	ssyncset.done $0x0  }
0x52: {  	[sflag:s31] =	ssyncadd.s32 $0xFFFFEC00  }
0x53: {  	_ =	swait.ge [sflag:s0], $0x1400  }
0x54: {  	[sflag:s0] =	ssyncset.done $0x0  }
0x55: {  	s26 =	simm.s32 $0xE;
	[sflag:s0] =	ssyncadd.s32 $0xFFFFEC00  }
0x56: {  	_ =	swait.ge [sflag:s26], $0x1400  }
0x57: {  	[sflag:s26] =	ssyncset.done $0x0  }
0x58: {  	[sflag:s26] =	ssyncadd.s32 $0xFFFFEC00  }
0x59: {  	[bflag:$0x0] =	sbarrier.arrive $0xFFFF  }
0x5a: {  	s7 =	sld [smem:$0x7DE]  }
0x5b: {  	s8 =	simm.s32 $0x80  }
0x5c: {  	s6 =	simm.s32 $0x200;
	s2 =	simm.s32 @p0 $0xF;
	s28 =	rddreg [dreg:$0x12]  }
0x5d: {  	[hbm:s28@s6], [sflag:s18] =	dma.strided [spmem:s7@s8], $0x2700, s4, $0x10   }
0x5e: {  	_ =	swait.ge @p0 [sflag:s2], $0x2700  }
0x5f: {  	s15 =	sld [smem:$0x7DF]  }
0x60: {  	s4 =	simm.s32 @!p0 $0x200;
	s6 =	simm.s32 @!p0 $0x80;
	[sflag:s2] =	ssyncset.done @p0 $0x0  }
0x61: {  	s7 =	rddreg [dreg:$0x15];
	[sflag:s2] =	ssyncadd.s32 @p0 $0xFFFFD900;
	s2 =	simm.s32 @!p0 $0x8  }
0x62: {  	[hbm:s7@s4], [sflag:s18] =	dma.strided @!p0 [spmem:s15@s6], $0x100, s2, $0x10   }
0x63: {  	s2 =	simm.s32 @!p0 $0xF  }
0x64: {  	_ =	swait.ge @!p0 [sflag:s2], $0x2700  }
0x65: {  	[sflag:s2] =	ssyncset.done @!p0 $0x0  }
0x66: {  	[sflag:s2] =	ssyncadd.s32 @!p0 $0xFFFFD900  }
0x67: {  	_ =	swait.ge @!p0 [sflag:s2], $0x100  }
0x68: {  	s29 =	sld [smem:$0x7E0];
	_ =	sdelay $0x2  }
0x69: {  	s30 =	rddreg [dreg:$0x17];
	s6 =	sadd.s32 $0x1, s29  }
0x6a: {  	p1 =	sne.s32 s6, s30  }
.Ltmp1:
0x6b: {  	_ = 	snop;
	(pc) =	sbr.rel @!p1 .LBB2_8-.Ltmp1, $3  }
0x6c: {  	_ =	sdelay $0x1  }
0x6d: {  	[sflag:s2] =	ssyncset.done @!p0 $0x0  }
0x6e: {  	[sflag:s2] =	ssyncadd.s32 @!p0 $0xFFFFFF00  }
.LBB2_1:
0x6f: {  	s2 =	rddreg [dreg:$0x2];
	s4 =	simm.s32 $0x0  }
0x70: {  	[tilespmem:s14], [sflag:$0x10] =	stream.linear.gather [hbm4b:s2+s4], $0x800, $0x38;
	[tilespmem:$0x1F480] =	vst v63  }
0x71: {  	[smem:$0x7E0] =	sst s6;
	s4 =	simm.s32 $0x10  }
0x72: {  	_ =	swait.ge [sflag:s4], $0x800  }
0x73: {  	s7 =	simm.s32 $0x100;
	[sflag:s4] =	ssyncset.done $0x0;
	s6 =	rddreg [dreg:$0x6]  }
0x74: {  	s15 =	simm.s32 $0x13880;
	s18 =	rddreg [dreg:$0x7];
	[sflag:s4] =	ssyncadd.s32 $0xFFFFF800  }
0x75: {  	[tilespmem:s15], [sflag:$0x1] =	stream.strided.gather [hbm4b:s6+s8], $0x1400, s7, s8, $0x38;
	[tilespmem:$0x1F480] =	vst v63  }
0x76: {  	s21 =	simm.s32 $0x14C80;
	s26 =	rddreg [dreg:$0x8]  }
0x77: {  	[tilespmem:s21], [sflag:$0x2] =	stream.strided.gather [hbm4b:s18+s8], $0x1400, s7, s8, $0x38;
	[tilespmem:$0x1F480] =	vst v63  }
0x78: {  	s28 =	rddreg [dreg:$0x9]  }
0x79: {  	[spmem:s26] =	stream.linear.scatter [tilespmem:s14], [sflag:$0xF], $0x800, $0x38;
	[tilespmem:$0x1F480] =	vst v63  }
0x7a: {  	s29 =	rddreg [dreg:$0xa]  }
0x7b: {  	[spmem:s28] =	stream.linear.scatter [tilespmem:s14], [sflag:$0xF], $0x800, $0x38;
	[tilespmem:$0x1F480] =	vst v63  }
0x7c: {  	s30 =	rddreg [dreg:$0x18]  }
0x7d: {  	[spmem:s29] =	stream.linear.scatter [tilespmem:s14], [sflag:$0xF], $0x800, $0x38;
	[tilespmem:$0x1F480] =	vst v63  }
0x7e: {  	s4 =	rddreg [dreg:$0x19]  }
0x7f: {  	[spmem:s30] =	stream.linear.scatter [tilespmem:s14], [sflag:$0xF], $0x800, $0x38;
	[tilespmem:$0x1F480] =	vst v63  }
0x80: {  	s6 =	rddreg [dreg:$0x1a]  }
0x81: {  	[spmem:s4] =	stream.linear.scatter [tilespmem:s14], [sflag:$0xF], $0x800, $0x38;
	[tilespmem:$0x1F480] =	vst v63  }
0x82: {  	s15 =	rddreg [dreg:$0x1d]  }
0x83: {  	[spmem:s6] =	stream.linear.scatter [tilespmem:s14], [sflag:$0xF], $0x800, $0x38;
	[tilespmem:$0x1F480] =	vst v63  }
0x84: {  	s7 =	rddreg [dreg:$0x1b]  }
0x85: {  	[spmem:s7] =	stream.linear.scatter [tilespmem:s14], [sflag:$0xF], $0x800, $0x38;
	[tilespmem:$0x1F480] =	vst v63  }
0x86: {  	s8 =	rddreg [dreg:$0x1c]  }
0x87: {  	[spmem:s8] =	stream.linear.scatter [tilespmem:s14], [sflag:$0xF], $0x800, $0x38;
	[tilespmem:$0x1F480] =	vst v63  }
0x88: {  	s18 =	rddreg [dreg:$0x1e]  }
0x89: {  	[spmem:s15] =	stream.linear.scatter [tilespmem:s14], [sflag:$0xF], $0x800, $0x38;
	[tilespmem:$0x1F480] =	vst v63  }
0x8a: {  	s21 =	rddreg [dreg:$0x1f]  }
0x8b: {  	[spmem:s18] =	stream.linear.scatter [tilespmem:s14], [sflag:$0xF], $0x800, $0x38;
	[tilespmem:$0x1F480] =	vst v63  }
0x8c: {  	s26 =	sld [smem:$0x7E1]  }
0x8d: {  	[spmem:s21] =	stream.linear.scatter [tilespmem:s14], [sflag:$0xF], $0x800, $0x38;
	[tilespmem:$0x1F480] =	vst v63  }
0x8e: {  	s28 =	sld [smem:$0x7E2]  }
0x8f: {  	[spmem:s26] =	stream.linear.scatter [tilespmem:s14], [sflag:$0xF], $0x800, $0x38;
	[tilespmem:$0x1F480] =	vst v63  }
0x90: {  	s29 =	sld [smem:$0x7E3]  }
0x91: {  	[spmem:s28] =	stream.linear.scatter [tilespmem:s14], [sflag:$0xF], $0x800, $0x38;
	[tilespmem:$0x1F480] =	vst v63  }
0x92: {  	s30 =	sld [smem:$0x7E4]  }
0x93: {  	[spmem:s29] =	stream.linear.scatter [tilespmem:s14], [sflag:$0xF], $0x800, $0x38;
	[tilespmem:$0x1F480] =	vst v63  }
0x94: {  	s4 =	sld [smem:$0x7E5]  }
0x95: {  	[spmem:s30] =	stream.linear.scatter [tilespmem:s14], [sflag:$0xF], $0x800, $0x38;
	[tilespmem:$0x1F480] =	vst v63  }
0x96: {  	s6 =	sld [smem:$0x7E6]  }
0x97: {  	[spmem:s4] =	stream.linear.scatter [tilespmem:s14], [sflag:$0xF], $0x800, $0x38;
	[tilespmem:$0x1F480] =	vst v63  }
0x98: {  	s7 =	sld [smem:$0x7E7]  }
0x99: {  	[spmem:s6] =	stream.linear.scatter [tilespmem:s14], [sflag:$0xF], $0x800, $0x38;
	[tilespmem:$0x1F480] =	vst v63  }
0x9a: {  	s8 =	sld [smem:$0x7E8]  }
0x9b: {  	[spmem:s7] =	stream.linear.scatter [tilespmem:s14], [sflag:$0xF], $0x800, $0x38;
	[tilespmem:$0x1F480] =	vst v63  }
0x9c: {  	s15 =	sld [smem:$0x7E9]  }
0x9d: {  	[spmem:s8] =	stream.linear.scatter [tilespmem:s14], [sflag:$0xF], $0x800, $0x38;
	[tilespmem:$0x1F480] =	vst v63  }
0x9e: {  	s18 =	sld [smem:$0x7EA]  }
0x9f: {  	[spmem:s15] =	stream.linear.scatter [tilespmem:s14], [sflag:$0xF], $0x800, $0x38;
	[tilespmem:$0x1F480] =	vst v63  }
0xa0: {  	s21 =	sld [smem:$0x7EB]  }
0xa1: {  	[spmem:s18] =	stream.linear.scatter [tilespmem:s14], [sflag:$0xF], $0x800, $0x38;
	[tilespmem:$0x1F480] =	vst v63  }
0xa2: {  	s26 =	sld [smem:$0x7EC]  }
0xa3: {  	[spmem:s21] =	stream.linear.scatter [tilespmem:s14], [sflag:$0xF], $0x800, $0x38;
	[tilespmem:$0x1F480] =	vst v63  }
0xa4: {  	s28 =	sld [smem:$0x7ED]  }
0xa5: {  	[spmem:s26] =	stream.linear.scatter [tilespmem:s14], [sflag:$0xF], $0x800, $0x38;
	[tilespmem:$0x1F480] =	vst v63  }
0xa6: {  	s29 =	sld [smem:$0x7EE]  }
0xa7: {  	[spmem:s28] =	stream.linear.scatter [tilespmem:s14], [sflag:$0xF], $0x800, $0x38;
	[tilespmem:$0x1F480] =	vst v63  }
0xa8: {  	s30 =	sld [smem:$0x7EF]  }
0xa9: {  	[spmem:s29] =	stream.linear.scatter [tilespmem:s14], [sflag:$0xF], $0x800, $0x38;
	[tilespmem:$0x1F480] =	vst v63  }
0xaa: {  	s4 =	sld [smem:$0x7F0]  }
0xab: {  	[spmem:s30] =	stream.linear.scatter [tilespmem:s14], [sflag:$0xF], $0x800, $0x38;
	[tilespmem:$0x1F480] =	vst v63  }
0xac: {  	s6 =	sld [smem:$0x7F1]  }
0xad: {  	[spmem:s4] =	stream.linear.scatter [tilespmem:s14], [sflag:$0xF], $0x800, $0x38;
	[tilespmem:$0x1F480] =	vst v63  }
0xae: {  	s7 =	sld [smem:$0x7F2]  }
0xaf: {  	[spmem:s6] =	stream.linear.scatter [tilespmem:s14], [sflag:$0xF], $0x800, $0x38;
	[tilespmem:$0x1F480] =	vst v63  }
0xb0: {  	s8 =	sld [smem:$0x7F3]  }
0xb1: {  	[spmem:s7] =	stream.linear.scatter [tilespmem:s14], [sflag:$0xF], $0x800, $0x38;
	[tilespmem:$0x1F480] =	vst v63  }
0xb2: {  	s15 =	sld [smem:$0x7F4]  }
0xb3: {  	[spmem:s8] =	stream.linear.scatter [tilespmem:s14], [sflag:$0xF], $0x800, $0x38;
	[tilespmem:$0x1F480] =	vst v63  }
0xb4: {  	s18 =	sld [smem:$0x7F5]  }
0xb5: {  	[spmem:s15] =	stream.linear.scatter [tilespmem:s14], [sflag:$0xF], $0x800, $0x38;
	[tilespmem:$0x1F480] =	vst v63  }
0xb6: {  	s21 =	sld [smem:$0x7F6]  }
0xb7: {  	[spmem:s18] =	stream.linear.scatter [tilespmem:s14], [sflag:$0xF], $0x800, $0x38;
	[tilespmem:$0x1F480] =	vst v63  }
0xb8: {  	s26 =	sld [smem:$0x7F7]  }
0xb9: {  	[spmem:s21] =	stream.linear.scatter [tilespmem:s14], [sflag:$0xF], $0x800, $0x38;
	[tilespmem:$0x1F480] =	vst v63  }
0xba: {  	s28 =	sld [smem:$0x7F8]  }
0xbb: {  	[spmem:s26] =	stream.linear.scatter [tilespmem:s14], [sflag:$0xF], $0x800, $0x38;
	[tilespmem:$0x1F480] =	vst v63  }
0xbc: {  	s29 =	sld [smem:$0x7F9]  }
0xbd: {  	[spmem:s28] =	stream.linear.scatter [tilespmem:s14], [sflag:$0xF], $0x800, $0x38;
	[tilespmem:$0x1F480] =	vst v63  }
0xbe: {  	s30 =	sld [smem:$0x7FA]  }
0xbf: {  	[spmem:s29] =	stream.linear.scatter [tilespmem:s14], [sflag:$0xF], $0x800, $0x38;
	[tilespmem:$0x1F480] =	vst v63  }
0xc0: {  	s4 =	sld [smem:$0x7FB]  }
0xc1: {  	[spmem:s30] =	stream.linear.scatter [tilespmem:s14], [sflag:$0xF], $0x800, $0x38;
	[tilespmem:$0x1F480] =	vst v63  }
0xc2: {  	s6 =	sld [smem:$0x7FC]  }
0xc3: {  	[spmem:s4] =	stream.linear.scatter [tilespmem:s14], [sflag:$0xF], $0x800, $0x38;
	[tilespmem:$0x1F480] =	vst v63  }
0xc4: {  	s2 =	sld [smem:$0x7FD]  }
0xc5: {  	[spmem:s6] =	stream.linear.scatter [tilespmem:s14], [sflag:$0xF], $0x800, $0x38;
	[tilespmem:$0x1F480] =	vst v63  }
0xc6: {  	s6 =	simm.s32 @!p0 $0x1EC80  }
0xc7: {  	[spmem:s2] =	stream.linear.scatter @!p0 [tilespmem:s6], [sflag:$0xF], $0x800, $0x38;
	[tilespmem:$0x1F480] =	vst v63  }
0xc8: {  	_ =	swait.ge [sflag:s19], $0x1400  }
0xc9: {  	[sflag:s19] =	ssyncset.done $0x0  }
0xca: {  	s7 =	simm.s32 $0x2;
	[sflag:s19] =	ssyncadd.s32 $0xFFFFEC00  }
0xcb: {  	_ =	swait.ge [sflag:s7], $0x1400  }
0xcc: {  	[sflag:s7] =	ssyncset.done $0x0  }
0xcd: {  	[sflag:s7] =	ssyncadd.s32 $0xFFFFEC00  }
0xce: {  	_ =	swait.ge [sflag:s22], $0x800  }
0xcf: {  	[sflag:s22] =	ssyncset.done $0x0  }
0xd0: {  	[sflag:s22] =	ssyncadd.s32 $0xFFFFF800  }
0xd1: {  	_ =	swait.ge [sflag:s22], $0x800  }
0xd2: {  	[sflag:s22] =	ssyncset.done $0x0  }
0xd3: {  	[sflag:s22] =	ssyncadd.s32 $0xFFFFF800  }
0xd4: {  	_ =	swait.ge [sflag:s22], $0x800  }
0xd5: {  	[sflag:s22] =	ssyncset.done $0x0  }
0xd6: {  	[sflag:s22] =	ssyncadd.s32 $0xFFFFF800  }
0xd7: {  	_ =	swait.ge [sflag:s22], $0x800  }
0xd8: {  	[sflag:s22] =	ssyncset.done $0x0  }
0xd9: {  	[sflag:s22] =	ssyncadd.s32 $0xFFFFF800  }
0xda: {  	_ =	swait.ge [sflag:s22], $0x800  }
0xdb: {  	[sflag:s22] =	ssyncset.done $0x0  }
0xdc: {  	[sflag:s22] =	ssyncadd.s32 $0xFFFFF800  }
0xdd: {  	_ =	swait.ge [sflag:s22], $0x800  }
0xde: {  	[sflag:s22] =	ssyncset.done $0x0  }
0xdf: {  	[sflag:s22] =	ssyncadd.s32 $0xFFFFF800  }
0xe0: {  	_ =	swait.ge [sflag:s22], $0x800  }
0xe1: {  	[sflag:s22] =	ssyncset.done $0x0  }
0xe2: {  	[sflag:s22] =	ssyncadd.s32 $0xFFFFF800  }
0xe3: {  	_ =	swait.ge [sflag:s22], $0x800  }
0xe4: {  	[sflag:s22] =	ssyncset.done $0x0  }
0xe5: {  	[sflag:s22] =	ssyncadd.s32 $0xFFFFF800  }
0xe6: {  	_ =	swait.ge [sflag:s22], $0x800  }
0xe7: {  	[sflag:s22] =	ssyncset.done $0x0  }
0xe8: {  	[sflag:s22] =	ssyncadd.s32 $0xFFFFF800  }
0xe9: {  	_ =	swait.ge [sflag:s22], $0x800  }
0xea: {  	[sflag:s22] =	ssyncset.done $0x0  }
0xeb: {  	[sflag:s22] =	ssyncadd.s32 $0xFFFFF800  }
0xec: {  	_ =	swait.ge [sflag:s22], $0x800  }
0xed: {  	[sflag:s22] =	ssyncset.done $0x0  }
0xee: {  	[sflag:s22] =	ssyncadd.s32 $0xFFFFF800  }
0xef: {  	_ =	swait.ge [sflag:s22], $0x800  }
0xf0: {  	[sflag:s22] =	ssyncset.done $0x0  }
0xf1: {  	[sflag:s22] =	ssyncadd.s32 $0xFFFFF800  }
0xf2: {  	_ =	swait.ge [sflag:s22], $0x800  }
0xf3: {  	[sflag:s22] =	ssyncset.done $0x0  }
0xf4: {  	[sflag:s22] =	ssyncadd.s32 $0xFFFFF800  }
0xf5: {  	_ =	swait.ge [sflag:s22], $0x800  }
0xf6: {  	[sflag:s22] =	ssyncset.done $0x0  }
0xf7: {  	[sflag:s22] =	ssyncadd.s32 $0xFFFFF800  }
0xf8: {  	_ =	swait.ge [sflag:s22], $0x800  }
0xf9: {  	[sflag:s22] =	ssyncset.done $0x0  }
0xfa: {  	[sflag:s22] =	ssyncadd.s32 $0xFFFFF800  }
0xfb: {  	_ =	swait.ge [sflag:s22], $0x800  }
0xfc: {  	[sflag:s22] =	ssyncset.done $0x0  }
0xfd: {  	[sflag:s22] =	ssyncadd.s32 $0xFFFFF800  }
0xfe: {  	_ =	swait.ge [sflag:s22], $0x800  }
0xff: {  	[sflag:s22] =	ssyncset.done $0x0  }
0x100: {  	[sflag:s22] =	ssyncadd.s32 $0xFFFFF800  }
0x101: {  	_ =	swait.ge [sflag:s22], $0x800  }
0x102: {  	[sflag:s22] =	ssyncset.done $0x0  }
0x103: {  	[sflag:s22] =	ssyncadd.s32 $0xFFFFF800  }
0x104: {  	_ =	swait.ge [sflag:s22], $0x800  }
0x105: {  	[sflag:s22] =	ssyncset.done $0x0  }
0x106: {  	[sflag:s22] =	ssyncadd.s32 $0xFFFFF800  }
0x107: {  	_ =	swait.ge [sflag:s22], $0x800  }
0x108: {  	[sflag:s22] =	ssyncset.done $0x0  }
0x109: {  	[sflag:s22] =	ssyncadd.s32 $0xFFFFF800  }
0x10a: {  	_ =	swait.ge [sflag:s22], $0x800  }
0x10b: {  	[sflag:s22] =	ssyncset.done $0x0  }
0x10c: {  	[sflag:s22] =	ssyncadd.s32 $0xFFFFF800  }
0x10d: {  	_ =	swait.ge [sflag:s22], $0x800  }
0x10e: {  	[sflag:s22] =	ssyncset.done $0x0  }
0x10f: {  	[sflag:s22] =	ssyncadd.s32 $0xFFFFF800  }
0x110: {  	_ =	swait.ge [sflag:s22], $0x800  }
0x111: {  	[sflag:s22] =	ssyncset.done $0x0  }
0x112: {  	[sflag:s22] =	ssyncadd.s32 $0xFFFFF800  }
0x113: {  	_ =	swait.ge [sflag:s22], $0x800  }
0x114: {  	[sflag:s22] =	ssyncset.done $0x0  }
0x115: {  	[sflag:s22] =	ssyncadd.s32 $0xFFFFF800  }
0x116: {  	_ =	swait.ge [sflag:s22], $0x800  }
0x117: {  	[sflag:s22] =	ssyncset.done $0x0  }
0x118: {  	[sflag:s22] =	ssyncadd.s32 $0xFFFFF800  }
0x119: {  	_ =	swait.ge [sflag:s22], $0x800  }
0x11a: {  	[sflag:s22] =	ssyncset.done $0x0  }
0x11b: {  	[sflag:s22] =	ssyncadd.s32 $0xFFFFF800  }
0x11c: {  	_ =	swait.ge [sflag:s22], $0x800  }
0x11d: {  	[sflag:s22] =	ssyncset.done $0x0  }
0x11e: {  	[sflag:s22] =	ssyncadd.s32 $0xFFFFF800  }
0x11f: {  	_ =	swait.ge [sflag:s22], $0x800  }
0x120: {  	[sflag:s22] =	ssyncset.done $0x0  }
0x121: {  	[sflag:s22] =	ssyncadd.s32 $0xFFFFF800  }
0x122: {  	_ =	swait.ge [sflag:s22], $0x800  }
0x123: {  	[sflag:s22] =	ssyncset.done $0x0  }
0x124: {  	[sflag:s22] =	ssyncadd.s32 $0xFFFFF800  }
0x125: {  	_ =	swait.ge [sflag:s22], $0x800  }
0x126: {  	[sflag:s22] =	ssyncset.done $0x0  }
0x127: {  	[sflag:s22] =	ssyncadd.s32 $0xFFFFF800  }
0x128: {  	_ =	swait.ge [sflag:s22], $0x800  }
0x129: {  	[sflag:s22] =	ssyncset.done $0x0  }
0x12a: {  	[sflag:s22] =	ssyncadd.s32 $0xFFFFF800  }
0x12b: {  	_ =	swait.ge [sflag:s22], $0x800  }
0x12c: {  	[sflag:s22] =	ssyncset.done $0x0  }
0x12d: {  	[sflag:s22] =	ssyncadd.s32 $0xFFFFF800  }
0x12e: {  	_ =	swait.ge [sflag:s22], $0x800  }
0x12f: {  	[sflag:s22] =	ssyncset.done $0x0  }
0x130: {  	[sflag:s22] =	ssyncadd.s32 $0xFFFFF800  }
0x131: {  	_ =	swait.ge [sflag:s22], $0x800  }
0x132: {  	[sflag:s22] =	ssyncset.done $0x0  }
0x133: {  	[sflag:s22] =	ssyncadd.s32 $0xFFFFF800  }
0x134: {  	_ =	swait.ge [sflag:s22], $0x800  }
0x135: {  	[sflag:s22] =	ssyncset.done $0x0  }
0x136: {  	[sflag:s22] =	ssyncadd.s32 $0xFFFFF800  }
0x137: {  	_ =	swait.ge [sflag:s22], $0x800  }
0x138: {  	[sflag:s22] =	ssyncset.done $0x0  }
0x139: {  	[sflag:s22] =	ssyncadd.s32 $0xFFFFF800  }
0x13a: {  	_ =	swait.ge [sflag:s22], $0x800  }
0x13b: {  	[sflag:s22] =	ssyncset.done $0x0  }
0x13c: {  	[sflag:s22] =	ssyncadd.s32 $0xFFFFF800  }
0x13d: {  	_ =	swait.ge [sflag:s22], $0x800  }
0x13e: {  	[sflag:s22] =	ssyncset.done $0x0  }
0x13f: {  	[sflag:s22] =	ssyncadd.s32 $0xFFFFF800  }
0x140: {  	_ =	swait.ge [sflag:s22], $0x800  }
0x141: {  	[sflag:s22] =	ssyncset.done $0x0  }
0x142: {  	s6 =	simm.s32 @!p0 $0xF;
	[sflag:s22] =	ssyncadd.s32 $0xFFFFF800  }
0x143: {  	_ =	swait.ge @!p0 [sflag:s6], $0x800  }
0x144: {  	[sflag:s6] =	ssyncset.done @!p0 $0x0  }
0x145: {  	[sflag:s6] =	ssyncadd.s32 @!p0 $0xFFFFF800  }
0x146: {  	[bflag:$0x0] =	sbarrier.arrive $0xFFFF  }
0x147: {  	[tilespmem:s9], [sflag:$0x1] =	stream.indirect.gather [hbm4b:s1+s25], $0x80, s11, s25, $0xb8;
	[tilespmem:$0x1F480] =	vst v63  }
0x148: {  	s15 =	simm.s32 $0x17480;
	s8 =	rddreg [dreg:$0xb]  }
0x149: {  	[tilespmem:s15], [sflag:$0x2] =	stream.indirect.gather [hbm4b:s1+s25], $0x80, s8, s25, $0xb8;
	[tilespmem:$0x1F480] =	vst v63  }
0x14a: {  	s18 =	rddreg [dreg:$0xc]  }
0x14b: {  	[tilespmem:s10], [sflag:$0x3] =	stream.indirect.gather [hbm4b:s1+s25], $0x80, s18, s25, $0xb8;
	[tilespmem:$0x1F480] =	vst v63  }
0x14c: {  	s26 =	simm.s32 $0x19C80;
	s21 =	rddreg [dreg:$0xf]  }
0x14d: {  	[tilespmem:s26], [sflag:$0x4] =	stream.indirect.gather [hbm4b:s1+s25], $0x80, s21, s25, $0xb8;
	[tilespmem:$0x1F480] =	vst v63  }
0x14e: {  	s28 =	rddreg [dreg:$0x10]  }
0x14f: {  	[tilespmem:s12], [sflag:$0x5] =	stream.indirect.gather [hbm4b:s1+s25], $0x80, s28, s25, $0xb8;
	[tilespmem:$0x1F480] =	vst v63  }
0x150: {  	s29 =	rddreg [dreg:$0x13]  }
0x151: {  	[tilespmem:s13], [sflag:$0x6] =	stream.indirect.gather [hbm4b:s1+s25], $0x80, s29, s25, $0xb8;
	[tilespmem:$0x1F480] =	vst v63  }
0x152: {  	s7 =	simm.s32 $0x0;
	s6 =	simm.s32 $0x0;
	s30 =	rddreg [dreg:$0x16]  }
0x153: {  	[tilespmem:s16], [sflag:$0x7] =	stream.indirect.gather [hbm4b:s1+s25], $0x80, s30, s25, $0xb8;
	[tilespmem:$0x1F480] =	vst v63  }
.LBB2_2:
0x154: {  	_ =	swait.ge [sflag:s19], $0x1400  }
0x155: {  	s18 =	sshra.s32 s6, $0x2;
	p1 =	seq.s32 s6, $0x4A60;
	[sflag:s19] =	ssyncset.done $0x0  }
0x156: {  	s15 =	sadd.s32 s18, s24;
	s21 =	simm.s32 @p1 $0x2;
	[sflag:s19] =	ssyncadd.s32 $0xFFFFEC00  }
0x157: {  	[spmem:s3] =	stream.indirect.scatter.add.f32 [tilespmem:s9], [sflag:$0x8], $0x80, s15, s25, $0xb8;
	[tilespmem:$0x1F480] =	vst v63  }
0x158: {  	_ =	swait.ge @p1 [sflag:s21], $0x1400  }
0x159: {  	s28 =	sshra.s32 @p1 s6, $0x2;
	[sflag:s21] =	ssyncset.done @p1 $0x0  }
0x15a: {  	[sflag:s21] =	ssyncadd.s32 @p1 $0xFFFFEC00;
	s21 =	sadd.s32 @p1 s28, s24  }
0x15b: {  	s29 =	simm.s32 @p1 $0x28;
	s30 =	simm.s32 @p1 $0x17480;
	s28 =	sadd.s32 @p1 $0x28, s21  }
0x15c: {  	[spmem:s3] =	stream.indirect.scatter.add.f32 @p1 [tilespmem:s30], [sflag:$0x9], $0x80, s28, s29, $0xb8;
	[tilespmem:$0x1F480] =	vst v63  }
0x15d: {  	s28 =	simm.s32 @!p1 $0x8  }
0x15e: {  	_ =	swait.ge @!p1 [sflag:s28], $0x1400  }
0x15f: {  	s30 =	sshra.s32 @!p1 s6, $0x2;
	[sflag:s28] =	ssyncset.done @!p1 $0x0  }
0x160: {  	[sflag:s28] =	ssyncadd.s32 @!p1 $0xFFFFEC00;
	s28 =	sadd.s32 @!p1 s30, s11  }
0x161: {  	s8 =	simm.s32 @!p1 $0x28;
	s26 =	simm.s32 @!p1 $0x16080;
	s2 =	sadd.s32 @!p1 $0x118, s28  }
0x162: {  	[tilespmem:s26], [sflag:$0x1] =	stream.indirect.gather @!p1 [hbm4b:s1+s8], $0x80, s2, s8, $0xb8;
	[tilespmem:$0x1F480] =	vst v63  }
0x163: {  	s2 =	simm.s32 @!p1 $0x2  }
0x164: {  	_ =	swait.ge @!p1 [sflag:s2], $0x1400  }
0x165: {  	s26 =	sadd.s32 @!p1 s30, s24;
	[sflag:s2] =	ssyncset.done @!p1 $0x0  }
0x166: {  	s30 =	simm.s32 @!p1 $0x17480;
	[sflag:s2] =	ssyncadd.s32 @!p1 $0xFFFFEC00;
	s2 =	sadd.s32 @!p1 $0x28, s26  }
0x167: {  	[spmem:s3] =	stream.indirect.scatter.add.f32 @!p1 [tilespmem:s30], [sflag:$0x9], $0x80, s2, s8, $0xb8;
	[tilespmem:$0x1F480] =	vst v63  }
0x168: {  	s2 =	simm.s32 @!p1 $0x9  }
0x169: {  	_ =	swait.ge @!p1 [sflag:s2], $0x1400  }
0x16a: {  	[sflag:s2] =	ssyncset.done @!p1 $0x0  }
0x16b: {  	[sflag:s2] =	ssyncadd.s32 @!p1 $0xFFFFEC00;
	s2 =	sadd.s32 @!p1 $0x140, s28  }
0x16c: {  	[tilespmem:s30], [sflag:$0x2] =	stream.indirect.gather @!p1 [hbm4b:s1+s8], $0x80, s2, s8, $0xb8;
	[tilespmem:$0x1F480] =	vst v63  }
0x16d: {  	_ =	swait.ge [sflag:s17], $0x1400  }
0x16e: {  	[sflag:s17] =	ssyncset.done $0x0  }
0x16f: {  	s4 =	sadd.s32 $0x50, s15;
	s2 =	simm.s32 @p1 $0x4;
	[sflag:s17] =	ssyncadd.s32 $0xFFFFEC00  }
0x170: {  	[spmem:s3] =	stream.indirect.scatter.add.f32 [tilespmem:s10], [sflag:$0xA], $0x80, s4, s25, $0xb8;
	[tilespmem:$0x1F480] =	vst v63  }
0x171: {  	_ =	swait.ge @p1 [sflag:s2], $0x1400  }
0x172: {  	[sflag:s2] =	ssyncset.done @p1 $0x0  }
0x173: {  	[sflag:s2] =	ssyncadd.s32 @p1 $0xFFFFEC00;
	s2 =	sadd.s32 @p1 $0x78, s21;
	s21 =	simm.s32 @p1 $0x19C80  }
0x174: {  	[spmem:s3] =	stream.indirect.scatter.add.f32 @p1 [tilespmem:s21], [sflag:$0xB], $0x80, s2, s29, $0xb8;
	[tilespmem:$0x1F480] =	vst v63  }
0x175: {  	s2 =	simm.s32 @!p1 $0xA  }
0x176: {  	_ =	swait.ge @!p1 [sflag:s2], $0x1400  }
0x177: {  	[sflag:s2] =	ssyncset.done @!p1 $0x0  }
0x178: {  	s21 =	simm.s32 @!p1 $0x18880;
	[sflag:s2] =	ssyncadd.s32 @!p1 $0xFFFFEC00;
	s2 =	sadd.s32 @!p1 $0x168, s28  }
0x179: {  	[tilespmem:s21], [sflag:$0x3] =	stream.indirect.gather @!p1 [hbm4b:s1+s8], $0x80, s2, s8, $0xb8;
	[tilespmem:$0x1F480] =	vst v63  }
0x17a: {  	s2 =	simm.s32 @!p1 $0x4  }
0x17b: {  	_ =	swait.ge @!p1 [sflag:s2], $0x1400  }
0x17c: {  	[sflag:s2] =	ssyncset.done @!p1 $0x0  }
0x17d: {  	s21 =	simm.s32 @!p1 $0x19C80;
	[sflag:s2] =	ssyncadd.s32 @!p1 $0xFFFFEC00;
	s2 =	sadd.s32 @!p1 $0x78, s26  }
0x17e: {  	[spmem:s3] =	stream.indirect.scatter.add.f32 @!p1 [tilespmem:s21], [sflag:$0xB], $0x80, s2, s8, $0xb8;
	[tilespmem:$0x1F480] =	vst v63  }
0x17f: {  	s2 =	simm.s32 @!p1 $0xB  }
0x180: {  	_ =	swait.ge @!p1 [sflag:s2], $0x1400  }
0x181: {  	[sflag:s2] =	ssyncset.done @!p1 $0x0  }
0x182: {  	[sflag:s2] =	ssyncadd.s32 @!p1 $0xFFFFEC00;
	s2 =	sadd.s32 @!p1 $0x190, s28  }
0x183: {  	[tilespmem:s21], [sflag:$0x4] =	stream.indirect.gather @!p1 [hbm4b:s1+s8], $0x80, s2, s8, $0xb8;
	[tilespmem:$0x1F480] =	vst v63  }
.Ltmp2:
0x184: {  	_ = 	snop;
	(pc) =	sbr.rel @p1 .LBB2_9-.Ltmp2, $4  }
0x185: {  	_ =	swait.ge [sflag:s20], $0x1400  }
0x186: {  	[sflag:s20] =	ssyncset.done $0x0  }
0x187: {  	s30 =	sadd.s32 $0xA0, s15;
	[sflag:s20] =	ssyncadd.s32 $0xFFFFEC00  }
0x188: {  	[spmem:s3] =	stream.indirect.scatter.add.f32 [tilespmem:s12], [sflag:$0xC], $0x80, s30, s25, $0xb8;
	[tilespmem:$0x1F480] =	vst v63  }
0x189: {  	_ =	swait.ge [sflag:s31], $0x1400  }
0x18a: {  	s2 =	sadd.s32 s18, s11;
	[sflag:s31] =	ssyncset.done $0x0  }
0x18b: {  	s8 =	sadd.s32 $0x1B8, s2;
	[sflag:s31] =	ssyncadd.s32 $0xFFFFEC00  }
0x18c: {  	[tilespmem:s12], [sflag:$0x5] =	stream.indirect.gather [hbm4b:s1+s25], $0x80, s8, s25, $0xb8;
	[tilespmem:$0x1F480] =	vst v63  }
0x18d: {  	_ =	swait.ge [sflag:s23], $0x1400  }
0x18e: {  	[sflag:s23] =	ssyncset.done $0x0  }
0x18f: {  	s29 =	sadd.s32 $0xC8, s15;
	[sflag:s23] =	ssyncadd.s32 $0xFFFFEC00  }
0x190: {  	[spmem:s3] =	stream.indirect.scatter.add.f32 [tilespmem:s13], [sflag:$0xD], $0x80, s29, s25, $0xb8;
	[tilespmem:$0x1F480] =	vst v63  }
0x191: {  	_ =	swait.ge [sflag:s0], $0x1400  }
0x192: {  	[sflag:s0] =	ssyncset.done $0x0  }
0x193: {  	s2 =	sadd.s32 $0x1E0, s2;
	[sflag:s0] =	ssyncadd.s32 $0xFFFFEC00  }
0x194: {  	[tilespmem:s13], [sflag:$0x6] =	stream.indirect.gather [hbm4b:s1+s25], $0x80, s2, s25, $0xb8;
	[tilespmem:$0x1F480] =	vst v63  }
0x195: {  	_ =	swait.ge [sflag:s5], $0x1400  }
0x196: {  	p1 =	sgt.u32 s7, $0xF;
	[sflag:s5] =	ssyncset.done $0x0  }
0x197: {  	s30 =	sadd.s32 $0xF0, s15;
	s2 =	simm.s32 @!p1 $0xE;
	[sflag:s5] =	ssyncadd.s32 $0xFFFFEC00  }
0x198: {  	[spmem:s3] =	stream.indirect.scatter.add.f32 [tilespmem:s16], [sflag:$0xE], $0x80, s30, s25, $0xb8;
	[tilespmem:$0x1F480] =	vst v63  }
0x199: {  	_ =	swait.ge @!p1 [sflag:s2], $0x1400  }
0x19a: {  	s8 =	sshra.s32 @!p1 s6, $0x2;
	[sflag:s2] =	ssyncset.done @!p1 $0x0  }
0x19b: {  	s15 =	simm.s32 @!p1 $0x1D880;
	[sflag:s2] =	ssyncadd.s32 @!p1 $0xFFFFEC00;
	s2 =	sadd.s32 @!p1 s8, s11  }
0x19c: {  	s6 =	sadd.s32 $0x460, s6;
	s8 =	simm.s32 @!p1 $0x28;
	s2 =	sadd.s32 @!p1 $0x208, s2  }
0x19d: {  	[tilespmem:s15], [sflag:$0x7] =	stream.indirect.gather @!p1 [hbm4b:s1+s8], $0x80, s2, s8, $0xb8;
	[tilespmem:$0x1F480] =	vst v63  }
0x19e: {  	p1 =	sne.s32 s6, $0x4EC0  }
.Ltmp3:
0x19f: {  	_ = 	snop;
	(pc) =	sbr.rel @p1 .LBB2_2-.Ltmp3, $4  }
.Ltmp4:
0x1a0: {  	_ = 	snop;
	(pc) =	sbr.rel @!p1 .LBB2_4-.Ltmp4, $4  }
0x1a1: {  	_ = 	snop  }
0x1a2: {  	_ = 	snop  }
0x1a3: {  	s7 =	sadd.s32 $0x1, s7  }
0x1a4: {  	_ = 	snop  }
.LBB2_9:
0x1a5: {  	_ =	swait.ge [sflag:s23], $0x1400  }
0x1a6: {  	[sflag:s23] =	ssyncset.done $0x0  }
0x1a7: {  	s2 =	sadd.s32 $0xC8, s15;
	[sflag:s23] =	ssyncadd.s32 $0xFFFFEC00  }
0x1a8: {  	[spmem:s3] =	stream.indirect.scatter.add.f32 [tilespmem:s13], [sflag:$0xD], $0x80, s2, s25, $0xb8;
	[tilespmem:$0x1F480] =	vst v63  }
.LBB2_4:
0x1a9: {  	s6 =	simm.s32 $0x8  }
0x1aa: {  	_ =	swait.ge [sflag:s6], $0x1400  }
0x1ab: {  	[sflag:s6] =	ssyncset.done $0x0  }
0x1ac: {  	s2 =	simm.s32 $0x9;
	[sflag:s6] =	ssyncadd.s32 $0xFFFFEC00  }
0x1ad: {  	_ =	swait.ge [sflag:s2], $0x1400  }
0x1ae: {  	[sflag:s2] =	ssyncset.done $0x0  }
0x1af: {  	s15 =	simm.s32 $0xA;
	[sflag:s2] =	ssyncadd.s32 $0xFFFFEC00  }
0x1b0: {  	_ =	swait.ge [sflag:s15], $0x1400  }
0x1b1: {  	[sflag:s15] =	ssyncset.done $0x0  }
0x1b2: {  	s18 =	simm.s32 $0xB;
	[sflag:s15] =	ssyncadd.s32 $0xFFFFEC00  }
0x1b3: {  	_ =	swait.ge [sflag:s18], $0x1400  }
0x1b4: {  	[sflag:s18] =	ssyncset.done $0x0  }
0x1b5: {  	[sflag:s18] =	ssyncadd.s32 $0xFFFFEC00  }
0x1b6: {  	_ =	swait.ge [sflag:s31], $0x1400  }
0x1b7: {  	[sflag:s31] =	ssyncset.done $0x0  }
0x1b8: {  	[sflag:s31] =	ssyncadd.s32 $0xFFFFEC00  }
0x1b9: {  	_ =	swait.ge [sflag:s0], $0x1400  }
0x1ba: {  	[sflag:s0] =	ssyncset.done $0x0  }
0x1bb: {  	s21 =	simm.s32 $0xE;
	[sflag:s0] =	ssyncadd.s32 $0xFFFFEC00  }
0x1bc: {  	_ =	swait.ge [sflag:s21], $0x1400  }
0x1bd: {  	[sflag:s21] =	ssyncset.done $0x0  }
0x1be: {  	[sflag:s21] =	ssyncadd.s32 $0xFFFFEC00  }
0x1bf: {  	[bflag:$0x0] =	sbarrier.arrive $0xFFFF  }
0x1c0: {  	s26 =	stileid.u32;
	s7 =	simm.s32 $0x200;
	s4 =	rddreg [dreg:$0x8]  }
0x1c1: {  	s2 =	sshll.u32 s26, $0x6;
	s28 =	rddreg [dreg:$0x11];
	s8 =	sshrl.u32 s4, $0x3  }
0x1c2: {  	s18 =	sor.u32 $0x1C0F, s2;
	s21 =	simm.s32 $0x80;
	[smem:$0x7DE] =	sst s8  }
0x1c3: {  	[hbm:s28@s7], [sflag:s18] =	dma.strided [spmem:s8@s21], $0x2700, s6, $0x10   }
0x1c4: {  	s15 =	sld [smem:$0x7FD];
	_ =	sdelay $0x2  }
0x1c5: {  	s2 =	simm.s32 @!p0 $0x8;
	s6 =	rddreg [dreg:$0x14];
	s26 =	sshrl.u32 @!p0 s15, $0x3  }
0x1c6: {  	s7 =	simm.s32 @!p0 $0x200;
	s8 =	simm.s32 @!p0 $0x80;
	[smem:$0x7DF] =	sst s26  }
0x1c7: {  	[hbm:s6@s7], [sflag:s18] =	dma.strided @!p0 [spmem:s26@s8], $0x100, s2, $0x10   }
0x1c8: {  	s29 =	simm.s32 $0x100;
	s30 =	simm.s32 $0x13880;
	s2 =	rddreg [dreg:$0xd]  }
0x1c9: {  	[tilespmem:s30], [sflag:$0x1] =	stream.strided.gather [hbm4b:s2+s21], $0x1400, s29, s21, $0x38;
	[tilespmem:$0x1F480] =	vst v63  }
0x1ca: {  	s8 =	simm.s32 $0x14C80;
	s7 =	rddreg [dreg:$0xe]  }
0x1cb: {  	[tilespmem:s8], [sflag:$0x2] =	stream.strided.gather [hbm4b:s7+s21], $0x1400, s29, s21, $0x38;
	[tilespmem:$0x1F480] =	vst v63  }
0x1cc: {  	_ =	swait.ge [sflag:s22], $0x2700  }
0x1cd: {  	[sflag:s22] =	ssyncset.done $0x0  }
0x1ce: {  	s7 =	simm.s32 @!p0 $0xF;
	[sflag:s22] =	ssyncadd.s32 $0xFFFFD900  }
0x1cf: {  	_ =	swait.ge @!p0 [sflag:s7], $0x100  }
0x1d0: {  	[sflag:s7] =	ssyncset.done @!p0 $0x0  }
0x1d1: {  	s21 =	rddreg [dreg:$0x9];
	[sflag:s7] =	ssyncadd.s32 @!p0 $0xFFFFFF00  }
0x1d2: {  	[spmem:s4] =	stream.linear.scatter [tilespmem:s14], [sflag:$0xF], $0x800, $0x38;
	[tilespmem:$0x1F480] =	vst v63  }
0x1d3: {  	s26 =	rddreg [dreg:$0xa]  }
0x1d4: {  	[spmem:s21] =	stream.linear.scatter [tilespmem:s14], [sflag:$0xF], $0x800, $0x38;
	[tilespmem:$0x1F480] =	vst v63  }
0x1d5: {  	s28 =	rddreg [dreg:$0x18]  }
0x1d6: {  	[spmem:s26] =	stream.linear.scatter [tilespmem:s14], [sflag:$0xF], $0x800, $0x38;
	[tilespmem:$0x1F480] =	vst v63  }
0x1d7: {  	s29 =	rddreg [dreg:$0x19]  }
0x1d8: {  	[spmem:s28] =	stream.linear.scatter [tilespmem:s14], [sflag:$0xF], $0x800, $0x38;
	[tilespmem:$0x1F480] =	vst v63  }
0x1d9: {  	s30 =	rddreg [dreg:$0x1a]  }
0x1da: {  	[spmem:s29] =	stream.linear.scatter [tilespmem:s14], [sflag:$0xF], $0x800, $0x38;
	[tilespmem:$0x1F480] =	vst v63  }
0x1db: {  	s6 =	rddreg [dreg:$0x1c]  }
0x1dc: {  	[spmem:s30] =	stream.linear.scatter [tilespmem:s14], [sflag:$0xF], $0x800, $0x38;
	[tilespmem:$0x1F480] =	vst v63  }
0x1dd: {  	s4 =	rddreg [dreg:$0x1b]  }
0x1de: {  	[spmem:s4] =	stream.linear.scatter [tilespmem:s14], [sflag:$0xF], $0x800, $0x38;
	[tilespmem:$0x1F480] =	vst v63  }
0x1df: {  	s8 =	rddreg [dreg:$0x1d]  }
0x1e0: {  	[spmem:s6] =	stream.linear.scatter [tilespmem:s14], [sflag:$0xF], $0x800, $0x38;
	[tilespmem:$0x1F480] =	vst v63  }
0x1e1: {  	s21 =	rddreg [dreg:$0x1e]  }
0x1e2: {  	[spmem:s8] =	stream.linear.scatter [tilespmem:s14], [sflag:$0xF], $0x800, $0x38;
	[tilespmem:$0x1F480] =	vst v63  }
0x1e3: {  	s26 =	rddreg [dreg:$0x1f]  }
0x1e4: {  	[spmem:s21] =	stream.linear.scatter [tilespmem:s14], [sflag:$0xF], $0x800, $0x38;
	[tilespmem:$0x1F480] =	vst v63  }
0x1e5: {  	s28 =	sld [smem:$0x7E1]  }
0x1e6: {  	[spmem:s26] =	stream.linear.scatter [tilespmem:s14], [sflag:$0xF], $0x800, $0x38;
	[tilespmem:$0x1F480] =	vst v63  }
0x1e7: {  	s29 =	sld [smem:$0x7E2]  }
0x1e8: {  	[spmem:s28] =	stream.linear.scatter [tilespmem:s14], [sflag:$0xF], $0x800, $0x38;
	[tilespmem:$0x1F480] =	vst v63  }
0x1e9: {  	s30 =	sld [smem:$0x7E3]  }
0x1ea: {  	[spmem:s29] =	stream.linear.scatter [tilespmem:s14], [sflag:$0xF], $0x800, $0x38;
	[tilespmem:$0x1F480] =	vst v63  }
0x1eb: {  	s4 =	sld [smem:$0x7E4]  }
0x1ec: {  	[spmem:s30] =	stream.linear.scatter [tilespmem:s14], [sflag:$0xF], $0x800, $0x38;
	[tilespmem:$0x1F480] =	vst v63  }
0x1ed: {  	s6 =	sld [smem:$0x7E5]  }
0x1ee: {  	[spmem:s4] =	stream.linear.scatter [tilespmem:s14], [sflag:$0xF], $0x800, $0x38;
	[tilespmem:$0x1F480] =	vst v63  }
0x1ef: {  	s8 =	sld [smem:$0x7E6]  }
0x1f0: {  	[spmem:s6] =	stream.linear.scatter [tilespmem:s14], [sflag:$0xF], $0x800, $0x38;
	[tilespmem:$0x1F480] =	vst v63  }
0x1f1: {  	s21 =	sld [smem:$0x7E7]  }
0x1f2: {  	[spmem:s8] =	stream.linear.scatter [tilespmem:s14], [sflag:$0xF], $0x800, $0x38;
	[tilespmem:$0x1F480] =	vst v63  }
0x1f3: {  	s26 =	sld [smem:$0x7E8]  }
0x1f4: {  	[spmem:s21] =	stream.linear.scatter [tilespmem:s14], [sflag:$0xF], $0x800, $0x38;
	[tilespmem:$0x1F480] =	vst v63  }
0x1f5: {  	s28 =	sld [smem:$0x7E9]  }
0x1f6: {  	[spmem:s26] =	stream.linear.scatter [tilespmem:s14], [sflag:$0xF], $0x800, $0x38;
	[tilespmem:$0x1F480] =	vst v63  }
0x1f7: {  	s29 =	sld [smem:$0x7EA]  }
0x1f8: {  	[spmem:s28] =	stream.linear.scatter [tilespmem:s14], [sflag:$0xF], $0x800, $0x38;
	[tilespmem:$0x1F480] =	vst v63  }
0x1f9: {  	s30 =	sld [smem:$0x7EB]  }
0x1fa: {  	[spmem:s29] =	stream.linear.scatter [tilespmem:s14], [sflag:$0xF], $0x800, $0x38;
	[tilespmem:$0x1F480] =	vst v63  }
0x1fb: {  	s4 =	sld [smem:$0x7EC]  }
0x1fc: {  	[spmem:s30] =	stream.linear.scatter [tilespmem:s14], [sflag:$0xF], $0x800, $0x38;
	[tilespmem:$0x1F480] =	vst v63  }
0x1fd: {  	s6 =	sld [smem:$0x7ED]  }
0x1fe: {  	[spmem:s4] =	stream.linear.scatter [tilespmem:s14], [sflag:$0xF], $0x800, $0x38;
	[tilespmem:$0x1F480] =	vst v63  }
0x1ff: {  	s8 =	sld [smem:$0x7EE]  }
0x200: {  	[spmem:s6] =	stream.linear.scatter [tilespmem:s14], [sflag:$0xF], $0x800, $0x38;
	[tilespmem:$0x1F480] =	vst v63  }
0x201: {  	s21 =	sld [smem:$0x7EF]  }
0x202: {  	[spmem:s8] =	stream.linear.scatter [tilespmem:s14], [sflag:$0xF], $0x800, $0x38;
	[tilespmem:$0x1F480] =	vst v63  }
0x203: {  	s26 =	sld [smem:$0x7F0]  }
0x204: {  	[spmem:s21] =	stream.linear.scatter [tilespmem:s14], [sflag:$0xF], $0x800, $0x38;
	[tilespmem:$0x1F480] =	vst v63  }
0x205: {  	s28 =	sld [smem:$0x7F1]  }
0x206: {  	[spmem:s26] =	stream.linear.scatter [tilespmem:s14], [sflag:$0xF], $0x800, $0x38;
	[tilespmem:$0x1F480] =	vst v63  }
0x207: {  	s29 =	sld [smem:$0x7F2]  }
0x208: {  	[spmem:s28] =	stream.linear.scatter [tilespmem:s14], [sflag:$0xF], $0x800, $0x38;
	[tilespmem:$0x1F480] =	vst v63  }
0x209: {  	s30 =	sld [smem:$0x7F3]  }
0x20a: {  	[spmem:s29] =	stream.linear.scatter [tilespmem:s14], [sflag:$0xF], $0x800, $0x38;
	[tilespmem:$0x1F480] =	vst v63  }
0x20b: {  	s4 =	sld [smem:$0x7F4]  }
0x20c: {  	[spmem:s30] =	stream.linear.scatter [tilespmem:s14], [sflag:$0xF], $0x800, $0x38;
	[tilespmem:$0x1F480] =	vst v63  }
0x20d: {  	s6 =	sld [smem:$0x7F5]  }
0x20e: {  	[spmem:s4] =	stream.linear.scatter [tilespmem:s14], [sflag:$0xF], $0x800, $0x38;
	[tilespmem:$0x1F480] =	vst v63  }
0x20f: {  	s8 =	sld [smem:$0x7F6]  }
0x210: {  	[spmem:s6] =	stream.linear.scatter [tilespmem:s14], [sflag:$0xF], $0x800, $0x38;
	[tilespmem:$0x1F480] =	vst v63  }
0x211: {  	s21 =	sld [smem:$0x7F7]  }
0x212: {  	[spmem:s8] =	stream.linear.scatter [tilespmem:s14], [sflag:$0xF], $0x800, $0x38;
	[tilespmem:$0x1F480] =	vst v63  }
0x213: {  	s26 =	sld [smem:$0x7F8]  }
0x214: {  	[spmem:s21] =	stream.linear.scatter [tilespmem:s14], [sflag:$0xF], $0x800, $0x38;
	[tilespmem:$0x1F480] =	vst v63  }
0x215: {  	s28 =	sld [smem:$0x7F9]  }
0x216: {  	[spmem:s26] =	stream.linear.scatter [tilespmem:s14], [sflag:$0xF], $0x800, $0x38;
	[tilespmem:$0x1F480] =	vst v63  }
0x217: {  	s29 =	sld [smem:$0x7FA]  }
0x218: {  	[spmem:s28] =	stream.linear.scatter [tilespmem:s14], [sflag:$0xF], $0x800, $0x38;
	[tilespmem:$0x1F480] =	vst v63  }
0x219: {  	s30 =	sld [smem:$0x7FB]  }
0x21a: {  	[spmem:s29] =	stream.linear.scatter [tilespmem:s14], [sflag:$0xF], $0x800, $0x38;
	[tilespmem:$0x1F480] =	vst v63  }
0x21b: {  	s4 =	sld [smem:$0x7FC]  }
0x21c: {  	[spmem:s30] =	stream.linear.scatter [tilespmem:s14], [sflag:$0xF], $0x800, $0x38;
	[tilespmem:$0x1F480] =	vst v63  }
0x21d: {  	_ = 	snop  }
0x21e: {  	[spmem:s4] =	stream.linear.scatter [tilespmem:s14], [sflag:$0xF], $0x800, $0x38;
	[tilespmem:$0x1F480] =	vst v63  }
0x21f: {  	s2 =	simm.s32 @!p0 $0x1EC80  }
0x220: {  	[spmem:s15] =	stream.linear.scatter @!p0 [tilespmem:s2], [sflag:$0xF], $0x800, $0x38;
	[tilespmem:$0x1F480] =	vst v63  }
0x221: {  	_ =	swait.ge [sflag:s19], $0x1400  }
0x222: {  	[sflag:s19] =	ssyncset.done $0x0  }
0x223: {  	s6 =	simm.s32 $0x2;
	[sflag:s19] =	ssyncadd.s32 $0xFFFFEC00  }
0x224: {  	_ =	swait.ge [sflag:s6], $0x1400  }
0x225: {  	[sflag:s6] =	ssyncset.done $0x0  }
0x226: {  	[sflag:s6] =	ssyncadd.s32 $0xFFFFEC00  }
0x227: {  	_ =	swait.ge [sflag:s22], $0x800  }
0x228: {  	[sflag:s22] =	ssyncset.done $0x0  }
0x229: {  	[sflag:s22] =	ssyncadd.s32 $0xFFFFF800  }
0x22a: {  	_ =	swait.ge [sflag:s22], $0x800  }
0x22b: {  	[sflag:s22] =	ssyncset.done $0x0  }
0x22c: {  	[sflag:s22] =	ssyncadd.s32 $0xFFFFF800  }
0x22d: {  	_ =	swait.ge [sflag:s22], $0x800  }
0x22e: {  	[sflag:s22] =	ssyncset.done $0x0  }
0x22f: {  	[sflag:s22] =	ssyncadd.s32 $0xFFFFF800  }
0x230: {  	_ =	swait.ge [sflag:s22], $0x800  }
0x231: {  	[sflag:s22] =	ssyncset.done $0x0  }
0x232: {  	[sflag:s22] =	ssyncadd.s32 $0xFFFFF800  }
0x233: {  	_ =	swait.ge [sflag:s22], $0x800  }
0x234: {  	[sflag:s22] =	ssyncset.done $0x0  }
0x235: {  	[sflag:s22] =	ssyncadd.s32 $0xFFFFF800  }
0x236: {  	_ =	swait.ge [sflag:s22], $0x800  }
0x237: {  	[sflag:s22] =	ssyncset.done $0x0  }
0x238: {  	[sflag:s22] =	ssyncadd.s32 $0xFFFFF800  }
0x239: {  	_ =	swait.ge [sflag:s22], $0x800  }
0x23a: {  	[sflag:s22] =	ssyncset.done $0x0  }
0x23b: {  	[sflag:s22] =	ssyncadd.s32 $0xFFFFF800  }
0x23c: {  	_ =	swait.ge [sflag:s22], $0x800  }
0x23d: {  	[sflag:s22] =	ssyncset.done $0x0  }
0x23e: {  	[sflag:s22] =	ssyncadd.s32 $0xFFFFF800  }
0x23f: {  	_ =	swait.ge [sflag:s22], $0x800  }
0x240: {  	[sflag:s22] =	ssyncset.done $0x0  }
0x241: {  	[sflag:s22] =	ssyncadd.s32 $0xFFFFF800  }
0x242: {  	_ =	swait.ge [sflag:s22], $0x800  }
0x243: {  	[sflag:s22] =	ssyncset.done $0x0  }
0x244: {  	[sflag:s22] =	ssyncadd.s32 $0xFFFFF800  }
0x245: {  	_ =	swait.ge [sflag:s22], $0x800  }
0x246: {  	[sflag:s22] =	ssyncset.done $0x0  }
0x247: {  	[sflag:s22] =	ssyncadd.s32 $0xFFFFF800  }
0x248: {  	_ =	swait.ge [sflag:s22], $0x800  }
0x249: {  	[sflag:s22] =	ssyncset.done $0x0  }
0x24a: {  	[sflag:s22] =	ssyncadd.s32 $0xFFFFF800  }
0x24b: {  	_ =	swait.ge [sflag:s22], $0x800  }
0x24c: {  	[sflag:s22] =	ssyncset.done $0x0  }
0x24d: {  	[sflag:s22] =	ssyncadd.s32 $0xFFFFF800  }
0x24e: {  	_ =	swait.ge [sflag:s22], $0x800  }
0x24f: {  	[sflag:s22] =	ssyncset.done $0x0  }
0x250: {  	[sflag:s22] =	ssyncadd.s32 $0xFFFFF800  }
0x251: {  	_ =	swait.ge [sflag:s22], $0x800  }
0x252: {  	[sflag:s22] =	ssyncset.done $0x0  }
0x253: {  	[sflag:s22] =	ssyncadd.s32 $0xFFFFF800  }
0x254: {  	_ =	swait.ge [sflag:s22], $0x800  }
0x255: {  	[sflag:s22] =	ssyncset.done $0x0  }
0x256: {  	[sflag:s22] =	ssyncadd.s32 $0xFFFFF800  }
0x257: {  	_ =	swait.ge [sflag:s22], $0x800  }
0x258: {  	[sflag:s22] =	ssyncset.done $0x0  }
0x259: {  	[sflag:s22] =	ssyncadd.s32 $0xFFFFF800  }
0x25a: {  	_ =	swait.ge [sflag:s22], $0x800  }
0x25b: {  	[sflag:s22] =	ssyncset.done $0x0  }
0x25c: {  	[sflag:s22] =	ssyncadd.s32 $0xFFFFF800  }
0x25d: {  	_ =	swait.ge [sflag:s22], $0x800  }
0x25e: {  	[sflag:s22] =	ssyncset.done $0x0  }
0x25f: {  	[sflag:s22] =	ssyncadd.s32 $0xFFFFF800  }
0x260: {  	_ =	swait.ge [sflag:s22], $0x800  }
0x261: {  	[sflag:s22] =	ssyncset.done $0x0  }
0x262: {  	[sflag:s22] =	ssyncadd.s32 $0xFFFFF800  }
0x263: {  	_ =	swait.ge [sflag:s22], $0x800  }
0x264: {  	[sflag:s22] =	ssyncset.done $0x0  }
0x265: {  	[sflag:s22] =	ssyncadd.s32 $0xFFFFF800  }
0x266: {  	_ =	swait.ge [sflag:s22], $0x800  }
0x267: {  	[sflag:s22] =	ssyncset.done $0x0  }
0x268: {  	[sflag:s22] =	ssyncadd.s32 $0xFFFFF800  }
0x269: {  	_ =	swait.ge [sflag:s22], $0x800  }
0x26a: {  	[sflag:s22] =	ssyncset.done $0x0  }
0x26b: {  	[sflag:s22] =	ssyncadd.s32 $0xFFFFF800  }
0x26c: {  	_ =	swait.ge [sflag:s22], $0x800  }
0x26d: {  	[sflag:s22] =	ssyncset.done $0x0  }
0x26e: {  	[sflag:s22] =	ssyncadd.s32 $0xFFFFF800  }
0x26f: {  	_ =	swait.ge [sflag:s22], $0x800  }
0x270: {  	[sflag:s22] =	ssyncset.done $0x0  }
0x271: {  	[sflag:s22] =	ssyncadd.s32 $0xFFFFF800  }
0x272: {  	_ =	swait.ge [sflag:s22], $0x800  }
0x273: {  	[sflag:s22] =	ssyncset.done $0x0  }
0x274: {  	[sflag:s22] =	ssyncadd.s32 $0xFFFFF800  }
0x275: {  	_ =	swait.ge [sflag:s22], $0x800  }
0x276: {  	[sflag:s22] =	ssyncset.done $0x0  }
0x277: {  	[sflag:s22] =	ssyncadd.s32 $0xFFFFF800  }
0x278: {  	_ =	swait.ge [sflag:s22], $0x800  }
0x279: {  	[sflag:s22] =	ssyncset.done $0x0  }
0x27a: {  	[sflag:s22] =	ssyncadd.s32 $0xFFFFF800  }
0x27b: {  	_ =	swait.ge [sflag:s22], $0x800  }
0x27c: {  	[sflag:s22] =	ssyncset.done $0x0  }
0x27d: {  	[sflag:s22] =	ssyncadd.s32 $0xFFFFF800  }
0x27e: {  	_ =	swait.ge [sflag:s22], $0x800  }
0x27f: {  	[sflag:s22] =	ssyncset.done $0x0  }
0x280: {  	[sflag:s22] =	ssyncadd.s32 $0xFFFFF800  }
0x281: {  	_ =	swait.ge [sflag:s22], $0x800  }
0x282: {  	[sflag:s22] =	ssyncset.done $0x0  }
0x283: {  	[sflag:s22] =	ssyncadd.s32 $0xFFFFF800  }
0x284: {  	_ =	swait.ge [sflag:s22], $0x800  }
0x285: {  	[sflag:s22] =	ssyncset.done $0x0  }
0x286: {  	[sflag:s22] =	ssyncadd.s32 $0xFFFFF800  }
0x287: {  	_ =	swait.ge [sflag:s22], $0x800  }
0x288: {  	[sflag:s22] =	ssyncset.done $0x0  }
0x289: {  	[sflag:s22] =	ssyncadd.s32 $0xFFFFF800  }
0x28a: {  	_ =	swait.ge [sflag:s22], $0x800  }
0x28b: {  	[sflag:s22] =	ssyncset.done $0x0  }
0x28c: {  	[sflag:s22] =	ssyncadd.s32 $0xFFFFF800  }
0x28d: {  	_ =	swait.ge [sflag:s22], $0x800  }
0x28e: {  	[sflag:s22] =	ssyncset.done $0x0  }
0x28f: {  	[sflag:s22] =	ssyncadd.s32 $0xFFFFF800  }
0x290: {  	_ =	swait.ge [sflag:s22], $0x800  }
0x291: {  	[sflag:s22] =	ssyncset.done $0x0  }
0x292: {  	[sflag:s22] =	ssyncadd.s32 $0xFFFFF800  }
0x293: {  	_ =	swait.ge [sflag:s22], $0x800  }
0x294: {  	[sflag:s22] =	ssyncset.done $0x0  }
0x295: {  	[sflag:s22] =	ssyncadd.s32 $0xFFFFF800  }
0x296: {  	_ =	swait.ge [sflag:s22], $0x800  }
0x297: {  	[sflag:s22] =	ssyncset.done $0x0  }
0x298: {  	[sflag:s22] =	ssyncadd.s32 $0xFFFFF800  }
0x299: {  	_ =	swait.ge [sflag:s22], $0x800  }
0x29a: {  	[sflag:s22] =	ssyncset.done $0x0  }
0x29b: {  	[sflag:s22] =	ssyncadd.s32 $0xFFFFF800  }
0x29c: {  	_ =	swait.ge @!p0 [sflag:s7], $0x800  }
0x29d: {  	[sflag:s7] =	ssyncset.done @!p0 $0x0  }
0x29e: {  	[sflag:s7] =	ssyncadd.s32 @!p0 $0xFFFFF800  }
0x29f: {  	[bflag:$0x0] =	sbarrier.arrive $0xFFFF  }
0x2a0: {  	[tilespmem:s9], [sflag:$0x1] =	stream.indirect.gather [hbm4b:s1+s25], $0x80, s11, s25, $0xb8;
	[tilespmem:$0x1F480] =	vst v63  }
0x2a1: {  	s8 =	simm.s32 $0x17480;
	s7 =	rddreg [dreg:$0xb]  }
0x2a2: {  	[tilespmem:s8], [sflag:$0x2] =	stream.indirect.gather [hbm4b:s1+s25], $0x80, s7, s25, $0xb8;
	[tilespmem:$0x1F480] =	vst v63  }
0x2a3: {  	s15 =	rddreg [dreg:$0xc]  }
0x2a4: {  	[tilespmem:s10], [sflag:$0x3] =	stream.indirect.gather [hbm4b:s1+s25], $0x80, s15, s25, $0xb8;
	[tilespmem:$0x1F480] =	vst v63  }
0x2a5: {  	s26 =	simm.s32 $0x19C80;
	s21 =	rddreg [dreg:$0xf]  }
0x2a6: {  	[tilespmem:s26], [sflag:$0x4] =	stream.indirect.gather [hbm4b:s1+s25], $0x80, s21, s25, $0xb8;
	[tilespmem:$0x1F480] =	vst v63  }
0x2a7: {  	s28 =	rddreg [dreg:$0x10]  }
0x2a8: {  	[tilespmem:s12], [sflag:$0x5] =	stream.indirect.gather [hbm4b:s1+s25], $0x80, s28, s25, $0xb8;
	[tilespmem:$0x1F480] =	vst v63  }
0x2a9: {  	s29 =	rddreg [dreg:$0x13]  }
0x2aa: {  	[tilespmem:s13], [sflag:$0x6] =	stream.indirect.gather [hbm4b:s1+s25], $0x80, s29, s25, $0xb8;
	[tilespmem:$0x1F480] =	vst v63  }
0x2ab: {  	s30 =	rddreg [dreg:$0x16];
	s7 =	simm.s32 $0x0;
	s21 =	simm.s32 $0x0  }
0x2ac: {  	[tilespmem:s16], [sflag:$0x7] =	stream.indirect.gather [hbm4b:s1+s25], $0x80, s30, s25, $0xb8;
	[tilespmem:$0x1F480] =	vst v63  }
.LBB2_5:
0x2ad: {  	_ =	swait.ge [sflag:s19], $0x1400  }
0x2ae: {  	s29 =	sshra.s32 s7, $0x2;
	p1 =	seq.s32 s7, $0x4A60;
	[sflag:s19] =	ssyncset.done $0x0  }
0x2af: {  	s28 =	sadd.s32 s29, s24;
	s2 =	simm.s32 @p1 $0x2;
	[sflag:s19] =	ssyncadd.s32 $0xFFFFEC00  }
0x2b0: {  	[spmem:s3] =	stream.indirect.scatter.add.f32 [tilespmem:s9], [sflag:$0x8], $0x80, s28, s25, $0xb8;
	[tilespmem:$0x1F480] =	vst v63  }
0x2b1: {  	_ =	swait.ge @p1 [sflag:s2], $0x1400  }
0x2b2: {  	s8 =	sshra.s32 @p1 s7, $0x2;
	[sflag:s2] =	ssyncset.done @p1 $0x0  }
0x2b3: {  	[sflag:s2] =	ssyncadd.s32 @p1 $0xFFFFEC00;
	s2 =	sadd.s32 @p1 s8, s24  }
0x2b4: {  	s26 =	simm.s32 @p1 $0x28;
	s30 =	simm.s32 @p1 $0x17480;
	s8 =	sadd.s32 @p1 $0x28, s2  }
0x2b5: {  	[spmem:s3] =	stream.indirect.scatter.add.f32 @p1 [tilespmem:s30], [sflag:$0x9], $0x80, s8, s26, $0xb8;
	[tilespmem:$0x1F480] =	vst v63  }
0x2b6: {  	s8 =	simm.s32 @!p1 $0x8  }
0x2b7: {  	_ =	swait.ge @!p1 [sflag:s8], $0x1400  }
0x2b8: {  	s30 =	sshra.s32 @!p1 s7, $0x2;
	[sflag:s8] =	ssyncset.done @!p1 $0x0  }
0x2b9: {  	[sflag:s8] =	ssyncadd.s32 @!p1 $0xFFFFEC00;
	s8 =	sadd.s32 @!p1 s30, s11  }
0x2ba: {  	s15 =	simm.s32 @!p1 $0x28;
	s4 =	simm.s32 @!p1 $0x16080;
	s6 =	sadd.s32 @!p1 $0x118, s8  }
0x2bb: {  	[tilespmem:s4], [sflag:$0x1] =	stream.indirect.gather @!p1 [hbm4b:s1+s15], $0x80, s6, s15, $0xb8;
	[tilespmem:$0x1F480] =	vst v63  }
0x2bc: {  	s4 =	simm.s32 @!p1 $0x2  }
0x2bd: {  	_ =	swait.ge @!p1 [sflag:s4], $0x1400  }
0x2be: {  	s6 =	sadd.s32 @!p1 s30, s24;
	[sflag:s4] =	ssyncset.done @!p1 $0x0  }
0x2bf: {  	s30 =	simm.s32 @!p1 $0x17480;
	[sflag:s4] =	ssyncadd.s32 @!p1 $0xFFFFEC00;
	s4 =	sadd.s32 @!p1 $0x28, s6  }
0x2c0: {  	[spmem:s3] =	stream.indirect.scatter.add.f32 @!p1 [tilespmem:s30], [sflag:$0x9], $0x80, s4, s15, $0xb8;
	[tilespmem:$0x1F480] =	vst v63  }
0x2c1: {  	s4 =	simm.s32 @!p1 $0x9  }
0x2c2: {  	_ =	swait.ge @!p1 [sflag:s4], $0x1400  }
0x2c3: {  	[sflag:s4] =	ssyncset.done @!p1 $0x0  }
0x2c4: {  	[sflag:s4] =	ssyncadd.s32 @!p1 $0xFFFFEC00;
	s4 =	sadd.s32 @!p1 $0x140, s8  }
0x2c5: {  	[tilespmem:s30], [sflag:$0x2] =	stream.indirect.gather @!p1 [hbm4b:s1+s15], $0x80, s4, s15, $0xb8;
	[tilespmem:$0x1F480] =	vst v63  }
0x2c6: {  	_ =	swait.ge [sflag:s17], $0x1400  }
0x2c7: {  	[sflag:s17] =	ssyncset.done $0x0  }
0x2c8: {  	s30 =	sadd.s32 $0x50, s28;
	s4 =	simm.s32 @p1 $0x4;
	[sflag:s17] =	ssyncadd.s32 $0xFFFFEC00  }
0x2c9: {  	[spmem:s3] =	stream.indirect.scatter.add.f32 [tilespmem:s10], [sflag:$0xA], $0x80, s30, s25, $0xb8;
	[tilespmem:$0x1F480] =	vst v63  }
0x2ca: {  	_ =	swait.ge @p1 [sflag:s4], $0x1400  }
0x2cb: {  	[sflag:s4] =	ssyncset.done @p1 $0x0  }
0x2cc: {  	s2 =	sadd.s32 @p1 $0x78, s2;
	[sflag:s4] =	ssyncadd.s32 @p1 $0xFFFFEC00;
	s4 =	simm.s32 @p1 $0x19C80  }
0x2cd: {  	[spmem:s3] =	stream.indirect.scatter.add.f32 @p1 [tilespmem:s4], [sflag:$0xB], $0x80, s2, s26, $0xb8;
	[tilespmem:$0x1F480] =	vst v63  }
0x2ce: {  	s2 =	simm.s32 @!p1 $0xA  }
0x2cf: {  	_ =	swait.ge @!p1 [sflag:s2], $0x1400  }
0x2d0: {  	[sflag:s2] =	ssyncset.done @!p1 $0x0  }
0x2d1: {  	s4 =	simm.s32 @!p1 $0x18880;
	[sflag:s2] =	ssyncadd.s32 @!p1 $0xFFFFEC00;
	s2 =	sadd.s32 @!p1 $0x168, s8  }
0x2d2: {  	[tilespmem:s4], [sflag:$0x3] =	stream.indirect.gather @!p1 [hbm4b:s1+s15], $0x80, s2, s15, $0xb8;
	[tilespmem:$0x1F480] =	vst v63  }
0x2d3: {  	s2 =	simm.s32 @!p1 $0x4  }
0x2d4: {  	_ =	swait.ge @!p1 [sflag:s2], $0x1400  }
0x2d5: {  	[sflag:s2] =	ssyncset.done @!p1 $0x0  }
0x2d6: {  	s4 =	simm.s32 @!p1 $0x19C80;
	[sflag:s2] =	ssyncadd.s32 @!p1 $0xFFFFEC00;
	s2 =	sadd.s32 @!p1 $0x78, s6  }
0x2d7: {  	[spmem:s3] =	stream.indirect.scatter.add.f32 @!p1 [tilespmem:s4], [sflag:$0xB], $0x80, s2, s15, $0xb8;
	[tilespmem:$0x1F480] =	vst v63  }
0x2d8: {  	s2 =	simm.s32 @!p1 $0xB  }
0x2d9: {  	_ =	swait.ge @!p1 [sflag:s2], $0x1400  }
0x2da: {  	[sflag:s2] =	ssyncset.done @!p1 $0x0  }
0x2db: {  	[sflag:s2] =	ssyncadd.s32 @!p1 $0xFFFFEC00;
	s2 =	sadd.s32 @!p1 $0x190, s8  }
0x2dc: {  	[tilespmem:s4], [sflag:$0x4] =	stream.indirect.gather @!p1 [hbm4b:s1+s15], $0x80, s2, s15, $0xb8;
	[tilespmem:$0x1F480] =	vst v63  }
.Ltmp5:
0x2dd: {  	_ = 	snop;
	(pc) =	sbr.rel @p1 .LBB2_10-.Ltmp5, $4  }
0x2de: {  	_ =	swait.ge [sflag:s20], $0x1400  }
0x2df: {  	[sflag:s20] =	ssyncset.done $0x0  }
0x2e0: {  	s30 =	sadd.s32 $0xA0, s28;
	[sflag:s20] =	ssyncadd.s32 $0xFFFFEC00  }
0x2e1: {  	[spmem:s3] =	stream.indirect.scatter.add.f32 [tilespmem:s12], [sflag:$0xC], $0x80, s30, s25, $0xb8;
	[tilespmem:$0x1F480] =	vst v63  }
0x2e2: {  	_ =	swait.ge [sflag:s31], $0x1400  }
0x2e3: {  	s2 =	sadd.s32 s29, s11;
	[sflag:s31] =	ssyncset.done $0x0  }
0x2e4: {  	s4 =	sadd.s32 $0x1B8, s2;
	[sflag:s31] =	ssyncadd.s32 $0xFFFFEC00  }
0x2e5: {  	[tilespmem:s12], [sflag:$0x5] =	stream.indirect.gather [hbm4b:s1+s25], $0x80, s4, s25, $0xb8;
	[tilespmem:$0x1F480] =	vst v63  }
0x2e6: {  	_ =	swait.ge [sflag:s23], $0x1400  }
0x2e7: {  	[sflag:s23] =	ssyncset.done $0x0  }
0x2e8: {  	s29 =	sadd.s32 $0xC8, s28;
	[sflag:s23] =	ssyncadd.s32 $0xFFFFEC00  }
0x2e9: {  	[spmem:s3] =	stream.indirect.scatter.add.f32 [tilespmem:s13], [sflag:$0xD], $0x80, s29, s25, $0xb8;
	[tilespmem:$0x1F480] =	vst v63  }
0x2ea: {  	_ =	swait.ge [sflag:s0], $0x1400  }
0x2eb: {  	[sflag:s0] =	ssyncset.done $0x0  }
0x2ec: {  	s2 =	sadd.s32 $0x1E0, s2;
	[sflag:s0] =	ssyncadd.s32 $0xFFFFEC00  }
0x2ed: {  	[tilespmem:s13], [sflag:$0x6] =	stream.indirect.gather [hbm4b:s1+s25], $0x80, s2, s25, $0xb8;
	[tilespmem:$0x1F480] =	vst v63  }
0x2ee: {  	_ =	swait.ge [sflag:s5], $0x1400  }
0x2ef: {  	p1 =	sgt.u32 s21, $0xF;
	[sflag:s5] =	ssyncset.done $0x0  }
0x2f0: {  	s30 =	sadd.s32 $0xF0, s28;
	s2 =	simm.s32 @!p1 $0xE;
	[sflag:s5] =	ssyncadd.s32 $0xFFFFEC00  }
0x2f1: {  	[spmem:s3] =	stream.indirect.scatter.add.f32 [tilespmem:s16], [sflag:$0xE], $0x80, s30, s25, $0xb8;
	[tilespmem:$0x1F480] =	vst v63  }
0x2f2: {  	_ =	swait.ge @!p1 [sflag:s2], $0x1400  }
0x2f3: {  	s4 =	sshra.s32 @!p1 s7, $0x2;
	[sflag:s2] =	ssyncset.done @!p1 $0x0  }
0x2f4: {  	s6 =	simm.s32 @!p1 $0x1D880;
	[sflag:s2] =	ssyncadd.s32 @!p1 $0xFFFFEC00;
	s2 =	sadd.s32 @!p1 s4, s11  }
0x2f5: {  	s7 =	sadd.s32 $0x460, s7;
	s4 =	simm.s32 @!p1 $0x28;
	s2 =	sadd.s32 @!p1 $0x208, s2  }
0x2f6: {  	[tilespmem:s6], [sflag:$0x7] =	stream.indirect.gather @!p1 [hbm4b:s1+s4], $0x80, s2, s4, $0xb8;
	[tilespmem:$0x1F480] =	vst v63  }
0x2f7: {  	p1 =	sne.s32 s7, $0x4EC0  }
.Ltmp6:
0x2f8: {  	_ = 	snop;
	(pc) =	sbr.rel @p1 .LBB2_5-.Ltmp6, $4  }
.Ltmp7:
0x2f9: {  	_ = 	snop;
	(pc) =	sbr.rel @!p1 .LBB2_7-.Ltmp7, $4  }
0x2fa: {  	_ = 	snop  }
0x2fb: {  	_ = 	snop  }
0x2fc: {  	s21 =	sadd.s32 $0x1, s21  }
0x2fd: {  	_ = 	snop  }
.LBB2_8:
0x2fe: {  	_ =	sfence.sel $0x180000  }
0x2ff: {  	[bflag:$0x0] =	sbarrier.arrive $0xFFFF  }
0x300: {  	_ =	strace $0x90000047  }
0x301: {  	s0 =	stileid.u32;
	[bflag:$0x2] =	sbarrier.arrive $0xFFFF  }
0x302: {  	p0 =	sne.s32 s0, $0x0;
	s0 =	rddreg [dreg:$0x5]  }
0x303: {  	s0 =	sadd.s32 @!p0 $0x100000, s0  }
0x304: {  	[sflag:s0] =	ssyncadd.tile.s32 @!p0 $0x1;
	_ =	shalt  }
.Lfunc_end2:
_tile_overlayer_lowered:
.L_overlay_start_2:
0x305: {  	(tag) =	ssettag $0x2  }
0x306: {  	s0 =	rddreg [dreg:$0x0];
	s2 =	stileid.u32  }
0x307: {  	s1 =	rddreg [dreg:$0x1];
	p0 =	sne.s32 s2, $0x0  }
0x308: {  	s3 =	rddreg [dreg:$0x2];
	[bflag:$0x3] =	sbarrier.arrive $0xFFFF;
	s2 =	simm.s32 @!p0 $0x1C10  }
0x309: {  	[timem:s3], [sflag:s2] =	dma.local @!p0 [hbm:s0], s1  }
0x30a: {  	s0 =	simm.s32 @!p0 $0x10  }
0x30b: {  	_ =	swait.ge @!p0 [sflag:s0], s1  }
0x30c: {  	s1 =	ssub.s32 @!p0 $0x0, s1;
	[sflag:s0] =	ssyncset.done @!p0 $0x0  }
0x30d: {  	[sflag:s0] =	ssyncadd.s32 @!p0 s1  }
0x30e: {  	[bflag:$0x3] =	sbarrier.arrive $0xFFFF  }
0x30f: {  	_ =	shalt  }

</sc_bundles>
